<compile_context>
chip_gen: v7x
topology: tpu7x:2x2x1
jax: 0.10.2.dev20260603
libtpu: 0.0.44.dev20260713+nightly
codegen_flags: <defaults>
</compile_context>

<pallas_src>
import functools

import jax
import jax.numpy as jnp
from jax import lax
from jax.experimental import pallas as pl
from jax.experimental.pallas import tpu as pltpu
from jax.experimental.pallas import tpu_sc as plsc

NC = 2
NS = 16
NW = NC * NS
CHUNK = 128


def _sc_mesh():
    return plsc.VectorSubcoreMesh(core_axis_name="c", subcore_axis_name="s")


_SC_PARAMS = pltpu.CompilerParams(use_tc_tiling_on_sc=False)


def _sc_degree(ei_rs, ones_blk, zeros, n_pad, nchunks):
    rpt = n_pad // NS
    base = nchunks // NW
    extra = nchunks - base * NW

    @functools.partial(
        pl.kernel,
        out_type=jax.ShapeDtypeStruct((n_pad, 128), jnp.float32),
        mesh=_sc_mesh(),
        compiler_params=_SC_PARAMS,
        scratch_types=[
            pltpu.VMEM((base + 1, CHUNK), jnp.int32),
            pltpu.VMEM((CHUNK, 16), jnp.float32),
            pltpu.VMEM_SHARED((n_pad, 16), jnp.float32),
            [pltpu.SemaphoreType.DMA] * 4,
        ],
    )
    def k(ei_hbm, ones_hbm, zeros_hbm, out_hbm, idx_v, ones_v, acc, sems):
        c = lax.axis_index("c")
        s = lax.axis_index("s")
        w = c * NS + s
        r0 = s * rpt
        cz = pltpu.async_copy(zeros_hbm.at[pl.ds(r0, rpt)],
                              acc.at[pl.ds(r0, rpt)], sems[0])
        ci = pltpu.async_copy(ei_hbm.at[1, pl.ds(w * base, base)],
                              idx_v.at[pl.ds(0, base)], sems[1])
        co = pltpu.async_copy(ones_hbm, ones_v, sems[2])

        @pl.when(w < extra)
        def _():
            pltpu.sync_copy(ei_hbm.at[1, pl.ds(base * NW + w, 1)],
                            idx_v.at[pl.ds(base, 1)])

        cz.wait()
        ci.wait()
        co.wait()
        plsc.subcore_barrier()

        for b in range(min(4, base)):
            pltpu.async_copy(ones_v, acc.at[idx_v.at[b]], sems[b], add=True)

        @pl.loop(0, (base - 4) // 4)
        def _(j):
            for b in range(4):
                i = 4 * j + b
                pltpu.make_async_copy(ones_v, acc.at[idx_v.at[i]],
                                      sems[b]).wait()
                pltpu.async_copy(ones_v, acc.at[idx_v.at[i + 4]],
                                 sems[b], add=True)

        nmain = (base - 4) // 4 * 4
        for i in range(nmain + 4, base):
            pltpu.async_copy(ones_v, acc.at[idx_v.at[i]], sems[i % 4],
                             add=True)
        for i in range(nmain, base):
            pltpu.make_async_copy(ones_v, acc.at[idx_v.at[i]],
                                  sems[i % 4]).wait()

        @pl.when(w < extra)
        def _():
            pltpu.sync_copy(ones_v, acc.at[idx_v.at[base]], add=True)

        plsc.subcore_barrier()
        pltpu.sync_copy(acc.at[pl.ds(r0, rpt)],
                        out_hbm.at[pl.ds(r0, rpt), pl.ds(16 * c, 16)])

    return k(ei_rs, ones_blk, zeros)


def _sc_aggregate(h, ei_rs, zeros, n_pad, nchunks, d):
    rpt = n_pad // NS
    n = h.shape[0]
    base = nchunks // NW
    extra = nchunks - base * NW

    @functools.partial(
        pl.kernel,
        out_type=jax.ShapeDtypeStruct((n_pad, 128), jnp.float32),
        mesh=_sc_mesh(),
        compiler_params=_SC_PARAMS,
        scratch_types=[
            pltpu.VMEM((base + 8, CHUNK), jnp.int32),
            pltpu.VMEM((base + 1, CHUNK), jnp.int32),
            pltpu.VMEM((3, CHUNK, d), jnp.float32),
            pltpu.VMEM_SHARED((n, d), jnp.float32),
            pltpu.VMEM_SHARED((n_pad, d), jnp.float32),
            [pltpu.SemaphoreType.DMA] * 3,
            [pltpu.SemaphoreType.DMA] * 3,
        ],
    )
    def k(h_hbm, ei_hbm, zeros_hbm, out_hbm,
          src_v, dst_v, rows_v, table, acc, semg, sems):
        c = lax.axis_index("c")
        s = lax.axis_index("s")
        w = c * NS + s
        r0 = s * rpt
        st0 = jnp.minimum(s * rpt, n - rpt)
        copies = []
        copies.append(pltpu.async_copy(
            h_hbm.at[pl.ds(st0, rpt), pl.ds(0, d)],
            table.at[pl.ds(st0, rpt)], semg[0]))
        copies.append(pltpu.async_copy(
            zeros_hbm.at[pl.ds(r0, rpt)], acc.at[pl.ds(r0, rpt)], semg[2]))
        copies.append(pltpu.async_copy(
            ei_hbm.at[0, pl.ds(w * base, base)],
            src_v.at[pl.ds(0, base)], sems[0]))
        copies.append(pltpu.async_copy(
            ei_hbm.at[0, pl.ds(w * base, 8)],
            src_v.at[pl.ds(base, 8)], sems[1]))
        copies.append(pltpu.async_copy(
            ei_hbm.at[1, pl.ds(w * base, base)],
            dst_v.at[pl.ds(0, base)], sems[2]))

        @pl.when(w < extra)
        def _():
            pltpu.sync_copy(ei_hbm.at[0, pl.ds(base * NW + w, 1)],
                            src_v.at[pl.ds(base + 4, 1)])
            pltpu.sync_copy(ei_hbm.at[1, pl.ds(base * NW + w, 1)],
                            dst_v.at[pl.ds(base, 1)])

        for cp in copies:
            cp.wait()
        plsc.subcore_barrier()

        @pl.when(w < extra)
        def _():
            pltpu.sync_copy(table.at[src_v.at[base + 4]], rows_v.at[0])
            pltpu.sync_copy(rows_v.at[0], acc.at[dst_v.at[base]], add=True)

        def fire_gather(i, b):
            pltpu.async_copy(table.at[src_v.at[i]], rows_v.at[b], semg[b])

        def wait_gather(i, b):
            pltpu.make_async_copy(table.at[src_v.at[i]], rows_v.at[b],
                                  semg[b]).wait()

        def fire_scatter(i, b):
            pltpu.async_copy(rows_v.at[b], acc.at[dst_v.at[i]], sems[b],
                             add=True)

        def wait_scatter(i, b):
            pltpu.make_async_copy(rows_v.at[b], acc.at[dst_v.at[i]],
                                  sems[b]).wait()

        fire_gather(0, 0)
        fire_gather(1, 1)
        wait_gather(0, 0)
        fire_scatter(0, 0)
        fire_gather(2, 2)

        nmain = (base - 1) // 3 * 3 + 1

        @pl.loop(0, (base - 1) // 3)
        def _(j):
            for k in range(3):
                i = 3 * j + 1 + k
                b = (1 + k) % 3
                wait_gather(i, b)
                fire_scatter(i, b)
                wait_scatter(i - 1, k)
                fire_gather(i + 2, k)

        for i in range(nmain, base):
            wait_gather(i, i % 3)
            fire_scatter(i, i % 3)
        for i in range(base, nmain + 2):
            wait_gather(i, i % 3)
        for i in range(max(0, base - 3), base):
            wait_scatter(i, i % 3)
        plsc.subcore_barrier()
        pltpu.sync_copy(acc.at[pl.ds(r0, rpt)],
                        out_hbm.at[pl.ds(r0, rpt), pl.ds(64 * c, d)])

    return k(h, ei_rs, zeros)


def _dot(a, b):
    return jnp.dot(a, b, preferred_element_type=jnp.float32,
                   precision=lax.Precision.DEFAULT)


def _tc(body, out_shape, *args):
    return pl.pallas_call(body, out_shape=out_shape)(*args)


def kernel(x, edge_index, W1, b1, W2, b2, W3, b3, W4, b4):
    n, d_in = x.shape
    e = edge_index.shape[1]
    c4 = W4.shape[1]
    c4p = ((c4 + 15) // 16) * 16

    n_pad = -(-n // (8 * NS)) * (8 * NS)
    assert e % CHUNK == 0
    nchunks = e // CHUNK

    ei_rs = edge_index.astype(jnp.int32).reshape(2, nchunks, CHUNK)

    ones_blk = jnp.ones((CHUNK, 16), jnp.float32)
    z16 = jnp.zeros((n_pad, 16), jnp.float32)
    z64 = jnp.zeros((n_pad, 64), jnp.float32)
    zc4 = jnp.zeros((n_pad, c4p), jnp.float32)

    b1r = b1.reshape(1, -1)
    b2r = b2.reshape(1, -1)
    b3r = b3.reshape(1, -1)
    b4r = b4.reshape(1, -1)
    W4p = jnp.pad(W4, ((0, 0), (0, c4p - c4)))

    dp = _sc_degree(ei_rs, ones_blk, z16, n_pad, nchunks)

    def k0(x_ref, w_ref, h1_ref):
        h1_ref[...] = _dot(x_ref[...], w_ref[...])

    h1 = _tc(k0, jax.ShapeDtypeStruct((n, W1.shape[1]), jnp.float32), x, W1)

    def dup(v):
        if v.shape[1] < 64:
            v = jnp.concatenate(
                [v, jnp.zeros((v.shape[0], 64 - v.shape[1]), v.dtype)], 1)
        return jnp.concatenate([v, v], axis=1)

    def k1(h1_ref, dp_ref, h1p_ref, p_ref):
        deg = dp_ref[:, 0:1] + dp_ref[:, 16:17] + 1.0
        p = lax.rsqrt(deg)[:n]
        h1p_ref[...] = dup(p * h1_ref[...])
        p_ref[...] = p

    h1p, p = _tc(k1, (jax.ShapeDtypeStruct((n, 128), jnp.float32),
                      jax.ShapeDtypeStruct((n, 1), jnp.float32)),
                 h1, dp)

    g1 = _sc_aggregate(h1p, ei_rs, z64, n_pad, nchunks, 64)

    def k2(g_ref, h1p_ref, p_ref, b_ref, t2_ref):
        gsum = g_ref[:n, :64] + g_ref[:n, 64:] + h1p_ref[:, :64]
        z1 = jnp.maximum(p_ref[...] * gsum + b_ref[...], 0.0)
        t2_ref[...] = dup(p_ref[...] * z1)

    t2 = _tc(k2, jax.ShapeDtypeStruct((n, 128), jnp.float32),
             g1, h1p, p, b1r)

    g2 = _sc_aggregate(t2, ei_rs, z64, n_pad, nchunks, 64)

    def k3(g_ref, t2_ref, p_ref, w2_ref, b2_ref, w3_ref, h3p_ref):
        a2 = p_ref[...] * (g_ref[:n, :64] + g_ref[:n, 64:] + t2_ref[:, :64])
        z2 = jnp.maximum(_dot(a2, w2_ref[...]) + b2_ref[...], 0.0)
        h3p_ref[...] = dup(p_ref[...] * _dot(z2, w3_ref[...]))

    h3p = _tc(k3, jax.ShapeDtypeStruct((n, 128), jnp.float32),
              g2, t2, p, W2, b2r, W3)

    g3 = _sc_aggregate(h3p, ei_rs, z64, n_pad, nchunks, 64)

    def k4(g_ref, h3p_ref, p_ref, b3_ref, w4_ref, h4p_ref):
        z3 = jnp.maximum(
            p_ref[...] * (g_ref[:n, :64] + g_ref[:n, 64:] + h3p_ref[:, :64])
            + b3_ref[...], 0.0)
        h4p_ref[...] = dup(p_ref[...] * _dot(z3, w4_ref[...]))

    h4p = _tc(k4, jax.ShapeDtypeStruct((n, 128), jnp.float32),
              g3, h3p, p, b3r, W4p)

    g4 = _sc_aggregate(h4p, ei_rs, zc4, n_pad, nchunks, c4p)

    def k5(g_ref, h4p_ref, p_ref, b4_ref, out_ref):
        gsum = (g_ref[:n, :c4p] + g_ref[:n, 64:64 + c4p]
                + h4p_ref[:, :c4p])
        z4 = p_ref[...] * gsum
        z = z4[:, :c4] + b4_ref[...]
        m = jnp.max(z, axis=1, keepdims=True)
        zs = z - m
        lse = jnp.log(jnp.sum(jnp.exp(zs), axis=1, keepdims=True))
        out_ref[...] = zs - lse

    return _tc(k5, jax.ShapeDtypeStruct((n, c4), jnp.float32),
               g4, h4p, p, b4r)

# --- scband reference (transcript-rebuilt; emitter-appended) ---
"""Pipeline reference for scband-gcn1-80444737454321 (READ-ONLY COPY).

The authoritative reference and input builder live on the scoring server;
editing this copy changes nothing except your own understanding.
"""

import jax, jax.numpy as jnp
import numpy as np

N = 10000
E = 320000
D_IN = 128
NUM_CLASSES = 40


def gcn_conv(x, edge_index, W, b):
    n = x.shape[0]
    loop = jnp.arange(n, dtype=edge_index.dtype)
    src = jnp.concatenate([edge_index[0], loop])
    dst = jnp.concatenate([edge_index[1], loop])
    deg = jnp.zeros((n,), dtype=x.dtype).at[dst].add(1.0)
    dinv = jnp.where(deg > 0, jax.lax.rsqrt(deg), 0.0)
    norm = dinv[src] * dinv[dst]
    h = x @ W
    msg = h[src] * norm[:, None]
    out = jnp.zeros((n, W.shape[1]), dtype=x.dtype).at[dst].add(msg)
    return out + b


def setup_inputs(seed: int = 0) -> dict:
    key = jax.random.key(seed)
    ks = jax.random.split(key, 10)
    x = jax.random.normal(ks[0], (N, D_IN), dtype=jnp.float32)
    edge_index = jax.random.randint(ks[1], (2, E), 0, N, dtype=jnp.int64)
    W1 = jax.random.normal(ks[2], (D_IN, 64), dtype=jnp.float32) * (1.0 / np.sqrt(D_IN))
    b1 = jnp.zeros((64,), dtype=jnp.float32)
    W2 = jax.random.normal(ks[3], (64, 128), dtype=jnp.float32) * (1.0 / np.sqrt(64))
    b2 = jnp.zeros((128,), dtype=jnp.float32)
    W3 = jax.random.normal(ks[4], (128, 64), dtype=jnp.float32) * (1.0 / np.sqrt(128))
    b3 = jnp.zeros((64,), dtype=jnp.float32)
    W4 = jax.random.normal(ks[5], (64, NUM_CLASSES), dtype=jnp.float32) * (1.0 / np.sqrt(64))
    b4 = jnp.zeros((NUM_CLASSES,), dtype=jnp.float32)
    return {"x": x, "edge_index": edge_index, "W1": W1, "b1": b1, "W2": W2, "b2": b2, "W3": W3, "b3": b3, "W4": W4, "b4": b4}


def reference(x, edge_index, W1, b1, W2, b2, W3, b3, W4, b4):
    h = gcn_conv(x, edge_index, W1, b1)
    h = jax.nn.relu(h)
    h = gcn_conv(h, edge_index, W2, b2)
    h = jax.nn.relu(h)
    h = gcn_conv(h, edge_index, W3, b3)
    h = jax.nn.relu(h)
    h = gcn_conv(h, edge_index, W4, b4)
    return jax.nn.log_softmax(h, axis=1)

if __name__ == "__main__":
    import jax
    _d = setup_inputs()
    print(jax.jit(kernel)(*tuple(_d.values())))

</pallas_src>

<mosaic_0001>
#map = affine_map<(d0, d1) -> (0, 0)>
#map1 = affine_map<(d0, d1) -> (0, 0, 0)>
module attributes {stable_mosaic.version = 14 : i64} {
  func.func @k(%arg0: i32, %arg1: i32, %arg2: memref<10000x128xf32, #tpu.memory_space<hbm>>, %arg3: memref<2x2500x128xi32, #tpu.memory_space<hbm>>, %arg4: memref<10112x64xf32, #tpu.memory_space<hbm>>, %arg5: memref<10112x128xf32, #tpu.memory_space<hbm>>, %arg6: memref<86x128xi32, #tpu.memory_space<vmem>>, %arg7: memref<79x128xi32, #tpu.memory_space<vmem>>, %arg8: memref<3x128x64xf32, #tpu.memory_space<vmem>>, %arg9: memref<10000x64xf32, #tpu.memory_space<vmem_shared>>, %arg10: memref<10112x64xf32, #tpu.memory_space<vmem_shared>>, %arg11: memref<!tpu.dma_semaphore, #tpu.memory_space<semaphore_mem>>, %arg12: memref<!tpu.dma_semaphore, #tpu.memory_space<semaphore_mem>>, %arg13: memref<!tpu.dma_semaphore, #tpu.memory_space<semaphore_mem>>, %arg14: memref<!tpu.dma_semaphore, #tpu.memory_space<semaphore_mem>>, %arg15: memref<!tpu.dma_semaphore, #tpu.memory_space<semaphore_mem>>, %arg16: memref<!tpu.dma_semaphore, #tpu.memory_space<semaphore_mem>>) attributes {dimension_semantics = [#tpu.dimension_semantics<core_parallel>, #tpu.dimension_semantics<subcore_parallel>], iteration_bounds = array<i64: 2, 16>, scalar_prefetch = 0 : i64, scratch_operands = 11 : i64, tpu.core_type = #tpu.core_type<sc_vector_subcore>, window_params = [{transform_indices = #map}, {transform_indices = #map1}, {transform_indices = #map}, {transform_indices = #map}]} {
    %mul3A = arith.constant 16 : i32
    %mul3A_0 = arith.muli %arg0, %mul3A : i32
    %add3A = arith.addi %mul3A_0, %arg1 : i32
    %mul3A_1 = arith.constant 632 : i32
    %mul3A_2 = arith.muli %arg1, %mul3A_1 : i32
    %mul3A_3 = arith.constant 632 : i32
    %mul3A_4 = arith.muli %arg1, %mul3A_3 : i32
    %min3A = arith.constant 9368 : i32
    %min3A_5 = arith.minsi %mul3A_4, %min3A : i32
    %dma_start3A = arith.constant 0 : i32
    %dma_start3A_6 = tpu.memref_slice %arg9[%min3A_5, %dma_start3A] : memref<10000x64xf32, #tpu.memory_space<vmem_shared>> -> memref<632x64xf32, #tpu.memory_space<vmem_shared>>
    %dma_start3A_7 = arith.constant 0 : i32
    %dma_start3A_8 = tpu.memref_slice %arg2[%min3A_5, %dma_start3A_7] : memref<10000x128xf32, #tpu.memory_space<hbm>> -> memref<632x64xf32, #tpu.memory_space<hbm>>
    tpu.enqueue_dma source(%dma_start3A_8 : memref<632x64xf32, #tpu.memory_space<hbm>>) target(%dma_start3A_6 : memref<632x64xf32, #tpu.memory_space<vmem_shared>>) target_semaphore(%arg11 : memref<!tpu.dma_semaphore, #tpu.memory_space<semaphore_mem>>)
    %dma_start3A_9 = arith.constant 0 : i32
    %dma_start3A_10 = tpu.memref_slice %arg10[%mul3A_2, %dma_start3A_9] : memref<10112x64xf32, #tpu.memory_space<vmem_shared>> -> memref<632x64xf32, #tpu.memory_space<vmem_shared>>
    %dma_start3A_11 = arith.constant 0 : i32
    %dma_start3A_12 = tpu.memref_slice %arg4[%mul3A_2, %dma_start3A_11] : memref<10112x64xf32, #tpu.memory_space<hbm>> -> memref<632x64xf32, #tpu.memory_space<hbm>>
    tpu.enqueue_dma source(%dma_start3A_12 : memref<632x64xf32, #tpu.memory_space<hbm>>) target(%dma_start3A_10 : memref<632x64xf32, #tpu.memory_space<vmem_shared>>) target_semaphore(%arg13 : memref<!tpu.dma_semaphore, #tpu.memory_space<semaphore_mem>>)
    %mul3A_13 = arith.constant 78 : i32
    %mul3A_14 = arith.muli %add3A, %mul3A_13 : i32
    %dma_start3A_15 = arith.constant 0 : i32
    %dma_start3A_16 = arith.constant 0 : i32
    %dma_start3A_17 = arith.constant 0 : i32
    %dma_start3A_18 = tpu.memref_slice %arg6[%dma_start3A_16, %dma_start3A_17] : memref<86x128xi32, #tpu.memory_space<vmem>> -> memref<78x128xi32, #tpu.memory_space<vmem>>
    %dma_start3A_19 = arith.constant 0 : i32
    %dma_start3A_20 = tpu.memref_slice %arg3[%dma_start3A_15, %mul3A_14, %dma_start3A_19] : memref<2x2500x128xi32, #tpu.memory_space<hbm>> -> memref<1x78x128xi32, #tpu.memory_space<hbm>>
    %dma_start3A_21 = tpu.memref_squeeze %dma_start3A_20 : memref<1x78x128xi32, #tpu.memory_space<hbm>> -> memref<78x128xi32, #tpu.memory_space<hbm>>
    %dma_start3A_22 = arith.constant 0 : i32
    %dma_start3A_23 = arith.constant 0 : i32
    %dma_start3A_24 = tpu.memref_slice %arg6[%dma_start3A_22, %dma_start3A_23] : memref<86x128xi32, #tpu.memory_space<vmem>> -> memref<78x128xi32, #tpu.memory_space<vmem>>
    %dma_start3A_25 = arith.constant 0 : i32
    %dma_start3A_26 = tpu.memref_slice %arg3[%dma_start3A_15, %mul3A_14, %dma_start3A_25] : memref<2x2500x128xi32, #tpu.memory_space<hbm>> -> memref<1x78x128xi32, #tpu.memory_space<hbm>>
    %dma_start3A_27 = tpu.memref_squeeze %dma_start3A_26 : memref<1x78x128xi32, #tpu.memory_space<hbm>> -> memref<78x128xi32, #tpu.memory_space<hbm>>
    tpu.enqueue_dma source(%dma_start3A_27 : memref<78x128xi32, #tpu.memory_space<hbm>>) target(%dma_start3A_24 : memref<78x128xi32, #tpu.memory_space<vmem>>) target_semaphore(%arg14 : memref<!tpu.dma_semaphore, #tpu.memory_space<semaphore_mem>>)
    %mul3A_28 = arith.constant 78 : i32
    %mul3A_29 = arith.muli %add3A, %mul3A_28 : i32
    %dma_start3A_30 = arith.constant 0 : i32
    %dma_start3A_31 = arith.constant 78 : i32
    %dma_start3A_32 = arith.constant 0 : i32
    %dma_start3A_33 = tpu.memref_slice %arg6[%dma_start3A_31, %dma_start3A_32] : memref<86x128xi32, #tpu.memory_space<vmem>> -> memref<8x128xi32, #tpu.memory_space<vmem>>
    %dma_start3A_34 = arith.constant 0 : i32
    %dma_start3A_35 = tpu.memref_slice %arg3[%dma_start3A_30, %mul3A_29, %dma_start3A_34] : memref<2x2500x128xi32, #tpu.memory_space<hbm>> -> memref<1x8x128xi32, #tpu.memory_space<hbm>>
    %dma_start3A_36 = tpu.memref_squeeze %dma_start3A_35 : memref<1x8x128xi32, #tpu.memory_space<hbm>> -> memref<8x128xi32, #tpu.memory_space<hbm>>
    %dma_start3A_37 = arith.constant 78 : i32
    %dma_start3A_38 = arith.constant 0 : i32
    %dma_start3A_39 = tpu.memref_slice %arg6[%dma_start3A_37, %dma_start3A_38] : memref<86x128xi32, #tpu.memory_space<vmem>> -> memref<8x128xi32, #tpu.memory_space<vmem>>
    %dma_start3A_40 = arith.constant 0 : i32
    %dma_start3A_41 = tpu.memref_slice %arg3[%dma_start3A_30, %mul3A_29, %dma_start3A_40] : memref<2x2500x128xi32, #tpu.memory_space<hbm>> -> memref<1x8x128xi32, #tpu.memory_space<hbm>>
    %dma_start3A_42 = tpu.memref_squeeze %dma_start3A_41 : memref<1x8x128xi32, #tpu.memory_space<hbm>> -> memref<8x128xi32, #tpu.memory_space<hbm>>
    tpu.enqueue_dma source(%dma_start3A_42 : memref<8x128xi32, #tpu.memory_space<hbm>>) target(%dma_start3A_39 : memref<8x128xi32, #tpu.memory_space<vmem>>) target_semaphore(%arg15 : memref<!tpu.dma_semaphore, #tpu.memory_space<semaphore_mem>>)
    %mul3A_43 = arith.constant 78 : i32
    %mul3A_44 = arith.muli %add3A, %mul3A_43 : i32
    %dma_start3A_45 = arith.constant 1 : i32
    %dma_start3A_46 = arith.constant 0 : i32
    %dma_start3A_47 = arith.constant 0 : i32
    %dma_start3A_48 = tpu.memref_slice %arg7[%dma_start3A_46, %dma_start3A_47] : memref<79x128xi32, #tpu.memory_space<vmem>> -> memref<78x128xi32, #tpu.memory_space<vmem>>
    %dma_start3A_49 = arith.constant 0 : i32
    %dma_start3A_50 = tpu.memref_slice %arg3[%dma_start3A_45, %mul3A_44, %dma_start3A_49] : memref<2x2500x128xi32, #tpu.memory_space<hbm>> -> memref<1x78x128xi32, #tpu.memory_space<hbm>>
    %dma_start3A_51 = tpu.memref_squeeze %dma_start3A_50 : memref<1x78x128xi32, #tpu.memory_space<hbm>> -> memref<78x128xi32, #tpu.memory_space<hbm>>
    %dma_start3A_52 = arith.constant 0 : i32
    %dma_start3A_53 = arith.constant 0 : i32
    %dma_start3A_54 = tpu.memref_slice %arg7[%dma_start3A_52, %dma_start3A_53] : memref<79x128xi32, #tpu.memory_space<vmem>> -> memref<78x128xi32, #tpu.memory_space<vmem>>
    %dma_start3A_55 = arith.constant 0 : i32
    %dma_start3A_56 = tpu.memref_slice %arg3[%dma_start3A_45, %mul3A_44, %dma_start3A_55] : memref<2x2500x128xi32, #tpu.memory_space<hbm>> -> memref<1x78x128xi32, #tpu.memory_space<hbm>>
    %dma_start3A_57 = tpu.memref_squeeze %dma_start3A_56 : memref<1x78x128xi32, #tpu.memory_space<hbm>> -> memref<78x128xi32, #tpu.memory_space<hbm>>
    tpu.enqueue_dma source(%dma_start3A_57 : memref<78x128xi32, #tpu.memory_space<hbm>>) target(%dma_start3A_54 : memref<78x128xi32, #tpu.memory_space<vmem>>) target_semaphore(%arg16 : memref<!tpu.dma_semaphore, #tpu.memory_space<semaphore_mem>>)
    %lt3A = arith.constant 4 : i32
    %lt3A_58 = arith.cmpi slt, %add3A, %lt3A : i32
    %convert_element_type3A = arith.extui %lt3A_58 : i1 to i32
    %cond3A = arith.constant 0 : i32
    %cond3A_59 = arith.cmpi ne, %convert_element_type3A, %cond3A : i32
    scf.if %cond3A_59 {
      %add3A_262 = arith.constant 2496 : i32
      %add3A_263 = arith.addi %add3A_262, %add3A : i32
      %run_scoped3A = arith.constant 0 : i32
      "tpu.region"() ({
        %run_scoped3A_267 = tpu.sem_alloc : memref<!tpu.dma_semaphore, #tpu.memory_space<semaphore_mem>>
        %dma_start3A_268 = arith.constant 82 : i32
        %dma_start3A_269 = arith.constant 0 : i32
        %dma_start3A_270 = tpu.memref_slice %arg6[%dma_start3A_268, %dma_start3A_269] : memref<86x128xi32, #tpu.memory_space<vmem>> -> memref<1x128xi32, #tpu.memory_space<vmem>>
        %dma_start3A_271 = arith.constant 0 : i32
        %dma_start3A_272 = tpu.memref_slice %arg3[%run_scoped3A, %add3A_263, %dma_start3A_271] : memref<2x2500x128xi32, #tpu.memory_space<hbm>> -> memref<1x1x128xi32, #tpu.memory_space<hbm>>
        %dma_start3A_273 = tpu.memref_squeeze %dma_start3A_272 : memref<1x1x128xi32, #tpu.memory_space<hbm>> -> memref<1x128xi32, #tpu.memory_space<hbm>>
        %dma_start3A_274 = arith.constant 82 : i32
        %dma_start3A_275 = arith.constant 0 : i32
        %dma_start3A_276 = tpu.memref_slice %arg6[%dma_start3A_274, %dma_start3A_275] : memref<86x128xi32, #tpu.memory_space<vmem>> -> memref<1x128xi32, #tpu.memory_space<vmem>>
        %dma_start3A_277 = arith.constant 0 : i32
        %dma_start3A_278 = tpu.memref_slice %arg3[%run_scoped3A, %add3A_263, %dma_start3A_277] : memref<2x2500x128xi32, #tpu.memory_space<hbm>> -> memref<1x1x128xi32, #tpu.memory_space<hbm>>
        %dma_start3A_279 = tpu.memref_squeeze %dma_start3A_278 : memref<1x1x128xi32, #tpu.memory_space<hbm>> -> memref<1x128xi32, #tpu.memory_space<hbm>>
        tpu.enqueue_dma source(%dma_start3A_279 : memref<1x128xi32, #tpu.memory_space<hbm>>) target(%dma_start3A_276 : memref<1x128xi32, #tpu.memory_space<vmem>>) target_semaphore(%run_scoped3A_267 : memref<!tpu.dma_semaphore, #tpu.memory_space<semaphore_mem>>)
        %dma_wait3A_280 = arith.constant 82 : i32
        %dma_wait3A_281 = arith.constant 0 : i32
        %dma_wait3A_282 = tpu.memref_slice %arg6[%dma_wait3A_280, %dma_wait3A_281] : memref<86x128xi32, #tpu.memory_space<vmem>> -> memref<1x128xi32, #tpu.memory_space<vmem>>
        %dma_wait3A_283 = arith.constant 0 : i32
        %dma_wait3A_284 = tpu.memref_slice %arg3[%run_scoped3A, %add3A_263, %dma_wait3A_283] : memref<2x2500x128xi32, #tpu.memory_space<hbm>> -> memref<1x1x128xi32, #tpu.memory_space<hbm>>
        %dma_wait3A_285 = tpu.memref_squeeze %dma_wait3A_284 : memref<1x1x128xi32, #tpu.memory_space<hbm>> -> memref<1x128xi32, #tpu.memory_space<hbm>>
        %dma_wait3A_286 = arith.constant 82 : i32
        %dma_wait3A_287 = arith.constant 0 : i32
        %dma_wait3A_288 = tpu.memref_slice %arg6[%dma_wait3A_286, %dma_wait3A_287] : memref<86x128xi32, #tpu.memory_space<vmem>> -> memref<1x128xi32, #tpu.memory_space<vmem>>
        %dma_wait3A_289 = arith.constant 0 : i32
        %dma_wait3A_290 = tpu.memref_slice %arg3[%run_scoped3A, %add3A_263, %dma_wait3A_289] : memref<2x2500x128xi32, #tpu.memory_space<hbm>> -> memref<1x1x128xi32, #tpu.memory_space<hbm>>
        %dma_wait3A_291 = tpu.memref_squeeze %dma_wait3A_290 : memref<1x1x128xi32, #tpu.memory_space<hbm>> -> memref<1x128xi32, #tpu.memory_space<hbm>>
        tpu.wait_dma2 semaphore(%run_scoped3A_267 : memref<!tpu.dma_semaphore, #tpu.memory_space<semaphore_mem>>) src(%dma_wait3A_291 : memref<1x128xi32, #tpu.memory_space<hbm>>) dst(%dma_wait3A_288 : memref<1x128xi32, #tpu.memory_space<vmem>>)
        tpu.yield
      }) : () -> ()
      %add3A_264 = arith.constant 2496 : i32
      %add3A_265 = arith.addi %add3A_264, %add3A : i32
      %run_scoped3A_266 = arith.constant 1 : i32
      "tpu.region"() ({
        %run_scoped3A_267 = tpu.sem_alloc : memref<!tpu.dma_semaphore, #tpu.memory_space<semaphore_mem>>
        %dma_start3A_268 = arith.constant 78 : i32
        %dma_start3A_269 = arith.constant 0 : i32
        %dma_start3A_270 = tpu.memref_slice %arg7[%dma_start3A_268, %dma_start3A_269] : memref<79x128xi32, #tpu.memory_space<vmem>> -> memref<1x128xi32, #tpu.memory_space<vmem>>
        %dma_start3A_271 = arith.constant 0 : i32
        %dma_start3A_272 = tpu.memref_slice %arg3[%run_scoped3A_266, %add3A_265, %dma_start3A_271] : memref<2x2500x128xi32, #tpu.memory_space<hbm>> -> memref<1x1x128xi32, #tpu.memory_space<hbm>>
        %dma_start3A_273 = tpu.memref_squeeze %dma_start3A_272 : memref<1x1x128xi32, #tpu.memory_space<hbm>> -> memref<1x128xi32, #tpu.memory_space<hbm>>
        %dma_start3A_274 = arith.constant 78 : i32
        %dma_start3A_275 = arith.constant 0 : i32
        %dma_start3A_276 = tpu.memref_slice %arg7[%dma_start3A_274, %dma_start3A_275] : memref<79x128xi32, #tpu.memory_space<vmem>> -> memref<1x128xi32, #tpu.memory_space<vmem>>
        %dma_start3A_277 = arith.constant 0 : i32
        %dma_start3A_278 = tpu.memref_slice %arg3[%run_scoped3A_266, %add3A_265, %dma_start3A_277] : memref<2x2500x128xi32, #tpu.memory_space<hbm>> -> memref<1x1x128xi32, #tpu.memory_space<hbm>>
        %dma_start3A_279 = tpu.memref_squeeze %dma_start3A_278 : memref<1x1x128xi32, #tpu.memory_space<hbm>> -> memref<1x128xi32, #tpu.memory_space<hbm>>
        tpu.enqueue_dma source(%dma_start3A_279 : memref<1x128xi32, #tpu.memory_space<hbm>>) target(%dma_start3A_276 : memref<1x128xi32, #tpu.memory_space<vmem>>) target_semaphore(%run_scoped3A_267 : memref<!tpu.dma_semaphore, #tpu.memory_space<semaphore_mem>>)
        %dma_wait3A_280 = arith.constant 78 : i32
        %dma_wait3A_281 = arith.constant 0 : i32
        %dma_wait3A_282 = tpu.memref_slice %arg7[%dma_wait3A_280, %dma_wait3A_281] : memref<79x128xi32, #tpu.memory_space<vmem>> -> memref<1x128xi32, #tpu.memory_space<vmem>>
        %dma_wait3A_283 = arith.constant 0 : i32
        %dma_wait3A_284 = tpu.memref_slice %arg3[%run_scoped3A_266, %add3A_265, %dma_wait3A_283] : memref<2x2500x128xi32, #tpu.memory_space<hbm>> -> memref<1x1x128xi32, #tpu.memory_space<hbm>>
        %dma_wait3A_285 = tpu.memref_squeeze %dma_wait3A_284 : memref<1x1x128xi32, #tpu.memory_space<hbm>> -> memref<1x128xi32, #tpu.memory_space<hbm>>
        %dma_wait3A_286 = arith.constant 78 : i32
        %dma_wait3A_287 = arith.constant 0 : i32
        %dma_wait3A_288 = tpu.memref_slice %arg7[%dma_wait3A_286, %dma_wait3A_287] : memref<79x128xi32, #tpu.memory_space<vmem>> -> memref<1x128xi32, #tpu.memory_space<vmem>>
        %dma_wait3A_289 = arith.constant 0 : i32
        %dma_wait3A_290 = tpu.memref_slice %arg3[%run_scoped3A_266, %add3A_265, %dma_wait3A_289] : memref<2x2500x128xi32, #tpu.memory_space<hbm>> -> memref<1x1x128xi32, #tpu.memory_space<hbm>>
        %dma_wait3A_291 = tpu.memref_squeeze %dma_wait3A_290 : memref<1x1x128xi32, #tpu.memory_space<hbm>> -> memref<1x128xi32, #tpu.memory_space<hbm>>
        tpu.wait_dma2 semaphore(%run_scoped3A_267 : memref<!tpu.dma_semaphore, #tpu.memory_space<semaphore_mem>>) src(%dma_wait3A_291 : memref<1x128xi32, #tpu.memory_space<hbm>>) dst(%dma_wait3A_288 : memref<1x128xi32, #tpu.memory_space<vmem>>)
        tpu.yield
      }) : () -> ()
    } else {
    }
    %dma_wait3A = arith.constant 0 : i32
    %dma_wait3A_60 = tpu.memref_slice %arg9[%min3A_5, %dma_wait3A] : memref<10000x64xf32, #tpu.memory_space<vmem_shared>> -> memref<632x64xf32, #tpu.memory_space<vmem_shared>>
    %dma_wait3A_61 = arith.constant 0 : i32
    %dma_wait3A_62 = tpu.memref_slice %arg2[%min3A_5, %dma_wait3A_61] : memref<10000x128xf32, #tpu.memory_space<hbm>> -> memref<632x64xf32, #tpu.memory_space<hbm>>
    tpu.wait_dma2 semaphore(%arg11 : memref<!tpu.dma_semaphore, #tpu.memory_space<semaphore_mem>>) src(%dma_wait3A_62 : memref<632x64xf32, #tpu.memory_space<hbm>>) dst(%dma_wait3A_60 : memref<632x64xf32, #tpu.memory_space<vmem_shared>>)
    %dma_wait3A_63 = arith.constant 0 : i32
    %dma_wait3A_64 = tpu.memref_slice %arg10[%mul3A_2, %dma_wait3A_63] : memref<10112x64xf32, #tpu.memory_space<vmem_shared>> -> memref<632x64xf32, #tpu.memory_space<vmem_shared>>
    %dma_wait3A_65 = arith.constant 0 : i32
    %dma_wait3A_66 = tpu.memref_slice %arg4[%mul3A_2, %dma_wait3A_65] : memref<10112x64xf32, #tpu.memory_space<hbm>> -> memref<632x64xf32, #tpu.memory_space<hbm>>
    tpu.wait_dma2 semaphore(%arg13 : memref<!tpu.dma_semaphore, #tpu.memory_space<semaphore_mem>>) src(%dma_wait3A_66 : memref<632x64xf32, #tpu.memory_space<hbm>>) dst(%dma_wait3A_64 : memref<632x64xf32, #tpu.memory_space<vmem_shared>>)
    %dma_wait3A_67 = arith.constant 0 : i32
    %dma_wait3A_68 = arith.constant 0 : i32
    %dma_wait3A_69 = arith.constant 0 : i32
    %dma_wait3A_70 = tpu.memref_slice %arg6[%dma_wait3A_68, %dma_wait3A_69] : memref<86x128xi32, #tpu.memory_space<vmem>> -> memref<78x128xi32, #tpu.memory_space<vmem>>
    %dma_wait3A_71 = arith.constant 0 : i32
    %dma_wait3A_72 = tpu.memref_slice %arg3[%dma_wait3A_67, %mul3A_14, %dma_wait3A_71] : memref<2x2500x128xi32, #tpu.memory_space<hbm>> -> memref<1x78x128xi32, #tpu.memory_space<hbm>>
    %dma_wait3A_73 = tpu.memref_squeeze %dma_wait3A_72 : memref<1x78x128xi32, #tpu.memory_space<hbm>> -> memref<78x128xi32, #tpu.memory_space<hbm>>
    %dma_wait3A_74 = arith.constant 0 : i32
    %dma_wait3A_75 = arith.constant 0 : i32
    %dma_wait3A_76 = tpu.memref_slice %arg6[%dma_wait3A_74, %dma_wait3A_75] : memref<86x128xi32, #tpu.memory_space<vmem>> -> memref<78x128xi32, #tpu.memory_space<vmem>>
    %dma_wait3A_77 = arith.constant 0 : i32
    %dma_wait3A_78 = tpu.memref_slice %arg3[%dma_wait3A_67, %mul3A_14, %dma_wait3A_77] : memref<2x2500x128xi32, #tpu.memory_space<hbm>> -> memref<1x78x128xi32, #tpu.memory_space<hbm>>
    %dma_wait3A_79 = tpu.memref_squeeze %dma_wait3A_78 : memref<1x78x128xi32, #tpu.memory_space<hbm>> -> memref<78x128xi32, #tpu.memory_space<hbm>>
    tpu.wait_dma2 semaphore(%arg14 : memref<!tpu.dma_semaphore, #tpu.memory_space<semaphore_mem>>) src(%dma_wait3A_79 : memref<78x128xi32, #tpu.memory_space<hbm>>) dst(%dma_wait3A_76 : memref<78x128xi32, #tpu.memory_space<vmem>>)
    %dma_wait3A_80 = arith.constant 0 : i32
    %dma_wait3A_81 = arith.constant 78 : i32
    %dma_wait3A_82 = arith.constant 0 : i32
    %dma_wait3A_83 = tpu.memref_slice %arg6[%dma_wait3A_81, %dma_wait3A_82] : memref<86x128xi32, #tpu.memory_space<vmem>> -> memref<8x128xi32, #tpu.memory_space<vmem>>
    %dma_wait3A_84 = arith.constant 0 : i32
    %dma_wait3A_85 = tpu.memref_slice %arg3[%dma_wait3A_80, %mul3A_29, %dma_wait3A_84] : memref<2x2500x128xi32, #tpu.memory_space<hbm>> -> memref<1x8x128xi32, #tpu.memory_space<hbm>>
    %dma_wait3A_86 = tpu.memref_squeeze %dma_wait3A_85 : memref<1x8x128xi32, #tpu.memory_space<hbm>> -> memref<8x128xi32, #tpu.memory_space<hbm>>
    %dma_wait3A_87 = arith.constant 78 : i32
    %dma_wait3A_88 = arith.constant 0 : i32
    %dma_wait3A_89 = tpu.memref_slice %arg6[%dma_wait3A_87, %dma_wait3A_88] : memref<86x128xi32, #tpu.memory_space<vmem>> -> memref<8x128xi32, #tpu.memory_space<vmem>>
    %dma_wait3A_90 = arith.constant 0 : i32
    %dma_wait3A_91 = tpu.memref_slice %arg3[%dma_wait3A_80, %mul3A_29, %dma_wait3A_90] : memref<2x2500x128xi32, #tpu.memory_space<hbm>> -> memref<1x8x128xi32, #tpu.memory_space<hbm>>
    %dma_wait3A_92 = tpu.memref_squeeze %dma_wait3A_91 : memref<1x8x128xi32, #tpu.memory_space<hbm>> -> memref<8x128xi32, #tpu.memory_space<hbm>>
    tpu.wait_dma2 semaphore(%arg15 : memref<!tpu.dma_semaphore, #tpu.memory_space<semaphore_mem>>) src(%dma_wait3A_92 : memref<8x128xi32, #tpu.memory_space<hbm>>) dst(%dma_wait3A_89 : memref<8x128xi32, #tpu.memory_space<vmem>>)
    %dma_wait3A_93 = arith.constant 1 : i32
    %dma_wait3A_94 = arith.constant 0 : i32
    %dma_wait3A_95 = arith.constant 0 : i32
    %dma_wait3A_96 = tpu.memref_slice %arg7[%dma_wait3A_94, %dma_wait3A_95] : memref<79x128xi32, #tpu.memory_space<vmem>> -> memref<78x128xi32, #tpu.memory_space<vmem>>
    %dma_wait3A_97 = arith.constant 0 : i32
    %dma_wait3A_98 = tpu.memref_slice %arg3[%dma_wait3A_93, %mul3A_44, %dma_wait3A_97] : memref<2x2500x128xi32, #tpu.memory_space<hbm>> -> memref<1x78x128xi32, #tpu.memory_space<hbm>>
    %dma_wait3A_99 = tpu.memref_squeeze %dma_wait3A_98 : memref<1x78x128xi32, #tpu.memory_space<hbm>> -> memref<78x128xi32, #tpu.memory_space<hbm>>
    %dma_wait3A_100 = arith.constant 0 : i32
    %dma_wait3A_101 = arith.constant 0 : i32
    %dma_wait3A_102 = tpu.memref_slice %arg7[%dma_wait3A_100, %dma_wait3A_101] : memref<79x128xi32, #tpu.memory_space<vmem>> -> memref<78x128xi32, #tpu.memory_space<vmem>>
    %dma_wait3A_103 = arith.constant 0 : i32
    %dma_wait3A_104 = tpu.memref_slice %arg3[%dma_wait3A_93, %mul3A_44, %dma_wait3A_103] : memref<2x2500x128xi32, #tpu.memory_space<hbm>> -> memref<1x78x128xi32, #tpu.memory_space<hbm>>
    %dma_wait3A_105 = tpu.memref_squeeze %dma_wait3A_104 : memref<1x78x128xi32, #tpu.memory_space<hbm>> -> memref<78x128xi32, #tpu.memory_space<hbm>>
    tpu.wait_dma2 semaphore(%arg16 : memref<!tpu.dma_semaphore, #tpu.memory_space<semaphore_mem>>) src(%dma_wait3A_105 : memref<78x128xi32, #tpu.memory_space<hbm>>) dst(%dma_wait3A_102 : memref<78x128xi32, #tpu.memory_space<vmem>>)
    %barrier3A = arith.constant 0 : index
    tpu.barrier barrier_id(%barrier3A)
    %lt3A_106 = arith.constant 4 : i32
    %lt3A_107 = arith.cmpi slt, %add3A, %lt3A_106 : i32
    %convert_element_type3A_108 = arith.extui %lt3A_107 : i1 to i32
    %cond3A_109 = arith.constant 0 : i32
    %cond3A_110 = arith.cmpi ne, %convert_element_type3A_108, %cond3A_109 : i32
    scf.if %cond3A_110 {
      %run_scoped3A = arith.constant 82 : i32
      %run_scoped3A_262 = arith.constant 0 : i32
      "tpu.region"() ({
        %run_scoped3A_265 = tpu.sem_alloc : memref<!tpu.dma_semaphore, #tpu.memory_space<semaphore_mem>>
        %dma_start3A_266 = arith.constant 0 : i32
        %dma_start3A_267 = arith.constant 0 : i32
        %dma_start3A_268 = tpu.memref_slice %arg8[%run_scoped3A_262, %dma_start3A_266, %dma_start3A_267] : memref<3x128x64xf32, #tpu.memory_space<vmem>> -> memref<1x128x64xf32, #tpu.memory_space<vmem>>
        %dma_start3A_269 = tpu.memref_squeeze %dma_start3A_268 : memref<1x128x64xf32, #tpu.memory_space<vmem>> -> memref<128x64xf32, #tpu.memory_space<vmem>>
        %dma_start3A_270 = arith.constant 0 : i32
        %dma_start3A_271 = tpu.memref_slice %arg6[%run_scoped3A, %dma_start3A_270] : memref<86x128xi32, #tpu.memory_space<vmem>> -> memref<1x128xi32, #tpu.memory_space<vmem>>
        %dma_start3A_272 = tpu.memref_squeeze %dma_start3A_271 : memref<1x128xi32, #tpu.memory_space<vmem>> -> memref<128xi32, #tpu.memory_space<vmem>>
        %dma_start3A_273 = arith.constant 0 : i32
        %dma_start3A_274 = arith.constant 0 : i32
        %dma_start3A_275 = tpu.memref_slice %arg9[%dma_start3A_273, %dma_start3A_274] : memref<10000x64xf32, #tpu.memory_space<vmem_shared>> -> memref<10000x64xf32, #tpu.memory_space<vmem_shared>>
        tpu.enqueue_indirect_dma source(%dma_start3A_275 : memref<10000x64xf32, #tpu.memory_space<vmem_shared>>) target(%dma_start3A_269 : memref<128x64xf32, #tpu.memory_space<vmem>>) offsets(%dma_start3A_272 : memref<128xi32, #tpu.memory_space<vmem>>) semaphore(%run_scoped3A_265 : memref<!tpu.dma_semaphore, #tpu.memory_space<semaphore_mem>>)
        %dma_wait3A_276 = arith.constant 0 : i32
        %dma_wait3A_277 = arith.constant 0 : i32
        %dma_wait3A_278 = tpu.memref_slice %arg8[%run_scoped3A_262, %dma_wait3A_276, %dma_wait3A_277] : memref<3x128x64xf32, #tpu.memory_space<vmem>> -> memref<1x128x64xf32, #tpu.memory_space<vmem>>
        %dma_wait3A_279 = tpu.memref_squeeze %dma_wait3A_278 : memref<1x128x64xf32, #tpu.memory_space<vmem>> -> memref<128x64xf32, #tpu.memory_space<vmem>>
        %dma_wait3A_280 = arith.constant 0 : i32
        %dma_wait3A_281 = tpu.memref_slice %arg6[%run_scoped3A, %dma_wait3A_280] : memref<86x128xi32, #tpu.memory_space<vmem>> -> memref<1x128xi32, #tpu.memory_space<vmem>>
        %dma_wait3A_282 = tpu.memref_squeeze %dma_wait3A_281 : memref<1x128xi32, #tpu.memory_space<vmem>> -> memref<128xi32, #tpu.memory_space<vmem>>
        %dma_wait3A_283 = arith.constant 0 : i32
        %dma_wait3A_284 = arith.constant 0 : i32
        %dma_wait3A_285 = tpu.memref_slice %arg9[%dma_wait3A_283, %dma_wait3A_284] : memref<10000x64xf32, #tpu.memory_space<vmem_shared>> -> memref<10000x64xf32, #tpu.memory_space<vmem_shared>>
        tpu.wait_indirect_dma semaphore(%run_scoped3A_265 : memref<!tpu.dma_semaphore, #tpu.memory_space<semaphore_mem>>) src(%dma_wait3A_285 : memref<10000x64xf32, #tpu.memory_space<vmem_shared>>) dst(%dma_wait3A_279 : memref<128x64xf32, #tpu.memory_space<vmem>>)
        tpu.yield
      }) : () -> ()
      %run_scoped3A_263 = arith.constant 0 : i32
      %run_scoped3A_264 = arith.constant 78 : i32
      "tpu.region"() ({
        %run_scoped3A_265 = tpu.sem_alloc : memref<!tpu.dma_semaphore, #tpu.memory_space<semaphore_mem>>
        %dma_start3A_266 = arith.constant 0 : i32
        %dma_start3A_267 = arith.constant 0 : i32
        %dma_start3A_268 = tpu.memref_slice %arg8[%run_scoped3A_263, %dma_start3A_266, %dma_start3A_267] : memref<3x128x64xf32, #tpu.memory_space<vmem>> -> memref<1x128x64xf32, #tpu.memory_space<vmem>>
        %dma_start3A_269 = tpu.memref_squeeze %dma_start3A_268 : memref<1x128x64xf32, #tpu.memory_space<vmem>> -> memref<128x64xf32, #tpu.memory_space<vmem>>
        %dma_start3A_270 = arith.constant 0 : i32
        %dma_start3A_271 = tpu.memref_slice %arg7[%run_scoped3A_264, %dma_start3A_270] : memref<79x128xi32, #tpu.memory_space<vmem>> -> memref<1x128xi32, #tpu.memory_space<vmem>>
        %dma_start3A_272 = tpu.memref_squeeze %dma_start3A_271 : memref<1x128xi32, #tpu.memory_space<vmem>> -> memref<128xi32, #tpu.memory_space<vmem>>
        %dma_start3A_273 = arith.constant 0 : i32
        %dma_start3A_274 = arith.constant 0 : i32
        %dma_start3A_275 = tpu.memref_slice %arg10[%dma_start3A_273, %dma_start3A_274] : memref<10112x64xf32, #tpu.memory_space<vmem_shared>> -> memref<10112x64xf32, #tpu.memory_space<vmem_shared>>
        tpu.enqueue_indirect_dma source(%dma_start3A_269 : memref<128x64xf32, #tpu.memory_space<vmem>>) target(%dma_start3A_275 : memref<10112x64xf32, #tpu.memory_space<vmem_shared>>) offsets(%dma_start3A_272 : memref<128xi32, #tpu.memory_space<vmem>>) semaphore(%run_scoped3A_265 : memref<!tpu.dma_semaphore, #tpu.memory_space<semaphore_mem>>) {add = true}
        %dma_wait3A_276 = arith.constant 0 : i32
        %dma_wait3A_277 = arith.constant 0 : i32
        %dma_wait3A_278 = tpu.memref_slice %arg8[%run_scoped3A_263, %dma_wait3A_276, %dma_wait3A_277] : memref<3x128x64xf32, #tpu.memory_space<vmem>> -> memref<1x128x64xf32, #tpu.memory_space<vmem>>
        %dma_wait3A_279 = tpu.memref_squeeze %dma_wait3A_278 : memref<1x128x64xf32, #tpu.memory_space<vmem>> -> memref<128x64xf32, #tpu.memory_space<vmem>>
        %dma_wait3A_280 = arith.constant 0 : i32
        %dma_wait3A_281 = tpu.memref_slice %arg7[%run_scoped3A_264, %dma_wait3A_280] : memref<79x128xi32, #tpu.memory_space<vmem>> -> memref<1x128xi32, #tpu.memory_space<vmem>>
        %dma_wait3A_282 = tpu.memref_squeeze %dma_wait3A_281 : memref<1x128xi32, #tpu.memory_space<vmem>> -> memref<128xi32, #tpu.memory_space<vmem>>
        %dma_wait3A_283 = arith.constant 0 : i32
        %dma_wait3A_284 = arith.constant 0 : i32
        %dma_wait3A_285 = tpu.memref_slice %arg10[%dma_wait3A_283, %dma_wait3A_284] : memref<10112x64xf32, #tpu.memory_space<vmem_shared>> -> memref<10112x64xf32, #tpu.memory_space<vmem_shared>>
        tpu.wait_indirect_dma semaphore(%run_scoped3A_265 : memref<!tpu.dma_semaphore, #tpu.memory_space<semaphore_mem>>) src(%dma_wait3A_279 : memref<128x64xf32, #tpu.memory_space<vmem>>) dst(%dma_wait3A_285 : memref<10112x64xf32, #tpu.memory_space<vmem_shared>>)
        tpu.yield
      }) : () -> ()
    } else {
    }
    %dma_start3A_111 = arith.constant 0 : i32
    %dma_start3A_112 = arith.constant 0 : i32
    %dma_start3A_113 = arith.constant 0 : i32
    %dma_start3A_114 = arith.constant 0 : i32
    %dma_start3A_115 = tpu.memref_slice %arg8[%dma_start3A_112, %dma_start3A_113, %dma_start3A_114] : memref<3x128x64xf32, #tpu.memory_space<vmem>> -> memref<1x128x64xf32, #tpu.memory_space<vmem>>
    %dma_start3A_116 = tpu.memref_squeeze %dma_start3A_115 : memref<1x128x64xf32, #tpu.memory_space<vmem>> -> memref<128x64xf32, #tpu.memory_space<vmem>>
    %dma_start3A_117 = arith.constant 0 : i32
    %dma_start3A_118 = tpu.memref_slice %arg6[%dma_start3A_111, %dma_start3A_117] : memref<86x128xi32, #tpu.memory_space<vmem>> -> memref<1x128xi32, #tpu.memory_space<vmem>>
    %dma_start3A_119 = tpu.memref_squeeze %dma_start3A_118 : memref<1x128xi32, #tpu.memory_space<vmem>> -> memref<128xi32, #tpu.memory_space<vmem>>
    %dma_start3A_120 = arith.constant 0 : i32
    %dma_start3A_121 = arith.constant 0 : i32
    %dma_start3A_122 = tpu.memref_slice %arg9[%dma_start3A_120, %dma_start3A_121] : memref<10000x64xf32, #tpu.memory_space<vmem_shared>> -> memref<10000x64xf32, #tpu.memory_space<vmem_shared>>
    tpu.enqueue_indirect_dma source(%dma_start3A_122 : memref<10000x64xf32, #tpu.memory_space<vmem_shared>>) target(%dma_start3A_116 : memref<128x64xf32, #tpu.memory_space<vmem>>) offsets(%dma_start3A_119 : memref<128xi32, #tpu.memory_space<vmem>>) semaphore(%arg11 : memref<!tpu.dma_semaphore, #tpu.memory_space<semaphore_mem>>)
    %dma_start3A_123 = arith.constant 1 : i32
    %dma_start3A_124 = arith.constant 1 : i32
    %dma_start3A_125 = arith.constant 0 : i32
    %dma_start3A_126 = arith.constant 0 : i32
    %dma_start3A_127 = tpu.memref_slice %arg8[%dma_start3A_124, %dma_start3A_125, %dma_start3A_126] : memref<3x128x64xf32, #tpu.memory_space<vmem>> -> memref<1x128x64xf32, #tpu.memory_space<vmem>>
    %dma_start3A_128 = tpu.memref_squeeze %dma_start3A_127 : memref<1x128x64xf32, #tpu.memory_space<vmem>> -> memref<128x64xf32, #tpu.memory_space<vmem>>
    %dma_start3A_129 = arith.constant 0 : i32
    %dma_start3A_130 = tpu.memref_slice %arg6[%dma_start3A_123, %dma_start3A_129] : memref<86x128xi32, #tpu.memory_space<vmem>> -> memref<1x128xi32, #tpu.memory_space<vmem>>
    %dma_start3A_131 = tpu.memref_squeeze %dma_start3A_130 : memref<1x128xi32, #tpu.memory_space<vmem>> -> memref<128xi32, #tpu.memory_space<vmem>>
    %dma_start3A_132 = arith.constant 0 : i32
    %dma_start3A_133 = arith.constant 0 : i32
    %dma_start3A_134 = tpu.memref_slice %arg9[%dma_start3A_132, %dma_start3A_133] : memref<10000x64xf32, #tpu.memory_space<vmem_shared>> -> memref<10000x64xf32, #tpu.memory_space<vmem_shared>>
    tpu.enqueue_indirect_dma source(%dma_start3A_134 : memref<10000x64xf32, #tpu.memory_space<vmem_shared>>) target(%dma_start3A_128 : memref<128x64xf32, #tpu.memory_space<vmem>>) offsets(%dma_start3A_131 : memref<128xi32, #tpu.memory_space<vmem>>) semaphore(%arg12 : memref<!tpu.dma_semaphore, #tpu.memory_space<semaphore_mem>>)
    %dma_wait3A_135 = arith.constant 0 : i32
    %dma_wait3A_136 = arith.constant 0 : i32
    %dma_wait3A_137 = arith.constant 0 : i32
    %dma_wait3A_138 = arith.constant 0 : i32
    %dma_wait3A_139 = tpu.memref_slice %arg8[%dma_wait3A_136, %dma_wait3A_137, %dma_wait3A_138] : memref<3x128x64xf32, #tpu.memory_space<vmem>> -> memref<1x128x64xf32, #tpu.memory_space<vmem>>
    %dma_wait3A_140 = tpu.memref_squeeze %dma_wait3A_139 : memref<1x128x64xf32, #tpu.memory_space<vmem>> -> memref<128x64xf32, #tpu.memory_space<vmem>>
    %dma_wait3A_141 = arith.constant 0 : i32
    %dma_wait3A_142 = tpu.memref_slice %arg6[%dma_wait3A_135, %dma_wait3A_141] : memref<86x128xi32, #tpu.memory_space<vmem>> -> memref<1x128xi32, #tpu.memory_space<vmem>>
    %dma_wait3A_143 = tpu.memref_squeeze %dma_wait3A_142 : memref<1x128xi32, #tpu.memory_space<vmem>> -> memref<128xi32, #tpu.memory_space<vmem>>
    %dma_wait3A_144 = arith.constant 0 : i32
    %dma_wait3A_145 = arith.constant 0 : i32
    %dma_wait3A_146 = tpu.memref_slice %arg9[%dma_wait3A_144, %dma_wait3A_145] : memref<10000x64xf32, #tpu.memory_space<vmem_shared>> -> memref<10000x64xf32, #tpu.memory_space<vmem_shared>>
    tpu.wait_indirect_dma semaphore(%arg11 : memref<!tpu.dma_semaphore, #tpu.memory_space<semaphore_mem>>) src(%dma_wait3A_146 : memref<10000x64xf32, #tpu.memory_space<vmem_shared>>) dst(%dma_wait3A_140 : memref<128x64xf32, #tpu.memory_space<vmem>>)
    %dma_start3A_147 = arith.constant 0 : i32
    %dma_start3A_148 = arith.constant 0 : i32
    %dma_start3A_149 = arith.constant 0 : i32
    %dma_start3A_150 = arith.constant 0 : i32
    %dma_start3A_151 = tpu.memref_slice %arg8[%dma_start3A_147, %dma_start3A_149, %dma_start3A_150] : memref<3x128x64xf32, #tpu.memory_space<vmem>> -> memref<1x128x64xf32, #tpu.memory_space<vmem>>
    %dma_start3A_152 = tpu.memref_squeeze %dma_start3A_151 : memref<1x128x64xf32, #tpu.memory_space<vmem>> -> memref<128x64xf32, #tpu.memory_space<vmem>>
    %dma_start3A_153 = arith.constant 0 : i32
    %dma_start3A_154 = tpu.memref_slice %arg7[%dma_start3A_148, %dma_start3A_153] : memref<79x128xi32, #tpu.memory_space<vmem>> -> memref<1x128xi32, #tpu.memory_space<vmem>>
    %dma_start3A_155 = tpu.memref_squeeze %dma_start3A_154 : memref<1x128xi32, #tpu.memory_space<vmem>> -> memref<128xi32, #tpu.memory_space<vmem>>
    %dma_start3A_156 = arith.constant 0 : i32
    %dma_start3A_157 = arith.constant 0 : i32
    %dma_start3A_158 = tpu.memref_slice %arg10[%dma_start3A_156, %dma_start3A_157] : memref<10112x64xf32, #tpu.memory_space<vmem_shared>> -> memref<10112x64xf32, #tpu.memory_space<vmem_shared>>
    tpu.enqueue_indirect_dma source(%dma_start3A_152 : memref<128x64xf32, #tpu.memory_space<vmem>>) target(%dma_start3A_158 : memref<10112x64xf32, #tpu.memory_space<vmem_shared>>) offsets(%dma_start3A_155 : memref<128xi32, #tpu.memory_space<vmem>>) semaphore(%arg14 : memref<!tpu.dma_semaphore, #tpu.memory_space<semaphore_mem>>) {add = true}
    %dma_start3A_159 = arith.constant 2 : i32
    %dma_start3A_160 = arith.constant 2 : i32
    %dma_start3A_161 = arith.constant 0 : i32
    %dma_start3A_162 = arith.constant 0 : i32
    %dma_start3A_163 = tpu.memref_slice %arg8[%dma_start3A_160, %dma_start3A_161, %dma_start3A_162] : memref<3x128x64xf32, #tpu.memory_space<vmem>> -> memref<1x128x64xf32, #tpu.memory_space<vmem>>
    %dma_start3A_164 = tpu.memref_squeeze %dma_start3A_163 : memref<1x128x64xf32, #tpu.memory_space<vmem>> -> memref<128x64xf32, #tpu.memory_space<vmem>>
    %dma_start3A_165 = arith.constant 0 : i32
    %dma_start3A_166 = tpu.memref_slice %arg6[%dma_start3A_159, %dma_start3A_165] : memref<86x128xi32, #tpu.memory_space<vmem>> -> memref<1x128xi32, #tpu.memory_space<vmem>>
    %dma_start3A_167 = tpu.memref_squeeze %dma_start3A_166 : memref<1x128xi32, #tpu.memory_space<vmem>> -> memref<128xi32, #tpu.memory_space<vmem>>
    %dma_start3A_168 = arith.constant 0 : i32
    %dma_start3A_169 = arith.constant 0 : i32
    %dma_start3A_170 = tpu.memref_slice %arg9[%dma_start3A_168, %dma_start3A_169] : memref<10000x64xf32, #tpu.memory_space<vmem_shared>> -> memref<10000x64xf32, #tpu.memory_space<vmem_shared>>
    tpu.enqueue_indirect_dma source(%dma_start3A_170 : memref<10000x64xf32, #tpu.memory_space<vmem_shared>>) target(%dma_start3A_164 : memref<128x64xf32, #tpu.memory_space<vmem>>) offsets(%dma_start3A_167 : memref<128xi32, #tpu.memory_space<vmem>>) semaphore(%arg13 : memref<!tpu.dma_semaphore, #tpu.memory_space<semaphore_mem>>)
    %scan3A = arith.constant 0 : i32
    %scan3A_171 = arith.constant 25 : i32
    %scan3A_172 = arith.addi %scan3A, %scan3A_171 : i32
    %scan3A_173 = arith.constant 1 : i32
    scf.for %scan3A_262 = %scan3A to %scan3A_172 step %scan3A_173  : i32 {
      %mul3A_263 = arith.constant 1 : i32
      %mul3A_264 = arith.muli %scan3A_262, %mul3A_263 : i32
      %add3A_265 = arith.constant 0 : i32
      %add3A_266 = arith.addi %add3A_265, %mul3A_264 : i32
      %mul3A_267 = arith.constant 3 : i32
      %mul3A_268 = arith.muli %mul3A_267, %add3A_266 : i32
      %add3A_269 = arith.constant 1 : i32
      %add3A_270 = arith.addi %mul3A_268, %add3A_269 : i32
      %add3A_271 = arith.constant 0 : i32
      %add3A_272 = arith.addi %add3A_270, %add3A_271 : i32
      %dma_wait3A_273 = arith.constant 1 : i32
      %dma_wait3A_274 = arith.constant 0 : i32
      %dma_wait3A_275 = arith.constant 0 : i32
      %dma_wait3A_276 = tpu.memref_slice %arg8[%dma_wait3A_273, %dma_wait3A_274, %dma_wait3A_275] : memref<3x128x64xf32, #tpu.memory_space<vmem>> -> memref<1x128x64xf32, #tpu.memory_space<vmem>>
      %dma_wait3A_277 = tpu.memref_squeeze %dma_wait3A_276 : memref<1x128x64xf32, #tpu.memory_space<vmem>> -> memref<128x64xf32, #tpu.memory_space<vmem>>
      %dma_wait3A_278 = arith.constant 0 : i32
      %dma_wait3A_279 = tpu.memref_slice %arg6[%add3A_272, %dma_wait3A_278] : memref<86x128xi32, #tpu.memory_space<vmem>> -> memref<1x128xi32, #tpu.memory_space<vmem>>
      %dma_wait3A_280 = tpu.memref_squeeze %dma_wait3A_279 : memref<1x128xi32, #tpu.memory_space<vmem>> -> memref<128xi32, #tpu.memory_space<vmem>>
      %dma_wait3A_281 = arith.constant 0 : i32
      %dma_wait3A_282 = arith.constant 0 : i32
      %dma_wait3A_283 = tpu.memref_slice %arg9[%dma_wait3A_281, %dma_wait3A_282] : memref<10000x64xf32, #tpu.memory_space<vmem_shared>> -> memref<10000x64xf32, #tpu.memory_space<vmem_shared>>
      tpu.wait_indirect_dma semaphore(%arg12 : memref<!tpu.dma_semaphore, #tpu.memory_space<semaphore_mem>>) src(%dma_wait3A_283 : memref<10000x64xf32, #tpu.memory_space<vmem_shared>>) dst(%dma_wait3A_277 : memref<128x64xf32, #tpu.memory_space<vmem>>)
      %dma_start3A_284 = arith.constant 1 : i32
      %dma_start3A_285 = arith.constant 0 : i32
      %dma_start3A_286 = arith.constant 0 : i32
      %dma_start3A_287 = tpu.memref_slice %arg8[%dma_start3A_284, %dma_start3A_285, %dma_start3A_286] : memref<3x128x64xf32, #tpu.memory_space<vmem>> -> memref<1x128x64xf32, #tpu.memory_space<vmem>>
      %dma_start3A_288 = tpu.memref_squeeze %dma_start3A_287 : memref<1x128x64xf32, #tpu.memory_space<vmem>> -> memref<128x64xf32, #tpu.memory_space<vmem>>
      %dma_start3A_289 = arith.constant 0 : i32
      %dma_start3A_290 = tpu.memref_slice %arg7[%add3A_272, %dma_start3A_289] : memref<79x128xi32, #tpu.memory_space<vmem>> -> memref<1x128xi32, #tpu.memory_space<vmem>>
      %dma_start3A_291 = tpu.memref_squeeze %dma_start3A_290 : memref<1x128xi32, #tpu.memory_space<vmem>> -> memref<128xi32, #tpu.memory_space<vmem>>
      %dma_start3A_292 = arith.constant 0 : i32
      %dma_start3A_293 = arith.constant 0 : i32
      %dma_start3A_294 = tpu.memref_slice %arg10[%dma_start3A_292, %dma_start3A_293] : memref<10112x64xf32, #tpu.memory_space<vmem_shared>> -> memref<10112x64xf32, #tpu.memory_space<vmem_shared>>
      tpu.enqueue_indirect_dma source(%dma_start3A_288 : memref<128x64xf32, #tpu.memory_space<vmem>>) target(%dma_start3A_294 : memref<10112x64xf32, #tpu.memory_space<vmem_shared>>) offsets(%dma_start3A_291 : memref<128xi32, #tpu.memory_space<vmem>>) semaphore(%arg15 : memref<!tpu.dma_semaphore, #tpu.memory_space<semaphore_mem>>) {add = true}
      %sub3A = arith.constant 1 : i32
      %sub3A_295 = arith.subi %add3A_272, %sub3A : i32
      %dma_wait3A_296 = arith.constant 0 : i32
      %dma_wait3A_297 = arith.constant 0 : i32
      %dma_wait3A_298 = arith.constant 0 : i32
      %dma_wait3A_299 = tpu.memref_slice %arg8[%dma_wait3A_296, %dma_wait3A_297, %dma_wait3A_298] : memref<3x128x64xf32, #tpu.memory_space<vmem>> -> memref<1x128x64xf32, #tpu.memory_space<vmem>>
      %dma_wait3A_300 = tpu.memref_squeeze %dma_wait3A_299 : memref<1x128x64xf32, #tpu.memory_space<vmem>> -> memref<128x64xf32, #tpu.memory_space<vmem>>
      %dma_wait3A_301 = arith.constant 0 : i32
      %dma_wait3A_302 = tpu.memref_slice %arg7[%sub3A_295, %dma_wait3A_301] : memref<79x128xi32, #tpu.memory_space<vmem>> -> memref<1x128xi32, #tpu.memory_space<vmem>>
      %dma_wait3A_303 = tpu.memref_squeeze %dma_wait3A_302 : memref<1x128xi32, #tpu.memory_space<vmem>> -> memref<128xi32, #tpu.memory_space<vmem>>
      %dma_wait3A_304 = arith.constant 0 : i32
      %dma_wait3A_305 = arith.constant 0 : i32
      %dma_wait3A_306 = tpu.memref_slice %arg10[%dma_wait3A_304, %dma_wait3A_305] : memref<10112x64xf32, #tpu.memory_space<vmem_shared>> -> memref<10112x64xf32, #tpu.memory_space<vmem_shared>>
      tpu.wait_indirect_dma semaphore(%arg14 : memref<!tpu.dma_semaphore, #tpu.memory_space<semaphore_mem>>) src(%dma_wait3A_300 : memref<128x64xf32, #tpu.memory_space<vmem>>) dst(%dma_wait3A_306 : memref<10112x64xf32, #tpu.memory_space<vmem_shared>>)
      %add3A_307 = arith.constant 2 : i32
      %add3A_308 = arith.addi %add3A_272, %add3A_307 : i32
      %dma_start3A_309 = arith.constant 0 : i32
      %dma_start3A_310 = arith.constant 0 : i32
      %dma_start3A_311 = arith.constant 0 : i32
      %dma_start3A_312 = tpu.memref_slice %arg8[%dma_start3A_309, %dma_start3A_310, %dma_start3A_311] : memref<3x128x64xf32, #tpu.memory_space<vmem>> -> memref<1x128x64xf32, #tpu.memory_space<vmem>>
      %dma_start3A_313 = tpu.memref_squeeze %dma_start3A_312 : memref<1x128x64xf32, #tpu.memory_space<vmem>> -> memref<128x64xf32, #tpu.memory_space<vmem>>
      %dma_start3A_314 = arith.constant 0 : i32
      %dma_start3A_315 = tpu.memref_slice %arg6[%add3A_308, %dma_start3A_314] : memref<86x128xi32, #tpu.memory_space<vmem>> -> memref<1x128xi32, #tpu.memory_space<vmem>>
      %dma_start3A_316 = tpu.memref_squeeze %dma_start3A_315 : memref<1x128xi32, #tpu.memory_space<vmem>> -> memref<128xi32, #tpu.memory_space<vmem>>
      %dma_start3A_317 = arith.constant 0 : i32
      %dma_start3A_318 = arith.constant 0 : i32
      %dma_start3A_319 = tpu.memref_slice %arg9[%dma_start3A_317, %dma_start3A_318] : memref<10000x64xf32, #tpu.memory_space<vmem_shared>> -> memref<10000x64xf32, #tpu.memory_space<vmem_shared>>
      tpu.enqueue_indirect_dma source(%dma_start3A_319 : memref<10000x64xf32, #tpu.memory_space<vmem_shared>>) target(%dma_start3A_313 : memref<128x64xf32, #tpu.memory_space<vmem>>) offsets(%dma_start3A_316 : memref<128xi32, #tpu.memory_space<vmem>>) semaphore(%arg11 : memref<!tpu.dma_semaphore, #tpu.memory_space<semaphore_mem>>)
      %mul3A_320 = arith.constant 3 : i32
      %mul3A_321 = arith.muli %mul3A_320, %add3A_266 : i32
      %add3A_322 = arith.constant 1 : i32
      %add3A_323 = arith.addi %mul3A_321, %add3A_322 : i32
      %add3A_324 = arith.constant 1 : i32
      %add3A_325 = arith.addi %add3A_323, %add3A_324 : i32
      %dma_wait3A_326 = arith.constant 2 : i32
      %dma_wait3A_327 = arith.constant 0 : i32
      %dma_wait3A_328 = arith.constant 0 : i32
      %dma_wait3A_329 = tpu.memref_slice %arg8[%dma_wait3A_326, %dma_wait3A_327, %dma_wait3A_328] : memref<3x128x64xf32, #tpu.memory_space<vmem>> -> memref<1x128x64xf32, #tpu.memory_space<vmem>>
      %dma_wait3A_330 = tpu.memref_squeeze %dma_wait3A_329 : memref<1x128x64xf32, #tpu.memory_space<vmem>> -> memref<128x64xf32, #tpu.memory_space<vmem>>
      %dma_wait3A_331 = arith.constant 0 : i32
      %dma_wait3A_332 = tpu.memref_slice %arg6[%add3A_325, %dma_wait3A_331] : memref<86x128xi32, #tpu.memory_space<vmem>> -> memref<1x128xi32, #tpu.memory_space<vmem>>
      %dma_wait3A_333 = tpu.memref_squeeze %dma_wait3A_332 : memref<1x128xi32, #tpu.memory_space<vmem>> -> memref<128xi32, #tpu.memory_space<vmem>>
      %dma_wait3A_334 = arith.constant 0 : i32
      %dma_wait3A_335 = arith.constant 0 : i32
      %dma_wait3A_336 = tpu.memref_slice %arg9[%dma_wait3A_334, %dma_wait3A_335] : memref<10000x64xf32, #tpu.memory_space<vmem_shared>> -> memref<10000x64xf32, #tpu.memory_space<vmem_shared>>
      tpu.wait_indirect_dma semaphore(%arg13 : memref<!tpu.dma_semaphore, #tpu.memory_space<semaphore_mem>>) src(%dma_wait3A_336 : memref<10000x64xf32, #tpu.memory_space<vmem_shared>>) dst(%dma_wait3A_330 : memref<128x64xf32, #tpu.memory_space<vmem>>)
      %dma_start3A_337 = arith.constant 2 : i32
      %dma_start3A_338 = arith.constant 0 : i32
      %dma_start3A_339 = arith.constant 0 : i32
      %dma_start3A_340 = tpu.memref_slice %arg8[%dma_start3A_337, %dma_start3A_338, %dma_start3A_339] : memref<3x128x64xf32, #tpu.memory_space<vmem>> -> memref<1x128x64xf32, #tpu.memory_space<vmem>>
      %dma_start3A_341 = tpu.memref_squeeze %dma_start3A_340 : memref<1x128x64xf32, #tpu.memory_space<vmem>> -> memref<128x64xf32, #tpu.memory_space<vmem>>
      %dma_start3A_342 = arith.constant 0 : i32
      %dma_start3A_343 = tpu.memref_slice %arg7[%add3A_325, %dma_start3A_342] : memref<79x128xi32, #tpu.memory_space<vmem>> -> memref<1x128xi32, #tpu.memory_space<vmem>>
      %dma_start3A_344 = tpu.memref_squeeze %dma_start3A_343 : memref<1x128xi32, #tpu.memory_space<vmem>> -> memref<128xi32, #tpu.memory_space<vmem>>
      %dma_start3A_345 = arith.constant 0 : i32
      %dma_start3A_346 = arith.constant 0 : i32
      %dma_start3A_347 = tpu.memref_slice %arg10[%dma_start3A_345, %dma_start3A_346] : memref<10112x64xf32, #tpu.memory_space<vmem_shared>> -> memref<10112x64xf32, #tpu.memory_space<vmem_shared>>
      tpu.enqueue_indirect_dma source(%dma_start3A_341 : memref<128x64xf32, #tpu.memory_space<vmem>>) target(%dma_start3A_347 : memref<10112x64xf32, #tpu.memory_space<vmem_shared>>) offsets(%dma_start3A_344 : memref<128xi32, #tpu.memory_space<vmem>>) semaphore(%arg16 : memref<!tpu.dma_semaphore, #tpu.memory_space<semaphore_mem>>) {add = true}
      %sub3A_348 = arith.constant 1 : i32
      %sub3A_349 = arith.subi %add3A_325, %sub3A_348 : i32
      %dma_wait3A_350 = arith.constant 1 : i32
      %dma_wait3A_351 = arith.constant 0 : i32
      %dma_wait3A_352 = arith.constant 0 : i32
      %dma_wait3A_353 = tpu.memref_slice %arg8[%dma_wait3A_350, %dma_wait3A_351, %dma_wait3A_352] : memref<3x128x64xf32, #tpu.memory_space<vmem>> -> memref<1x128x64xf32, #tpu.memory_space<vmem>>
      %dma_wait3A_354 = tpu.memref_squeeze %dma_wait3A_353 : memref<1x128x64xf32, #tpu.memory_space<vmem>> -> memref<128x64xf32, #tpu.memory_space<vmem>>
      %dma_wait3A_355 = arith.constant 0 : i32
      %dma_wait3A_356 = tpu.memref_slice %arg7[%sub3A_349, %dma_wait3A_355] : memref<79x128xi32, #tpu.memory_space<vmem>> -> memref<1x128xi32, #tpu.memory_space<vmem>>
      %dma_wait3A_357 = tpu.memref_squeeze %dma_wait3A_356 : memref<1x128xi32, #tpu.memory_space<vmem>> -> memref<128xi32, #tpu.memory_space<vmem>>
      %dma_wait3A_358 = arith.constant 0 : i32
      %dma_wait3A_359 = arith.constant 0 : i32
      %dma_wait3A_360 = tpu.memref_slice %arg10[%dma_wait3A_358, %dma_wait3A_359] : memref<10112x64xf32, #tpu.memory_space<vmem_shared>> -> memref<10112x64xf32, #tpu.memory_space<vmem_shared>>
      tpu.wait_indirect_dma semaphore(%arg15 : memref<!tpu.dma_semaphore, #tpu.memory_space<semaphore_mem>>) src(%dma_wait3A_354 : memref<128x64xf32, #tpu.memory_space<vmem>>) dst(%dma_wait3A_360 : memref<10112x64xf32, #tpu.memory_space<vmem_shared>>)
      %add3A_361 = arith.constant 2 : i32
      %add3A_362 = arith.addi %add3A_325, %add3A_361 : i32
      %dma_start3A_363 = arith.constant 1 : i32
      %dma_start3A_364 = arith.constant 0 : i32
      %dma_start3A_365 = arith.constant 0 : i32
      %dma_start3A_366 = tpu.memref_slice %arg8[%dma_start3A_363, %dma_start3A_364, %dma_start3A_365] : memref<3x128x64xf32, #tpu.memory_space<vmem>> -> memref<1x128x64xf32, #tpu.memory_space<vmem>>
      %dma_start3A_367 = tpu.memref_squeeze %dma_start3A_366 : memref<1x128x64xf32, #tpu.memory_space<vmem>> -> memref<128x64xf32, #tpu.memory_space<vmem>>
      %dma_start3A_368 = arith.constant 0 : i32
      %dma_start3A_369 = tpu.memref_slice %arg6[%add3A_362, %dma_start3A_368] : memref<86x128xi32, #tpu.memory_space<vmem>> -> memref<1x128xi32, #tpu.memory_space<vmem>>
      %dma_start3A_370 = tpu.memref_squeeze %dma_start3A_369 : memref<1x128xi32, #tpu.memory_space<vmem>> -> memref<128xi32, #tpu.memory_space<vmem>>
      %dma_start3A_371 = arith.constant 0 : i32
      %dma_start3A_372 = arith.constant 0 : i32
      %dma_start3A_373 = tpu.memref_slice %arg9[%dma_start3A_371, %dma_start3A_372] : memref<10000x64xf32, #tpu.memory_space<vmem_shared>> -> memref<10000x64xf32, #tpu.memory_space<vmem_shared>>
      tpu.enqueue_indirect_dma source(%dma_start3A_373 : memref<10000x64xf32, #tpu.memory_space<vmem_shared>>) target(%dma_start3A_367 : memref<128x64xf32, #tpu.memory_space<vmem>>) offsets(%dma_start3A_370 : memref<128xi32, #tpu.memory_space<vmem>>) semaphore(%arg12 : memref<!tpu.dma_semaphore, #tpu.memory_space<semaphore_mem>>)
      %mul3A_374 = arith.constant 3 : i32
      %mul3A_375 = arith.muli %mul3A_374, %add3A_266 : i32
      %add3A_376 = arith.constant 1 : i32
      %add3A_377 = arith.addi %mul3A_375, %add3A_376 : i32
      %add3A_378 = arith.constant 2 : i32
      %add3A_379 = arith.addi %add3A_377, %add3A_378 : i32
      %dma_wait3A_380 = arith.constant 0 : i32
      %dma_wait3A_381 = arith.constant 0 : i32
      %dma_wait3A_382 = arith.constant 0 : i32
      %dma_wait3A_383 = tpu.memref_slice %arg8[%dma_wait3A_380, %dma_wait3A_381, %dma_wait3A_382] : memref<3x128x64xf32, #tpu.memory_space<vmem>> -> memref<1x128x64xf32, #tpu.memory_space<vmem>>
      %dma_wait3A_384 = tpu.memref_squeeze %dma_wait3A_383 : memref<1x128x64xf32, #tpu.memory_space<vmem>> -> memref<128x64xf32, #tpu.memory_space<vmem>>
      %dma_wait3A_385 = arith.constant 0 : i32
      %dma_wait3A_386 = tpu.memref_slice %arg6[%add3A_379, %dma_wait3A_385] : memref<86x128xi32, #tpu.memory_space<vmem>> -> memref<1x128xi32, #tpu.memory_space<vmem>>
      %dma_wait3A_387 = tpu.memref_squeeze %dma_wait3A_386 : memref<1x128xi32, #tpu.memory_space<vmem>> -> memref<128xi32, #tpu.memory_space<vmem>>
      %dma_wait3A_388 = arith.constant 0 : i32
      %dma_wait3A_389 = arith.constant 0 : i32
      %dma_wait3A_390 = tpu.memref_slice %arg9[%dma_wait3A_388, %dma_wait3A_389] : memref<10000x64xf32, #tpu.memory_space<vmem_shared>> -> memref<10000x64xf32, #tpu.memory_space<vmem_shared>>
      tpu.wait_indirect_dma semaphore(%arg11 : memref<!tpu.dma_semaphore, #tpu.memory_space<semaphore_mem>>) src(%dma_wait3A_390 : memref<10000x64xf32, #tpu.memory_space<vmem_shared>>) dst(%dma_wait3A_384 : memref<128x64xf32, #tpu.memory_space<vmem>>)
      %dma_start3A_391 = arith.constant 0 : i32
      %dma_start3A_392 = arith.constant 0 : i32
      %dma_start3A_393 = arith.constant 0 : i32
      %dma_start3A_394 = tpu.memref_slice %arg8[%dma_start3A_391, %dma_start3A_392, %dma_start3A_393] : memref<3x128x64xf32, #tpu.memory_space<vmem>> -> memref<1x128x64xf32, #tpu.memory_space<vmem>>
      %dma_start3A_395 = tpu.memref_squeeze %dma_start3A_394 : memref<1x128x64xf32, #tpu.memory_space<vmem>> -> memref<128x64xf32, #tpu.memory_space<vmem>>
      %dma_start3A_396 = arith.constant 0 : i32
      %dma_start3A_397 = tpu.memref_slice %arg7[%add3A_379, %dma_start3A_396] : memref<79x128xi32, #tpu.memory_space<vmem>> -> memref<1x128xi32, #tpu.memory_space<vmem>>
      %dma_start3A_398 = tpu.memref_squeeze %dma_start3A_397 : memref<1x128xi32, #tpu.memory_space<vmem>> -> memref<128xi32, #tpu.memory_space<vmem>>
      %dma_start3A_399 = arith.constant 0 : i32
      %dma_start3A_400 = arith.constant 0 : i32
      %dma_start3A_401 = tpu.memref_slice %arg10[%dma_start3A_399, %dma_start3A_400] : memref<10112x64xf32, #tpu.memory_space<vmem_shared>> -> memref<10112x64xf32, #tpu.memory_space<vmem_shared>>
      tpu.enqueue_indirect_dma source(%dma_start3A_395 : memref<128x64xf32, #tpu.memory_space<vmem>>) target(%dma_start3A_401 : memref<10112x64xf32, #tpu.memory_space<vmem_shared>>) offsets(%dma_start3A_398 : memref<128xi32, #tpu.memory_space<vmem>>) semaphore(%arg14 : memref<!tpu.dma_semaphore, #tpu.memory_space<semaphore_mem>>) {add = true}
      %sub3A_402 = arith.constant 1 : i32
      %sub3A_403 = arith.subi %add3A_379, %sub3A_402 : i32
      %dma_wait3A_404 = arith.constant 2 : i32
      %dma_wait3A_405 = arith.constant 0 : i32
      %dma_wait3A_406 = arith.constant 0 : i32
      %dma_wait3A_407 = tpu.memref_slice %arg8[%dma_wait3A_404, %dma_wait3A_405, %dma_wait3A_406] : memref<3x128x64xf32, #tpu.memory_space<vmem>> -> memref<1x128x64xf32, #tpu.memory_space<vmem>>
      %dma_wait3A_408 = tpu.memref_squeeze %dma_wait3A_407 : memref<1x128x64xf32, #tpu.memory_space<vmem>> -> memref<128x64xf32, #tpu.memory_space<vmem>>
      %dma_wait3A_409 = arith.constant 0 : i32
      %dma_wait3A_410 = tpu.memref_slice %arg7[%sub3A_403, %dma_wait3A_409] : memref<79x128xi32, #tpu.memory_space<vmem>> -> memref<1x128xi32, #tpu.memory_space<vmem>>
      %dma_wait3A_411 = tpu.memref_squeeze %dma_wait3A_410 : memref<1x128xi32, #tpu.memory_space<vmem>> -> memref<128xi32, #tpu.memory_space<vmem>>
      %dma_wait3A_412 = arith.constant 0 : i32
      %dma_wait3A_413 = arith.constant 0 : i32
      %dma_wait3A_414 = tpu.memref_slice %arg10[%dma_wait3A_412, %dma_wait3A_413] : memref<10112x64xf32, #tpu.memory_space<vmem_shared>> -> memref<10112x64xf32, #tpu.memory_space<vmem_shared>>
      tpu.wait_indirect_dma semaphore(%arg16 : memref<!tpu.dma_semaphore, #tpu.memory_space<semaphore_mem>>) src(%dma_wait3A_408 : memref<128x64xf32, #tpu.memory_space<vmem>>) dst(%dma_wait3A_414 : memref<10112x64xf32, #tpu.memory_space<vmem_shared>>)
      %add3A_415 = arith.constant 2 : i32
      %add3A_416 = arith.addi %add3A_379, %add3A_415 : i32
      %dma_start3A_417 = arith.constant 2 : i32
      %dma_start3A_418 = arith.constant 0 : i32
      %dma_start3A_419 = arith.constant 0 : i32
      %dma_start3A_420 = tpu.memref_slice %arg8[%dma_start3A_417, %dma_start3A_418, %dma_start3A_419] : memref<3x128x64xf32, #tpu.memory_space<vmem>> -> memref<1x128x64xf32, #tpu.memory_space<vmem>>
      %dma_start3A_421 = tpu.memref_squeeze %dma_start3A_420 : memref<1x128x64xf32, #tpu.memory_space<vmem>> -> memref<128x64xf32, #tpu.memory_space<vmem>>
      %dma_start3A_422 = arith.constant 0 : i32
      %dma_start3A_423 = tpu.memref_slice %arg6[%add3A_416, %dma_start3A_422] : memref<86x128xi32, #tpu.memory_space<vmem>> -> memref<1x128xi32, #tpu.memory_space<vmem>>
      %dma_start3A_424 = tpu.memref_squeeze %dma_start3A_423 : memref<1x128xi32, #tpu.memory_space<vmem>> -> memref<128xi32, #tpu.memory_space<vmem>>
      %dma_start3A_425 = arith.constant 0 : i32
      %dma_start3A_426 = arith.constant 0 : i32
      %dma_start3A_427 = tpu.memref_slice %arg9[%dma_start3A_425, %dma_start3A_426] : memref<10000x64xf32, #tpu.memory_space<vmem_shared>> -> memref<10000x64xf32, #tpu.memory_space<vmem_shared>>
      tpu.enqueue_indirect_dma source(%dma_start3A_427 : memref<10000x64xf32, #tpu.memory_space<vmem_shared>>) target(%dma_start3A_421 : memref<128x64xf32, #tpu.memory_space<vmem>>) offsets(%dma_start3A_424 : memref<128xi32, #tpu.memory_space<vmem>>) semaphore(%arg13 : memref<!tpu.dma_semaphore, #tpu.memory_space<semaphore_mem>>)
    }
    %scan3A_174 = arith.constant 25 : i32
    %dma_wait3A_175 = arith.constant 76 : i32
    %dma_wait3A_176 = arith.constant 1 : i32
    %dma_wait3A_177 = arith.constant 0 : i32
    %dma_wait3A_178 = arith.constant 0 : i32
    %dma_wait3A_179 = tpu.memref_slice %arg8[%dma_wait3A_176, %dma_wait3A_177, %dma_wait3A_178] : memref<3x128x64xf32, #tpu.memory_space<vmem>> -> memref<1x128x64xf32, #tpu.memory_space<vmem>>
    %dma_wait3A_180 = tpu.memref_squeeze %dma_wait3A_179 : memref<1x128x64xf32, #tpu.memory_space<vmem>> -> memref<128x64xf32, #tpu.memory_space<vmem>>
    %dma_wait3A_181 = arith.constant 0 : i32
    %dma_wait3A_182 = tpu.memref_slice %arg6[%dma_wait3A_175, %dma_wait3A_181] : memref<86x128xi32, #tpu.memory_space<vmem>> -> memref<1x128xi32, #tpu.memory_space<vmem>>
    %dma_wait3A_183 = tpu.memref_squeeze %dma_wait3A_182 : memref<1x128xi32, #tpu.memory_space<vmem>> -> memref<128xi32, #tpu.memory_space<vmem>>
    %dma_wait3A_184 = arith.constant 0 : i32
    %dma_wait3A_185 = arith.constant 0 : i32
    %dma_wait3A_186 = tpu.memref_slice %arg9[%dma_wait3A_184, %dma_wait3A_185] : memref<10000x64xf32, #tpu.memory_space<vmem_shared>> -> memref<10000x64xf32, #tpu.memory_space<vmem_shared>>
    tpu.wait_indirect_dma semaphore(%arg12 : memref<!tpu.dma_semaphore, #tpu.memory_space<semaphore_mem>>) src(%dma_wait3A_186 : memref<10000x64xf32, #tpu.memory_space<vmem_shared>>) dst(%dma_wait3A_180 : memref<128x64xf32, #tpu.memory_space<vmem>>)
    %dma_start3A_187 = arith.constant 1 : i32
    %dma_start3A_188 = arith.constant 76 : i32
    %dma_start3A_189 = arith.constant 0 : i32
    %dma_start3A_190 = arith.constant 0 : i32
    %dma_start3A_191 = tpu.memref_slice %arg8[%dma_start3A_187, %dma_start3A_189, %dma_start3A_190] : memref<3x128x64xf32, #tpu.memory_space<vmem>> -> memref<1x128x64xf32, #tpu.memory_space<vmem>>
    %dma_start3A_192 = tpu.memref_squeeze %dma_start3A_191 : memref<1x128x64xf32, #tpu.memory_space<vmem>> -> memref<128x64xf32, #tpu.memory_space<vmem>>
    %dma_start3A_193 = arith.constant 0 : i32
    %dma_start3A_194 = tpu.memref_slice %arg7[%dma_start3A_188, %dma_start3A_193] : memref<79x128xi32, #tpu.memory_space<vmem>> -> memref<1x128xi32, #tpu.memory_space<vmem>>
    %dma_start3A_195 = tpu.memref_squeeze %dma_start3A_194 : memref<1x128xi32, #tpu.memory_space<vmem>> -> memref<128xi32, #tpu.memory_space<vmem>>
    %dma_start3A_196 = arith.constant 0 : i32
    %dma_start3A_197 = arith.constant 0 : i32
    %dma_start3A_198 = tpu.memref_slice %arg10[%dma_start3A_196, %dma_start3A_197] : memref<10112x64xf32, #tpu.memory_space<vmem_shared>> -> memref<10112x64xf32, #tpu.memory_space<vmem_shared>>
    tpu.enqueue_indirect_dma source(%dma_start3A_192 : memref<128x64xf32, #tpu.memory_space<vmem>>) target(%dma_start3A_198 : memref<10112x64xf32, #tpu.memory_space<vmem_shared>>) offsets(%dma_start3A_195 : memref<128xi32, #tpu.memory_space<vmem>>) semaphore(%arg15 : memref<!tpu.dma_semaphore, #tpu.memory_space<semaphore_mem>>) {add = true}
    %dma_wait3A_199 = arith.constant 77 : i32
    %dma_wait3A_200 = arith.constant 2 : i32
    %dma_wait3A_201 = arith.constant 0 : i32
    %dma_wait3A_202 = arith.constant 0 : i32
    %dma_wait3A_203 = tpu.memref_slice %arg8[%dma_wait3A_200, %dma_wait3A_201, %dma_wait3A_202] : memref<3x128x64xf32, #tpu.memory_space<vmem>> -> memref<1x128x64xf32, #tpu.memory_space<vmem>>
    %dma_wait3A_204 = tpu.memref_squeeze %dma_wait3A_203 : memref<1x128x64xf32, #tpu.memory_space<vmem>> -> memref<128x64xf32, #tpu.memory_space<vmem>>
    %dma_wait3A_205 = arith.constant 0 : i32
    %dma_wait3A_206 = tpu.memref_slice %arg6[%dma_wait3A_199, %dma_wait3A_205] : memref<86x128xi32, #tpu.memory_space<vmem>> -> memref<1x128xi32, #tpu.memory_space<vmem>>
    %dma_wait3A_207 = tpu.memref_squeeze %dma_wait3A_206 : memref<1x128xi32, #tpu.memory_space<vmem>> -> memref<128xi32, #tpu.memory_space<vmem>>
    %dma_wait3A_208 = arith.constant 0 : i32
    %dma_wait3A_209 = arith.constant 0 : i32
    %dma_wait3A_210 = tpu.memref_slice %arg9[%dma_wait3A_208, %dma_wait3A_209] : memref<10000x64xf32, #tpu.memory_space<vmem_shared>> -> memref<10000x64xf32, #tpu.memory_space<vmem_shared>>
    tpu.wait_indirect_dma semaphore(%arg13 : memref<!tpu.dma_semaphore, #tpu.memory_space<semaphore_mem>>) src(%dma_wait3A_210 : memref<10000x64xf32, #tpu.memory_space<vmem_shared>>) dst(%dma_wait3A_204 : memref<128x64xf32, #tpu.memory_space<vmem>>)
    %dma_start3A_211 = arith.constant 2 : i32
    %dma_start3A_212 = arith.constant 77 : i32
    %dma_start3A_213 = arith.constant 0 : i32
    %dma_start3A_214 = arith.constant 0 : i32
    %dma_start3A_215 = tpu.memref_slice %arg8[%dma_start3A_211, %dma_start3A_213, %dma_start3A_214] : memref<3x128x64xf32, #tpu.memory_space<vmem>> -> memref<1x128x64xf32, #tpu.memory_space<vmem>>
    %dma_start3A_216 = tpu.memref_squeeze %dma_start3A_215 : memref<1x128x64xf32, #tpu.memory_space<vmem>> -> memref<128x64xf32, #tpu.memory_space<vmem>>
    %dma_start3A_217 = arith.constant 0 : i32
    %dma_start3A_218 = tpu.memref_slice %arg7[%dma_start3A_212, %dma_start3A_217] : memref<79x128xi32, #tpu.memory_space<vmem>> -> memref<1x128xi32, #tpu.memory_space<vmem>>
    %dma_start3A_219 = tpu.memref_squeeze %dma_start3A_218 : memref<1x128xi32, #tpu.memory_space<vmem>> -> memref<128xi32, #tpu.memory_space<vmem>>
    %dma_start3A_220 = arith.constant 0 : i32
    %dma_start3A_221 = arith.constant 0 : i32
    %dma_start3A_222 = tpu.memref_slice %arg10[%dma_start3A_220, %dma_start3A_221] : memref<10112x64xf32, #tpu.memory_space<vmem_shared>> -> memref<10112x64xf32, #tpu.memory_space<vmem_shared>>
    tpu.enqueue_indirect_dma source(%dma_start3A_216 : memref<128x64xf32, #tpu.memory_space<vmem>>) target(%dma_start3A_222 : memref<10112x64xf32, #tpu.memory_space<vmem_shared>>) offsets(%dma_start3A_219 : memref<128xi32, #tpu.memory_space<vmem>>) semaphore(%arg16 : memref<!tpu.dma_semaphore, #tpu.memory_space<semaphore_mem>>) {add = true}
    %dma_wait3A_223 = arith.constant 0 : i32
    %dma_wait3A_224 = arith.constant 75 : i32
    %dma_wait3A_225 = arith.constant 0 : i32
    %dma_wait3A_226 = arith.constant 0 : i32
    %dma_wait3A_227 = tpu.memref_slice %arg8[%dma_wait3A_223, %dma_wait3A_225, %dma_wait3A_226] : memref<3x128x64xf32, #tpu.memory_space<vmem>> -> memref<1x128x64xf32, #tpu.memory_space<vmem>>
    %dma_wait3A_228 = tpu.memref_squeeze %dma_wait3A_227 : memref<1x128x64xf32, #tpu.memory_space<vmem>> -> memref<128x64xf32, #tpu.memory_space<vmem>>
    %dma_wait3A_229 = arith.constant 0 : i32
    %dma_wait3A_230 = tpu.memref_slice %arg7[%dma_wait3A_224, %dma_wait3A_229] : memref<79x128xi32, #tpu.memory_space<vmem>> -> memref<1x128xi32, #tpu.memory_space<vmem>>
    %dma_wait3A_231 = tpu.memref_squeeze %dma_wait3A_230 : memref<1x128xi32, #tpu.memory_space<vmem>> -> memref<128xi32, #tpu.memory_space<vmem>>
    %dma_wait3A_232 = arith.constant 0 : i32
    %dma_wait3A_233 = arith.constant 0 : i32
    %dma_wait3A_234 = tpu.memref_slice %arg10[%dma_wait3A_232, %dma_wait3A_233] : memref<10112x64xf32, #tpu.memory_space<vmem_shared>> -> memref<10112x64xf32, #tpu.memory_space<vmem_shared>>
    tpu.wait_indirect_dma semaphore(%arg14 : memref<!tpu.dma_semaphore, #tpu.memory_space<semaphore_mem>>) src(%dma_wait3A_228 : memref<128x64xf32, #tpu.memory_space<vmem>>) dst(%dma_wait3A_234 : memref<10112x64xf32, #tpu.memory_space<vmem_shared>>)
    %dma_wait3A_235 = arith.constant 1 : i32
    %dma_wait3A_236 = arith.constant 76 : i32
    %dma_wait3A_237 = arith.constant 0 : i32
    %dma_wait3A_238 = arith.constant 0 : i32
    %dma_wait3A_239 = tpu.memref_slice %arg8[%dma_wait3A_235, %dma_wait3A_237, %dma_wait3A_238] : memref<3x128x64xf32, #tpu.memory_space<vmem>> -> memref<1x128x64xf32, #tpu.memory_space<vmem>>
    %dma_wait3A_240 = tpu.memref_squeeze %dma_wait3A_239 : memref<1x128x64xf32, #tpu.memory_space<vmem>> -> memref<128x64xf32, #tpu.memory_space<vmem>>
    %dma_wait3A_241 = arith.constant 0 : i32
    %dma_wait3A_242 = tpu.memref_slice %arg7[%dma_wait3A_236, %dma_wait3A_241] : memref<79x128xi32, #tpu.memory_space<vmem>> -> memref<1x128xi32, #tpu.memory_space<vmem>>
    %dma_wait3A_243 = tpu.memref_squeeze %dma_wait3A_242 : memref<1x128xi32, #tpu.memory_space<vmem>> -> memref<128xi32, #tpu.memory_space<vmem>>
    %dma_wait3A_244 = arith.constant 0 : i32
    %dma_wait3A_245 = arith.constant 0 : i32
    %dma_wait3A_246 = tpu.memref_slice %arg10[%dma_wait3A_244, %dma_wait3A_245] : memref<10112x64xf32, #tpu.memory_space<vmem_shared>> -> memref<10112x64xf32, #tpu.memory_space<vmem_shared>>
    tpu.wait_indirect_dma semaphore(%arg15 : memref<!tpu.dma_semaphore, #tpu.memory_space<semaphore_mem>>) src(%dma_wait3A_240 : memref<128x64xf32, #tpu.memory_space<vmem>>) dst(%dma_wait3A_246 : memref<10112x64xf32, #tpu.memory_space<vmem_shared>>)
    %dma_wait3A_247 = arith.constant 2 : i32
    %dma_wait3A_248 = arith.constant 77 : i32
    %dma_wait3A_249 = arith.constant 0 : i32
    %dma_wait3A_250 = arith.constant 0 : i32
    %dma_wait3A_251 = tpu.memref_slice %arg8[%dma_wait3A_247, %dma_wait3A_249, %dma_wait3A_250] : memref<3x128x64xf32, #tpu.memory_space<vmem>> -> memref<1x128x64xf32, #tpu.memory_space<vmem>>
    %dma_wait3A_252 = tpu.memref_squeeze %dma_wait3A_251 : memref<1x128x64xf32, #tpu.memory_space<vmem>> -> memref<128x64xf32, #tpu.memory_space<vmem>>
    %dma_wait3A_253 = arith.constant 0 : i32
    %dma_wait3A_254 = tpu.memref_slice %arg7[%dma_wait3A_248, %dma_wait3A_253] : memref<79x128xi32, #tpu.memory_space<vmem>> -> memref<1x128xi32, #tpu.memory_space<vmem>>
    %dma_wait3A_255 = tpu.memref_squeeze %dma_wait3A_254 : memref<1x128xi32, #tpu.memory_space<vmem>> -> memref<128xi32, #tpu.memory_space<vmem>>
    %dma_wait3A_256 = arith.constant 0 : i32
    %dma_wait3A_257 = arith.constant 0 : i32
    %dma_wait3A_258 = tpu.memref_slice %arg10[%dma_wait3A_256, %dma_wait3A_257] : memref<10112x64xf32, #tpu.memory_space<vmem_shared>> -> memref<10112x64xf32, #tpu.memory_space<vmem_shared>>
    tpu.wait_indirect_dma semaphore(%arg16 : memref<!tpu.dma_semaphore, #tpu.memory_space<semaphore_mem>>) src(%dma_wait3A_252 : memref<128x64xf32, #tpu.memory_space<vmem>>) dst(%dma_wait3A_258 : memref<10112x64xf32, #tpu.memory_space<vmem_shared>>)
    %barrier3A_259 = arith.constant 0 : index
    tpu.barrier barrier_id(%barrier3A_259)
    %mul3A_260 = arith.constant 64 : i32
    %mul3A_261 = arith.muli %mul3A_260, %arg0 : i32
    "tpu.region"() ({
      %run_scoped3A = tpu.sem_alloc : memref<!tpu.dma_semaphore, #tpu.memory_space<semaphore_mem>>
      %dma_start3A_262 = tpu.memref_slice %arg5[%mul3A_2, %mul3A_261] : memref<10112x128xf32, #tpu.memory_space<hbm>> -> memref<632x64xf32, #tpu.memory_space<hbm>>
      %dma_start3A_263 = arith.constant 0 : i32
      %dma_start3A_264 = tpu.memref_slice %arg10[%mul3A_2, %dma_start3A_263] : memref<10112x64xf32, #tpu.memory_space<vmem_shared>> -> memref<632x64xf32, #tpu.memory_space<vmem_shared>>
      tpu.enqueue_dma source(%dma_start3A_264 : memref<632x64xf32, #tpu.memory_space<vmem_shared>>) target(%dma_start3A_262 : memref<632x64xf32, #tpu.memory_space<hbm>>) target_semaphore(%run_scoped3A : memref<!tpu.dma_semaphore, #tpu.memory_space<semaphore_mem>>)
      %dma_wait3A_265 = tpu.memref_slice %arg5[%mul3A_2, %mul3A_261] : memref<10112x128xf32, #tpu.memory_space<hbm>> -> memref<632x64xf32, #tpu.memory_space<hbm>>
      %dma_wait3A_266 = arith.constant 0 : i32
      %dma_wait3A_267 = tpu.memref_slice %arg10[%mul3A_2, %dma_wait3A_266] : memref<10112x64xf32, #tpu.memory_space<vmem_shared>> -> memref<632x64xf32, #tpu.memory_space<vmem_shared>>
      tpu.wait_dma2 semaphore(%run_scoped3A : memref<!tpu.dma_semaphore, #tpu.memory_space<semaphore_mem>>) src(%dma_wait3A_267 : memref<632x64xf32, #tpu.memory_space<vmem_shared>>) dst(%dma_wait3A_265 : memref<632x64xf32, #tpu.memory_space<hbm>>)
      tpu.yield
    }) : () -> ()
    return
  }
}

#map = affine_map<(d0, d1) -> (0, 0, 0)>
#map1 = affine_map<(d0, d1) -> (0, 0)>
module attributes {stable_mosaic.version = 14 : i64} {
  func.func @k(%arg0: i32, %arg1: i32, %arg2: memref<2x2500x128xi32, #tpu.memory_space<hbm>>, %arg3: memref<128x16xf32, #tpu.memory_space<hbm>>, %arg4: memref<10112x16xf32, #tpu.memory_space<hbm>>, %arg5: memref<10112x128xf32, #tpu.memory_space<hbm>>, %arg6: memref<79x128xi32, #tpu.memory_space<vmem>>, %arg7: memref<128x16xf32, #tpu.memory_space<vmem>>, %arg8: memref<10112x16xf32, #tpu.memory_space<vmem_shared>>, %arg9: memref<!tpu.dma_semaphore, #tpu.memory_space<semaphore_mem>>, %arg10: memref<!tpu.dma_semaphore, #tpu.memory_space<semaphore_mem>>, %arg11: memref<!tpu.dma_semaphore, #tpu.memory_space<semaphore_mem>>, %arg12: memref<!tpu.dma_semaphore, #tpu.memory_space<semaphore_mem>>) attributes {dimension_semantics = [#tpu.dimension_semantics<core_parallel>, #tpu.dimension_semantics<subcore_parallel>], iteration_bounds = array<i64: 2, 16>, scalar_prefetch = 0 : i64, scratch_operands = 7 : i64, tpu.core_type = #tpu.core_type<sc_vector_subcore>, window_params = [{transform_indices = #map}, {transform_indices = #map1}, {transform_indices = #map1}, {transform_indices = #map1}]} {
    %mul3A = arith.constant 16 : i32
    %mul3A_0 = arith.muli %arg0, %mul3A : i32
    %add3A = arith.addi %mul3A_0, %arg1 : i32
    %mul3A_1 = arith.constant 632 : i32
    %mul3A_2 = arith.muli %arg1, %mul3A_1 : i32
    %dma_start3A = arith.constant 0 : i32
    %dma_start3A_3 = tpu.memref_slice %arg8[%mul3A_2, %dma_start3A] : memref<10112x16xf32, #tpu.memory_space<vmem_shared>> -> memref<632x16xf32, #tpu.memory_space<vmem_shared>>
    %dma_start3A_4 = arith.constant 0 : i32
    %dma_start3A_5 = tpu.memref_slice %arg4[%mul3A_2, %dma_start3A_4] : memref<10112x16xf32, #tpu.memory_space<hbm>> -> memref<632x16xf32, #tpu.memory_space<hbm>>
    tpu.enqueue_dma source(%dma_start3A_5 : memref<632x16xf32, #tpu.memory_space<hbm>>) target(%dma_start3A_3 : memref<632x16xf32, #tpu.memory_space<vmem_shared>>) target_semaphore(%arg9 : memref<!tpu.dma_semaphore, #tpu.memory_space<semaphore_mem>>)
    %mul3A_6 = arith.constant 78 : i32
    %mul3A_7 = arith.muli %add3A, %mul3A_6 : i32
    %dma_start3A_8 = arith.constant 1 : i32
    %dma_start3A_9 = arith.constant 0 : i32
    %dma_start3A_10 = arith.constant 0 : i32
    %dma_start3A_11 = tpu.memref_slice %arg6[%dma_start3A_9, %dma_start3A_10] : memref<79x128xi32, #tpu.memory_space<vmem>> -> memref<78x128xi32, #tpu.memory_space<vmem>>
    %dma_start3A_12 = arith.constant 0 : i32
    %dma_start3A_13 = tpu.memref_slice %arg2[%dma_start3A_8, %mul3A_7, %dma_start3A_12] : memref<2x2500x128xi32, #tpu.memory_space<hbm>> -> memref<1x78x128xi32, #tpu.memory_space<hbm>>
    %dma_start3A_14 = tpu.memref_squeeze %dma_start3A_13 : memref<1x78x128xi32, #tpu.memory_space<hbm>> -> memref<78x128xi32, #tpu.memory_space<hbm>>
    %dma_start3A_15 = arith.constant 0 : i32
    %dma_start3A_16 = arith.constant 0 : i32
    %dma_start3A_17 = tpu.memref_slice %arg6[%dma_start3A_15, %dma_start3A_16] : memref<79x128xi32, #tpu.memory_space<vmem>> -> memref<78x128xi32, #tpu.memory_space<vmem>>
    %dma_start3A_18 = arith.constant 0 : i32
    %dma_start3A_19 = tpu.memref_slice %arg2[%dma_start3A_8, %mul3A_7, %dma_start3A_18] : memref<2x2500x128xi32, #tpu.memory_space<hbm>> -> memref<1x78x128xi32, #tpu.memory_space<hbm>>
    %dma_start3A_20 = tpu.memref_squeeze %dma_start3A_19 : memref<1x78x128xi32, #tpu.memory_space<hbm>> -> memref<78x128xi32, #tpu.memory_space<hbm>>
    tpu.enqueue_dma source(%dma_start3A_20 : memref<78x128xi32, #tpu.memory_space<hbm>>) target(%dma_start3A_17 : memref<78x128xi32, #tpu.memory_space<vmem>>) target_semaphore(%arg10 : memref<!tpu.dma_semaphore, #tpu.memory_space<semaphore_mem>>)
    tpu.enqueue_dma source(%arg3 : memref<128x16xf32, #tpu.memory_space<hbm>>) target(%arg7 : memref<128x16xf32, #tpu.memory_space<vmem>>) target_semaphore(%arg11 : memref<!tpu.dma_semaphore, #tpu.memory_space<semaphore_mem>>)
    %lt3A = arith.constant 4 : i32
    %lt3A_21 = arith.cmpi slt, %add3A, %lt3A : i32
    %convert_element_type3A = arith.extui %lt3A_21 : i1 to i32
    %cond3A = arith.constant 0 : i32
    %cond3A_22 = arith.cmpi ne, %convert_element_type3A, %cond3A : i32
    scf.if %cond3A_22 {
      %add3A_135 = arith.constant 2496 : i32
      %add3A_136 = arith.addi %add3A_135, %add3A : i32
      %run_scoped3A = arith.constant 1 : i32
      "tpu.region"() ({
        %run_scoped3A_137 = tpu.sem_alloc : memref<!tpu.dma_semaphore, #tpu.memory_space<semaphore_mem>>
        %dma_start3A_138 = arith.constant 78 : i32
        %dma_start3A_139 = arith.constant 0 : i32
        %dma_start3A_140 = tpu.memref_slice %arg6[%dma_start3A_138, %dma_start3A_139] : memref<79x128xi32, #tpu.memory_space<vmem>> -> memref<1x128xi32, #tpu.memory_space<vmem>>
        %dma_start3A_141 = arith.constant 0 : i32
        %dma_start3A_142 = tpu.memref_slice %arg2[%run_scoped3A, %add3A_136, %dma_start3A_141] : memref<2x2500x128xi32, #tpu.memory_space<hbm>> -> memref<1x1x128xi32, #tpu.memory_space<hbm>>
        %dma_start3A_143 = tpu.memref_squeeze %dma_start3A_142 : memref<1x1x128xi32, #tpu.memory_space<hbm>> -> memref<1x128xi32, #tpu.memory_space<hbm>>
        %dma_start3A_144 = arith.constant 78 : i32
        %dma_start3A_145 = arith.constant 0 : i32
        %dma_start3A_146 = tpu.memref_slice %arg6[%dma_start3A_144, %dma_start3A_145] : memref<79x128xi32, #tpu.memory_space<vmem>> -> memref<1x128xi32, #tpu.memory_space<vmem>>
        %dma_start3A_147 = arith.constant 0 : i32
        %dma_start3A_148 = tpu.memref_slice %arg2[%run_scoped3A, %add3A_136, %dma_start3A_147] : memref<2x2500x128xi32, #tpu.memory_space<hbm>> -> memref<1x1x128xi32, #tpu.memory_space<hbm>>
        %dma_start3A_149 = tpu.memref_squeeze %dma_start3A_148 : memref<1x1x128xi32, #tpu.memory_space<hbm>> -> memref<1x128xi32, #tpu.memory_space<hbm>>
        tpu.enqueue_dma source(%dma_start3A_149 : memref<1x128xi32, #tpu.memory_space<hbm>>) target(%dma_start3A_146 : memref<1x128xi32, #tpu.memory_space<vmem>>) target_semaphore(%run_scoped3A_137 : memref<!tpu.dma_semaphore, #tpu.memory_space<semaphore_mem>>)
        %dma_wait3A_150 = arith.constant 78 : i32
        %dma_wait3A_151 = arith.constant 0 : i32
        %dma_wait3A_152 = tpu.memref_slice %arg6[%dma_wait3A_150, %dma_wait3A_151] : memref<79x128xi32, #tpu.memory_space<vmem>> -> memref<1x128xi32, #tpu.memory_space<vmem>>
        %dma_wait3A_153 = arith.constant 0 : i32
        %dma_wait3A_154 = tpu.memref_slice %arg2[%run_scoped3A, %add3A_136, %dma_wait3A_153] : memref<2x2500x128xi32, #tpu.memory_space<hbm>> -> memref<1x1x128xi32, #tpu.memory_space<hbm>>
        %dma_wait3A_155 = tpu.memref_squeeze %dma_wait3A_154 : memref<1x1x128xi32, #tpu.memory_space<hbm>> -> memref<1x128xi32, #tpu.memory_space<hbm>>
        %dma_wait3A_156 = arith.constant 78 : i32
        %dma_wait3A_157 = arith.constant 0 : i32
        %dma_wait3A_158 = tpu.memref_slice %arg6[%dma_wait3A_156, %dma_wait3A_157] : memref<79x128xi32, #tpu.memory_space<vmem>> -> memref<1x128xi32, #tpu.memory_space<vmem>>
        %dma_wait3A_159 = arith.constant 0 : i32
        %dma_wait3A_160 = tpu.memref_slice %arg2[%run_scoped3A, %add3A_136, %dma_wait3A_159] : memref<2x2500x128xi32, #tpu.memory_space<hbm>> -> memref<1x1x128xi32, #tpu.memory_space<hbm>>
        %dma_wait3A_161 = tpu.memref_squeeze %dma_wait3A_160 : memref<1x1x128xi32, #tpu.memory_space<hbm>> -> memref<1x128xi32, #tpu.memory_space<hbm>>
        tpu.wait_dma2 semaphore(%run_scoped3A_137 : memref<!tpu.dma_semaphore, #tpu.memory_space<semaphore_mem>>) src(%dma_wait3A_161 : memref<1x128xi32, #tpu.memory_space<hbm>>) dst(%dma_wait3A_158 : memref<1x128xi32, #tpu.memory_space<vmem>>)
        tpu.yield
      }) : () -> ()
    } else {
    }
    %dma_wait3A = arith.constant 0 : i32
    %dma_wait3A_23 = tpu.memref_slice %arg8[%mul3A_2, %dma_wait3A] : memref<10112x16xf32, #tpu.memory_space<vmem_shared>> -> memref<632x16xf32, #tpu.memory_space<vmem_shared>>
    %dma_wait3A_24 = arith.constant 0 : i32
    %dma_wait3A_25 = tpu.memref_slice %arg4[%mul3A_2, %dma_wait3A_24] : memref<10112x16xf32, #tpu.memory_space<hbm>> -> memref<632x16xf32, #tpu.memory_space<hbm>>
    tpu.wait_dma2 semaphore(%arg9 : memref<!tpu.dma_semaphore, #tpu.memory_space<semaphore_mem>>) src(%dma_wait3A_25 : memref<632x16xf32, #tpu.memory_space<hbm>>) dst(%dma_wait3A_23 : memref<632x16xf32, #tpu.memory_space<vmem_shared>>)
    %dma_wait3A_26 = arith.constant 1 : i32
    %dma_wait3A_27 = arith.constant 0 : i32
    %dma_wait3A_28 = arith.constant 0 : i32
    %dma_wait3A_29 = tpu.memref_slice %arg6[%dma_wait3A_27, %dma_wait3A_28] : memref<79x128xi32, #tpu.memory_space<vmem>> -> memref<78x128xi32, #tpu.memory_space<vmem>>
    %dma_wait3A_30 = arith.constant 0 : i32
    %dma_wait3A_31 = tpu.memref_slice %arg2[%dma_wait3A_26, %mul3A_7, %dma_wait3A_30] : memref<2x2500x128xi32, #tpu.memory_space<hbm>> -> memref<1x78x128xi32, #tpu.memory_space<hbm>>
    %dma_wait3A_32 = tpu.memref_squeeze %dma_wait3A_31 : memref<1x78x128xi32, #tpu.memory_space<hbm>> -> memref<78x128xi32, #tpu.memory_space<hbm>>
    %dma_wait3A_33 = arith.constant 0 : i32
    %dma_wait3A_34 = arith.constant 0 : i32
    %dma_wait3A_35 = tpu.memref_slice %arg6[%dma_wait3A_33, %dma_wait3A_34] : memref<79x128xi32, #tpu.memory_space<vmem>> -> memref<78x128xi32, #tpu.memory_space<vmem>>
    %dma_wait3A_36 = arith.constant 0 : i32
    %dma_wait3A_37 = tpu.memref_slice %arg2[%dma_wait3A_26, %mul3A_7, %dma_wait3A_36] : memref<2x2500x128xi32, #tpu.memory_space<hbm>> -> memref<1x78x128xi32, #tpu.memory_space<hbm>>
    %dma_wait3A_38 = tpu.memref_squeeze %dma_wait3A_37 : memref<1x78x128xi32, #tpu.memory_space<hbm>> -> memref<78x128xi32, #tpu.memory_space<hbm>>
    tpu.wait_dma2 semaphore(%arg10 : memref<!tpu.dma_semaphore, #tpu.memory_space<semaphore_mem>>) src(%dma_wait3A_38 : memref<78x128xi32, #tpu.memory_space<hbm>>) dst(%dma_wait3A_35 : memref<78x128xi32, #tpu.memory_space<vmem>>)
    tpu.wait_dma2 semaphore(%arg11 : memref<!tpu.dma_semaphore, #tpu.memory_space<semaphore_mem>>) src(%arg3 : memref<128x16xf32, #tpu.memory_space<hbm>>) dst(%arg7 : memref<128x16xf32, #tpu.memory_space<vmem>>)
    %barrier3A = arith.constant 0 : index
    tpu.barrier barrier_id(%barrier3A)
    %dma_start3A_39 = arith.constant 0 : i32
    %dma_start3A_40 = arith.constant 0 : i32
    %dma_start3A_41 = tpu.memref_slice %arg6[%dma_start3A_39, %dma_start3A_40] : memref<79x128xi32, #tpu.memory_space<vmem>> -> memref<1x128xi32, #tpu.memory_space<vmem>>
    %dma_start3A_42 = tpu.memref_squeeze %dma_start3A_41 : memref<1x128xi32, #tpu.memory_space<vmem>> -> memref<128xi32, #tpu.memory_space<vmem>>
    %dma_start3A_43 = arith.constant 0 : i32
    %dma_start3A_44 = arith.constant 0 : i32
    %dma_start3A_45 = tpu.memref_slice %arg8[%dma_start3A_43, %dma_start3A_44] : memref<10112x16xf32, #tpu.memory_space<vmem_shared>> -> memref<10112x16xf32, #tpu.memory_space<vmem_shared>>
    tpu.enqueue_indirect_dma source(%arg7 : memref<128x16xf32, #tpu.memory_space<vmem>>) target(%dma_start3A_45 : memref<10112x16xf32, #tpu.memory_space<vmem_shared>>) offsets(%dma_start3A_42 : memref<128xi32, #tpu.memory_space<vmem>>) semaphore(%arg9 : memref<!tpu.dma_semaphore, #tpu.memory_space<semaphore_mem>>) {add = true}
    %dma_start3A_46 = arith.constant 1 : i32
    %dma_start3A_47 = arith.constant 0 : i32
    %dma_start3A_48 = tpu.memref_slice %arg6[%dma_start3A_46, %dma_start3A_47] : memref<79x128xi32, #tpu.memory_space<vmem>> -> memref<1x128xi32, #tpu.memory_space<vmem>>
    %dma_start3A_49 = tpu.memref_squeeze %dma_start3A_48 : memref<1x128xi32, #tpu.memory_space<vmem>> -> memref<128xi32, #tpu.memory_space<vmem>>
    %dma_start3A_50 = arith.constant 0 : i32
    %dma_start3A_51 = arith.constant 0 : i32
    %dma_start3A_52 = tpu.memref_slice %arg8[%dma_start3A_50, %dma_start3A_51] : memref<10112x16xf32, #tpu.memory_space<vmem_shared>> -> memref<10112x16xf32, #tpu.memory_space<vmem_shared>>
    tpu.enqueue_indirect_dma source(%arg7 : memref<128x16xf32, #tpu.memory_space<vmem>>) target(%dma_start3A_52 : memref<10112x16xf32, #tpu.memory_space<vmem_shared>>) offsets(%dma_start3A_49 : memref<128xi32, #tpu.memory_space<vmem>>) semaphore(%arg10 : memref<!tpu.dma_semaphore, #tpu.memory_space<semaphore_mem>>) {add = true}
    %dma_start3A_53 = arith.constant 2 : i32
    %dma_start3A_54 = arith.constant 0 : i32
    %dma_start3A_55 = tpu.memref_slice %arg6[%dma_start3A_53, %dma_start3A_54] : memref<79x128xi32, #tpu.memory_space<vmem>> -> memref<1x128xi32, #tpu.memory_space<vmem>>
    %dma_start3A_56 = tpu.memref_squeeze %dma_start3A_55 : memref<1x128xi32, #tpu.memory_space<vmem>> -> memref<128xi32, #tpu.memory_space<vmem>>
    %dma_start3A_57 = arith.constant 0 : i32
    %dma_start3A_58 = arith.constant 0 : i32
    %dma_start3A_59 = tpu.memref_slice %arg8[%dma_start3A_57, %dma_start3A_58] : memref<10112x16xf32, #tpu.memory_space<vmem_shared>> -> memref<10112x16xf32, #tpu.memory_space<vmem_shared>>
    tpu.enqueue_indirect_dma source(%arg7 : memref<128x16xf32, #tpu.memory_space<vmem>>) target(%dma_start3A_59 : memref<10112x16xf32, #tpu.memory_space<vmem_shared>>) offsets(%dma_start3A_56 : memref<128xi32, #tpu.memory_space<vmem>>) semaphore(%arg11 : memref<!tpu.dma_semaphore, #tpu.memory_space<semaphore_mem>>) {add = true}
    %dma_start3A_60 = arith.constant 3 : i32
    %dma_start3A_61 = arith.constant 0 : i32
    %dma_start3A_62 = tpu.memref_slice %arg6[%dma_start3A_60, %dma_start3A_61] : memref<79x128xi32, #tpu.memory_space<vmem>> -> memref<1x128xi32, #tpu.memory_space<vmem>>
    %dma_start3A_63 = tpu.memref_squeeze %dma_start3A_62 : memref<1x128xi32, #tpu.memory_space<vmem>> -> memref<128xi32, #tpu.memory_space<vmem>>
    %dma_start3A_64 = arith.constant 0 : i32
    %dma_start3A_65 = arith.constant 0 : i32
    %dma_start3A_66 = tpu.memref_slice %arg8[%dma_start3A_64, %dma_start3A_65] : memref<10112x16xf32, #tpu.memory_space<vmem_shared>> -> memref<10112x16xf32, #tpu.memory_space<vmem_shared>>
    tpu.enqueue_indirect_dma source(%arg7 : memref<128x16xf32, #tpu.memory_space<vmem>>) target(%dma_start3A_66 : memref<10112x16xf32, #tpu.memory_space<vmem_shared>>) offsets(%dma_start3A_63 : memref<128xi32, #tpu.memory_space<vmem>>) semaphore(%arg12 : memref<!tpu.dma_semaphore, #tpu.memory_space<semaphore_mem>>) {add = true}
    %scan3A = arith.constant 0 : i32
    %scan3A_67 = arith.constant 18 : i32
    %scan3A_68 = arith.addi %scan3A, %scan3A_67 : i32
    %scan3A_69 = arith.constant 1 : i32
    scf.for %scan3A_135 = %scan3A to %scan3A_68 step %scan3A_69  : i32 {
      %mul3A_136 = arith.constant 1 : i32
      %mul3A_137 = arith.muli %scan3A_135, %mul3A_136 : i32
      %add3A_138 = arith.constant 0 : i32
      %add3A_139 = arith.addi %add3A_138, %mul3A_137 : i32
      %mul3A_140 = arith.constant 4 : i32
      %mul3A_141 = arith.muli %mul3A_140, %add3A_139 : i32
      %add3A_142 = arith.constant 0 : i32
      %add3A_143 = arith.addi %mul3A_141, %add3A_142 : i32
      %dma_wait3A_144 = arith.constant 0 : i32
      %dma_wait3A_145 = tpu.memref_slice %arg6[%add3A_143, %dma_wait3A_144] : memref<79x128xi32, #tpu.memory_space<vmem>> -> memref<1x128xi32, #tpu.memory_space<vmem>>
      %dma_wait3A_146 = tpu.memref_squeeze %dma_wait3A_145 : memref<1x128xi32, #tpu.memory_space<vmem>> -> memref<128xi32, #tpu.memory_space<vmem>>
      %dma_wait3A_147 = arith.constant 0 : i32
      %dma_wait3A_148 = arith.constant 0 : i32
      %dma_wait3A_149 = tpu.memref_slice %arg8[%dma_wait3A_147, %dma_wait3A_148] : memref<10112x16xf32, #tpu.memory_space<vmem_shared>> -> memref<10112x16xf32, #tpu.memory_space<vmem_shared>>
      tpu.wait_indirect_dma semaphore(%arg9 : memref<!tpu.dma_semaphore, #tpu.memory_space<semaphore_mem>>) src(%arg7 : memref<128x16xf32, #tpu.memory_space<vmem>>) dst(%dma_wait3A_149 : memref<10112x16xf32, #tpu.memory_space<vmem_shared>>)
      %add3A_150 = arith.constant 4 : i32
      %add3A_151 = arith.addi %add3A_143, %add3A_150 : i32
      %dma_start3A_152 = arith.constant 0 : i32
      %dma_start3A_153 = tpu.memref_slice %arg6[%add3A_151, %dma_start3A_152] : memref<79x128xi32, #tpu.memory_space<vmem>> -> memref<1x128xi32, #tpu.memory_space<vmem>>
      %dma_start3A_154 = tpu.memref_squeeze %dma_start3A_153 : memref<1x128xi32, #tpu.memory_space<vmem>> -> memref<128xi32, #tpu.memory_space<vmem>>
      %dma_start3A_155 = arith.constant 0 : i32
      %dma_start3A_156 = arith.constant 0 : i32
      %dma_start3A_157 = tpu.memref_slice %arg8[%dma_start3A_155, %dma_start3A_156] : memref<10112x16xf32, #tpu.memory_space<vmem_shared>> -> memref<10112x16xf32, #tpu.memory_space<vmem_shared>>
      tpu.enqueue_indirect_dma source(%arg7 : memref<128x16xf32, #tpu.memory_space<vmem>>) target(%dma_start3A_157 : memref<10112x16xf32, #tpu.memory_space<vmem_shared>>) offsets(%dma_start3A_154 : memref<128xi32, #tpu.memory_space<vmem>>) semaphore(%arg9 : memref<!tpu.dma_semaphore, #tpu.memory_space<semaphore_mem>>) {add = true}
      %mul3A_158 = arith.constant 4 : i32
      %mul3A_159 = arith.muli %mul3A_158, %add3A_139 : i32
      %add3A_160 = arith.constant 1 : i32
      %add3A_161 = arith.addi %mul3A_159, %add3A_160 : i32
      %dma_wait3A_162 = arith.constant 0 : i32
      %dma_wait3A_163 = tpu.memref_slice %arg6[%add3A_161, %dma_wait3A_162] : memref<79x128xi32, #tpu.memory_space<vmem>> -> memref<1x128xi32, #tpu.memory_space<vmem>>
      %dma_wait3A_164 = tpu.memref_squeeze %dma_wait3A_163 : memref<1x128xi32, #tpu.memory_space<vmem>> -> memref<128xi32, #tpu.memory_space<vmem>>
      %dma_wait3A_165 = arith.constant 0 : i32
      %dma_wait3A_166 = arith.constant 0 : i32
      %dma_wait3A_167 = tpu.memref_slice %arg8[%dma_wait3A_165, %dma_wait3A_166] : memref<10112x16xf32, #tpu.memory_space<vmem_shared>> -> memref<10112x16xf32, #tpu.memory_space<vmem_shared>>
      tpu.wait_indirect_dma semaphore(%arg10 : memref<!tpu.dma_semaphore, #tpu.memory_space<semaphore_mem>>) src(%arg7 : memref<128x16xf32, #tpu.memory_space<vmem>>) dst(%dma_wait3A_167 : memref<10112x16xf32, #tpu.memory_space<vmem_shared>>)
      %add3A_168 = arith.constant 4 : i32
      %add3A_169 = arith.addi %add3A_161, %add3A_168 : i32
      %dma_start3A_170 = arith.constant 0 : i32
      %dma_start3A_171 = tpu.memref_slice %arg6[%add3A_169, %dma_start3A_170] : memref<79x128xi32, #tpu.memory_space<vmem>> -> memref<1x128xi32, #tpu.memory_space<vmem>>
      %dma_start3A_172 = tpu.memref_squeeze %dma_start3A_171 : memref<1x128xi32, #tpu.memory_space<vmem>> -> memref<128xi32, #tpu.memory_space<vmem>>
      %dma_start3A_173 = arith.constant 0 : i32
      %dma_start3A_174 = arith.constant 0 : i32
      %dma_start3A_175 = tpu.memref_slice %arg8[%dma_start3A_173, %dma_start3A_174] : memref<10112x16xf32, #tpu.memory_space<vmem_shared>> -> memref<10112x16xf32, #tpu.memory_space<vmem_shared>>
      tpu.enqueue_indirect_dma source(%arg7 : memref<128x16xf32, #tpu.memory_space<vmem>>) target(%dma_start3A_175 : memref<10112x16xf32, #tpu.memory_space<vmem_shared>>) offsets(%dma_start3A_172 : memref<128xi32, #tpu.memory_space<vmem>>) semaphore(%arg10 : memref<!tpu.dma_semaphore, #tpu.memory_space<semaphore_mem>>) {add = true}
      %mul3A_176 = arith.constant 4 : i32
      %mul3A_177 = arith.muli %mul3A_176, %add3A_139 : i32
      %add3A_178 = arith.constant 2 : i32
      %add3A_179 = arith.addi %mul3A_177, %add3A_178 : i32
      %dma_wait3A_180 = arith.constant 0 : i32
      %dma_wait3A_181 = tpu.memref_slice %arg6[%add3A_179, %dma_wait3A_180] : memref<79x128xi32, #tpu.memory_space<vmem>> -> memref<1x128xi32, #tpu.memory_space<vmem>>
      %dma_wait3A_182 = tpu.memref_squeeze %dma_wait3A_181 : memref<1x128xi32, #tpu.memory_space<vmem>> -> memref<128xi32, #tpu.memory_space<vmem>>
      %dma_wait3A_183 = arith.constant 0 : i32
      %dma_wait3A_184 = arith.constant 0 : i32
      %dma_wait3A_185 = tpu.memref_slice %arg8[%dma_wait3A_183, %dma_wait3A_184] : memref<10112x16xf32, #tpu.memory_space<vmem_shared>> -> memref<10112x16xf32, #tpu.memory_space<vmem_shared>>
      tpu.wait_indirect_dma semaphore(%arg11 : memref<!tpu.dma_semaphore, #tpu.memory_space<semaphore_mem>>) src(%arg7 : memref<128x16xf32, #tpu.memory_space<vmem>>) dst(%dma_wait3A_185 : memref<10112x16xf32, #tpu.memory_space<vmem_shared>>)
      %add3A_186 = arith.constant 4 : i32
      %add3A_187 = arith.addi %add3A_179, %add3A_186 : i32
      %dma_start3A_188 = arith.constant 0 : i32
      %dma_start3A_189 = tpu.memref_slice %arg6[%add3A_187, %dma_start3A_188] : memref<79x128xi32, #tpu.memory_space<vmem>> -> memref<1x128xi32, #tpu.memory_space<vmem>>
      %dma_start3A_190 = tpu.memref_squeeze %dma_start3A_189 : memref<1x128xi32, #tpu.memory_space<vmem>> -> memref<128xi32, #tpu.memory_space<vmem>>
      %dma_start3A_191 = arith.constant 0 : i32
      %dma_start3A_192 = arith.constant 0 : i32
      %dma_start3A_193 = tpu.memref_slice %arg8[%dma_start3A_191, %dma_start3A_192] : memref<10112x16xf32, #tpu.memory_space<vmem_shared>> -> memref<10112x16xf32, #tpu.memory_space<vmem_shared>>
      tpu.enqueue_indirect_dma source(%arg7 : memref<128x16xf32, #tpu.memory_space<vmem>>) target(%dma_start3A_193 : memref<10112x16xf32, #tpu.memory_space<vmem_shared>>) offsets(%dma_start3A_190 : memref<128xi32, #tpu.memory_space<vmem>>) semaphore(%arg11 : memref<!tpu.dma_semaphore, #tpu.memory_space<semaphore_mem>>) {add = true}
      %mul3A_194 = arith.constant 4 : i32
      %mul3A_195 = arith.muli %mul3A_194, %add3A_139 : i32
      %add3A_196 = arith.constant 3 : i32
      %add3A_197 = arith.addi %mul3A_195, %add3A_196 : i32
      %dma_wait3A_198 = arith.constant 0 : i32
      %dma_wait3A_199 = tpu.memref_slice %arg6[%add3A_197, %dma_wait3A_198] : memref<79x128xi32, #tpu.memory_space<vmem>> -> memref<1x128xi32, #tpu.memory_space<vmem>>
      %dma_wait3A_200 = tpu.memref_squeeze %dma_wait3A_199 : memref<1x128xi32, #tpu.memory_space<vmem>> -> memref<128xi32, #tpu.memory_space<vmem>>
      %dma_wait3A_201 = arith.constant 0 : i32
      %dma_wait3A_202 = arith.constant 0 : i32
      %dma_wait3A_203 = tpu.memref_slice %arg8[%dma_wait3A_201, %dma_wait3A_202] : memref<10112x16xf32, #tpu.memory_space<vmem_shared>> -> memref<10112x16xf32, #tpu.memory_space<vmem_shared>>
      tpu.wait_indirect_dma semaphore(%arg12 : memref<!tpu.dma_semaphore, #tpu.memory_space<semaphore_mem>>) src(%arg7 : memref<128x16xf32, #tpu.memory_space<vmem>>) dst(%dma_wait3A_203 : memref<10112x16xf32, #tpu.memory_space<vmem_shared>>)
      %add3A_204 = arith.constant 4 : i32
      %add3A_205 = arith.addi %add3A_197, %add3A_204 : i32
      %dma_start3A_206 = arith.constant 0 : i32
      %dma_start3A_207 = tpu.memref_slice %arg6[%add3A_205, %dma_start3A_206] : memref<79x128xi32, #tpu.memory_space<vmem>> -> memref<1x128xi32, #tpu.memory_space<vmem>>
      %dma_start3A_208 = tpu.memref_squeeze %dma_start3A_207 : memref<1x128xi32, #tpu.memory_space<vmem>> -> memref<128xi32, #tpu.memory_space<vmem>>
      %dma_start3A_209 = arith.constant 0 : i32
      %dma_start3A_210 = arith.constant 0 : i32
      %dma_start3A_211 = tpu.memref_slice %arg8[%dma_start3A_209, %dma_start3A_210] : memref<10112x16xf32, #tpu.memory_space<vmem_shared>> -> memref<10112x16xf32, #tpu.memory_space<vmem_shared>>
      tpu.enqueue_indirect_dma source(%arg7 : memref<128x16xf32, #tpu.memory_space<vmem>>) target(%dma_start3A_211 : memref<10112x16xf32, #tpu.memory_space<vmem_shared>>) offsets(%dma_start3A_208 : memref<128xi32, #tpu.memory_space<vmem>>) semaphore(%arg12 : memref<!tpu.dma_semaphore, #tpu.memory_space<semaphore_mem>>) {add = true}
    }
    %scan3A_70 = arith.constant 18 : i32
    %dma_start3A_71 = arith.constant 76 : i32
    %dma_start3A_72 = arith.constant 0 : i32
    %dma_start3A_73 = tpu.memref_slice %arg6[%dma_start3A_71, %dma_start3A_72] : memref<79x128xi32, #tpu.memory_space<vmem>> -> memref<1x128xi32, #tpu.memory_space<vmem>>
    %dma_start3A_74 = tpu.memref_squeeze %dma_start3A_73 : memref<1x128xi32, #tpu.memory_space<vmem>> -> memref<128xi32, #tpu.memory_space<vmem>>
    %dma_start3A_75 = arith.constant 0 : i32
    %dma_start3A_76 = arith.constant 0 : i32
    %dma_start3A_77 = tpu.memref_slice %arg8[%dma_start3A_75, %dma_start3A_76] : memref<10112x16xf32, #tpu.memory_space<vmem_shared>> -> memref<10112x16xf32, #tpu.memory_space<vmem_shared>>
    tpu.enqueue_indirect_dma source(%arg7 : memref<128x16xf32, #tpu.memory_space<vmem>>) target(%dma_start3A_77 : memref<10112x16xf32, #tpu.memory_space<vmem_shared>>) offsets(%dma_start3A_74 : memref<128xi32, #tpu.memory_space<vmem>>) semaphore(%arg9 : memref<!tpu.dma_semaphore, #tpu.memory_space<semaphore_mem>>) {add = true}
    %dma_start3A_78 = arith.constant 77 : i32
    %dma_start3A_79 = arith.constant 0 : i32
    %dma_start3A_80 = tpu.memref_slice %arg6[%dma_start3A_78, %dma_start3A_79] : memref<79x128xi32, #tpu.memory_space<vmem>> -> memref<1x128xi32, #tpu.memory_space<vmem>>
    %dma_start3A_81 = tpu.memref_squeeze %dma_start3A_80 : memref<1x128xi32, #tpu.memory_space<vmem>> -> memref<128xi32, #tpu.memory_space<vmem>>
    %dma_start3A_82 = arith.constant 0 : i32
    %dma_start3A_83 = arith.constant 0 : i32
    %dma_start3A_84 = tpu.memref_slice %arg8[%dma_start3A_82, %dma_start3A_83] : memref<10112x16xf32, #tpu.memory_space<vmem_shared>> -> memref<10112x16xf32, #tpu.memory_space<vmem_shared>>
    tpu.enqueue_indirect_dma source(%arg7 : memref<128x16xf32, #tpu.memory_space<vmem>>) target(%dma_start3A_84 : memref<10112x16xf32, #tpu.memory_space<vmem_shared>>) offsets(%dma_start3A_81 : memref<128xi32, #tpu.memory_space<vmem>>) semaphore(%arg10 : memref<!tpu.dma_semaphore, #tpu.memory_space<semaphore_mem>>) {add = true}
    %dma_wait3A_85 = arith.constant 72 : i32
    %dma_wait3A_86 = arith.constant 0 : i32
    %dma_wait3A_87 = tpu.memref_slice %arg6[%dma_wait3A_85, %dma_wait3A_86] : memref<79x128xi32, #tpu.memory_space<vmem>> -> memref<1x128xi32, #tpu.memory_space<vmem>>
    %dma_wait3A_88 = tpu.memref_squeeze %dma_wait3A_87 : memref<1x128xi32, #tpu.memory_space<vmem>> -> memref<128xi32, #tpu.memory_space<vmem>>
    %dma_wait3A_89 = arith.constant 0 : i32
    %dma_wait3A_90 = arith.constant 0 : i32
    %dma_wait3A_91 = tpu.memref_slice %arg8[%dma_wait3A_89, %dma_wait3A_90] : memref<10112x16xf32, #tpu.memory_space<vmem_shared>> -> memref<10112x16xf32, #tpu.memory_space<vmem_shared>>
    tpu.wait_indirect_dma semaphore(%arg9 : memref<!tpu.dma_semaphore, #tpu.memory_space<semaphore_mem>>) src(%arg7 : memref<128x16xf32, #tpu.memory_space<vmem>>) dst(%dma_wait3A_91 : memref<10112x16xf32, #tpu.memory_space<vmem_shared>>)
    %dma_wait3A_92 = arith.constant 73 : i32
    %dma_wait3A_93 = arith.constant 0 : i32
    %dma_wait3A_94 = tpu.memref_slice %arg6[%dma_wait3A_92, %dma_wait3A_93] : memref<79x128xi32, #tpu.memory_space<vmem>> -> memref<1x128xi32, #tpu.memory_space<vmem>>
    %dma_wait3A_95 = tpu.memref_squeeze %dma_wait3A_94 : memref<1x128xi32, #tpu.memory_space<vmem>> -> memref<128xi32, #tpu.memory_space<vmem>>
    %dma_wait3A_96 = arith.constant 0 : i32
    %dma_wait3A_97 = arith.constant 0 : i32
    %dma_wait3A_98 = tpu.memref_slice %arg8[%dma_wait3A_96, %dma_wait3A_97] : memref<10112x16xf32, #tpu.memory_space<vmem_shared>> -> memref<10112x16xf32, #tpu.memory_space<vmem_shared>>
    tpu.wait_indirect_dma semaphore(%arg10 : memref<!tpu.dma_semaphore, #tpu.memory_space<semaphore_mem>>) src(%arg7 : memref<128x16xf32, #tpu.memory_space<vmem>>) dst(%dma_wait3A_98 : memref<10112x16xf32, #tpu.memory_space<vmem_shared>>)
    %dma_wait3A_99 = arith.constant 74 : i32
    %dma_wait3A_100 = arith.constant 0 : i32
    %dma_wait3A_101 = tpu.memref_slice %arg6[%dma_wait3A_99, %dma_wait3A_100] : memref<79x128xi32, #tpu.memory_space<vmem>> -> memref<1x128xi32, #tpu.memory_space<vmem>>
    %dma_wait3A_102 = tpu.memref_squeeze %dma_wait3A_101 : memref<1x128xi32, #tpu.memory_space<vmem>> -> memref<128xi32, #tpu.memory_space<vmem>>
    %dma_wait3A_103 = arith.constant 0 : i32
    %dma_wait3A_104 = arith.constant 0 : i32
    %dma_wait3A_105 = tpu.memref_slice %arg8[%dma_wait3A_103, %dma_wait3A_104] : memref<10112x16xf32, #tpu.memory_space<vmem_shared>> -> memref<10112x16xf32, #tpu.memory_space<vmem_shared>>
    tpu.wait_indirect_dma semaphore(%arg11 : memref<!tpu.dma_semaphore, #tpu.memory_space<semaphore_mem>>) src(%arg7 : memref<128x16xf32, #tpu.memory_space<vmem>>) dst(%dma_wait3A_105 : memref<10112x16xf32, #tpu.memory_space<vmem_shared>>)
    %dma_wait3A_106 = arith.constant 75 : i32
    %dma_wait3A_107 = arith.constant 0 : i32
    %dma_wait3A_108 = tpu.memref_slice %arg6[%dma_wait3A_106, %dma_wait3A_107] : memref<79x128xi32, #tpu.memory_space<vmem>> -> memref<1x128xi32, #tpu.memory_space<vmem>>
    %dma_wait3A_109 = tpu.memref_squeeze %dma_wait3A_108 : memref<1x128xi32, #tpu.memory_space<vmem>> -> memref<128xi32, #tpu.memory_space<vmem>>
    %dma_wait3A_110 = arith.constant 0 : i32
    %dma_wait3A_111 = arith.constant 0 : i32
    %dma_wait3A_112 = tpu.memref_slice %arg8[%dma_wait3A_110, %dma_wait3A_111] : memref<10112x16xf32, #tpu.memory_space<vmem_shared>> -> memref<10112x16xf32, #tpu.memory_space<vmem_shared>>
    tpu.wait_indirect_dma semaphore(%arg12 : memref<!tpu.dma_semaphore, #tpu.memory_space<semaphore_mem>>) src(%arg7 : memref<128x16xf32, #tpu.memory_space<vmem>>) dst(%dma_wait3A_112 : memref<10112x16xf32, #tpu.memory_space<vmem_shared>>)
    %dma_wait3A_113 = arith.constant 76 : i32
    %dma_wait3A_114 = arith.constant 0 : i32
    %dma_wait3A_115 = tpu.memref_slice %arg6[%dma_wait3A_113, %dma_wait3A_114] : memref<79x128xi32, #tpu.memory_space<vmem>> -> memref<1x128xi32, #tpu.memory_space<vmem>>
    %dma_wait3A_116 = tpu.memref_squeeze %dma_wait3A_115 : memref<1x128xi32, #tpu.memory_space<vmem>> -> memref<128xi32, #tpu.memory_space<vmem>>
    %dma_wait3A_117 = arith.constant 0 : i32
    %dma_wait3A_118 = arith.constant 0 : i32
    %dma_wait3A_119 = tpu.memref_slice %arg8[%dma_wait3A_117, %dma_wait3A_118] : memref<10112x16xf32, #tpu.memory_space<vmem_shared>> -> memref<10112x16xf32, #tpu.memory_space<vmem_shared>>
    tpu.wait_indirect_dma semaphore(%arg9 : memref<!tpu.dma_semaphore, #tpu.memory_space<semaphore_mem>>) src(%arg7 : memref<128x16xf32, #tpu.memory_space<vmem>>) dst(%dma_wait3A_119 : memref<10112x16xf32, #tpu.memory_space<vmem_shared>>)
    %dma_wait3A_120 = arith.constant 77 : i32
    %dma_wait3A_121 = arith.constant 0 : i32
    %dma_wait3A_122 = tpu.memref_slice %arg6[%dma_wait3A_120, %dma_wait3A_121] : memref<79x128xi32, #tpu.memory_space<vmem>> -> memref<1x128xi32, #tpu.memory_space<vmem>>
    %dma_wait3A_123 = tpu.memref_squeeze %dma_wait3A_122 : memref<1x128xi32, #tpu.memory_space<vmem>> -> memref<128xi32, #tpu.memory_space<vmem>>
    %dma_wait3A_124 = arith.constant 0 : i32
    %dma_wait3A_125 = arith.constant 0 : i32
    %dma_wait3A_126 = tpu.memref_slice %arg8[%dma_wait3A_124, %dma_wait3A_125] : memref<10112x16xf32, #tpu.memory_space<vmem_shared>> -> memref<10112x16xf32, #tpu.memory_space<vmem_shared>>
    tpu.wait_indirect_dma semaphore(%arg10 : memref<!tpu.dma_semaphore, #tpu.memory_space<semaphore_mem>>) src(%arg7 : memref<128x16xf32, #tpu.memory_space<vmem>>) dst(%dma_wait3A_126 : memref<10112x16xf32, #tpu.memory_space<vmem_shared>>)
    %lt3A_127 = arith.constant 4 : i32
    %lt3A_128 = arith.cmpi slt, %add3A, %lt3A_127 : i32
    %convert_element_type3A_129 = arith.extui %lt3A_128 : i1 to i32
    %cond3A_130 = arith.constant 0 : i32
    %cond3A_131 = arith.cmpi ne, %convert_element_type3A_129, %cond3A_130 : i32
    scf.if %cond3A_131 {
      %run_scoped3A = arith.constant 78 : i32
      "tpu.region"() ({
        %run_scoped3A_135 = tpu.sem_alloc : memref<!tpu.dma_semaphore, #tpu.memory_space<semaphore_mem>>
        %dma_start3A_136 = arith.constant 0 : i32
        %dma_start3A_137 = tpu.memref_slice %arg6[%run_scoped3A, %dma_start3A_136] : memref<79x128xi32, #tpu.memory_space<vmem>> -> memref<1x128xi32, #tpu.memory_space<vmem>>
        %dma_start3A_138 = tpu.memref_squeeze %dma_start3A_137 : memref<1x128xi32, #tpu.memory_space<vmem>> -> memref<128xi32, #tpu.memory_space<vmem>>
        %dma_start3A_139 = arith.constant 0 : i32
        %dma_start3A_140 = arith.constant 0 : i32
        %dma_start3A_141 = tpu.memref_slice %arg8[%dma_start3A_139, %dma_start3A_140] : memref<10112x16xf32, #tpu.memory_space<vmem_shared>> -> memref<10112x16xf32, #tpu.memory_space<vmem_shared>>
        tpu.enqueue_indirect_dma source(%arg7 : memref<128x16xf32, #tpu.memory_space<vmem>>) target(%dma_start3A_141 : memref<10112x16xf32, #tpu.memory_space<vmem_shared>>) offsets(%dma_start3A_138 : memref<128xi32, #tpu.memory_space<vmem>>) semaphore(%run_scoped3A_135 : memref<!tpu.dma_semaphore, #tpu.memory_space<semaphore_mem>>) {add = true}
        %dma_wait3A_142 = arith.constant 0 : i32
        %dma_wait3A_143 = tpu.memref_slice %arg6[%run_scoped3A, %dma_wait3A_142] : memref<79x128xi32, #tpu.memory_space<vmem>> -> memref<1x128xi32, #tpu.memory_space<vmem>>
        %dma_wait3A_144 = tpu.memref_squeeze %dma_wait3A_143 : memref<1x128xi32, #tpu.memory_space<vmem>> -> memref<128xi32, #tpu.memory_space<vmem>>
        %dma_wait3A_145 = arith.constant 0 : i32
        %dma_wait3A_146 = arith.constant 0 : i32
        %dma_wait3A_147 = tpu.memref_slice %arg8[%dma_wait3A_145, %dma_wait3A_146] : memref<10112x16xf32, #tpu.memory_space<vmem_shared>> -> memref<10112x16xf32, #tpu.memory_space<vmem_shared>>
        tpu.wait_indirect_dma semaphore(%run_scoped3A_135 : memref<!tpu.dma_semaphore, #tpu.memory_space<semaphore_mem>>) src(%arg7 : memref<128x16xf32, #tpu.memory_space<vmem>>) dst(%dma_wait3A_147 : memref<10112x16xf32, #tpu.memory_space<vmem_shared>>)
        tpu.yield
      }) : () -> ()
    } else {
    }
    %barrier3A_132 = arith.constant 0 : index
    tpu.barrier barrier_id(%barrier3A_132)
    %mul3A_133 = arith.constant 16 : i32
    %mul3A_134 = arith.muli %mul3A_133, %arg0 : i32
    "tpu.region"() ({
      %run_scoped3A = tpu.sem_alloc : memref<!tpu.dma_semaphore, #tpu.memory_space<semaphore_mem>>
      %dma_start3A_135 = tpu.memref_slice %arg5[%mul3A_2, %mul3A_134] : memref<10112x128xf32, #tpu.memory_space<hbm>> -> memref<632x16xf32, #tpu.memory_space<hbm>>
      %dma_start3A_136 = arith.constant 0 : i32
      %dma_start3A_137 = tpu.memref_slice %arg8[%mul3A_2, %dma_start3A_136] : memref<10112x16xf32, #tpu.memory_space<vmem_shared>> -> memref<632x16xf32, #tpu.memory_space<vmem_shared>>
      tpu.enqueue_dma source(%dma_start3A_137 : memref<632x16xf32, #tpu.memory_space<vmem_shared>>) target(%dma_start3A_135 : memref<632x16xf32, #tpu.memory_space<hbm>>) target_semaphore(%run_scoped3A : memref<!tpu.dma_semaphore, #tpu.memory_space<semaphore_mem>>)
      %dma_wait3A_138 = tpu.memref_slice %arg5[%mul3A_2, %mul3A_134] : memref<10112x128xf32, #tpu.memory_space<hbm>> -> memref<632x16xf32, #tpu.memory_space<hbm>>
      %dma_wait3A_139 = arith.constant 0 : i32
      %dma_wait3A_140 = tpu.memref_slice %arg8[%mul3A_2, %dma_wait3A_139] : memref<10112x16xf32, #tpu.memory_space<vmem_shared>> -> memref<632x16xf32, #tpu.memory_space<vmem_shared>>
      tpu.wait_dma2 semaphore(%run_scoped3A : memref<!tpu.dma_semaphore, #tpu.memory_space<semaphore_mem>>) src(%dma_wait3A_140 : memref<632x16xf32, #tpu.memory_space<vmem_shared>>) dst(%dma_wait3A_138 : memref<632x16xf32, #tpu.memory_space<hbm>>)
      tpu.yield
    }) : () -> ()
    return
  }
}

#map = affine_map<(d0, d1) -> (0, 0)>
#map1 = affine_map<(d0, d1) -> (0, 0, 0)>
module attributes {stable_mosaic.version = 14 : i64} {
  func.func @k(%arg0: i32, %arg1: i32, %arg2: memref<10000x128xf32, #tpu.memory_space<hbm>>, %arg3: memref<2x2500x128xi32, #tpu.memory_space<hbm>>, %arg4: memref<10112x64xf32, #tpu.memory_space<hbm>>, %arg5: memref<10112x128xf32, #tpu.memory_space<hbm>>, %arg6: memref<86x128xi32, #tpu.memory_space<vmem>>, %arg7: memref<79x128xi32, #tpu.memory_space<vmem>>, %arg8: memref<3x128x64xf32, #tpu.memory_space<vmem>>, %arg9: memref<10000x64xf32, #tpu.memory_space<vmem_shared>>, %arg10: memref<10112x64xf32, #tpu.memory_space<vmem_shared>>, %arg11: memref<!tpu.dma_semaphore, #tpu.memory_space<semaphore_mem>>, %arg12: memref<!tpu.dma_semaphore, #tpu.memory_space<semaphore_mem>>, %arg13: memref<!tpu.dma_semaphore, #tpu.memory_space<semaphore_mem>>, %arg14: memref<!tpu.dma_semaphore, #tpu.memory_space<semaphore_mem>>, %arg15: memref<!tpu.dma_semaphore, #tpu.memory_space<semaphore_mem>>, %arg16: memref<!tpu.dma_semaphore, #tpu.memory_space<semaphore_mem>>) attributes {dimension_semantics = [#tpu.dimension_semantics<core_parallel>, #tpu.dimension_semantics<subcore_parallel>], iteration_bounds = array<i64: 2, 16>, scalar_prefetch = 0 : i64, scratch_operands = 11 : i64, tpu.core_type = #tpu.core_type<sc_vector_subcore>, window_params = [{transform_indices = #map}, {transform_indices = #map1}, {transform_indices = #map}, {transform_indices = #map}]} {
    %mul3A = arith.constant 16 : i32
    %mul3A_0 = arith.muli %arg0, %mul3A : i32
    %add3A = arith.addi %mul3A_0, %arg1 : i32
    %mul3A_1 = arith.constant 632 : i32
    %mul3A_2 = arith.muli %arg1, %mul3A_1 : i32
    %mul3A_3 = arith.constant 632 : i32
    %mul3A_4 = arith.muli %arg1, %mul3A_3 : i32
    %min3A = arith.constant 9368 : i32
    %min3A_5 = arith.minsi %mul3A_4, %min3A : i32
    %dma_start3A = arith.constant 0 : i32
    %dma_start3A_6 = tpu.memref_slice %arg9[%min3A_5, %dma_start3A] : memref<10000x64xf32, #tpu.memory_space<vmem_shared>> -> memref<632x64xf32, #tpu.memory_space<vmem_shared>>
    %dma_start3A_7 = arith.constant 0 : i32
    %dma_start3A_8 = tpu.memref_slice %arg2[%min3A_5, %dma_start3A_7] : memref<10000x128xf32, #tpu.memory_space<hbm>> -> memref<632x64xf32, #tpu.memory_space<hbm>>
    tpu.enqueue_dma source(%dma_start3A_8 : memref<632x64xf32, #tpu.memory_space<hbm>>) target(%dma_start3A_6 : memref<632x64xf32, #tpu.memory_space<vmem_shared>>) target_semaphore(%arg11 : memref<!tpu.dma_semaphore, #tpu.memory_space<semaphore_mem>>)
    %dma_start3A_9 = arith.constant 0 : i32
    %dma_start3A_10 = tpu.memref_slice %arg10[%mul3A_2, %dma_start3A_9] : memref<10112x64xf32, #tpu.memory_space<vmem_shared>> -> memref<632x64xf32, #tpu.memory_space<vmem_shared>>
    %dma_start3A_11 = arith.constant 0 : i32
    %dma_start3A_12 = tpu.memref_slice %arg4[%mul3A_2, %dma_start3A_11] : memref<10112x64xf32, #tpu.memory_space<hbm>> -> memref<632x64xf32, #tpu.memory_space<hbm>>
    tpu.enqueue_dma source(%dma_start3A_12 : memref<632x64xf32, #tpu.memory_space<hbm>>) target(%dma_start3A_10 : memref<632x64xf32, #tpu.memory_space<vmem_shared>>) target_semaphore(%arg13 : memref<!tpu.dma_semaphore, #tpu.memory_space<semaphore_mem>>)
    %mul3A_13 = arith.constant 78 : i32
    %mul3A_14 = arith.muli %add3A, %mul3A_13 : i32
    %dma_start3A_15 = arith.constant 0 : i32
    %dma_start3A_16 = arith.constant 0 : i32
    %dma_start3A_17 = arith.constant 0 : i32
    %dma_start3A_18 = tpu.memref_slice %arg6[%dma_start3A_16, %dma_start3A_17] : memref<86x128xi32, #tpu.memory_space<vmem>> -> memref<78x128xi32, #tpu.memory_space<vmem>>
    %dma_start3A_19 = arith.constant 0 : i32
    %dma_start3A_20 = tpu.memref_slice %arg3[%dma_start3A_15, %mul3A_14, %dma_start3A_19] : memref<2x2500x128xi32, #tpu.memory_space<hbm>> -> memref<1x78x128xi32, #tpu.memory_space<hbm>>
    %dma_start3A_21 = tpu.memref_squeeze %dma_start3A_20 : memref<1x78x128xi32, #tpu.memory_space<hbm>> -> memref<78x128xi32, #tpu.memory_space<hbm>>
    %dma_start3A_22 = arith.constant 0 : i32
    %dma_start3A_23 = arith.constant 0 : i32
    %dma_start3A_24 = tpu.memref_slice %arg6[%dma_start3A_22, %dma_start3A_23] : memref<86x128xi32, #tpu.memory_space<vmem>> -> memref<78x128xi32, #tpu.memory_space<vmem>>
    %dma_start3A_25 = arith.constant 0 : i32
    %dma_start3A_26 = tpu.memref_slice %arg3[%dma_start3A_15, %mul3A_14, %dma_start3A_25] : memref<2x2500x128xi32, #tpu.memory_space<hbm>> -> memref<1x78x128xi32, #tpu.memory_space<hbm>>
    %dma_start3A_27 = tpu.memref_squeeze %dma_start3A_26 : memref<1x78x128xi32, #tpu.memory_space<hbm>> -> memref<78x128xi32, #tpu.memory_space<hbm>>
    tpu.enqueue_dma source(%dma_start3A_27 : memref<78x128xi32, #tpu.memory_space<hbm>>) target(%dma_start3A_24 : memref<78x128xi32, #tpu.memory_space<vmem>>) target_semaphore(%arg14 : memref<!tpu.dma_semaphore, #tpu.memory_space<semaphore_mem>>)
    %mul3A_28 = arith.constant 78 : i32
    %mul3A_29 = arith.muli %add3A, %mul3A_28 : i32
    %dma_start3A_30 = arith.constant 0 : i32
    %dma_start3A_31 = arith.constant 78 : i32
    %dma_start3A_32 = arith.constant 0 : i32
    %dma_start3A_33 = tpu.memref_slice %arg6[%dma_start3A_31, %dma_start3A_32] : memref<86x128xi32, #tpu.memory_space<vmem>> -> memref<8x128xi32, #tpu.memory_space<vmem>>
    %dma_start3A_34 = arith.constant 0 : i32
    %dma_start3A_35 = tpu.memref_slice %arg3[%dma_start3A_30, %mul3A_29, %dma_start3A_34] : memref<2x2500x128xi32, #tpu.memory_space<hbm>> -> memref<1x8x128xi32, #tpu.memory_space<hbm>>
    %dma_start3A_36 = tpu.memref_squeeze %dma_start3A_35 : memref<1x8x128xi32, #tpu.memory_space<hbm>> -> memref<8x128xi32, #tpu.memory_space<hbm>>
    %dma_start3A_37 = arith.constant 78 : i32
    %dma_start3A_38 = arith.constant 0 : i32
    %dma_start3A_39 = tpu.memref_slice %arg6[%dma_start3A_37, %dma_start3A_38] : memref<86x128xi32, #tpu.memory_space<vmem>> -> memref<8x128xi32, #tpu.memory_space<vmem>>
    %dma_start3A_40 = arith.constant 0 : i32
    %dma_start3A_41 = tpu.memref_slice %arg3[%dma_start3A_30, %mul3A_29, %dma_start3A_40] : memref<2x2500x128xi32, #tpu.memory_space<hbm>> -> memref<1x8x128xi32, #tpu.memory_space<hbm>>
    %dma_start3A_42 = tpu.memref_squeeze %dma_start3A_41 : memref<1x8x128xi32, #tpu.memory_space<hbm>> -> memref<8x128xi32, #tpu.memory_space<hbm>>
    tpu.enqueue_dma source(%dma_start3A_42 : memref<8x128xi32, #tpu.memory_space<hbm>>) target(%dma_start3A_39 : memref<8x128xi32, #tpu.memory_space<vmem>>) target_semaphore(%arg15 : memref<!tpu.dma_semaphore, #tpu.memory_space<semaphore_mem>>)
    %mul3A_43 = arith.constant 78 : i32
    %mul3A_44 = arith.muli %add3A, %mul3A_43 : i32
    %dma_start3A_45 = arith.constant 1 : i32
    %dma_start3A_46 = arith.constant 0 : i32
    %dma_start3A_47 = arith.constant 0 : i32
    %dma_start3A_48 = tpu.memref_slice %arg7[%dma_start3A_46, %dma_start3A_47] : memref<79x128xi32, #tpu.memory_space<vmem>> -> memref<78x128xi32, #tpu.memory_space<vmem>>
    %dma_start3A_49 = arith.constant 0 : i32
    %dma_start3A_50 = tpu.memref_slice %arg3[%dma_start3A_45, %mul3A_44, %dma_start3A_49] : memref<2x2500x128xi32, #tpu.memory_space<hbm>> -> memref<1x78x128xi32, #tpu.memory_space<hbm>>
    %dma_start3A_51 = tpu.memref_squeeze %dma_start3A_50 : memref<1x78x128xi32, #tpu.memory_space<hbm>> -> memref<78x128xi32, #tpu.memory_space<hbm>>
    %dma_start3A_52 = arith.constant 0 : i32
    %dma_start3A_53 = arith.constant 0 : i32
    %dma_start3A_54 = tpu.memref_slice %arg7[%dma_start3A_52, %dma_start3A_53] : memref<79x128xi32, #tpu.memory_space<vmem>> -> memref<78x128xi32, #tpu.memory_space<vmem>>
    %dma_start3A_55 = arith.constant 0 : i32
    %dma_start3A_56 = tpu.memref_slice %arg3[%dma_start3A_45, %mul3A_44, %dma_start3A_55] : memref<2x2500x128xi32, #tpu.memory_space<hbm>> -> memref<1x78x128xi32, #tpu.memory_space<hbm>>
    %dma_start3A_57 = tpu.memref_squeeze %dma_start3A_56 : memref<1x78x128xi32, #tpu.memory_space<hbm>> -> memref<78x128xi32, #tpu.memory_space<hbm>>
    tpu.enqueue_dma source(%dma_start3A_57 : memref<78x128xi32, #tpu.memory_space<hbm>>) target(%dma_start3A_54 : memref<78x128xi32, #tpu.memory_space<vmem>>) target_semaphore(%arg16 : memref<!tpu.dma_semaphore, #tpu.memory_space<semaphore_mem>>)
    %lt3A = arith.constant 4 : i32
    %lt3A_58 = arith.cmpi slt, %add3A, %lt3A : i32
    %convert_element_type3A = arith.extui %lt3A_58 : i1 to i32
    %cond3A = arith.constant 0 : i32
    %cond3A_59 = arith.cmpi ne, %convert_element_type3A, %cond3A : i32
    scf.if %cond3A_59 {
      %add3A_262 = arith.constant 2496 : i32
      %add3A_263 = arith.addi %add3A_262, %add3A : i32
      %run_scoped3A = arith.constant 0 : i32
      "tpu.region"() ({
        %run_scoped3A_267 = tpu.sem_alloc : memref<!tpu.dma_semaphore, #tpu.memory_space<semaphore_mem>>
        %dma_start3A_268 = arith.constant 82 : i32
        %dma_start3A_269 = arith.constant 0 : i32
        %dma_start3A_270 = tpu.memref_slice %arg6[%dma_start3A_268, %dma_start3A_269] : memref<86x128xi32, #tpu.memory_space<vmem>> -> memref<1x128xi32, #tpu.memory_space<vmem>>
        %dma_start3A_271 = arith.constant 0 : i32
        %dma_start3A_272 = tpu.memref_slice %arg3[%run_scoped3A, %add3A_263, %dma_start3A_271] : memref<2x2500x128xi32, #tpu.memory_space<hbm>> -> memref<1x1x128xi32, #tpu.memory_space<hbm>>
        %dma_start3A_273 = tpu.memref_squeeze %dma_start3A_272 : memref<1x1x128xi32, #tpu.memory_space<hbm>> -> memref<1x128xi32, #tpu.memory_space<hbm>>
        %dma_start3A_274 = arith.constant 82 : i32
        %dma_start3A_275 = arith.constant 0 : i32
        %dma_start3A_276 = tpu.memref_slice %arg6[%dma_start3A_274, %dma_start3A_275] : memref<86x128xi32, #tpu.memory_space<vmem>> -> memref<1x128xi32, #tpu.memory_space<vmem>>
        %dma_start3A_277 = arith.constant 0 : i32
        %dma_start3A_278 = tpu.memref_slice %arg3[%run_scoped3A, %add3A_263, %dma_start3A_277] : memref<2x2500x128xi32, #tpu.memory_space<hbm>> -> memref<1x1x128xi32, #tpu.memory_space<hbm>>
        %dma_start3A_279 = tpu.memref_squeeze %dma_start3A_278 : memref<1x1x128xi32, #tpu.memory_space<hbm>> -> memref<1x128xi32, #tpu.memory_space<hbm>>
        tpu.enqueue_dma source(%dma_start3A_279 : memref<1x128xi32, #tpu.memory_space<hbm>>) target(%dma_start3A_276 : memref<1x128xi32, #tpu.memory_space<vmem>>) target_semaphore(%run_scoped3A_267 : memref<!tpu.dma_semaphore, #tpu.memory_space<semaphore_mem>>)
        %dma_wait3A_280 = arith.constant 82 : i32
        %dma_wait3A_281 = arith.constant 0 : i32
        %dma_wait3A_282 = tpu.memref_slice %arg6[%dma_wait3A_280, %dma_wait3A_281] : memref<86x128xi32, #tpu.memory_space<vmem>> -> memref<1x128xi32, #tpu.memory_space<vmem>>
        %dma_wait3A_283 = arith.constant 0 : i32
        %dma_wait3A_284 = tpu.memref_slice %arg3[%run_scoped3A, %add3A_263, %dma_wait3A_283] : memref<2x2500x128xi32, #tpu.memory_space<hbm>> -> memref<1x1x128xi32, #tpu.memory_space<hbm>>
        %dma_wait3A_285 = tpu.memref_squeeze %dma_wait3A_284 : memref<1x1x128xi32, #tpu.memory_space<hbm>> -> memref<1x128xi32, #tpu.memory_space<hbm>>
        %dma_wait3A_286 = arith.constant 82 : i32
        %dma_wait3A_287 = arith.constant 0 : i32
        %dma_wait3A_288 = tpu.memref_slice %arg6[%dma_wait3A_286, %dma_wait3A_287] : memref<86x128xi32, #tpu.memory_space<vmem>> -> memref<1x128xi32, #tpu.memory_space<vmem>>
        %dma_wait3A_289 = arith.constant 0 : i32
        %dma_wait3A_290 = tpu.memref_slice %arg3[%run_scoped3A, %add3A_263, %dma_wait3A_289] : memref<2x2500x128xi32, #tpu.memory_space<hbm>> -> memref<1x1x128xi32, #tpu.memory_space<hbm>>
        %dma_wait3A_291 = tpu.memref_squeeze %dma_wait3A_290 : memref<1x1x128xi32, #tpu.memory_space<hbm>> -> memref<1x128xi32, #tpu.memory_space<hbm>>
        tpu.wait_dma2 semaphore(%run_scoped3A_267 : memref<!tpu.dma_semaphore, #tpu.memory_space<semaphore_mem>>) src(%dma_wait3A_291 : memref<1x128xi32, #tpu.memory_space<hbm>>) dst(%dma_wait3A_288 : memref<1x128xi32, #tpu.memory_space<vmem>>)
        tpu.yield
      }) : () -> ()
      %add3A_264 = arith.constant 2496 : i32
      %add3A_265 = arith.addi %add3A_264, %add3A : i32
      %run_scoped3A_266 = arith.constant 1 : i32
      "tpu.region"() ({
        %run_scoped3A_267 = tpu.sem_alloc : memref<!tpu.dma_semaphore, #tpu.memory_space<semaphore_mem>>
        %dma_start3A_268 = arith.constant 78 : i32
        %dma_start3A_269 = arith.constant 0 : i32
        %dma_start3A_270 = tpu.memref_slice %arg7[%dma_start3A_268, %dma_start3A_269] : memref<79x128xi32, #tpu.memory_space<vmem>> -> memref<1x128xi32, #tpu.memory_space<vmem>>
        %dma_start3A_271 = arith.constant 0 : i32
        %dma_start3A_272 = tpu.memref_slice %arg3[%run_scoped3A_266, %add3A_265, %dma_start3A_271] : memref<2x2500x128xi32, #tpu.memory_space<hbm>> -> memref<1x1x128xi32, #tpu.memory_space<hbm>>
        %dma_start3A_273 = tpu.memref_squeeze %dma_start3A_272 : memref<1x1x128xi32, #tpu.memory_space<hbm>> -> memref<1x128xi32, #tpu.memory_space<hbm>>
        %dma_start3A_274 = arith.constant 78 : i32
        %dma_start3A_275 = arith.constant 0 : i32
        %dma_start3A_276 = tpu.memref_slice %arg7[%dma_start3A_274, %dma_start3A_275] : memref<79x128xi32, #tpu.memory_space<vmem>> -> memref<1x128xi32, #tpu.memory_space<vmem>>
        %dma_start3A_277 = arith.constant 0 : i32
        %dma_start3A_278 = tpu.memref_slice %arg3[%run_scoped3A_266, %add3A_265, %dma_start3A_277] : memref<2x2500x128xi32, #tpu.memory_space<hbm>> -> memref<1x1x128xi32, #tpu.memory_space<hbm>>
        %dma_start3A_279 = tpu.memref_squeeze %dma_start3A_278 : memref<1x1x128xi32, #tpu.memory_space<hbm>> -> memref<1x128xi32, #tpu.memory_space<hbm>>
        tpu.enqueue_dma source(%dma_start3A_279 : memref<1x128xi32, #tpu.memory_space<hbm>>) target(%dma_start3A_276 : memref<1x128xi32, #tpu.memory_space<vmem>>) target_semaphore(%run_scoped3A_267 : memref<!tpu.dma_semaphore, #tpu.memory_space<semaphore_mem>>)
        %dma_wait3A_280 = arith.constant 78 : i32
        %dma_wait3A_281 = arith.constant 0 : i32
        %dma_wait3A_282 = tpu.memref_slice %arg7[%dma_wait3A_280, %dma_wait3A_281] : memref<79x128xi32, #tpu.memory_space<vmem>> -> memref<1x128xi32, #tpu.memory_space<vmem>>
        %dma_wait3A_283 = arith.constant 0 : i32
        %dma_wait3A_284 = tpu.memref_slice %arg3[%run_scoped3A_266, %add3A_265, %dma_wait3A_283] : memref<2x2500x128xi32, #tpu.memory_space<hbm>> -> memref<1x1x128xi32, #tpu.memory_space<hbm>>
        %dma_wait3A_285 = tpu.memref_squeeze %dma_wait3A_284 : memref<1x1x128xi32, #tpu.memory_space<hbm>> -> memref<1x128xi32, #tpu.memory_space<hbm>>
        %dma_wait3A_286 = arith.constant 78 : i32
        %dma_wait3A_287 = arith.constant 0 : i32
        %dma_wait3A_288 = tpu.memref_slice %arg7[%dma_wait3A_286, %dma_wait3A_287] : memref<79x128xi32, #tpu.memory_space<vmem>> -> memref<1x128xi32, #tpu.memory_space<vmem>>
        %dma_wait3A_289 = arith.constant 0 : i32
        %dma_wait3A_290 = tpu.memref_slice %arg3[%run_scoped3A_266, %add3A_265, %dma_wait3A_289] : memref<2x2500x128xi32, #tpu.memory_space<hbm>> -> memref<1x1x128xi32, #tpu.memory_space<hbm>>
        %dma_wait3A_291 = tpu.memref_squeeze %dma_wait3A_290 : memref<1x1x128xi32, #tpu.memory_space<hbm>> -> memref<1x128xi32, #tpu.memory_space<hbm>>
        tpu.wait_dma2 semaphore(%run_scoped3A_267 : memref<!tpu.dma_semaphore, #tpu.memory_space<semaphore_mem>>) src(%dma_wait3A_291 : memref<1x128xi32, #tpu.memory_space<hbm>>) dst(%dma_wait3A_288 : memref<1x128xi32, #tpu.memory_space<vmem>>)
        tpu.yield
      }) : () -> ()
    } else {
    }
    %dma_wait3A = arith.constant 0 : i32
    %dma_wait3A_60 = tpu.memref_slice %arg9[%min3A_5, %dma_wait3A] : memref<10000x64xf32, #tpu.memory_space<vmem_shared>> -> memref<632x64xf32, #tpu.memory_space<vmem_shared>>
    %dma_wait3A_61 = arith.constant 0 : i32
    %dma_wait3A_62 = tpu.memref_slice %arg2[%min3A_5, %dma_wait3A_61] : memref<10000x128xf32, #tpu.memory_space<hbm>> -> memref<632x64xf32, #tpu.memory_space<hbm>>
    tpu.wait_dma2 semaphore(%arg11 : memref<!tpu.dma_semaphore, #tpu.memory_space<semaphore_mem>>) src(%dma_wait3A_62 : memref<632x64xf32, #tpu.memory_space<hbm>>) dst(%dma_wait3A_60 : memref<632x64xf32, #tpu.memory_space<vmem_shared>>)
    %dma_wait3A_63 = arith.constant 0 : i32
    %dma_wait3A_64 = tpu.memref_slice %arg10[%mul3A_2, %dma_wait3A_63] : memref<10112x64xf32, #tpu.memory_space<vmem_shared>> -> memref<632x64xf32, #tpu.memory_space<vmem_shared>>
    %dma_wait3A_65 = arith.constant 0 : i32
    %dma_wait3A_66 = tpu.memref_slice %arg4[%mul3A_2, %dma_wait3A_65] : memref<10112x64xf32, #tpu.memory_space<hbm>> -> memref<632x64xf32, #tpu.memory_space<hbm>>
    tpu.wait_dma2 semaphore(%arg13 : memref<!tpu.dma_semaphore, #tpu.memory_space<semaphore_mem>>) src(%dma_wait3A_66 : memref<632x64xf32, #tpu.memory_space<hbm>>) dst(%dma_wait3A_64 : memref<632x64xf32, #tpu.memory_space<vmem_shared>>)
    %dma_wait3A_67 = arith.constant 0 : i32
    %dma_wait3A_68 = arith.constant 0 : i32
    %dma_wait3A_69 = arith.constant 0 : i32
    %dma_wait3A_70 = tpu.memref_slice %arg6[%dma_wait3A_68, %dma_wait3A_69] : memref<86x128xi32, #tpu.memory_space<vmem>> -> memref<78x128xi32, #tpu.memory_space<vmem>>
    %dma_wait3A_71 = arith.constant 0 : i32
    %dma_wait3A_72 = tpu.memref_slice %arg3[%dma_wait3A_67, %mul3A_14, %dma_wait3A_71] : memref<2x2500x128xi32, #tpu.memory_space<hbm>> -> memref<1x78x128xi32, #tpu.memory_space<hbm>>
    %dma_wait3A_73 = tpu.memref_squeeze %dma_wait3A_72 : memref<1x78x128xi32, #tpu.memory_space<hbm>> -> memref<78x128xi32, #tpu.memory_space<hbm>>
    %dma_wait3A_74 = arith.constant 0 : i32
    %dma_wait3A_75 = arith.constant 0 : i32
    %dma_wait3A_76 = tpu.memref_slice %arg6[%dma_wait3A_74, %dma_wait3A_75] : memref<86x128xi32, #tpu.memory_space<vmem>> -> memref<78x128xi32, #tpu.memory_space<vmem>>
    %dma_wait3A_77 = arith.constant 0 : i32
    %dma_wait3A_78 = tpu.memref_slice %arg3[%dma_wait3A_67, %mul3A_14, %dma_wait3A_77] : memref<2x2500x128xi32, #tpu.memory_space<hbm>> -> memref<1x78x128xi32, #tpu.memory_space<hbm>>
    %dma_wait3A_79 = tpu.memref_squeeze %dma_wait3A_78 : memref<1x78x128xi32, #tpu.memory_space<hbm>> -> memref<78x128xi32, #tpu.memory_space<hbm>>
    tpu.wait_dma2 semaphore(%arg14 : memref<!tpu.dma_semaphore, #tpu.memory_space<semaphore_mem>>) src(%dma_wait3A_79 : memref<78x128xi32, #tpu.memory_space<hbm>>) dst(%dma_wait3A_76 : memref<78x128xi32, #tpu.memory_space<vmem>>)
    %dma_wait3A_80 = arith.constant 0 : i32
    %dma_wait3A_81 = arith.constant 78 : i32
    %dma_wait3A_82 = arith.constant 0 : i32
    %dma_wait3A_83 = tpu.memref_slice %arg6[%dma_wait3A_81, %dma_wait3A_82] : memref<86x128xi32, #tpu.memory_space<vmem>> -> memref<8x128xi32, #tpu.memory_space<vmem>>
    %dma_wait3A_84 = arith.constant 0 : i32
    %dma_wait3A_85 = tpu.memref_slice %arg3[%dma_wait3A_80, %mul3A_29, %dma_wait3A_84] : memref<2x2500x128xi32, #tpu.memory_space<hbm>> -> memref<1x8x128xi32, #tpu.memory_space<hbm>>
    %dma_wait3A_86 = tpu.memref_squeeze %dma_wait3A_85 : memref<1x8x128xi32, #tpu.memory_space<hbm>> -> memref<8x128xi32, #tpu.memory_space<hbm>>
    %dma_wait3A_87 = arith.constant 78 : i32
    %dma_wait3A_88 = arith.constant 0 : i32
    %dma_wait3A_89 = tpu.memref_slice %arg6[%dma_wait3A_87, %dma_wait3A_88] : memref<86x128xi32, #tpu.memory_space<vmem>> -> memref<8x128xi32, #tpu.memory_space<vmem>>
    %dma_wait3A_90 = arith.constant 0 : i32
    %dma_wait3A_91 = tpu.memref_slice %arg3[%dma_wait3A_80, %mul3A_29, %dma_wait3A_90] : memref<2x2500x128xi32, #tpu.memory_space<hbm>> -> memref<1x8x128xi32, #tpu.memory_space<hbm>>
    %dma_wait3A_92 = tpu.memref_squeeze %dma_wait3A_91 : memref<1x8x128xi32, #tpu.memory_space<hbm>> -> memref<8x128xi32, #tpu.memory_space<hbm>>
    tpu.wait_dma2 semaphore(%arg15 : memref<!tpu.dma_semaphore, #tpu.memory_space<semaphore_mem>>) src(%dma_wait3A_92 : memref<8x128xi32, #tpu.memory_space<hbm>>) dst(%dma_wait3A_89 : memref<8x128xi32, #tpu.memory_space<vmem>>)
    %dma_wait3A_93 = arith.constant 1 : i32
    %dma_wait3A_94 = arith.constant 0 : i32
    %dma_wait3A_95 = arith.constant 0 : i32
    %dma_wait3A_96 = tpu.memref_slice %arg7[%dma_wait3A_94, %dma_wait3A_95] : memref<79x128xi32, #tpu.memory_space<vmem>> -> memref<78x128xi32, #tpu.memory_space<vmem>>
    %dma_wait3A_97 = arith.constant 0 : i32
    %dma_wait3A_98 = tpu.memref_slice %arg3[%dma_wait3A_93, %mul3A_44, %dma_wait3A_97] : memref<2x2500x128xi32, #tpu.memory_space<hbm>> -> memref<1x78x128xi32, #tpu.memory_space<hbm>>
    %dma_wait3A_99 = tpu.memref_squeeze %dma_wait3A_98 : memref<1x78x128xi32, #tpu.memory_space<hbm>> -> memref<78x128xi32, #tpu.memory_space<hbm>>
    %dma_wait3A_100 = arith.constant 0 : i32
    %dma_wait3A_101 = arith.constant 0 : i32
    %dma_wait3A_102 = tpu.memref_slice %arg7[%dma_wait3A_100, %dma_wait3A_101] : memref<79x128xi32, #tpu.memory_space<vmem>> -> memref<78x128xi32, #tpu.memory_space<vmem>>
    %dma_wait3A_103 = arith.constant 0 : i32
    %dma_wait3A_104 = tpu.memref_slice %arg3[%dma_wait3A_93, %mul3A_44, %dma_wait3A_103] : memref<2x2500x128xi32, #tpu.memory_space<hbm>> -> memref<1x78x128xi32, #tpu.memory_space<hbm>>
    %dma_wait3A_105 = tpu.memref_squeeze %dma_wait3A_104 : memref<1x78x128xi32, #tpu.memory_space<hbm>> -> memref<78x128xi32, #tpu.memory_space<hbm>>
    tpu.wait_dma2 semaphore(%arg16 : memref<!tpu.dma_semaphore, #tpu.memory_space<semaphore_mem>>) src(%dma_wait3A_105 : memref<78x128xi32, #tpu.memory_space<hbm>>) dst(%dma_wait3A_102 : memref<78x128xi32, #tpu.memory_space<vmem>>)
    %barrier3A = arith.constant 0 : index
    tpu.barrier barrier_id(%barrier3A)
    %lt3A_106 = arith.constant 4 : i32
    %lt3A_107 = arith.cmpi slt, %add3A, %lt3A_106 : i32
    %convert_element_type3A_108 = arith.extui %lt3A_107 : i1 to i32
    %cond3A_109 = arith.constant 0 : i32
    %cond3A_110 = arith.cmpi ne, %convert_element_type3A_108, %cond3A_109 : i32
    scf.if %cond3A_110 {
      %run_scoped3A = arith.constant 82 : i32
      %run_scoped3A_262 = arith.constant 0 : i32
      "tpu.region"() ({
        %run_scoped3A_265 = tpu.sem_alloc : memref<!tpu.dma_semaphore, #tpu.memory_space<semaphore_mem>>
        %dma_start3A_266 = arith.constant 0 : i32
        %dma_start3A_267 = arith.constant 0 : i32
        %dma_start3A_268 = tpu.memref_slice %arg8[%run_scoped3A_262, %dma_start3A_266, %dma_start3A_267] : memref<3x128x64xf32, #tpu.memory_space<vmem>> -> memref<1x128x64xf32, #tpu.memory_space<vmem>>
        %dma_start3A_269 = tpu.memref_squeeze %dma_start3A_268 : memref<1x128x64xf32, #tpu.memory_space<vmem>> -> memref<128x64xf32, #tpu.memory_space<vmem>>
        %dma_start3A_270 = arith.constant 0 : i32
        %dma_start3A_271 = tpu.memref_slice %arg6[%run_scoped3A, %dma_start3A_270] : memref<86x128xi32, #tpu.memory_space<vmem>> -> memref<1x128xi32, #tpu.memory_space<vmem>>
        %dma_start3A_272 = tpu.memref_squeeze %dma_start3A_271 : memref<1x128xi32, #tpu.memory_space<vmem>> -> memref<128xi32, #tpu.memory_space<vmem>>
        %dma_start3A_273 = arith.constant 0 : i32
        %dma_start3A_274 = arith.constant 0 : i32
        %dma_start3A_275 = tpu.memref_slice %arg9[%dma_start3A_273, %dma_start3A_274] : memref<10000x64xf32, #tpu.memory_space<vmem_shared>> -> memref<10000x64xf32, #tpu.memory_space<vmem_shared>>
        tpu.enqueue_indirect_dma source(%dma_start3A_275 : memref<10000x64xf32, #tpu.memory_space<vmem_shared>>) target(%dma_start3A_269 : memref<128x64xf32, #tpu.memory_space<vmem>>) offsets(%dma_start3A_272 : memref<128xi32, #tpu.memory_space<vmem>>) semaphore(%run_scoped3A_265 : memref<!tpu.dma_semaphore, #tpu.memory_space<semaphore_mem>>)
        %dma_wait3A_276 = arith.constant 0 : i32
        %dma_wait3A_277 = arith.constant 0 : i32
        %dma_wait3A_278 = tpu.memref_slice %arg8[%run_scoped3A_262, %dma_wait3A_276, %dma_wait3A_277] : memref<3x128x64xf32, #tpu.memory_space<vmem>> -> memref<1x128x64xf32, #tpu.memory_space<vmem>>
        %dma_wait3A_279 = tpu.memref_squeeze %dma_wait3A_278 : memref<1x128x64xf32, #tpu.memory_space<vmem>> -> memref<128x64xf32, #tpu.memory_space<vmem>>
        %dma_wait3A_280 = arith.constant 0 : i32
        %dma_wait3A_281 = tpu.memref_slice %arg6[%run_scoped3A, %dma_wait3A_280] : memref<86x128xi32, #tpu.memory_space<vmem>> -> memref<1x128xi32, #tpu.memory_space<vmem>>
        %dma_wait3A_282 = tpu.memref_squeeze %dma_wait3A_281 : memref<1x128xi32, #tpu.memory_space<vmem>> -> memref<128xi32, #tpu.memory_space<vmem>>
        %dma_wait3A_283 = arith.constant 0 : i32
        %dma_wait3A_284 = arith.constant 0 : i32
        %dma_wait3A_285 = tpu.memref_slice %arg9[%dma_wait3A_283, %dma_wait3A_284] : memref<10000x64xf32, #tpu.memory_space<vmem_shared>> -> memref<10000x64xf32, #tpu.memory_space<vmem_shared>>
        tpu.wait_indirect_dma semaphore(%run_scoped3A_265 : memref<!tpu.dma_semaphore, #tpu.memory_space<semaphore_mem>>) src(%dma_wait3A_285 : memref<10000x64xf32, #tpu.memory_space<vmem_shared>>) dst(%dma_wait3A_279 : memref<128x64xf32, #tpu.memory_space<vmem>>)
        tpu.yield
      }) : () -> ()
      %run_scoped3A_263 = arith.constant 0 : i32
      %run_scoped3A_264 = arith.constant 78 : i32
      "tpu.region"() ({
        %run_scoped3A_265 = tpu.sem_alloc : memref<!tpu.dma_semaphore, #tpu.memory_space<semaphore_mem>>
        %dma_start3A_266 = arith.constant 0 : i32
        %dma_start3A_267 = arith.constant 0 : i32
        %dma_start3A_268 = tpu.memref_slice %arg8[%run_scoped3A_263, %dma_start3A_266, %dma_start3A_267] : memref<3x128x64xf32, #tpu.memory_space<vmem>> -> memref<1x128x64xf32, #tpu.memory_space<vmem>>
        %dma_start3A_269 = tpu.memref_squeeze %dma_start3A_268 : memref<1x128x64xf32, #tpu.memory_space<vmem>> -> memref<128x64xf32, #tpu.memory_space<vmem>>
        %dma_start3A_270 = arith.constant 0 : i32
        %dma_start3A_271 = tpu.memref_slice %arg7[%run_scoped3A_264, %dma_start3A_270] : memref<79x128xi32, #tpu.memory_space<vmem>> -> memref<1x128xi32, #tpu.memory_space<vmem>>
        %dma_start3A_272 = tpu.memref_squeeze %dma_start3A_271 : memref<1x128xi32, #tpu.memory_space<vmem>> -> memref<128xi32, #tpu.memory_space<vmem>>
        %dma_start3A_273 = arith.constant 0 : i32
        %dma_start3A_274 = arith.constant 0 : i32
        %dma_start3A_275 = tpu.memref_slice %arg10[%dma_start3A_273, %dma_start3A_274] : memref<10112x64xf32, #tpu.memory_space<vmem_shared>> -> memref<10112x64xf32, #tpu.memory_space<vmem_shared>>
        tpu.enqueue_indirect_dma source(%dma_start3A_269 : memref<128x64xf32, #tpu.memory_space<vmem>>) target(%dma_start3A_275 : memref<10112x64xf32, #tpu.memory_space<vmem_shared>>) offsets(%dma_start3A_272 : memref<128xi32, #tpu.memory_space<vmem>>) semaphore(%run_scoped3A_265 : memref<!tpu.dma_semaphore, #tpu.memory_space<semaphore_mem>>) {add = true}
        %dma_wait3A_276 = arith.constant 0 : i32
        %dma_wait3A_277 = arith.constant 0 : i32
        %dma_wait3A_278 = tpu.memref_slice %arg8[%run_scoped3A_263, %dma_wait3A_276, %dma_wait3A_277] : memref<3x128x64xf32, #tpu.memory_space<vmem>> -> memref<1x128x64xf32, #tpu.memory_space<vmem>>
        %dma_wait3A_279 = tpu.memref_squeeze %dma_wait3A_278 : memref<1x128x64xf32, #tpu.memory_space<vmem>> -> memref<128x64xf32, #tpu.memory_space<vmem>>
        %dma_wait3A_280 = arith.constant 0 : i32
        %dma_wait3A_281 = tpu.memref_slice %arg7[%run_scoped3A_264, %dma_wait3A_280] : memref<79x128xi32, #tpu.memory_space<vmem>> -> memref<1x128xi32, #tpu.memory_space<vmem>>
        %dma_wait3A_282 = tpu.memref_squeeze %dma_wait3A_281 : memref<1x128xi32, #tpu.memory_space<vmem>> -> memref<128xi32, #tpu.memory_space<vmem>>
        %dma_wait3A_283 = arith.constant 0 : i32
        %dma_wait3A_284 = arith.constant 0 : i32
        %dma_wait3A_285 = tpu.memref_slice %arg10[%dma_wait3A_283, %dma_wait3A_284] : memref<10112x64xf32, #tpu.memory_space<vmem_shared>> -> memref<10112x64xf32, #tpu.memory_space<vmem_shared>>
        tpu.wait_indirect_dma semaphore(%run_scoped3A_265 : memref<!tpu.dma_semaphore, #tpu.memory_space<semaphore_mem>>) src(%dma_wait3A_279 : memref<128x64xf32, #tpu.memory_space<vmem>>) dst(%dma_wait3A_285 : memref<10112x64xf32, #tpu.memory_space<vmem_shared>>)
        tpu.yield
      }) : () -> ()
    } else {
    }
    %dma_start3A_111 = arith.constant 0 : i32
    %dma_start3A_112 = arith.constant 0 : i32
    %dma_start3A_113 = arith.constant 0 : i32
    %dma_start3A_114 = arith.constant 0 : i32
    %dma_start3A_115 = tpu.memref_slice %arg8[%dma_start3A_112, %dma_start3A_113, %dma_start3A_114] : memref<3x128x64xf32, #tpu.memory_space<vmem>> -> memref<1x128x64xf32, #tpu.memory_space<vmem>>
    %dma_start3A_116 = tpu.memref_squeeze %dma_start3A_115 : memref<1x128x64xf32, #tpu.memory_space<vmem>> -> memref<128x64xf32, #tpu.memory_space<vmem>>
    %dma_start3A_117 = arith.constant 0 : i32
    %dma_start3A_118 = tpu.memref_slice %arg6[%dma_start3A_111, %dma_start3A_117] : memref<86x128xi32, #tpu.memory_space<vmem>> -> memref<1x128xi32, #tpu.memory_space<vmem>>
    %dma_start3A_119 = tpu.memref_squeeze %dma_start3A_118 : memref<1x128xi32, #tpu.memory_space<vmem>> -> memref<128xi32, #tpu.memory_space<vmem>>
    %dma_start3A_120 = arith.constant 0 : i32
    %dma_start3A_121 = arith.constant 0 : i32
    %dma_start3A_122 = tpu.memref_slice %arg9[%dma_start3A_120, %dma_start3A_121] : memref<10000x64xf32, #tpu.memory_space<vmem_shared>> -> memref<10000x64xf32, #tpu.memory_space<vmem_shared>>
    tpu.enqueue_indirect_dma source(%dma_start3A_122 : memref<10000x64xf32, #tpu.memory_space<vmem_shared>>) target(%dma_start3A_116 : memref<128x64xf32, #tpu.memory_space<vmem>>) offsets(%dma_start3A_119 : memref<128xi32, #tpu.memory_space<vmem>>) semaphore(%arg11 : memref<!tpu.dma_semaphore, #tpu.memory_space<semaphore_mem>>)
    %dma_start3A_123 = arith.constant 1 : i32
    %dma_start3A_124 = arith.constant 1 : i32
    %dma_start3A_125 = arith.constant 0 : i32
    %dma_start3A_126 = arith.constant 0 : i32
    %dma_start3A_127 = tpu.memref_slice %arg8[%dma_start3A_124, %dma_start3A_125, %dma_start3A_126] : memref<3x128x64xf32, #tpu.memory_space<vmem>> -> memref<1x128x64xf32, #tpu.memory_space<vmem>>
    %dma_start3A_128 = tpu.memref_squeeze %dma_start3A_127 : memref<1x128x64xf32, #tpu.memory_space<vmem>> -> memref<128x64xf32, #tpu.memory_space<vmem>>
    %dma_start3A_129 = arith.constant 0 : i32
    %dma_start3A_130 = tpu.memref_slice %arg6[%dma_start3A_123, %dma_start3A_129] : memref<86x128xi32, #tpu.memory_space<vmem>> -> memref<1x128xi32, #tpu.memory_space<vmem>>
    %dma_start3A_131 = tpu.memref_squeeze %dma_start3A_130 : memref<1x128xi32, #tpu.memory_space<vmem>> -> memref<128xi32, #tpu.memory_space<vmem>>
    %dma_start3A_132 = arith.constant 0 : i32
    %dma_start3A_133 = arith.constant 0 : i32
    %dma_start3A_134 = tpu.memref_slice %arg9[%dma_start3A_132, %dma_start3A_133] : memref<10000x64xf32, #tpu.memory_space<vmem_shared>> -> memref<10000x64xf32, #tpu.memory_space<vmem_shared>>
    tpu.enqueue_indirect_dma source(%dma_start3A_134 : memref<10000x64xf32, #tpu.memory_space<vmem_shared>>) target(%dma_start3A_128 : memref<128x64xf32, #tpu.memory_space<vmem>>) offsets(%dma_start3A_131 : memref<128xi32, #tpu.memory_space<vmem>>) semaphore(%arg12 : memref<!tpu.dma_semaphore, #tpu.memory_space<semaphore_mem>>)
    %dma_wait3A_135 = arith.constant 0 : i32
    %dma_wait3A_136 = arith.constant 0 : i32
    %dma_wait3A_137 = arith.constant 0 : i32
    %dma_wait3A_138 = arith.constant 0 : i32
    %dma_wait3A_139 = tpu.memref_slice %arg8[%dma_wait3A_136, %dma_wait3A_137, %dma_wait3A_138] : memref<3x128x64xf32, #tpu.memory_space<vmem>> -> memref<1x128x64xf32, #tpu.memory_space<vmem>>
    %dma_wait3A_140 = tpu.memref_squeeze %dma_wait3A_139 : memref<1x128x64xf32, #tpu.memory_space<vmem>> -> memref<128x64xf32, #tpu.memory_space<vmem>>
    %dma_wait3A_141 = arith.constant 0 : i32
    %dma_wait3A_142 = tpu.memref_slice %arg6[%dma_wait3A_135, %dma_wait3A_141] : memref<86x128xi32, #tpu.memory_space<vmem>> -> memref<1x128xi32, #tpu.memory_space<vmem>>
    %dma_wait3A_143 = tpu.memref_squeeze %dma_wait3A_142 : memref<1x128xi32, #tpu.memory_space<vmem>> -> memref<128xi32, #tpu.memory_space<vmem>>
    %dma_wait3A_144 = arith.constant 0 : i32
    %dma_wait3A_145 = arith.constant 0 : i32
    %dma_wait3A_146 = tpu.memref_slice %arg9[%dma_wait3A_144, %dma_wait3A_145] : memref<10000x64xf32, #tpu.memory_space<vmem_shared>> -> memref<10000x64xf32, #tpu.memory_space<vmem_shared>>
    tpu.wait_indirect_dma semaphore(%arg11 : memref<!tpu.dma_semaphore, #tpu.memory_space<semaphore_mem>>) src(%dma_wait3A_146 : memref<10000x64xf32, #tpu.memory_space<vmem_shared>>) dst(%dma_wait3A_140 : memref<128x64xf32, #tpu.memory_space<vmem>>)
    %dma_start3A_147 = arith.constant 0 : i32
    %dma_start3A_148 = arith.constant 0 : i32
    %dma_start3A_149 = arith.constant 0 : i32
    %dma_start3A_150 = arith.constant 0 : i32
    %dma_start3A_151 = tpu.memref_slice %arg8[%dma_start3A_147, %dma_start3A_149, %dma_start3A_150] : memref<3x128x64xf32, #tpu.memory_space<vmem>> -> memref<1x128x64xf32, #tpu.memory_space<vmem>>
    %dma_start3A_152 = tpu.memref_squeeze %dma_start3A_151 : memref<1x128x64xf32, #tpu.memory_space<vmem>> -> memref<128x64xf32, #tpu.memory_space<vmem>>
    %dma_start3A_153 = arith.constant 0 : i32
    %dma_start3A_154 = tpu.memref_slice %arg7[%dma_start3A_148, %dma_start3A_153] : memref<79x128xi32, #tpu.memory_space<vmem>> -> memref<1x128xi32, #tpu.memory_space<vmem>>
    %dma_start3A_155 = tpu.memref_squeeze %dma_start3A_154 : memref<1x128xi32, #tpu.memory_space<vmem>> -> memref<128xi32, #tpu.memory_space<vmem>>
    %dma_start3A_156 = arith.constant 0 : i32
    %dma_start3A_157 = arith.constant 0 : i32
    %dma_start3A_158 = tpu.memref_slice %arg10[%dma_start3A_156, %dma_start3A_157] : memref<10112x64xf32, #tpu.memory_space<vmem_shared>> -> memref<10112x64xf32, #tpu.memory_space<vmem_shared>>
    tpu.enqueue_indirect_dma source(%dma_start3A_152 : memref<128x64xf32, #tpu.memory_space<vmem>>) target(%dma_start3A_158 : memref<10112x64xf32, #tpu.memory_space<vmem_shared>>) offsets(%dma_start3A_155 : memref<128xi32, #tpu.memory_space<vmem>>) semaphore(%arg14 : memref<!tpu.dma_semaphore, #tpu.memory_space<semaphore_mem>>) {add = true}
    %dma_start3A_159 = arith.constant 2 : i32
    %dma_start3A_160 = arith.constant 2 : i32
    %dma_start3A_161 = arith.constant 0 : i32
    %dma_start3A_162 = arith.constant 0 : i32
    %dma_start3A_163 = tpu.memref_slice %arg8[%dma_start3A_160, %dma_start3A_161, %dma_start3A_162] : memref<3x128x64xf32, #tpu.memory_space<vmem>> -> memref<1x128x64xf32, #tpu.memory_space<vmem>>
    %dma_start3A_164 = tpu.memref_squeeze %dma_start3A_163 : memref<1x128x64xf32, #tpu.memory_space<vmem>> -> memref<128x64xf32, #tpu.memory_space<vmem>>
    %dma_start3A_165 = arith.constant 0 : i32
    %dma_start3A_166 = tpu.memref_slice %arg6[%dma_start3A_159, %dma_start3A_165] : memref<86x128xi32, #tpu.memory_space<vmem>> -> memref<1x128xi32, #tpu.memory_space<vmem>>
    %dma_start3A_167 = tpu.memref_squeeze %dma_start3A_166 : memref<1x128xi32, #tpu.memory_space<vmem>> -> memref<128xi32, #tpu.memory_space<vmem>>
    %dma_start3A_168 = arith.constant 0 : i32
    %dma_start3A_169 = arith.constant 0 : i32
    %dma_start3A_170 = tpu.memref_slice %arg9[%dma_start3A_168, %dma_start3A_169] : memref<10000x64xf32, #tpu.memory_space<vmem_shared>> -> memref<10000x64xf32, #tpu.memory_space<vmem_shared>>
    tpu.enqueue_indirect_dma source(%dma_start3A_170 : memref<10000x64xf32, #tpu.memory_space<vmem_shared>>) target(%dma_start3A_164 : memref<128x64xf32, #tpu.memory_space<vmem>>) offsets(%dma_start3A_167 : memref<128xi32, #tpu.memory_space<vmem>>) semaphore(%arg13 : memref<!tpu.dma_semaphore, #tpu.memory_space<semaphore_mem>>)
    %scan3A = arith.constant 0 : i32
    %scan3A_171 = arith.constant 25 : i32
    %scan3A_172 = arith.addi %scan3A, %scan3A_171 : i32
    %scan3A_173 = arith.constant 1 : i32
    scf.for %scan3A_262 = %scan3A to %scan3A_172 step %scan3A_173  : i32 {
      %mul3A_263 = arith.constant 1 : i32
      %mul3A_264 = arith.muli %scan3A_262, %mul3A_263 : i32
      %add3A_265 = arith.constant 0 : i32
      %add3A_266 = arith.addi %add3A_265, %mul3A_264 : i32
      %mul3A_267 = arith.constant 3 : i32
      %mul3A_268 = arith.muli %mul3A_267, %add3A_266 : i32
      %add3A_269 = arith.constant 1 : i32
      %add3A_270 = arith.addi %mul3A_268, %add3A_269 : i32
      %add3A_271 = arith.constant 0 : i32
      %add3A_272 = arith.addi %add3A_270, %add3A_271 : i32
      %dma_wait3A_273 = arith.constant 1 : i32
      %dma_wait3A_274 = arith.constant 0 : i32
      %dma_wait3A_275 = arith.constant 0 : i32
      %dma_wait3A_276 = tpu.memref_slice %arg8[%dma_wait3A_273, %dma_wait3A_274, %dma_wait3A_275] : memref<3x128x64xf32, #tpu.memory_space<vmem>> -> memref<1x128x64xf32, #tpu.memory_space<vmem>>
      %dma_wait3A_277 = tpu.memref_squeeze %dma_wait3A_276 : memref<1x128x64xf32, #tpu.memory_space<vmem>> -> memref<128x64xf32, #tpu.memory_space<vmem>>
      %dma_wait3A_278 = arith.constant 0 : i32
      %dma_wait3A_279 = tpu.memref_slice %arg6[%add3A_272, %dma_wait3A_278] : memref<86x128xi32, #tpu.memory_space<vmem>> -> memref<1x128xi32, #tpu.memory_space<vmem>>
      %dma_wait3A_280 = tpu.memref_squeeze %dma_wait3A_279 : memref<1x128xi32, #tpu.memory_space<vmem>> -> memref<128xi32, #tpu.memory_space<vmem>>
      %dma_wait3A_281 = arith.constant 0 : i32
      %dma_wait3A_282 = arith.constant 0 : i32
      %dma_wait3A_283 = tpu.memref_slice %arg9[%dma_wait3A_281, %dma_wait3A_282] : memref<10000x64xf32, #tpu.memory_space<vmem_shared>> -> memref<10000x64xf32, #tpu.memory_space<vmem_shared>>
      tpu.wait_indirect_dma semaphore(%arg12 : memref<!tpu.dma_semaphore, #tpu.memory_space<semaphore_mem>>) src(%dma_wait3A_283 : memref<10000x64xf32, #tpu.memory_space<vmem_shared>>) dst(%dma_wait3A_277 : memref<128x64xf32, #tpu.memory_space<vmem>>)
      %dma_start3A_284 = arith.constant 1 : i32
      %dma_start3A_285 = arith.constant 0 : i32
      %dma_start3A_286 = arith.constant 0 : i32
      %dma_start3A_287 = tpu.memref_slice %arg8[%dma_start3A_284, %dma_start3A_285, %dma_start3A_286] : memref<3x128x64xf32, #tpu.memory_space<vmem>> -> memref<1x128x64xf32, #tpu.memory_space<vmem>>
      %dma_start3A_288 = tpu.memref_squeeze %dma_start3A_287 : memref<1x128x64xf32, #tpu.memory_space<vmem>> -> memref<128x64xf32, #tpu.memory_space<vmem>>
      %dma_start3A_289 = arith.constant 0 : i32
      %dma_start3A_290 = tpu.memref_slice %arg7[%add3A_272, %dma_start3A_289] : memref<79x128xi32, #tpu.memory_space<vmem>> -> memref<1x128xi32, #tpu.memory_space<vmem>>
      %dma_start3A_291 = tpu.memref_squeeze %dma_start3A_290 : memref<1x128xi32, #tpu.memory_space<vmem>> -> memref<128xi32, #tpu.memory_space<vmem>>
      %dma_start3A_292 = arith.constant 0 : i32
      %dma_start3A_293 = arith.constant 0 : i32
      %dma_start3A_294 = tpu.memref_slice %arg10[%dma_start3A_292, %dma_start3A_293] : memref<10112x64xf32, #tpu.memory_space<vmem_shared>> -> memref<10112x64xf32, #tpu.memory_space<vmem_shared>>
      tpu.enqueue_indirect_dma source(%dma_start3A_288 : memref<128x64xf32, #tpu.memory_space<vmem>>) target(%dma_start3A_294 : memref<10112x64xf32, #tpu.memory_space<vmem_shared>>) offsets(%dma_start3A_291 : memref<128xi32, #tpu.memory_space<vmem>>) semaphore(%arg15 : memref<!tpu.dma_semaphore, #tpu.memory_space<semaphore_mem>>) {add = true}
      %sub3A = arith.constant 1 : i32
      %sub3A_295 = arith.subi %add3A_272, %sub3A : i32
      %dma_wait3A_296 = arith.constant 0 : i32
      %dma_wait3A_297 = arith.constant 0 : i32
      %dma_wait3A_298 = arith.constant 0 : i32
      %dma_wait3A_299 = tpu.memref_slice %arg8[%dma_wait3A_296, %dma_wait3A_297, %dma_wait3A_298] : memref<3x128x64xf32, #tpu.memory_space<vmem>> -> memref<1x128x64xf32, #tpu.memory_space<vmem>>
      %dma_wait3A_300 = tpu.memref_squeeze %dma_wait3A_299 : memref<1x128x64xf32, #tpu.memory_space<vmem>> -> memref<128x64xf32, #tpu.memory_space<vmem>>
      %dma_wait3A_301 = arith.constant 0 : i32
      %dma_wait3A_302 = tpu.memref_slice %arg7[%sub3A_295, %dma_wait3A_301] : memref<79x128xi32, #tpu.memory_space<vmem>> -> memref<1x128xi32, #tpu.memory_space<vmem>>
      %dma_wait3A_303 = tpu.memref_squeeze %dma_wait3A_302 : memref<1x128xi32, #tpu.memory_space<vmem>> -> memref<128xi32, #tpu.memory_space<vmem>>
      %dma_wait3A_304 = arith.constant 0 : i32
      %dma_wait3A_305 = arith.constant 0 : i32
      %dma_wait3A_306 = tpu.memref_slice %arg10[%dma_wait3A_304, %dma_wait3A_305] : memref<10112x64xf32, #tpu.memory_space<vmem_shared>> -> memref<10112x64xf32, #tpu.memory_space<vmem_shared>>
      tpu.wait_indirect_dma semaphore(%arg14 : memref<!tpu.dma_semaphore, #tpu.memory_space<semaphore_mem>>) src(%dma_wait3A_300 : memref<128x64xf32, #tpu.memory_space<vmem>>) dst(%dma_wait3A_306 : memref<10112x64xf32, #tpu.memory_space<vmem_shared>>)
      %add3A_307 = arith.constant 2 : i32
      %add3A_308 = arith.addi %add3A_272, %add3A_307 : i32
      %dma_start3A_309 = arith.constant 0 : i32
      %dma_start3A_310 = arith.constant 0 : i32
      %dma_start3A_311 = arith.constant 0 : i32
      %dma_start3A_312 = tpu.memref_slice %arg8[%dma_start3A_309, %dma_start3A_310, %dma_start3A_311] : memref<3x128x64xf32, #tpu.memory_space<vmem>> -> memref<1x128x64xf32, #tpu.memory_space<vmem>>
      %dma_start3A_313 = tpu.memref_squeeze %dma_start3A_312 : memref<1x128x64xf32, #tpu.memory_space<vmem>> -> memref<128x64xf32, #tpu.memory_space<vmem>>
      %dma_start3A_314 = arith.constant 0 : i32
      %dma_start3A_315 = tpu.memref_slice %arg6[%add3A_308, %dma_start3A_314] : memref<86x128xi32, #tpu.memory_space<vmem>> -> memref<1x128xi32, #tpu.memory_space<vmem>>
      %dma_start3A_316 = tpu.memref_squeeze %dma_start3A_315 : memref<1x128xi32, #tpu.memory_space<vmem>> -> memref<128xi32, #tpu.memory_space<vmem>>
      %dma_start3A_317 = arith.constant 0 : i32
      %dma_start3A_318 = arith.constant 0 : i32
      %dma_start3A_319 = tpu.memref_slice %arg9[%dma_start3A_317, %dma_start3A_318] : memref<10000x64xf32, #tpu.memory_space<vmem_shared>> -> memref<10000x64xf32, #tpu.memory_space<vmem_shared>>
      tpu.enqueue_indirect_dma source(%dma_start3A_319 : memref<10000x64xf32, #tpu.memory_space<vmem_shared>>) target(%dma_start3A_313 : memref<128x64xf32, #tpu.memory_space<vmem>>) offsets(%dma_start3A_316 : memref<128xi32, #tpu.memory_space<vmem>>) semaphore(%arg11 : memref<!tpu.dma_semaphore, #tpu.memory_space<semaphore_mem>>)
      %mul3A_320 = arith.constant 3 : i32
      %mul3A_321 = arith.muli %mul3A_320, %add3A_266 : i32
      %add3A_322 = arith.constant 1 : i32
      %add3A_323 = arith.addi %mul3A_321, %add3A_322 : i32
      %add3A_324 = arith.constant 1 : i32
      %add3A_325 = arith.addi %add3A_323, %add3A_324 : i32
      %dma_wait3A_326 = arith.constant 2 : i32
      %dma_wait3A_327 = arith.constant 0 : i32
      %dma_wait3A_328 = arith.constant 0 : i32
      %dma_wait3A_329 = tpu.memref_slice %arg8[%dma_wait3A_326, %dma_wait3A_327, %dma_wait3A_328] : memref<3x128x64xf32, #tpu.memory_space<vmem>> -> memref<1x128x64xf32, #tpu.memory_space<vmem>>
      %dma_wait3A_330 = tpu.memref_squeeze %dma_wait3A_329 : memref<1x128x64xf32, #tpu.memory_space<vmem>> -> memref<128x64xf32, #tpu.memory_space<vmem>>
      %dma_wait3A_331 = arith.constant 0 : i32
      %dma_wait3A_332 = tpu.memref_slice %arg6[%add3A_325, %dma_wait3A_331] : memref<86x128xi32, #tpu.memory_space<vmem>> -> memref<1x128xi32, #tpu.memory_space<vmem>>
      %dma_wait3A_333 = tpu.memref_squeeze %dma_wait3A_332 : memref<1x128xi32, #tpu.memory_space<vmem>> -> memref<128xi32, #tpu.memory_space<vmem>>
      %dma_wait3A_334 = arith.constant 0 : i32
      %dma_wait3A_335 = arith.constant 0 : i32
      %dma_wait3A_336 = tpu.memref_slice %arg9[%dma_wait3A_334, %dma_wait3A_335] : memref<10000x64xf32, #tpu.memory_space<vmem_shared>> -> memref<10000x64xf32, #tpu.memory_space<vmem_shared>>
      tpu.wait_indirect_dma semaphore(%arg13 : memref<!tpu.dma_semaphore, #tpu.memory_space<semaphore_mem>>) src(%dma_wait3A_336 : memref<10000x64xf32, #tpu.memory_space<vmem_shared>>) dst(%dma_wait3A_330 : memref<128x64xf32, #tpu.memory_space<vmem>>)
      %dma_start3A_337 = arith.constant 2 : i32
      %dma_start3A_338 = arith.constant 0 : i32
      %dma_start3A_339 = arith.constant 0 : i32
      %dma_start3A_340 = tpu.memref_slice %arg8[%dma_start3A_337, %dma_start3A_338, %dma_start3A_339] : memref<3x128x64xf32, #tpu.memory_space<vmem>> -> memref<1x128x64xf32, #tpu.memory_space<vmem>>
      %dma_start3A_341 = tpu.memref_squeeze %dma_start3A_340 : memref<1x128x64xf32, #tpu.memory_space<vmem>> -> memref<128x64xf32, #tpu.memory_space<vmem>>
      %dma_start3A_342 = arith.constant 0 : i32
      %dma_start3A_343 = tpu.memref_slice %arg7[%add3A_325, %dma_start3A_342] : memref<79x128xi32, #tpu.memory_space<vmem>> -> memref<1x128xi32, #tpu.memory_space<vmem>>
      %dma_start3A_344 = tpu.memref_squeeze %dma_start3A_343 : memref<1x128xi32, #tpu.memory_space<vmem>> -> memref<128xi32, #tpu.memory_space<vmem>>
      %dma_start3A_345 = arith.constant 0 : i32
      %dma_start3A_346 = arith.constant 0 : i32
      %dma_start3A_347 = tpu.memref_slice %arg10[%dma_start3A_345, %dma_start3A_346] : memref<10112x64xf32, #tpu.memory_space<vmem_shared>> -> memref<10112x64xf32, #tpu.memory_space<vmem_shared>>
      tpu.enqueue_indirect_dma source(%dma_start3A_341 : memref<128x64xf32, #tpu.memory_space<vmem>>) target(%dma_start3A_347 : memref<10112x64xf32, #tpu.memory_space<vmem_shared>>) offsets(%dma_start3A_344 : memref<128xi32, #tpu.memory_space<vmem>>) semaphore(%arg16 : memref<!tpu.dma_semaphore, #tpu.memory_space<semaphore_mem>>) {add = true}
      %sub3A_348 = arith.constant 1 : i32
      %sub3A_349 = arith.subi %add3A_325, %sub3A_348 : i32
      %dma_wait3A_350 = arith.constant 1 : i32
      %dma_wait3A_351 = arith.constant 0 : i32
      %dma_wait3A_352 = arith.constant 0 : i32
      %dma_wait3A_353 = tpu.memref_slice %arg8[%dma_wait3A_350, %dma_wait3A_351, %dma_wait3A_352] : memref<3x128x64xf32, #tpu.memory_space<vmem>> -> memref<1x128x64xf32, #tpu.memory_space<vmem>>
      %dma_wait3A_354 = tpu.memref_squeeze %dma_wait3A_353 : memref<1x128x64xf32, #tpu.memory_space<vmem>> -> memref<128x64xf32, #tpu.memory_space<vmem>>
      %dma_wait3A_355 = arith.constant 0 : i32
      %dma_wait3A_356 = tpu.memref_slice %arg7[%sub3A_349, %dma_wait3A_355] : memref<79x128xi32, #tpu.memory_space<vmem>> -> memref<1x128xi32, #tpu.memory_space<vmem>>
      %dma_wait3A_357 = tpu.memref_squeeze %dma_wait3A_356 : memref<1x128xi32, #tpu.memory_space<vmem>> -> memref<128xi32, #tpu.memory_space<vmem>>
      %dma_wait3A_358 = arith.constant 0 : i32
      %dma_wait3A_359 = arith.constant 0 : i32
      %dma_wait3A_360 = tpu.memref_slice %arg10[%dma_wait3A_358, %dma_wait3A_359] : memref<10112x64xf32, #tpu.memory_space<vmem_shared>> -> memref<10112x64xf32, #tpu.memory_space<vmem_shared>>
      tpu.wait_indirect_dma semaphore(%arg15 : memref<!tpu.dma_semaphore, #tpu.memory_space<semaphore_mem>>) src(%dma_wait3A_354 : memref<128x64xf32, #tpu.memory_space<vmem>>) dst(%dma_wait3A_360 : memref<10112x64xf32, #tpu.memory_space<vmem_shared>>)
      %add3A_361 = arith.constant 2 : i32
      %add3A_362 = arith.addi %add3A_325, %add3A_361 : i32
      %dma_start3A_363 = arith.constant 1 : i32
      %dma_start3A_364 = arith.constant 0 : i32
      %dma_start3A_365 = arith.constant 0 : i32
      %dma_start3A_366 = tpu.memref_slice %arg8[%dma_start3A_363, %dma_start3A_364, %dma_start3A_365] : memref<3x128x64xf32, #tpu.memory_space<vmem>> -> memref<1x128x64xf32, #tpu.memory_space<vmem>>
      %dma_start3A_367 = tpu.memref_squeeze %dma_start3A_366 : memref<1x128x64xf32, #tpu.memory_space<vmem>> -> memref<128x64xf32, #tpu.memory_space<vmem>>
      %dma_start3A_368 = arith.constant 0 : i32
      %dma_start3A_369 = tpu.memref_slice %arg6[%add3A_362, %dma_start3A_368] : memref<86x128xi32, #tpu.memory_space<vmem>> -> memref<1x128xi32, #tpu.memory_space<vmem>>
      %dma_start3A_370 = tpu.memref_squeeze %dma_start3A_369 : memref<1x128xi32, #tpu.memory_space<vmem>> -> memref<128xi32, #tpu.memory_space<vmem>>
      %dma_start3A_371 = arith.constant 0 : i32
      %dma_start3A_372 = arith.constant 0 : i32
      %dma_start3A_373 = tpu.memref_slice %arg9[%dma_start3A_371, %dma_start3A_372] : memref<10000x64xf32, #tpu.memory_space<vmem_shared>> -> memref<10000x64xf32, #tpu.memory_space<vmem_shared>>
      tpu.enqueue_indirect_dma source(%dma_start3A_373 : memref<10000x64xf32, #tpu.memory_space<vmem_shared>>) target(%dma_start3A_367 : memref<128x64xf32, #tpu.memory_space<vmem>>) offsets(%dma_start3A_370 : memref<128xi32, #tpu.memory_space<vmem>>) semaphore(%arg12 : memref<!tpu.dma_semaphore, #tpu.memory_space<semaphore_mem>>)
      %mul3A_374 = arith.constant 3 : i32
      %mul3A_375 = arith.muli %mul3A_374, %add3A_266 : i32
      %add3A_376 = arith.constant 1 : i32
      %add3A_377 = arith.addi %mul3A_375, %add3A_376 : i32
      %add3A_378 = arith.constant 2 : i32
      %add3A_379 = arith.addi %add3A_377, %add3A_378 : i32
      %dma_wait3A_380 = arith.constant 0 : i32
      %dma_wait3A_381 = arith.constant 0 : i32
      %dma_wait3A_382 = arith.constant 0 : i32
      %dma_wait3A_383 = tpu.memref_slice %arg8[%dma_wait3A_380, %dma_wait3A_381, %dma_wait3A_382] : memref<3x128x64xf32, #tpu.memory_space<vmem>> -> memref<1x128x64xf32, #tpu.memory_space<vmem>>
      %dma_wait3A_384 = tpu.memref_squeeze %dma_wait3A_383 : memref<1x128x64xf32, #tpu.memory_space<vmem>> -> memref<128x64xf32, #tpu.memory_space<vmem>>
      %dma_wait3A_385 = arith.constant 0 : i32
      %dma_wait3A_386 = tpu.memref_slice %arg6[%add3A_379, %dma_wait3A_385] : memref<86x128xi32, #tpu.memory_space<vmem>> -> memref<1x128xi32, #tpu.memory_space<vmem>>
      %dma_wait3A_387 = tpu.memref_squeeze %dma_wait3A_386 : memref<1x128xi32, #tpu.memory_space<vmem>> -> memref<128xi32, #tpu.memory_space<vmem>>
      %dma_wait3A_388 = arith.constant 0 : i32
      %dma_wait3A_389 = arith.constant 0 : i32
      %dma_wait3A_390 = tpu.memref_slice %arg9[%dma_wait3A_388, %dma_wait3A_389] : memref<10000x64xf32, #tpu.memory_space<vmem_shared>> -> memref<10000x64xf32, #tpu.memory_space<vmem_shared>>
      tpu.wait_indirect_dma semaphore(%arg11 : memref<!tpu.dma_semaphore, #tpu.memory_space<semaphore_mem>>) src(%dma_wait3A_390 : memref<10000x64xf32, #tpu.memory_space<vmem_shared>>) dst(%dma_wait3A_384 : memref<128x64xf32, #tpu.memory_space<vmem>>)
      %dma_start3A_391 = arith.constant 0 : i32
      %dma_start3A_392 = arith.constant 0 : i32
      %dma_start3A_393 = arith.constant 0 : i32
      %dma_start3A_394 = tpu.memref_slice %arg8[%dma_start3A_391, %dma_start3A_392, %dma_start3A_393] : memref<3x128x64xf32, #tpu.memory_space<vmem>> -> memref<1x128x64xf32, #tpu.memory_space<vmem>>
      %dma_start3A_395 = tpu.memref_squeeze %dma_start3A_394 : memref<1x128x64xf32, #tpu.memory_space<vmem>> -> memref<128x64xf32, #tpu.memory_space<vmem>>
      %dma_start3A_396 = arith.constant 0 : i32
      %dma_start3A_397 = tpu.memref_slice %arg7[%add3A_379, %dma_start3A_396] : memref<79x128xi32, #tpu.memory_space<vmem>> -> memref<1x128xi32, #tpu.memory_space<vmem>>
      %dma_start3A_398 = tpu.memref_squeeze %dma_start3A_397 : memref<1x128xi32, #tpu.memory_space<vmem>> -> memref<128xi32, #tpu.memory_space<vmem>>
      %dma_start3A_399 = arith.constant 0 : i32
      %dma_start3A_400 = arith.constant 0 : i32
      %dma_start3A_401 = tpu.memref_slice %arg10[%dma_start3A_399, %dma_start3A_400] : memref<10112x64xf32, #tpu.memory_space<vmem_shared>> -> memref<10112x64xf32, #tpu.memory_space<vmem_shared>>
      tpu.enqueue_indirect_dma source(%dma_start3A_395 : memref<128x64xf32, #tpu.memory_space<vmem>>) target(%dma_start3A_401 : memref<10112x64xf32, #tpu.memory_space<vmem_shared>>) offsets(%dma_start3A_398 : memref<128xi32, #tpu.memory_space<vmem>>) semaphore(%arg14 : memref<!tpu.dma_semaphore, #tpu.memory_space<semaphore_mem>>) {add = true}
      %sub3A_402 = arith.constant 1 : i32
      %sub3A_403 = arith.subi %add3A_379, %sub3A_402 : i32
      %dma_wait3A_404 = arith.constant 2 : i32
      %dma_wait3A_405 = arith.constant 0 : i32
      %dma_wait3A_406 = arith.constant 0 : i32
      %dma_wait3A_407 = tpu.memref_slice %arg8[%dma_wait3A_404, %dma_wait3A_405, %dma_wait3A_406] : memref<3x128x64xf32, #tpu.memory_space<vmem>> -> memref<1x128x64xf32, #tpu.memory_space<vmem>>
      %dma_wait3A_408 = tpu.memref_squeeze %dma_wait3A_407 : memref<1x128x64xf32, #tpu.memory_space<vmem>> -> memref<128x64xf32, #tpu.memory_space<vmem>>
      %dma_wait3A_409 = arith.constant 0 : i32
      %dma_wait3A_410 = tpu.memref_slice %arg7[%sub3A_403, %dma_wait3A_409] : memref<79x128xi32, #tpu.memory_space<vmem>> -> memref<1x128xi32, #tpu.memory_space<vmem>>
      %dma_wait3A_411 = tpu.memref_squeeze %dma_wait3A_410 : memref<1x128xi32, #tpu.memory_space<vmem>> -> memref<128xi32, #tpu.memory_space<vmem>>
      %dma_wait3A_412 = arith.constant 0 : i32
      %dma_wait3A_413 = arith.constant 0 : i32
      %dma_wait3A_414 = tpu.memref_slice %arg10[%dma_wait3A_412, %dma_wait3A_413] : memref<10112x64xf32, #tpu.memory_space<vmem_shared>> -> memref<10112x64xf32, #tpu.memory_space<vmem_shared>>
      tpu.wait_indirect_dma semaphore(%arg16 : memref<!tpu.dma_semaphore, #tpu.memory_space<semaphore_mem>>) src(%dma_wait3A_408 : memref<128x64xf32, #tpu.memory_space<vmem>>) dst(%dma_wait3A_414 : memref<10112x64xf32, #tpu.memory_space<vmem_shared>>)
      %add3A_415 = arith.constant 2 : i32
      %add3A_416 = arith.addi %add3A_379, %add3A_415 : i32
      %dma_start3A_417 = arith.constant 2 : i32
      %dma_start3A_418 = arith.constant 0 : i32
      %dma_start3A_419 = arith.constant 0 : i32
      %dma_start3A_420 = tpu.memref_slice %arg8[%dma_start3A_417, %dma_start3A_418, %dma_start3A_419] : memref<3x128x64xf32, #tpu.memory_space<vmem>> -> memref<1x128x64xf32, #tpu.memory_space<vmem>>
      %dma_start3A_421 = tpu.memref_squeeze %dma_start3A_420 : memref<1x128x64xf32, #tpu.memory_space<vmem>> -> memref<128x64xf32, #tpu.memory_space<vmem>>
      %dma_start3A_422 = arith.constant 0 : i32
      %dma_start3A_423 = tpu.memref_slice %arg6[%add3A_416, %dma_start3A_422] : memref<86x128xi32, #tpu.memory_space<vmem>> -> memref<1x128xi32, #tpu.memory_space<vmem>>
      %dma_start3A_424 = tpu.memref_squeeze %dma_start3A_423 : memref<1x128xi32, #tpu.memory_space<vmem>> -> memref<128xi32, #tpu.memory_space<vmem>>
      %dma_start3A_425 = arith.constant 0 : i32
      %dma_start3A_426 = arith.constant 0 : i32
      %dma_start3A_427 = tpu.memref_slice %arg9[%dma_start3A_425, %dma_start3A_426] : memref<10000x64xf32, #tpu.memory_space<vmem_shared>> -> memref<10000x64xf32, #tpu.memory_space<vmem_shared>>
      tpu.enqueue_indirect_dma source(%dma_start3A_427 : memref<10000x64xf32, #tpu.memory_space<vmem_shared>>) target(%dma_start3A_421 : memref<128x64xf32, #tpu.memory_space<vmem>>) offsets(%dma_start3A_424 : memref<128xi32, #tpu.memory_space<vmem>>) semaphore(%arg13 : memref<!tpu.dma_semaphore, #tpu.memory_space<semaphore_mem>>)
    }
    %scan3A_174 = arith.constant 25 : i32
    %dma_wait3A_175 = arith.constant 76 : i32
    %dma_wait3A_176 = arith.constant 1 : i32
    %dma_wait3A_177 = arith.constant 0 : i32
    %dma_wait3A_178 = arith.constant 0 : i32
    %dma_wait3A_179 = tpu.memref_slice %arg8[%dma_wait3A_176, %dma_wait3A_177, %dma_wait3A_178] : memref<3x128x64xf32, #tpu.memory_space<vmem>> -> memref<1x128x64xf32, #tpu.memory_space<vmem>>
    %dma_wait3A_180 = tpu.memref_squeeze %dma_wait3A_179 : memref<1x128x64xf32, #tpu.memory_space<vmem>> -> memref<128x64xf32, #tpu.memory_space<vmem>>
    %dma_wait3A_181 = arith.constant 0 : i32
    %dma_wait3A_182 = tpu.memref_slice %arg6[%dma_wait3A_175, %dma_wait3A_181] : memref<86x128xi32, #tpu.memory_space<vmem>> -> memref<1x128xi32, #tpu.memory_space<vmem>>
    %dma_wait3A_183 = tpu.memref_squeeze %dma_wait3A_182 : memref<1x128xi32, #tpu.memory_space<vmem>> -> memref<128xi32, #tpu.memory_space<vmem>>
    %dma_wait3A_184 = arith.constant 0 : i32
    %dma_wait3A_185 = arith.constant 0 : i32
    %dma_wait3A_186 = tpu.memref_slice %arg9[%dma_wait3A_184, %dma_wait3A_185] : memref<10000x64xf32, #tpu.memory_space<vmem_shared>> -> memref<10000x64xf32, #tpu.memory_space<vmem_shared>>
    tpu.wait_indirect_dma semaphore(%arg12 : memref<!tpu.dma_semaphore, #tpu.memory_space<semaphore_mem>>) src(%dma_wait3A_186 : memref<10000x64xf32, #tpu.memory_space<vmem_shared>>) dst(%dma_wait3A_180 : memref<128x64xf32, #tpu.memory_space<vmem>>)
    %dma_start3A_187 = arith.constant 1 : i32
    %dma_start3A_188 = arith.constant 76 : i32
    %dma_start3A_189 = arith.constant 0 : i32
    %dma_start3A_190 = arith.constant 0 : i32
    %dma_start3A_191 = tpu.memref_slice %arg8[%dma_start3A_187, %dma_start3A_189, %dma_start3A_190] : memref<3x128x64xf32, #tpu.memory_space<vmem>> -> memref<1x128x64xf32, #tpu.memory_space<vmem>>
    %dma_start3A_192 = tpu.memref_squeeze %dma_start3A_191 : memref<1x128x64xf32, #tpu.memory_space<vmem>> -> memref<128x64xf32, #tpu.memory_space<vmem>>
    %dma_start3A_193 = arith.constant 0 : i32
    %dma_start3A_194 = tpu.memref_slice %arg7[%dma_start3A_188, %dma_start3A_193] : memref<79x128xi32, #tpu.memory_space<vmem>> -> memref<1x128xi32, #tpu.memory_space<vmem>>
    %dma_start3A_195 = tpu.memref_squeeze %dma_start3A_194 : memref<1x128xi32, #tpu.memory_space<vmem>> -> memref<128xi32, #tpu.memory_space<vmem>>
    %dma_start3A_196 = arith.constant 0 : i32
    %dma_start3A_197 = arith.constant 0 : i32
    %dma_start3A_198 = tpu.memref_slice %arg10[%dma_start3A_196, %dma_start3A_197] : memref<10112x64xf32, #tpu.memory_space<vmem_shared>> -> memref<10112x64xf32, #tpu.memory_space<vmem_shared>>
    tpu.enqueue_indirect_dma source(%dma_start3A_192 : memref<128x64xf32, #tpu.memory_space<vmem>>) target(%dma_start3A_198 : memref<10112x64xf32, #tpu.memory_space<vmem_shared>>) offsets(%dma_start3A_195 : memref<128xi32, #tpu.memory_space<vmem>>) semaphore(%arg15 : memref<!tpu.dma_semaphore, #tpu.memory_space<semaphore_mem>>) {add = true}
    %dma_wait3A_199 = arith.constant 77 : i32
    %dma_wait3A_200 = arith.constant 2 : i32
    %dma_wait3A_201 = arith.constant 0 : i32
    %dma_wait3A_202 = arith.constant 0 : i32
    %dma_wait3A_203 = tpu.memref_slice %arg8[%dma_wait3A_200, %dma_wait3A_201, %dma_wait3A_202] : memref<3x128x64xf32, #tpu.memory_space<vmem>> -> memref<1x128x64xf32, #tpu.memory_space<vmem>>
    %dma_wait3A_204 = tpu.memref_squeeze %dma_wait3A_203 : memref<1x128x64xf32, #tpu.memory_space<vmem>> -> memref<128x64xf32, #tpu.memory_space<vmem>>
    %dma_wait3A_205 = arith.constant 0 : i32
    %dma_wait3A_206 = tpu.memref_slice %arg6[%dma_wait3A_199, %dma_wait3A_205] : memref<86x128xi32, #tpu.memory_space<vmem>> -> memref<1x128xi32, #tpu.memory_space<vmem>>
    %dma_wait3A_207 = tpu.memref_squeeze %dma_wait3A_206 : memref<1x128xi32, #tpu.memory_space<vmem>> -> memref<128xi32, #tpu.memory_space<vmem>>
    %dma_wait3A_208 = arith.constant 0 : i32
    %dma_wait3A_209 = arith.constant 0 : i32
    %dma_wait3A_210 = tpu.memref_slice %arg9[%dma_wait3A_208, %dma_wait3A_209] : memref<10000x64xf32, #tpu.memory_space<vmem_shared>> -> memref<10000x64xf32, #tpu.memory_space<vmem_shared>>
    tpu.wait_indirect_dma semaphore(%arg13 : memref<!tpu.dma_semaphore, #tpu.memory_space<semaphore_mem>>) src(%dma_wait3A_210 : memref<10000x64xf32, #tpu.memory_space<vmem_shared>>) dst(%dma_wait3A_204 : memref<128x64xf32, #tpu.memory_space<vmem>>)
    %dma_start3A_211 = arith.constant 2 : i32
    %dma_start3A_212 = arith.constant 77 : i32
    %dma_start3A_213 = arith.constant 0 : i32
    %dma_start3A_214 = arith.constant 0 : i32
    %dma_start3A_215 = tpu.memref_slice %arg8[%dma_start3A_211, %dma_start3A_213, %dma_start3A_214] : memref<3x128x64xf32, #tpu.memory_space<vmem>> -> memref<1x128x64xf32, #tpu.memory_space<vmem>>
    %dma_start3A_216 = tpu.memref_squeeze %dma_start3A_215 : memref<1x128x64xf32, #tpu.memory_space<vmem>> -> memref<128x64xf32, #tpu.memory_space<vmem>>
    %dma_start3A_217 = arith.constant 0 : i32
    %dma_start3A_218 = tpu.memref_slice %arg7[%dma_start3A_212, %dma_start3A_217] : memref<79x128xi32, #tpu.memory_space<vmem>> -> memref<1x128xi32, #tpu.memory_space<vmem>>
    %dma_start3A_219 = tpu.memref_squeeze %dma_start3A_218 : memref<1x128xi32, #tpu.memory_space<vmem>> -> memref<128xi32, #tpu.memory_space<vmem>>
    %dma_start3A_220 = arith.constant 0 : i32
    %dma_start3A_221 = arith.constant 0 : i32
    %dma_start3A_222 = tpu.memref_slice %arg10[%dma_start3A_220, %dma_start3A_221] : memref<10112x64xf32, #tpu.memory_space<vmem_shared>> -> memref<10112x64xf32, #tpu.memory_space<vmem_shared>>
    tpu.enqueue_indirect_dma source(%dma_start3A_216 : memref<128x64xf32, #tpu.memory_space<vmem>>) target(%dma_start3A_222 : memref<10112x64xf32, #tpu.memory_space<vmem_shared>>) offsets(%dma_start3A_219 : memref<128xi32, #tpu.memory_space<vmem>>) semaphore(%arg16 : memref<!tpu.dma_semaphore, #tpu.memory_space<semaphore_mem>>) {add = true}
    %dma_wait3A_223 = arith.constant 0 : i32
    %dma_wait3A_224 = arith.constant 75 : i32
    %dma_wait3A_225 = arith.constant 0 : i32
    %dma_wait3A_226 = arith.constant 0 : i32
    %dma_wait3A_227 = tpu.memref_slice %arg8[%dma_wait3A_223, %dma_wait3A_225, %dma_wait3A_226] : memref<3x128x64xf32, #tpu.memory_space<vmem>> -> memref<1x128x64xf32, #tpu.memory_space<vmem>>
    %dma_wait3A_228 = tpu.memref_squeeze %dma_wait3A_227 : memref<1x128x64xf32, #tpu.memory_space<vmem>> -> memref<128x64xf32, #tpu.memory_space<vmem>>
    %dma_wait3A_229 = arith.constant 0 : i32
    %dma_wait3A_230 = tpu.memref_slice %arg7[%dma_wait3A_224, %dma_wait3A_229] : memref<79x128xi32, #tpu.memory_space<vmem>> -> memref<1x128xi32, #tpu.memory_space<vmem>>
    %dma_wait3A_231 = tpu.memref_squeeze %dma_wait3A_230 : memref<1x128xi32, #tpu.memory_space<vmem>> -> memref<128xi32, #tpu.memory_space<vmem>>
    %dma_wait3A_232 = arith.constant 0 : i32
    %dma_wait3A_233 = arith.constant 0 : i32
    %dma_wait3A_234 = tpu.memref_slice %arg10[%dma_wait3A_232, %dma_wait3A_233] : memref<10112x64xf32, #tpu.memory_space<vmem_shared>> -> memref<10112x64xf32, #tpu.memory_space<vmem_shared>>
    tpu.wait_indirect_dma semaphore(%arg14 : memref<!tpu.dma_semaphore, #tpu.memory_space<semaphore_mem>>) src(%dma_wait3A_228 : memref<128x64xf32, #tpu.memory_space<vmem>>) dst(%dma_wait3A_234 : memref<10112x64xf32, #tpu.memory_space<vmem_shared>>)
    %dma_wait3A_235 = arith.constant 1 : i32
    %dma_wait3A_236 = arith.constant 76 : i32
    %dma_wait3A_237 = arith.constant 0 : i32
    %dma_wait3A_238 = arith.constant 0 : i32
    %dma_wait3A_239 = tpu.memref_slice %arg8[%dma_wait3A_235, %dma_wait3A_237, %dma_wait3A_238] : memref<3x128x64xf32, #tpu.memory_space<vmem>> -> memref<1x128x64xf32, #tpu.memory_space<vmem>>
    %dma_wait3A_240 = tpu.memref_squeeze %dma_wait3A_239 : memref<1x128x64xf32, #tpu.memory_space<vmem>> -> memref<128x64xf32, #tpu.memory_space<vmem>>
    %dma_wait3A_241 = arith.constant 0 : i32
    %dma_wait3A_242 = tpu.memref_slice %arg7[%dma_wait3A_236, %dma_wait3A_241] : memref<79x128xi32, #tpu.memory_space<vmem>> -> memref<1x128xi32, #tpu.memory_space<vmem>>
    %dma_wait3A_243 = tpu.memref_squeeze %dma_wait3A_242 : memref<1x128xi32, #tpu.memory_space<vmem>> -> memref<128xi32, #tpu.memory_space<vmem>>
    %dma_wait3A_244 = arith.constant 0 : i32
    %dma_wait3A_245 = arith.constant 0 : i32
    %dma_wait3A_246 = tpu.memref_slice %arg10[%dma_wait3A_244, %dma_wait3A_245] : memref<10112x64xf32, #tpu.memory_space<vmem_shared>> -> memref<10112x64xf32, #tpu.memory_space<vmem_shared>>
    tpu.wait_indirect_dma semaphore(%arg15 : memref<!tpu.dma_semaphore, #tpu.memory_space<semaphore_mem>>) src(%dma_wait3A_240 : memref<128x64xf32, #tpu.memory_space<vmem>>) dst(%dma_wait3A_246 : memref<10112x64xf32, #tpu.memory_space<vmem_shared>>)
    %dma_wait3A_247 = arith.constant 2 : i32
    %dma_wait3A_248 = arith.constant 77 : i32
    %dma_wait3A_249 = arith.constant 0 : i32
    %dma_wait3A_250 = arith.constant 0 : i32
    %dma_wait3A_251 = tpu.memref_slice %arg8[%dma_wait3A_247, %dma_wait3A_249, %dma_wait3A_250] : memref<3x128x64xf32, #tpu.memory_space<vmem>> -> memref<1x128x64xf32, #tpu.memory_space<vmem>>
    %dma_wait3A_252 = tpu.memref_squeeze %dma_wait3A_251 : memref<1x128x64xf32, #tpu.memory_space<vmem>> -> memref<128x64xf32, #tpu.memory_space<vmem>>
    %dma_wait3A_253 = arith.constant 0 : i32
    %dma_wait3A_254 = tpu.memref_slice %arg7[%dma_wait3A_248, %dma_wait3A_253] : memref<79x128xi32, #tpu.memory_space<vmem>> -> memref<1x128xi32, #tpu.memory_space<vmem>>
    %dma_wait3A_255 = tpu.memref_squeeze %dma_wait3A_254 : memref<1x128xi32, #tpu.memory_space<vmem>> -> memref<128xi32, #tpu.memory_space<vmem>>
    %dma_wait3A_256 = arith.constant 0 : i32
    %dma_wait3A_257 = arith.constant 0 : i32
    %dma_wait3A_258 = tpu.memref_slice %arg10[%dma_wait3A_256, %dma_wait3A_257] : memref<10112x64xf32, #tpu.memory_space<vmem_shared>> -> memref<10112x64xf32, #tpu.memory_space<vmem_shared>>
    tpu.wait_indirect_dma semaphore(%arg16 : memref<!tpu.dma_semaphore, #tpu.memory_space<semaphore_mem>>) src(%dma_wait3A_252 : memref<128x64xf32, #tpu.memory_space<vmem>>) dst(%dma_wait3A_258 : memref<10112x64xf32, #tpu.memory_space<vmem_shared>>)
    %barrier3A_259 = arith.constant 0 : index
    tpu.barrier barrier_id(%barrier3A_259)
    %mul3A_260 = arith.constant 64 : i32
    %mul3A_261 = arith.muli %mul3A_260, %arg0 : i32
    "tpu.region"() ({
      %run_scoped3A = tpu.sem_alloc : memref<!tpu.dma_semaphore, #tpu.memory_space<semaphore_mem>>
      %dma_start3A_262 = tpu.memref_slice %arg5[%mul3A_2, %mul3A_261] : memref<10112x128xf32, #tpu.memory_space<hbm>> -> memref<632x64xf32, #tpu.memory_space<hbm>>
      %dma_start3A_263 = arith.constant 0 : i32
      %dma_start3A_264 = tpu.memref_slice %arg10[%mul3A_2, %dma_start3A_263] : memref<10112x64xf32, #tpu.memory_space<vmem_shared>> -> memref<632x64xf32, #tpu.memory_space<vmem_shared>>
      tpu.enqueue_dma source(%dma_start3A_264 : memref<632x64xf32, #tpu.memory_space<vmem_shared>>) target(%dma_start3A_262 : memref<632x64xf32, #tpu.memory_space<hbm>>) target_semaphore(%run_scoped3A : memref<!tpu.dma_semaphore, #tpu.memory_space<semaphore_mem>>)
      %dma_wait3A_265 = tpu.memref_slice %arg5[%mul3A_2, %mul3A_261] : memref<10112x128xf32, #tpu.memory_space<hbm>> -> memref<632x64xf32, #tpu.memory_space<hbm>>
      %dma_wait3A_266 = arith.constant 0 : i32
      %dma_wait3A_267 = tpu.memref_slice %arg10[%mul3A_2, %dma_wait3A_266] : memref<10112x64xf32, #tpu.memory_space<vmem_shared>> -> memref<632x64xf32, #tpu.memory_space<vmem_shared>>
      tpu.wait_dma2 semaphore(%run_scoped3A : memref<!tpu.dma_semaphore, #tpu.memory_space<semaphore_mem>>) src(%dma_wait3A_267 : memref<632x64xf32, #tpu.memory_space<vmem_shared>>) dst(%dma_wait3A_265 : memref<632x64xf32, #tpu.memory_space<hbm>>)
      tpu.yield
    }) : () -> ()
    return
  }
}

#map = affine_map<(d0, d1) -> (0, 0)>
#map1 = affine_map<(d0, d1) -> (0, 0, 0)>
module attributes {stable_mosaic.version = 14 : i64} {
  func.func @k(%arg0: i32, %arg1: i32, %arg2: memref<10000x128xf32, #tpu.memory_space<hbm>>, %arg3: memref<2x2500x128xi32, #tpu.memory_space<hbm>>, %arg4: memref<10112x64xf32, #tpu.memory_space<hbm>>, %arg5: memref<10112x128xf32, #tpu.memory_space<hbm>>, %arg6: memref<86x128xi32, #tpu.memory_space<vmem>>, %arg7: memref<79x128xi32, #tpu.memory_space<vmem>>, %arg8: memref<3x128x64xf32, #tpu.memory_space<vmem>>, %arg9: memref<10000x64xf32, #tpu.memory_space<vmem_shared>>, %arg10: memref<10112x64xf32, #tpu.memory_space<vmem_shared>>, %arg11: memref<!tpu.dma_semaphore, #tpu.memory_space<semaphore_mem>>, %arg12: memref<!tpu.dma_semaphore, #tpu.memory_space<semaphore_mem>>, %arg13: memref<!tpu.dma_semaphore, #tpu.memory_space<semaphore_mem>>, %arg14: memref<!tpu.dma_semaphore, #tpu.memory_space<semaphore_mem>>, %arg15: memref<!tpu.dma_semaphore, #tpu.memory_space<semaphore_mem>>, %arg16: memref<!tpu.dma_semaphore, #tpu.memory_space<semaphore_mem>>) attributes {dimension_semantics = [#tpu.dimension_semantics<core_parallel>, #tpu.dimension_semantics<subcore_parallel>], iteration_bounds = array<i64: 2, 16>, scalar_prefetch = 0 : i64, scratch_operands = 11 : i64, tpu.core_type = #tpu.core_type<sc_vector_subcore>, window_params = [{transform_indices = #map}, {transform_indices = #map1}, {transform_indices = #map}, {transform_indices = #map}]} {
    %mul3A = arith.constant 16 : i32
    %mul3A_0 = arith.muli %arg0, %mul3A : i32
    %add3A = arith.addi %mul3A_0, %arg1 : i32
    %mul3A_1 = arith.constant 632 : i32
    %mul3A_2 = arith.muli %arg1, %mul3A_1 : i32
    %mul3A_3 = arith.constant 632 : i32
    %mul3A_4 = arith.muli %arg1, %mul3A_3 : i32
    %min3A = arith.constant 9368 : i32
    %min3A_5 = arith.minsi %mul3A_4, %min3A : i32
    %dma_start3A = arith.constant 0 : i32
    %dma_start3A_6 = tpu.memref_slice %arg9[%min3A_5, %dma_start3A] : memref<10000x64xf32, #tpu.memory_space<vmem_shared>> -> memref<632x64xf32, #tpu.memory_space<vmem_shared>>
    %dma_start3A_7 = arith.constant 0 : i32
    %dma_start3A_8 = tpu.memref_slice %arg2[%min3A_5, %dma_start3A_7] : memref<10000x128xf32, #tpu.memory_space<hbm>> -> memref<632x64xf32, #tpu.memory_space<hbm>>
    tpu.enqueue_dma source(%dma_start3A_8 : memref<632x64xf32, #tpu.memory_space<hbm>>) target(%dma_start3A_6 : memref<632x64xf32, #tpu.memory_space<vmem_shared>>) target_semaphore(%arg11 : memref<!tpu.dma_semaphore, #tpu.memory_space<semaphore_mem>>)
    %dma_start3A_9 = arith.constant 0 : i32
    %dma_start3A_10 = tpu.memref_slice %arg10[%mul3A_2, %dma_start3A_9] : memref<10112x64xf32, #tpu.memory_space<vmem_shared>> -> memref<632x64xf32, #tpu.memory_space<vmem_shared>>
    %dma_start3A_11 = arith.constant 0 : i32
    %dma_start3A_12 = tpu.memref_slice %arg4[%mul3A_2, %dma_start3A_11] : memref<10112x64xf32, #tpu.memory_space<hbm>> -> memref<632x64xf32, #tpu.memory_space<hbm>>
    tpu.enqueue_dma source(%dma_start3A_12 : memref<632x64xf32, #tpu.memory_space<hbm>>) target(%dma_start3A_10 : memref<632x64xf32, #tpu.memory_space<vmem_shared>>) target_semaphore(%arg13 : memref<!tpu.dma_semaphore, #tpu.memory_space<semaphore_mem>>)
    %mul3A_13 = arith.constant 78 : i32
    %mul3A_14 = arith.muli %add3A, %mul3A_13 : i32
    %dma_start3A_15 = arith.constant 0 : i32
    %dma_start3A_16 = arith.constant 0 : i32
    %dma_start3A_17 = arith.constant 0 : i32
    %dma_start3A_18 = tpu.memref_slice %arg6[%dma_start3A_16, %dma_start3A_17] : memref<86x128xi32, #tpu.memory_space<vmem>> -> memref<78x128xi32, #tpu.memory_space<vmem>>
    %dma_start3A_19 = arith.constant 0 : i32
    %dma_start3A_20 = tpu.memref_slice %arg3[%dma_start3A_15, %mul3A_14, %dma_start3A_19] : memref<2x2500x128xi32, #tpu.memory_space<hbm>> -> memref<1x78x128xi32, #tpu.memory_space<hbm>>
    %dma_start3A_21 = tpu.memref_squeeze %dma_start3A_20 : memref<1x78x128xi32, #tpu.memory_space<hbm>> -> memref<78x128xi32, #tpu.memory_space<hbm>>
    %dma_start3A_22 = arith.constant 0 : i32
    %dma_start3A_23 = arith.constant 0 : i32
    %dma_start3A_24 = tpu.memref_slice %arg6[%dma_start3A_22, %dma_start3A_23] : memref<86x128xi32, #tpu.memory_space<vmem>> -> memref<78x128xi32, #tpu.memory_space<vmem>>
    %dma_start3A_25 = arith.constant 0 : i32
    %dma_start3A_26 = tpu.memref_slice %arg3[%dma_start3A_15, %mul3A_14, %dma_start3A_25] : memref<2x2500x128xi32, #tpu.memory_space<hbm>> -> memref<1x78x128xi32, #tpu.memory_space<hbm>>
    %dma_start3A_27 = tpu.memref_squeeze %dma_start3A_26 : memref<1x78x128xi32, #tpu.memory_space<hbm>> -> memref<78x128xi32, #tpu.memory_space<hbm>>
    tpu.enqueue_dma source(%dma_start3A_27 : memref<78x128xi32, #tpu.memory_space<hbm>>) target(%dma_start3A_24 : memref<78x128xi32, #tpu.memory_space<vmem>>) target_semaphore(%arg14 : memref<!tpu.dma_semaphore, #tpu.memory_space<semaphore_mem>>)
    %mul3A_28 = arith.constant 78 : i32
    %mul3A_29 = arith.muli %add3A, %mul3A_28 : i32
    %dma_start3A_30 = arith.constant 0 : i32
    %dma_start3A_31 = arith.constant 78 : i32
    %dma_start3A_32 = arith.constant 0 : i32
    %dma_start3A_33 = tpu.memref_slice %arg6[%dma_start3A_31, %dma_start3A_32] : memref<86x128xi32, #tpu.memory_space<vmem>> -> memref<8x128xi32, #tpu.memory_space<vmem>>
    %dma_start3A_34 = arith.constant 0 : i32
    %dma_start3A_35 = tpu.memref_slice %arg3[%dma_start3A_30, %mul3A_29, %dma_start3A_34] : memref<2x2500x128xi32, #tpu.memory_space<hbm>> -> memref<1x8x128xi32, #tpu.memory_space<hbm>>
    %dma_start3A_36 = tpu.memref_squeeze %dma_start3A_35 : memref<1x8x128xi32, #tpu.memory_space<hbm>> -> memref<8x128xi32, #tpu.memory_space<hbm>>
    %dma_start3A_37 = arith.constant 78 : i32
    %dma_start3A_38 = arith.constant 0 : i32
    %dma_start3A_39 = tpu.memref_slice %arg6[%dma_start3A_37, %dma_start3A_38] : memref<86x128xi32, #tpu.memory_space<vmem>> -> memref<8x128xi32, #tpu.memory_space<vmem>>
    %dma_start3A_40 = arith.constant 0 : i32
    %dma_start3A_41 = tpu.memref_slice %arg3[%dma_start3A_30, %mul3A_29, %dma_start3A_40] : memref<2x2500x128xi32, #tpu.memory_space<hbm>> -> memref<1x8x128xi32, #tpu.memory_space<hbm>>
    %dma_start3A_42 = tpu.memref_squeeze %dma_start3A_41 : memref<1x8x128xi32, #tpu.memory_space<hbm>> -> memref<8x128xi32, #tpu.memory_space<hbm>>
    tpu.enqueue_dma source(%dma_start3A_42 : memref<8x128xi32, #tpu.memory_space<hbm>>) target(%dma_start3A_39 : memref<8x128xi32, #tpu.memory_space<vmem>>) target_semaphore(%arg15 : memref<!tpu.dma_semaphore, #tpu.memory_space<semaphore_mem>>)
    %mul3A_43 = arith.constant 78 : i32
    %mul3A_44 = arith.muli %add3A, %mul3A_43 : i32
    %dma_start3A_45 = arith.constant 1 : i32
    %dma_start3A_46 = arith.constant 0 : i32
    %dma_start3A_47 = arith.constant 0 : i32
    %dma_start3A_48 = tpu.memref_slice %arg7[%dma_start3A_46, %dma_start3A_47] : memref<79x128xi32, #tpu.memory_space<vmem>> -> memref<78x128xi32, #tpu.memory_space<vmem>>
    %dma_start3A_49 = arith.constant 0 : i32
    %dma_start3A_50 = tpu.memref_slice %arg3[%dma_start3A_45, %mul3A_44, %dma_start3A_49] : memref<2x2500x128xi32, #tpu.memory_space<hbm>> -> memref<1x78x128xi32, #tpu.memory_space<hbm>>
    %dma_start3A_51 = tpu.memref_squeeze %dma_start3A_50 : memref<1x78x128xi32, #tpu.memory_space<hbm>> -> memref<78x128xi32, #tpu.memory_space<hbm>>
    %dma_start3A_52 = arith.constant 0 : i32
    %dma_start3A_53 = arith.constant 0 : i32
    %dma_start3A_54 = tpu.memref_slice %arg7[%dma_start3A_52, %dma_start3A_53] : memref<79x128xi32, #tpu.memory_space<vmem>> -> memref<78x128xi32, #tpu.memory_space<vmem>>
    %dma_start3A_55 = arith.constant 0 : i32
    %dma_start3A_56 = tpu.memref_slice %arg3[%dma_start3A_45, %mul3A_44, %dma_start3A_55] : memref<2x2500x128xi32, #tpu.memory_space<hbm>> -> memref<1x78x128xi32, #tpu.memory_space<hbm>>
    %dma_start3A_57 = tpu.memref_squeeze %dma_start3A_56 : memref<1x78x128xi32, #tpu.memory_space<hbm>> -> memref<78x128xi32, #tpu.memory_space<hbm>>
    tpu.enqueue_dma source(%dma_start3A_57 : memref<78x128xi32, #tpu.memory_space<hbm>>) target(%dma_start3A_54 : memref<78x128xi32, #tpu.memory_space<vmem>>) target_semaphore(%arg16 : memref<!tpu.dma_semaphore, #tpu.memory_space<semaphore_mem>>)
    %lt3A = arith.constant 4 : i32
    %lt3A_58 = arith.cmpi slt, %add3A, %lt3A : i32
    %convert_element_type3A = arith.extui %lt3A_58 : i1 to i32
    %cond3A = arith.constant 0 : i32
    %cond3A_59 = arith.cmpi ne, %convert_element_type3A, %cond3A : i32
    scf.if %cond3A_59 {
      %add3A_262 = arith.constant 2496 : i32
      %add3A_263 = arith.addi %add3A_262, %add3A : i32
      %run_scoped3A = arith.constant 0 : i32
      "tpu.region"() ({
        %run_scoped3A_267 = tpu.sem_alloc : memref<!tpu.dma_semaphore, #tpu.memory_space<semaphore_mem>>
        %dma_start3A_268 = arith.constant 82 : i32
        %dma_start3A_269 = arith.constant 0 : i32
        %dma_start3A_270 = tpu.memref_slice %arg6[%dma_start3A_268, %dma_start3A_269] : memref<86x128xi32, #tpu.memory_space<vmem>> -> memref<1x128xi32, #tpu.memory_space<vmem>>
        %dma_start3A_271 = arith.constant 0 : i32
        %dma_start3A_272 = tpu.memref_slice %arg3[%run_scoped3A, %add3A_263, %dma_start3A_271] : memref<2x2500x128xi32, #tpu.memory_space<hbm>> -> memref<1x1x128xi32, #tpu.memory_space<hbm>>
        %dma_start3A_273 = tpu.memref_squeeze %dma_start3A_272 : memref<1x1x128xi32, #tpu.memory_space<hbm>> -> memref<1x128xi32, #tpu.memory_space<hbm>>
        %dma_start3A_274 = arith.constant 82 : i32
        %dma_start3A_275 = arith.constant 0 : i32
        %dma_start3A_276 = tpu.memref_slice %arg6[%dma_start3A_274, %dma_start3A_275] : memref<86x128xi32, #tpu.memory_space<vmem>> -> memref<1x128xi32, #tpu.memory_space<vmem>>
        %dma_start3A_277 = arith.constant 0 : i32
        %dma_start3A_278 = tpu.memref_slice %arg3[%run_scoped3A, %add3A_263, %dma_start3A_277] : memref<2x2500x128xi32, #tpu.memory_space<hbm>> -> memref<1x1x128xi32, #tpu.memory_space<hbm>>
        %dma_start3A_279 = tpu.memref_squeeze %dma_start3A_278 : memref<1x1x128xi32, #tpu.memory_space<hbm>> -> memref<1x128xi32, #tpu.memory_space<hbm>>
        tpu.enqueue_dma source(%dma_start3A_279 : memref<1x128xi32, #tpu.memory_space<hbm>>) target(%dma_start3A_276 : memref<1x128xi32, #tpu.memory_space<vmem>>) target_semaphore(%run_scoped3A_267 : memref<!tpu.dma_semaphore, #tpu.memory_space<semaphore_mem>>)
        %dma_wait3A_280 = arith.constant 82 : i32
        %dma_wait3A_281 = arith.constant 0 : i32
        %dma_wait3A_282 = tpu.memref_slice %arg6[%dma_wait3A_280, %dma_wait3A_281] : memref<86x128xi32, #tpu.memory_space<vmem>> -> memref<1x128xi32, #tpu.memory_space<vmem>>
        %dma_wait3A_283 = arith.constant 0 : i32
        %dma_wait3A_284 = tpu.memref_slice %arg3[%run_scoped3A, %add3A_263, %dma_wait3A_283] : memref<2x2500x128xi32, #tpu.memory_space<hbm>> -> memref<1x1x128xi32, #tpu.memory_space<hbm>>
        %dma_wait3A_285 = tpu.memref_squeeze %dma_wait3A_284 : memref<1x1x128xi32, #tpu.memory_space<hbm>> -> memref<1x128xi32, #tpu.memory_space<hbm>>
        %dma_wait3A_286 = arith.constant 82 : i32
        %dma_wait3A_287 = arith.constant 0 : i32
        %dma_wait3A_288 = tpu.memref_slice %arg6[%dma_wait3A_286, %dma_wait3A_287] : memref<86x128xi32, #tpu.memory_space<vmem>> -> memref<1x128xi32, #tpu.memory_space<vmem>>
        %dma_wait3A_289 = arith.constant 0 : i32
        %dma_wait3A_290 = tpu.memref_slice %arg3[%run_scoped3A, %add3A_263, %dma_wait3A_289] : memref<2x2500x128xi32, #tpu.memory_space<hbm>> -> memref<1x1x128xi32, #tpu.memory_space<hbm>>
        %dma_wait3A_291 = tpu.memref_squeeze %dma_wait3A_290 : memref<1x1x128xi32, #tpu.memory_space<hbm>> -> memref<1x128xi32, #tpu.memory_space<hbm>>
        tpu.wait_dma2 semaphore(%run_scoped3A_267 : memref<!tpu.dma_semaphore, #tpu.memory_space<semaphore_mem>>) src(%dma_wait3A_291 : memref<1x128xi32, #tpu.memory_space<hbm>>) dst(%dma_wait3A_288 : memref<1x128xi32, #tpu.memory_space<vmem>>)
        tpu.yield
      }) : () -> ()
      %add3A_264 = arith.constant 2496 : i32
      %add3A_265 = arith.addi %add3A_264, %add3A : i32
      %run_scoped3A_266 = arith.constant 1 : i32
      "tpu.region"() ({
        %run_scoped3A_267 = tpu.sem_alloc : memref<!tpu.dma_semaphore, #tpu.memory_space<semaphore_mem>>
        %dma_start3A_268 = arith.constant 78 : i32
        %dma_start3A_269 = arith.constant 0 : i32
        %dma_start3A_270 = tpu.memref_slice %arg7[%dma_start3A_268, %dma_start3A_269] : memref<79x128xi32, #tpu.memory_space<vmem>> -> memref<1x128xi32, #tpu.memory_space<vmem>>
        %dma_start3A_271 = arith.constant 0 : i32
        %dma_start3A_272 = tpu.memref_slice %arg3[%run_scoped3A_266, %add3A_265, %dma_start3A_271] : memref<2x2500x128xi32, #tpu.memory_space<hbm>> -> memref<1x1x128xi32, #tpu.memory_space<hbm>>
        %dma_start3A_273 = tpu.memref_squeeze %dma_start3A_272 : memref<1x1x128xi32, #tpu.memory_space<hbm>> -> memref<1x128xi32, #tpu.memory_space<hbm>>
        %dma_start3A_274 = arith.constant 78 : i32
        %dma_start3A_275 = arith.constant 0 : i32
        %dma_start3A_276 = tpu.memref_slice %arg7[%dma_start3A_274, %dma_start3A_275] : memref<79x128xi32, #tpu.memory_space<vmem>> -> memref<1x128xi32, #tpu.memory_space<vmem>>
        %dma_start3A_277 = arith.constant 0 : i32
        %dma_start3A_278 = tpu.memref_slice %arg3[%run_scoped3A_266, %add3A_265, %dma_start3A_277] : memref<2x2500x128xi32, #tpu.memory_space<hbm>> -> memref<1x1x128xi32, #tpu.memory_space<hbm>>
        %dma_start3A_279 = tpu.memref_squeeze %dma_start3A_278 : memref<1x1x128xi32, #tpu.memory_space<hbm>> -> memref<1x128xi32, #tpu.memory_space<hbm>>
        tpu.enqueue_dma source(%dma_start3A_279 : memref<1x128xi32, #tpu.memory_space<hbm>>) target(%dma_start3A_276 : memref<1x128xi32, #tpu.memory_space<vmem>>) target_semaphore(%run_scoped3A_267 : memref<!tpu.dma_semaphore, #tpu.memory_space<semaphore_mem>>)
        %dma_wait3A_280 = arith.constant 78 : i32
        %dma_wait3A_281 = arith.constant 0 : i32
        %dma_wait3A_282 = tpu.memref_slice %arg7[%dma_wait3A_280, %dma_wait3A_281] : memref<79x128xi32, #tpu.memory_space<vmem>> -> memref<1x128xi32, #tpu.memory_space<vmem>>
        %dma_wait3A_283 = arith.constant 0 : i32
        %dma_wait3A_284 = tpu.memref_slice %arg3[%run_scoped3A_266, %add3A_265, %dma_wait3A_283] : memref<2x2500x128xi32, #tpu.memory_space<hbm>> -> memref<1x1x128xi32, #tpu.memory_space<hbm>>
        %dma_wait3A_285 = tpu.memref_squeeze %dma_wait3A_284 : memref<1x1x128xi32, #tpu.memory_space<hbm>> -> memref<1x128xi32, #tpu.memory_space<hbm>>
        %dma_wait3A_286 = arith.constant 78 : i32
        %dma_wait3A_287 = arith.constant 0 : i32
        %dma_wait3A_288 = tpu.memref_slice %arg7[%dma_wait3A_286, %dma_wait3A_287] : memref<79x128xi32, #tpu.memory_space<vmem>> -> memref<1x128xi32, #tpu.memory_space<vmem>>
        %dma_wait3A_289 = arith.constant 0 : i32
        %dma_wait3A_290 = tpu.memref_slice %arg3[%run_scoped3A_266, %add3A_265, %dma_wait3A_289] : memref<2x2500x128xi32, #tpu.memory_space<hbm>> -> memref<1x1x128xi32, #tpu.memory_space<hbm>>
        %dma_wait3A_291 = tpu.memref_squeeze %dma_wait3A_290 : memref<1x1x128xi32, #tpu.memory_space<hbm>> -> memref<1x128xi32, #tpu.memory_space<hbm>>
        tpu.wait_dma2 semaphore(%run_scoped3A_267 : memref<!tpu.dma_semaphore, #tpu.memory_space<semaphore_mem>>) src(%dma_wait3A_291 : memref<1x128xi32, #tpu.memory_space<hbm>>) dst(%dma_wait3A_288 : memref<1x128xi32, #tpu.memory_space<vmem>>)
        tpu.yield
      }) : () -> ()
    } else {
    }
    %dma_wait3A = arith.constant 0 : i32
    %dma_wait3A_60 = tpu.memref_slice %arg9[%min3A_5, %dma_wait3A] : memref<10000x64xf32, #tpu.memory_space<vmem_shared>> -> memref<632x64xf32, #tpu.memory_space<vmem_shared>>
    %dma_wait3A_61 = arith.constant 0 : i32
    %dma_wait3A_62 = tpu.memref_slice %arg2[%min3A_5, %dma_wait3A_61] : memref<10000x128xf32, #tpu.memory_space<hbm>> -> memref<632x64xf32, #tpu.memory_space<hbm>>
    tpu.wait_dma2 semaphore(%arg11 : memref<!tpu.dma_semaphore, #tpu.memory_space<semaphore_mem>>) src(%dma_wait3A_62 : memref<632x64xf32, #tpu.memory_space<hbm>>) dst(%dma_wait3A_60 : memref<632x64xf32, #tpu.memory_space<vmem_shared>>)
    %dma_wait3A_63 = arith.constant 0 : i32
    %dma_wait3A_64 = tpu.memref_slice %arg10[%mul3A_2, %dma_wait3A_63] : memref<10112x64xf32, #tpu.memory_space<vmem_shared>> -> memref<632x64xf32, #tpu.memory_space<vmem_shared>>
    %dma_wait3A_65 = arith.constant 0 : i32
    %dma_wait3A_66 = tpu.memref_slice %arg4[%mul3A_2, %dma_wait3A_65] : memref<10112x64xf32, #tpu.memory_space<hbm>> -> memref<632x64xf32, #tpu.memory_space<hbm>>
    tpu.wait_dma2 semaphore(%arg13 : memref<!tpu.dma_semaphore, #tpu.memory_space<semaphore_mem>>) src(%dma_wait3A_66 : memref<632x64xf32, #tpu.memory_space<hbm>>) dst(%dma_wait3A_64 : memref<632x64xf32, #tpu.memory_space<vmem_shared>>)
    %dma_wait3A_67 = arith.constant 0 : i32
    %dma_wait3A_68 = arith.constant 0 : i32
    %dma_wait3A_69 = arith.constant 0 : i32
    %dma_wait3A_70 = tpu.memref_slice %arg6[%dma_wait3A_68, %dma_wait3A_69] : memref<86x128xi32, #tpu.memory_space<vmem>> -> memref<78x128xi32, #tpu.memory_space<vmem>>
    %dma_wait3A_71 = arith.constant 0 : i32
    %dma_wait3A_72 = tpu.memref_slice %arg3[%dma_wait3A_67, %mul3A_14, %dma_wait3A_71] : memref<2x2500x128xi32, #tpu.memory_space<hbm>> -> memref<1x78x128xi32, #tpu.memory_space<hbm>>
    %dma_wait3A_73 = tpu.memref_squeeze %dma_wait3A_72 : memref<1x78x128xi32, #tpu.memory_space<hbm>> -> memref<78x128xi32, #tpu.memory_space<hbm>>
    %dma_wait3A_74 = arith.constant 0 : i32
    %dma_wait3A_75 = arith.constant 0 : i32
    %dma_wait3A_76 = tpu.memref_slice %arg6[%dma_wait3A_74, %dma_wait3A_75] : memref<86x128xi32, #tpu.memory_space<vmem>> -> memref<78x128xi32, #tpu.memory_space<vmem>>
    %dma_wait3A_77 = arith.constant 0 : i32
    %dma_wait3A_78 = tpu.memref_slice %arg3[%dma_wait3A_67, %mul3A_14, %dma_wait3A_77] : memref<2x2500x128xi32, #tpu.memory_space<hbm>> -> memref<1x78x128xi32, #tpu.memory_space<hbm>>
    %dma_wait3A_79 = tpu.memref_squeeze %dma_wait3A_78 : memref<1x78x128xi32, #tpu.memory_space<hbm>> -> memref<78x128xi32, #tpu.memory_space<hbm>>
    tpu.wait_dma2 semaphore(%arg14 : memref<!tpu.dma_semaphore, #tpu.memory_space<semaphore_mem>>) src(%dma_wait3A_79 : memref<78x128xi32, #tpu.memory_space<hbm>>) dst(%dma_wait3A_76 : memref<78x128xi32, #tpu.memory_space<vmem>>)
    %dma_wait3A_80 = arith.constant 0 : i32
    %dma_wait3A_81 = arith.constant 78 : i32
    %dma_wait3A_82 = arith.constant 0 : i32
    %dma_wait3A_83 = tpu.memref_slice %arg6[%dma_wait3A_81, %dma_wait3A_82] : memref<86x128xi32, #tpu.memory_space<vmem>> -> memref<8x128xi32, #tpu.memory_space<vmem>>
    %dma_wait3A_84 = arith.constant 0 : i32
    %dma_wait3A_85 = tpu.memref_slice %arg3[%dma_wait3A_80, %mul3A_29, %dma_wait3A_84] : memref<2x2500x128xi32, #tpu.memory_space<hbm>> -> memref<1x8x128xi32, #tpu.memory_space<hbm>>
    %dma_wait3A_86 = tpu.memref_squeeze %dma_wait3A_85 : memref<1x8x128xi32, #tpu.memory_space<hbm>> -> memref<8x128xi32, #tpu.memory_space<hbm>>
    %dma_wait3A_87 = arith.constant 78 : i32
    %dma_wait3A_88 = arith.constant 0 : i32
    %dma_wait3A_89 = tpu.memref_slice %arg6[%dma_wait3A_87, %dma_wait3A_88] : memref<86x128xi32, #tpu.memory_space<vmem>> -> memref<8x128xi32, #tpu.memory_space<vmem>>
    %dma_wait3A_90 = arith.constant 0 : i32
    %dma_wait3A_91 = tpu.memref_slice %arg3[%dma_wait3A_80, %mul3A_29, %dma_wait3A_90] : memref<2x2500x128xi32, #tpu.memory_space<hbm>> -> memref<1x8x128xi32, #tpu.memory_space<hbm>>
    %dma_wait3A_92 = tpu.memref_squeeze %dma_wait3A_91 : memref<1x8x128xi32, #tpu.memory_space<hbm>> -> memref<8x128xi32, #tpu.memory_space<hbm>>
    tpu.wait_dma2 semaphore(%arg15 : memref<!tpu.dma_semaphore, #tpu.memory_space<semaphore_mem>>) src(%dma_wait3A_92 : memref<8x128xi32, #tpu.memory_space<hbm>>) dst(%dma_wait3A_89 : memref<8x128xi32, #tpu.memory_space<vmem>>)
    %dma_wait3A_93 = arith.constant 1 : i32
    %dma_wait3A_94 = arith.constant 0 : i32
    %dma_wait3A_95 = arith.constant 0 : i32
    %dma_wait3A_96 = tpu.memref_slice %arg7[%dma_wait3A_94, %dma_wait3A_95] : memref<79x128xi32, #tpu.memory_space<vmem>> -> memref<78x128xi32, #tpu.memory_space<vmem>>
    %dma_wait3A_97 = arith.constant 0 : i32
    %dma_wait3A_98 = tpu.memref_slice %arg3[%dma_wait3A_93, %mul3A_44, %dma_wait3A_97] : memref<2x2500x128xi32, #tpu.memory_space<hbm>> -> memref<1x78x128xi32, #tpu.memory_space<hbm>>
    %dma_wait3A_99 = tpu.memref_squeeze %dma_wait3A_98 : memref<1x78x128xi32, #tpu.memory_space<hbm>> -> memref<78x128xi32, #tpu.memory_space<hbm>>
    %dma_wait3A_100 = arith.constant 0 : i32
    %dma_wait3A_101 = arith.constant 0 : i32
    %dma_wait3A_102 = tpu.memref_slice %arg7[%dma_wait3A_100, %dma_wait3A_101] : memref<79x128xi32, #tpu.memory_space<vmem>> -> memref<78x128xi32, #tpu.memory_space<vmem>>
    %dma_wait3A_103 = arith.constant 0 : i32
    %dma_wait3A_104 = tpu.memref_slice %arg3[%dma_wait3A_93, %mul3A_44, %dma_wait3A_103] : memref<2x2500x128xi32, #tpu.memory_space<hbm>> -> memref<1x78x128xi32, #tpu.memory_space<hbm>>
    %dma_wait3A_105 = tpu.memref_squeeze %dma_wait3A_104 : memref<1x78x128xi32, #tpu.memory_space<hbm>> -> memref<78x128xi32, #tpu.memory_space<hbm>>
    tpu.wait_dma2 semaphore(%arg16 : memref<!tpu.dma_semaphore, #tpu.memory_space<semaphore_mem>>) src(%dma_wait3A_105 : memref<78x128xi32, #tpu.memory_space<hbm>>) dst(%dma_wait3A_102 : memref<78x128xi32, #tpu.memory_space<vmem>>)
    %barrier3A = arith.constant 0 : index
    tpu.barrier barrier_id(%barrier3A)
    %lt3A_106 = arith.constant 4 : i32
    %lt3A_107 = arith.cmpi slt, %add3A, %lt3A_106 : i32
    %convert_element_type3A_108 = arith.extui %lt3A_107 : i1 to i32
    %cond3A_109 = arith.constant 0 : i32
    %cond3A_110 = arith.cmpi ne, %convert_element_type3A_108, %cond3A_109 : i32
    scf.if %cond3A_110 {
      %run_scoped3A = arith.constant 82 : i32
      %run_scoped3A_262 = arith.constant 0 : i32
      "tpu.region"() ({
        %run_scoped3A_265 = tpu.sem_alloc : memref<!tpu.dma_semaphore, #tpu.memory_space<semaphore_mem>>
        %dma_start3A_266 = arith.constant 0 : i32
        %dma_start3A_267 = arith.constant 0 : i32
        %dma_start3A_268 = tpu.memref_slice %arg8[%run_scoped3A_262, %dma_start3A_266, %dma_start3A_267] : memref<3x128x64xf32, #tpu.memory_space<vmem>> -> memref<1x128x64xf32, #tpu.memory_space<vmem>>
        %dma_start3A_269 = tpu.memref_squeeze %dma_start3A_268 : memref<1x128x64xf32, #tpu.memory_space<vmem>> -> memref<128x64xf32, #tpu.memory_space<vmem>>
        %dma_start3A_270 = arith.constant 0 : i32
        %dma_start3A_271 = tpu.memref_slice %arg6[%run_scoped3A, %dma_start3A_270] : memref<86x128xi32, #tpu.memory_space<vmem>> -> memref<1x128xi32, #tpu.memory_space<vmem>>
        %dma_start3A_272 = tpu.memref_squeeze %dma_start3A_271 : memref<1x128xi32, #tpu.memory_space<vmem>> -> memref<128xi32, #tpu.memory_space<vmem>>
        %dma_start3A_273 = arith.constant 0 : i32
        %dma_start3A_274 = arith.constant 0 : i32
        %dma_start3A_275 = tpu.memref_slice %arg9[%dma_start3A_273, %dma_start3A_274] : memref<10000x64xf32, #tpu.memory_space<vmem_shared>> -> memref<10000x64xf32, #tpu.memory_space<vmem_shared>>
        tpu.enqueue_indirect_dma source(%dma_start3A_275 : memref<10000x64xf32, #tpu.memory_space<vmem_shared>>) target(%dma_start3A_269 : memref<128x64xf32, #tpu.memory_space<vmem>>) offsets(%dma_start3A_272 : memref<128xi32, #tpu.memory_space<vmem>>) semaphore(%run_scoped3A_265 : memref<!tpu.dma_semaphore, #tpu.memory_space<semaphore_mem>>)
        %dma_wait3A_276 = arith.constant 0 : i32
        %dma_wait3A_277 = arith.constant 0 : i32
        %dma_wait3A_278 = tpu.memref_slice %arg8[%run_scoped3A_262, %dma_wait3A_276, %dma_wait3A_277] : memref<3x128x64xf32, #tpu.memory_space<vmem>> -> memref<1x128x64xf32, #tpu.memory_space<vmem>>
        %dma_wait3A_279 = tpu.memref_squeeze %dma_wait3A_278 : memref<1x128x64xf32, #tpu.memory_space<vmem>> -> memref<128x64xf32, #tpu.memory_space<vmem>>
        %dma_wait3A_280 = arith.constant 0 : i32
        %dma_wait3A_281 = tpu.memref_slice %arg6[%run_scoped3A, %dma_wait3A_280] : memref<86x128xi32, #tpu.memory_space<vmem>> -> memref<1x128xi32, #tpu.memory_space<vmem>>
        %dma_wait3A_282 = tpu.memref_squeeze %dma_wait3A_281 : memref<1x128xi32, #tpu.memory_space<vmem>> -> memref<128xi32, #tpu.memory_space<vmem>>
        %dma_wait3A_283 = arith.constant 0 : i32
        %dma_wait3A_284 = arith.constant 0 : i32
        %dma_wait3A_285 = tpu.memref_slice %arg9[%dma_wait3A_283, %dma_wait3A_284] : memref<10000x64xf32, #tpu.memory_space<vmem_shared>> -> memref<10000x64xf32, #tpu.memory_space<vmem_shared>>
        tpu.wait_indirect_dma semaphore(%run_scoped3A_265 : memref<!tpu.dma_semaphore, #tpu.memory_space<semaphore_mem>>) src(%dma_wait3A_285 : memref<10000x64xf32, #tpu.memory_space<vmem_shared>>) dst(%dma_wait3A_279 : memref<128x64xf32, #tpu.memory_space<vmem>>)
        tpu.yield
      }) : () -> ()
      %run_scoped3A_263 = arith.constant 0 : i32
      %run_scoped3A_264 = arith.constant 78 : i32
      "tpu.region"() ({
        %run_scoped3A_265 = tpu.sem_alloc : memref<!tpu.dma_semaphore, #tpu.memory_space<semaphore_mem>>
        %dma_start3A_266 = arith.constant 0 : i32
        %dma_start3A_267 = arith.constant 0 : i32
        %dma_start3A_268 = tpu.memref_slice %arg8[%run_scoped3A_263, %dma_start3A_266, %dma_start3A_267] : memref<3x128x64xf32, #tpu.memory_space<vmem>> -> memref<1x128x64xf32, #tpu.memory_space<vmem>>
        %dma_start3A_269 = tpu.memref_squeeze %dma_start3A_268 : memref<1x128x64xf32, #tpu.memory_space<vmem>> -> memref<128x64xf32, #tpu.memory_space<vmem>>
        %dma_start3A_270 = arith.constant 0 : i32
        %dma_start3A_271 = tpu.memref_slice %arg7[%run_scoped3A_264, %dma_start3A_270] : memref<79x128xi32, #tpu.memory_space<vmem>> -> memref<1x128xi32, #tpu.memory_space<vmem>>
        %dma_start3A_272 = tpu.memref_squeeze %dma_start3A_271 : memref<1x128xi32, #tpu.memory_space<vmem>> -> memref<128xi32, #tpu.memory_space<vmem>>
        %dma_start3A_273 = arith.constant 0 : i32
        %dma_start3A_274 = arith.constant 0 : i32
        %dma_start3A_275 = tpu.memref_slice %arg10[%dma_start3A_273, %dma_start3A_274] : memref<10112x64xf32, #tpu.memory_space<vmem_shared>> -> memref<10112x64xf32, #tpu.memory_space<vmem_shared>>
        tpu.enqueue_indirect_dma source(%dma_start3A_269 : memref<128x64xf32, #tpu.memory_space<vmem>>) target(%dma_start3A_275 : memref<10112x64xf32, #tpu.memory_space<vmem_shared>>) offsets(%dma_start3A_272 : memref<128xi32, #tpu.memory_space<vmem>>) semaphore(%run_scoped3A_265 : memref<!tpu.dma_semaphore, #tpu.memory_space<semaphore_mem>>) {add = true}
        %dma_wait3A_276 = arith.constant 0 : i32
        %dma_wait3A_277 = arith.constant 0 : i32
        %dma_wait3A_278 = tpu.memref_slice %arg8[%run_scoped3A_263, %dma_wait3A_276, %dma_wait3A_277] : memref<3x128x64xf32, #tpu.memory_space<vmem>> -> memref<1x128x64xf32, #tpu.memory_space<vmem>>
        %dma_wait3A_279 = tpu.memref_squeeze %dma_wait3A_278 : memref<1x128x64xf32, #tpu.memory_space<vmem>> -> memref<128x64xf32, #tpu.memory_space<vmem>>
        %dma_wait3A_280 = arith.constant 0 : i32
        %dma_wait3A_281 = tpu.memref_slice %arg7[%run_scoped3A_264, %dma_wait3A_280] : memref<79x128xi32, #tpu.memory_space<vmem>> -> memref<1x128xi32, #tpu.memory_space<vmem>>
        %dma_wait3A_282 = tpu.memref_squeeze %dma_wait3A_281 : memref<1x128xi32, #tpu.memory_space<vmem>> -> memref<128xi32, #tpu.memory_space<vmem>>
        %dma_wait3A_283 = arith.constant 0 : i32
        %dma_wait3A_284 = arith.constant 0 : i32
        %dma_wait3A_285 = tpu.memref_slice %arg10[%dma_wait3A_283, %dma_wait3A_284] : memref<10112x64xf32, #tpu.memory_space<vmem_shared>> -> memref<10112x64xf32, #tpu.memory_space<vmem_shared>>
        tpu.wait_indirect_dma semaphore(%run_scoped3A_265 : memref<!tpu.dma_semaphore, #tpu.memory_space<semaphore_mem>>) src(%dma_wait3A_279 : memref<128x64xf32, #tpu.memory_space<vmem>>) dst(%dma_wait3A_285 : memref<10112x64xf32, #tpu.memory_space<vmem_shared>>)
        tpu.yield
      }) : () -> ()
    } else {
    }
    %dma_start3A_111 = arith.constant 0 : i32
    %dma_start3A_112 = arith.constant 0 : i32
    %dma_start3A_113 = arith.constant 0 : i32
    %dma_start3A_114 = arith.constant 0 : i32
    %dma_start3A_115 = tpu.memref_slice %arg8[%dma_start3A_112, %dma_start3A_113, %dma_start3A_114] : memref<3x128x64xf32, #tpu.memory_space<vmem>> -> memref<1x128x64xf32, #tpu.memory_space<vmem>>
    %dma_start3A_116 = tpu.memref_squeeze %dma_start3A_115 : memref<1x128x64xf32, #tpu.memory_space<vmem>> -> memref<128x64xf32, #tpu.memory_space<vmem>>
    %dma_start3A_117 = arith.constant 0 : i32
    %dma_start3A_118 = tpu.memref_slice %arg6[%dma_start3A_111, %dma_start3A_117] : memref<86x128xi32, #tpu.memory_space<vmem>> -> memref<1x128xi32, #tpu.memory_space<vmem>>
    %dma_start3A_119 = tpu.memref_squeeze %dma_start3A_118 : memref<1x128xi32, #tpu.memory_space<vmem>> -> memref<128xi32, #tpu.memory_space<vmem>>
    %dma_start3A_120 = arith.constant 0 : i32
    %dma_start3A_121 = arith.constant 0 : i32
    %dma_start3A_122 = tpu.memref_slice %arg9[%dma_start3A_120, %dma_start3A_121] : memref<10000x64xf32, #tpu.memory_space<vmem_shared>> -> memref<10000x64xf32, #tpu.memory_space<vmem_shared>>
    tpu.enqueue_indirect_dma source(%dma_start3A_122 : memref<10000x64xf32, #tpu.memory_space<vmem_shared>>) target(%dma_start3A_116 : memref<128x64xf32, #tpu.memory_space<vmem>>) offsets(%dma_start3A_119 : memref<128xi32, #tpu.memory_space<vmem>>) semaphore(%arg11 : memref<!tpu.dma_semaphore, #tpu.memory_space<semaphore_mem>>)
    %dma_start3A_123 = arith.constant 1 : i32
    %dma_start3A_124 = arith.constant 1 : i32
    %dma_start3A_125 = arith.constant 0 : i32
    %dma_start3A_126 = arith.constant 0 : i32
    %dma_start3A_127 = tpu.memref_slice %arg8[%dma_start3A_124, %dma_start3A_125, %dma_start3A_126] : memref<3x128x64xf32, #tpu.memory_space<vmem>> -> memref<1x128x64xf32, #tpu.memory_space<vmem>>
    %dma_start3A_128 = tpu.memref_squeeze %dma_start3A_127 : memref<1x128x64xf32, #tpu.memory_space<vmem>> -> memref<128x64xf32, #tpu.memory_space<vmem>>
    %dma_start3A_129 = arith.constant 0 : i32
    %dma_start3A_130 = tpu.memref_slice %arg6[%dma_start3A_123, %dma_start3A_129] : memref<86x128xi32, #tpu.memory_space<vmem>> -> memref<1x128xi32, #tpu.memory_space<vmem>>
    %dma_start3A_131 = tpu.memref_squeeze %dma_start3A_130 : memref<1x128xi32, #tpu.memory_space<vmem>> -> memref<128xi32, #tpu.memory_space<vmem>>
    %dma_start3A_132 = arith.constant 0 : i32
    %dma_start3A_133 = arith.constant 0 : i32
    %dma_start3A_134 = tpu.memref_slice %arg9[%dma_start3A_132, %dma_start3A_133] : memref<10000x64xf32, #tpu.memory_space<vmem_shared>> -> memref<10000x64xf32, #tpu.memory_space<vmem_shared>>
    tpu.enqueue_indirect_dma source(%dma_start3A_134 : memref<10000x64xf32, #tpu.memory_space<vmem_shared>>) target(%dma_start3A_128 : memref<128x64xf32, #tpu.memory_space<vmem>>) offsets(%dma_start3A_131 : memref<128xi32, #tpu.memory_space<vmem>>) semaphore(%arg12 : memref<!tpu.dma_semaphore, #tpu.memory_space<semaphore_mem>>)
    %dma_wait3A_135 = arith.constant 0 : i32
    %dma_wait3A_136 = arith.constant 0 : i32
    %dma_wait3A_137 = arith.constant 0 : i32
    %dma_wait3A_138 = arith.constant 0 : i32
    %dma_wait3A_139 = tpu.memref_slice %arg8[%dma_wait3A_136, %dma_wait3A_137, %dma_wait3A_138] : memref<3x128x64xf32, #tpu.memory_space<vmem>> -> memref<1x128x64xf32, #tpu.memory_space<vmem>>
    %dma_wait3A_140 = tpu.memref_squeeze %dma_wait3A_139 : memref<1x128x64xf32, #tpu.memory_space<vmem>> -> memref<128x64xf32, #tpu.memory_space<vmem>>
    %dma_wait3A_141 = arith.constant 0 : i32
    %dma_wait3A_142 = tpu.memref_slice %arg6[%dma_wait3A_135, %dma_wait3A_141] : memref<86x128xi32, #tpu.memory_space<vmem>> -> memref<1x128xi32, #tpu.memory_space<vmem>>
    %dma_wait3A_143 = tpu.memref_squeeze %dma_wait3A_142 : memref<1x128xi32, #tpu.memory_space<vmem>> -> memref<128xi32, #tpu.memory_space<vmem>>
    %dma_wait3A_144 = arith.constant 0 : i32
    %dma_wait3A_145 = arith.constant 0 : i32
    %dma_wait3A_146 = tpu.memref_slice %arg9[%dma_wait3A_144, %dma_wait3A_145] : memref<10000x64xf32, #tpu.memory_space<vmem_shared>> -> memref<10000x64xf32, #tpu.memory_space<vmem_shared>>
    tpu.wait_indirect_dma semaphore(%arg11 : memref<!tpu.dma_semaphore, #tpu.memory_space<semaphore_mem>>) src(%dma_wait3A_146 : memref<10000x64xf32, #tpu.memory_space<vmem_shared>>) dst(%dma_wait3A_140 : memref<128x64xf32, #tpu.memory_space<vmem>>)
    %dma_start3A_147 = arith.constant 0 : i32
    %dma_start3A_148 = arith.constant 0 : i32
    %dma_start3A_149 = arith.constant 0 : i32
    %dma_start3A_150 = arith.constant 0 : i32
    %dma_start3A_151 = tpu.memref_slice %arg8[%dma_start3A_147, %dma_start3A_149, %dma_start3A_150] : memref<3x128x64xf32, #tpu.memory_space<vmem>> -> memref<1x128x64xf32, #tpu.memory_space<vmem>>
    %dma_start3A_152 = tpu.memref_squeeze %dma_start3A_151 : memref<1x128x64xf32, #tpu.memory_space<vmem>> -> memref<128x64xf32, #tpu.memory_space<vmem>>
    %dma_start3A_153 = arith.constant 0 : i32
    %dma_start3A_154 = tpu.memref_slice %arg7[%dma_start3A_148, %dma_start3A_153] : memref<79x128xi32, #tpu.memory_space<vmem>> -> memref<1x128xi32, #tpu.memory_space<vmem>>
    %dma_start3A_155 = tpu.memref_squeeze %dma_start3A_154 : memref<1x128xi32, #tpu.memory_space<vmem>> -> memref<128xi32, #tpu.memory_space<vmem>>
    %dma_start3A_156 = arith.constant 0 : i32
    %dma_start3A_157 = arith.constant 0 : i32
    %dma_start3A_158 = tpu.memref_slice %arg10[%dma_start3A_156, %dma_start3A_157] : memref<10112x64xf32, #tpu.memory_space<vmem_shared>> -> memref<10112x64xf32, #tpu.memory_space<vmem_shared>>
    tpu.enqueue_indirect_dma source(%dma_start3A_152 : memref<128x64xf32, #tpu.memory_space<vmem>>) target(%dma_start3A_158 : memref<10112x64xf32, #tpu.memory_space<vmem_shared>>) offsets(%dma_start3A_155 : memref<128xi32, #tpu.memory_space<vmem>>) semaphore(%arg14 : memref<!tpu.dma_semaphore, #tpu.memory_space<semaphore_mem>>) {add = true}
    %dma_start3A_159 = arith.constant 2 : i32
    %dma_start3A_160 = arith.constant 2 : i32
    %dma_start3A_161 = arith.constant 0 : i32
    %dma_start3A_162 = arith.constant 0 : i32
    %dma_start3A_163 = tpu.memref_slice %arg8[%dma_start3A_160, %dma_start3A_161, %dma_start3A_162] : memref<3x128x64xf32, #tpu.memory_space<vmem>> -> memref<1x128x64xf32, #tpu.memory_space<vmem>>
    %dma_start3A_164 = tpu.memref_squeeze %dma_start3A_163 : memref<1x128x64xf32, #tpu.memory_space<vmem>> -> memref<128x64xf32, #tpu.memory_space<vmem>>
    %dma_start3A_165 = arith.constant 0 : i32
    %dma_start3A_166 = tpu.memref_slice %arg6[%dma_start3A_159, %dma_start3A_165] : memref<86x128xi32, #tpu.memory_space<vmem>> -> memref<1x128xi32, #tpu.memory_space<vmem>>
    %dma_start3A_167 = tpu.memref_squeeze %dma_start3A_166 : memref<1x128xi32, #tpu.memory_space<vmem>> -> memref<128xi32, #tpu.memory_space<vmem>>
    %dma_start3A_168 = arith.constant 0 : i32
    %dma_start3A_169 = arith.constant 0 : i32
    %dma_start3A_170 = tpu.memref_slice %arg9[%dma_start3A_168, %dma_start3A_169] : memref<10000x64xf32, #tpu.memory_space<vmem_shared>> -> memref<10000x64xf32, #tpu.memory_space<vmem_shared>>
    tpu.enqueue_indirect_dma source(%dma_start3A_170 : memref<10000x64xf32, #tpu.memory_space<vmem_shared>>) target(%dma_start3A_164 : memref<128x64xf32, #tpu.memory_space<vmem>>) offsets(%dma_start3A_167 : memref<128xi32, #tpu.memory_space<vmem>>) semaphore(%arg13 : memref<!tpu.dma_semaphore, #tpu.memory_space<semaphore_mem>>)
    %scan3A = arith.constant 0 : i32
    %scan3A_171 = arith.constant 25 : i32
    %scan3A_172 = arith.addi %scan3A, %scan3A_171 : i32
    %scan3A_173 = arith.constant 1 : i32
    scf.for %scan3A_262 = %scan3A to %scan3A_172 step %scan3A_173  : i32 {
      %mul3A_263 = arith.constant 1 : i32
      %mul3A_264 = arith.muli %scan3A_262, %mul3A_263 : i32
      %add3A_265 = arith.constant 0 : i32
      %add3A_266 = arith.addi %add3A_265, %mul3A_264 : i32
      %mul3A_267 = arith.constant 3 : i32
      %mul3A_268 = arith.muli %mul3A_267, %add3A_266 : i32
      %add3A_269 = arith.constant 1 : i32
      %add3A_270 = arith.addi %mul3A_268, %add3A_269 : i32
      %add3A_271 = arith.constant 0 : i32
      %add3A_272 = arith.addi %add3A_270, %add3A_271 : i32
      %dma_wait3A_273 = arith.constant 1 : i32
      %dma_wait3A_274 = arith.constant 0 : i32
      %dma_wait3A_275 = arith.constant 0 : i32
      %dma_wait3A_276 = tpu.memref_slice %arg8[%dma_wait3A_273, %dma_wait3A_274, %dma_wait3A_275] : memref<3x128x64xf32, #tpu.memory_space<vmem>> -> memref<1x128x64xf32, #tpu.memory_space<vmem>>
      %dma_wait3A_277 = tpu.memref_squeeze %dma_wait3A_276 : memref<1x128x64xf32, #tpu.memory_space<vmem>> -> memref<128x64xf32, #tpu.memory_space<vmem>>
      %dma_wait3A_278 = arith.constant 0 : i32
      %dma_wait3A_279 = tpu.memref_slice %arg6[%add3A_272, %dma_wait3A_278] : memref<86x128xi32, #tpu.memory_space<vmem>> -> memref<1x128xi32, #tpu.memory_space<vmem>>
      %dma_wait3A_280 = tpu.memref_squeeze %dma_wait3A_279 : memref<1x128xi32, #tpu.memory_space<vmem>> -> memref<128xi32, #tpu.memory_space<vmem>>
      %dma_wait3A_281 = arith.constant 0 : i32
      %dma_wait3A_282 = arith.constant 0 : i32
      %dma_wait3A_283 = tpu.memref_slice %arg9[%dma_wait3A_281, %dma_wait3A_282] : memref<10000x64xf32, #tpu.memory_space<vmem_shared>> -> memref<10000x64xf32, #tpu.memory_space<vmem_shared>>
      tpu.wait_indirect_dma semaphore(%arg12 : memref<!tpu.dma_semaphore, #tpu.memory_space<semaphore_mem>>) src(%dma_wait3A_283 : memref<10000x64xf32, #tpu.memory_space<vmem_shared>>) dst(%dma_wait3A_277 : memref<128x64xf32, #tpu.memory_space<vmem>>)
      %dma_start3A_284 = arith.constant 1 : i32
      %dma_start3A_285 = arith.constant 0 : i32
      %dma_start3A_286 = arith.constant 0 : i32
      %dma_start3A_287 = tpu.memref_slice %arg8[%dma_start3A_284, %dma_start3A_285, %dma_start3A_286] : memref<3x128x64xf32, #tpu.memory_space<vmem>> -> memref<1x128x64xf32, #tpu.memory_space<vmem>>
      %dma_start3A_288 = tpu.memref_squeeze %dma_start3A_287 : memref<1x128x64xf32, #tpu.memory_space<vmem>> -> memref<128x64xf32, #tpu.memory_space<vmem>>
      %dma_start3A_289 = arith.constant 0 : i32
      %dma_start3A_290 = tpu.memref_slice %arg7[%add3A_272, %dma_start3A_289] : memref<79x128xi32, #tpu.memory_space<vmem>> -> memref<1x128xi32, #tpu.memory_space<vmem>>
      %dma_start3A_291 = tpu.memref_squeeze %dma_start3A_290 : memref<1x128xi32, #tpu.memory_space<vmem>> -> memref<128xi32, #tpu.memory_space<vmem>>
      %dma_start3A_292 = arith.constant 0 : i32
      %dma_start3A_293 = arith.constant 0 : i32
      %dma_start3A_294 = tpu.memref_slice %arg10[%dma_start3A_292, %dma_start3A_293] : memref<10112x64xf32, #tpu.memory_space<vmem_shared>> -> memref<10112x64xf32, #tpu.memory_space<vmem_shared>>
      tpu.enqueue_indirect_dma source(%dma_start3A_288 : memref<128x64xf32, #tpu.memory_space<vmem>>) target(%dma_start3A_294 : memref<10112x64xf32, #tpu.memory_space<vmem_shared>>) offsets(%dma_start3A_291 : memref<128xi32, #tpu.memory_space<vmem>>) semaphore(%arg15 : memref<!tpu.dma_semaphore, #tpu.memory_space<semaphore_mem>>) {add = true}
      %sub3A = arith.constant 1 : i32
      %sub3A_295 = arith.subi %add3A_272, %sub3A : i32
      %dma_wait3A_296 = arith.constant 0 : i32
      %dma_wait3A_297 = arith.constant 0 : i32
      %dma_wait3A_298 = arith.constant 0 : i32
      %dma_wait3A_299 = tpu.memref_slice %arg8[%dma_wait3A_296, %dma_wait3A_297, %dma_wait3A_298] : memref<3x128x64xf32, #tpu.memory_space<vmem>> -> memref<1x128x64xf32, #tpu.memory_space<vmem>>
      %dma_wait3A_300 = tpu.memref_squeeze %dma_wait3A_299 : memref<1x128x64xf32, #tpu.memory_space<vmem>> -> memref<128x64xf32, #tpu.memory_space<vmem>>
      %dma_wait3A_301 = arith.constant 0 : i32
      %dma_wait3A_302 = tpu.memref_slice %arg7[%sub3A_295, %dma_wait3A_301] : memref<79x128xi32, #tpu.memory_space<vmem>> -> memref<1x128xi32, #tpu.memory_space<vmem>>
      %dma_wait3A_303 = tpu.memref_squeeze %dma_wait3A_302 : memref<1x128xi32, #tpu.memory_space<vmem>> -> memref<128xi32, #tpu.memory_space<vmem>>
      %dma_wait3A_304 = arith.constant 0 : i32
      %dma_wait3A_305 = arith.constant 0 : i32
      %dma_wait3A_306 = tpu.memref_slice %arg10[%dma_wait3A_304, %dma_wait3A_305] : memref<10112x64xf32, #tpu.memory_space<vmem_shared>> -> memref<10112x64xf32, #tpu.memory_space<vmem_shared>>
      tpu.wait_indirect_dma semaphore(%arg14 : memref<!tpu.dma_semaphore, #tpu.memory_space<semaphore_mem>>) src(%dma_wait3A_300 : memref<128x64xf32, #tpu.memory_space<vmem>>) dst(%dma_wait3A_306 : memref<10112x64xf32, #tpu.memory_space<vmem_shared>>)
      %add3A_307 = arith.constant 2 : i32
      %add3A_308 = arith.addi %add3A_272, %add3A_307 : i32
      %dma_start3A_309 = arith.constant 0 : i32
      %dma_start3A_310 = arith.constant 0 : i32
      %dma_start3A_311 = arith.constant 0 : i32
      %dma_start3A_312 = tpu.memref_slice %arg8[%dma_start3A_309, %dma_start3A_310, %dma_start3A_311] : memref<3x128x64xf32, #tpu.memory_space<vmem>> -> memref<1x128x64xf32, #tpu.memory_space<vmem>>
      %dma_start3A_313 = tpu.memref_squeeze %dma_start3A_312 : memref<1x128x64xf32, #tpu.memory_space<vmem>> -> memref<128x64xf32, #tpu.memory_space<vmem>>
      %dma_start3A_314 = arith.constant 0 : i32
      %dma_start3A_315 = tpu.memref_slice %arg6[%add3A_308, %dma_start3A_314] : memref<86x128xi32, #tpu.memory_space<vmem>> -> memref<1x128xi32, #tpu.memory_space<vmem>>
      %dma_start3A_316 = tpu.memref_squeeze %dma_start3A_315 : memref<1x128xi32, #tpu.memory_space<vmem>> -> memref<128xi32, #tpu.memory_space<vmem>>
      %dma_start3A_317 = arith.constant 0 : i32
      %dma_start3A_318 = arith.constant 0 : i32
      %dma_start3A_319 = tpu.memref_slice %arg9[%dma_start3A_317, %dma_start3A_318] : memref<10000x64xf32, #tpu.memory_space<vmem_shared>> -> memref<10000x64xf32, #tpu.memory_space<vmem_shared>>
      tpu.enqueue_indirect_dma source(%dma_start3A_319 : memref<10000x64xf32, #tpu.memory_space<vmem_shared>>) target(%dma_start3A_313 : memref<128x64xf32, #tpu.memory_space<vmem>>) offsets(%dma_start3A_316 : memref<128xi32, #tpu.memory_space<vmem>>) semaphore(%arg11 : memref<!tpu.dma_semaphore, #tpu.memory_space<semaphore_mem>>)
      %mul3A_320 = arith.constant 3 : i32
      %mul3A_321 = arith.muli %mul3A_320, %add3A_266 : i32
      %add3A_322 = arith.constant 1 : i32
      %add3A_323 = arith.addi %mul3A_321, %add3A_322 : i32
      %add3A_324 = arith.constant 1 : i32
      %add3A_325 = arith.addi %add3A_323, %add3A_324 : i32
      %dma_wait3A_326 = arith.constant 2 : i32
      %dma_wait3A_327 = arith.constant 0 : i32
      %dma_wait3A_328 = arith.constant 0 : i32
      %dma_wait3A_329 = tpu.memref_slice %arg8[%dma_wait3A_326, %dma_wait3A_327, %dma_wait3A_328] : memref<3x128x64xf32, #tpu.memory_space<vmem>> -> memref<1x128x64xf32, #tpu.memory_space<vmem>>
      %dma_wait3A_330 = tpu.memref_squeeze %dma_wait3A_329 : memref<1x128x64xf32, #tpu.memory_space<vmem>> -> memref<128x64xf32, #tpu.memory_space<vmem>>
      %dma_wait3A_331 = arith.constant 0 : i32
      %dma_wait3A_332 = tpu.memref_slice %arg6[%add3A_325, %dma_wait3A_331] : memref<86x128xi32, #tpu.memory_space<vmem>> -> memref<1x128xi32, #tpu.memory_space<vmem>>
      %dma_wait3A_333 = tpu.memref_squeeze %dma_wait3A_332 : memref<1x128xi32, #tpu.memory_space<vmem>> -> memref<128xi32, #tpu.memory_space<vmem>>
      %dma_wait3A_334 = arith.constant 0 : i32
      %dma_wait3A_335 = arith.constant 0 : i32
      %dma_wait3A_336 = tpu.memref_slice %arg9[%dma_wait3A_334, %dma_wait3A_335] : memref<10000x64xf32, #tpu.memory_space<vmem_shared>> -> memref<10000x64xf32, #tpu.memory_space<vmem_shared>>
      tpu.wait_indirect_dma semaphore(%arg13 : memref<!tpu.dma_semaphore, #tpu.memory_space<semaphore_mem>>) src(%dma_wait3A_336 : memref<10000x64xf32, #tpu.memory_space<vmem_shared>>) dst(%dma_wait3A_330 : memref<128x64xf32, #tpu.memory_space<vmem>>)
      %dma_start3A_337 = arith.constant 2 : i32
      %dma_start3A_338 = arith.constant 0 : i32
      %dma_start3A_339 = arith.constant 0 : i32
      %dma_start3A_340 = tpu.memref_slice %arg8[%dma_start3A_337, %dma_start3A_338, %dma_start3A_339] : memref<3x128x64xf32, #tpu.memory_space<vmem>> -> memref<1x128x64xf32, #tpu.memory_space<vmem>>
      %dma_start3A_341 = tpu.memref_squeeze %dma_start3A_340 : memref<1x128x64xf32, #tpu.memory_space<vmem>> -> memref<128x64xf32, #tpu.memory_space<vmem>>
      %dma_start3A_342 = arith.constant 0 : i32
      %dma_start3A_343 = tpu.memref_slice %arg7[%add3A_325, %dma_start3A_342] : memref<79x128xi32, #tpu.memory_space<vmem>> -> memref<1x128xi32, #tpu.memory_space<vmem>>
      %dma_start3A_344 = tpu.memref_squeeze %dma_start3A_343 : memref<1x128xi32, #tpu.memory_space<vmem>> -> memref<128xi32, #tpu.memory_space<vmem>>
      %dma_start3A_345 = arith.constant 0 : i32
      %dma_start3A_346 = arith.constant 0 : i32
      %dma_start3A_347 = tpu.memref_slice %arg10[%dma_start3A_345, %dma_start3A_346] : memref<10112x64xf32, #tpu.memory_space<vmem_shared>> -> memref<10112x64xf32, #tpu.memory_space<vmem_shared>>
      tpu.enqueue_indirect_dma source(%dma_start3A_341 : memref<128x64xf32, #tpu.memory_space<vmem>>) target(%dma_start3A_347 : memref<10112x64xf32, #tpu.memory_space<vmem_shared>>) offsets(%dma_start3A_344 : memref<128xi32, #tpu.memory_space<vmem>>) semaphore(%arg16 : memref<!tpu.dma_semaphore, #tpu.memory_space<semaphore_mem>>) {add = true}
      %sub3A_348 = arith.constant 1 : i32
      %sub3A_349 = arith.subi %add3A_325, %sub3A_348 : i32
      %dma_wait3A_350 = arith.constant 1 : i32
      %dma_wait3A_351 = arith.constant 0 : i32
      %dma_wait3A_352 = arith.constant 0 : i32
      %dma_wait3A_353 = tpu.memref_slice %arg8[%dma_wait3A_350, %dma_wait3A_351, %dma_wait3A_352] : memref<3x128x64xf32, #tpu.memory_space<vmem>> -> memref<1x128x64xf32, #tpu.memory_space<vmem>>
      %dma_wait3A_354 = tpu.memref_squeeze %dma_wait3A_353 : memref<1x128x64xf32, #tpu.memory_space<vmem>> -> memref<128x64xf32, #tpu.memory_space<vmem>>
      %dma_wait3A_355 = arith.constant 0 : i32
      %dma_wait3A_356 = tpu.memref_slice %arg7[%sub3A_349, %dma_wait3A_355] : memref<79x128xi32, #tpu.memory_space<vmem>> -> memref<1x128xi32, #tpu.memory_space<vmem>>
      %dma_wait3A_357 = tpu.memref_squeeze %dma_wait3A_356 : memref<1x128xi32, #tpu.memory_space<vmem>> -> memref<128xi32, #tpu.memory_space<vmem>>
      %dma_wait3A_358 = arith.constant 0 : i32
      %dma_wait3A_359 = arith.constant 0 : i32
      %dma_wait3A_360 = tpu.memref_slice %arg10[%dma_wait3A_358, %dma_wait3A_359] : memref<10112x64xf32, #tpu.memory_space<vmem_shared>> -> memref<10112x64xf32, #tpu.memory_space<vmem_shared>>
      tpu.wait_indirect_dma semaphore(%arg15 : memref<!tpu.dma_semaphore, #tpu.memory_space<semaphore_mem>>) src(%dma_wait3A_354 : memref<128x64xf32, #tpu.memory_space<vmem>>) dst(%dma_wait3A_360 : memref<10112x64xf32, #tpu.memory_space<vmem_shared>>)
      %add3A_361 = arith.constant 2 : i32
      %add3A_362 = arith.addi %add3A_325, %add3A_361 : i32
      %dma_start3A_363 = arith.constant 1 : i32
      %dma_start3A_364 = arith.constant 0 : i32
      %dma_start3A_365 = arith.constant 0 : i32
      %dma_start3A_366 = tpu.memref_slice %arg8[%dma_start3A_363, %dma_start3A_364, %dma_start3A_365] : memref<3x128x64xf32, #tpu.memory_space<vmem>> -> memref<1x128x64xf32, #tpu.memory_space<vmem>>
      %dma_start3A_367 = tpu.memref_squeeze %dma_start3A_366 : memref<1x128x64xf32, #tpu.memory_space<vmem>> -> memref<128x64xf32, #tpu.memory_space<vmem>>
      %dma_start3A_368 = arith.constant 0 : i32
      %dma_start3A_369 = tpu.memref_slice %arg6[%add3A_362, %dma_start3A_368] : memref<86x128xi32, #tpu.memory_space<vmem>> -> memref<1x128xi32, #tpu.memory_space<vmem>>
      %dma_start3A_370 = tpu.memref_squeeze %dma_start3A_369 : memref<1x128xi32, #tpu.memory_space<vmem>> -> memref<128xi32, #tpu.memory_space<vmem>>
      %dma_start3A_371 = arith.constant 0 : i32
      %dma_start3A_372 = arith.constant 0 : i32
      %dma_start3A_373 = tpu.memref_slice %arg9[%dma_start3A_371, %dma_start3A_372] : memref<10000x64xf32, #tpu.memory_space<vmem_shared>> -> memref<10000x64xf32, #tpu.memory_space<vmem_shared>>
      tpu.enqueue_indirect_dma source(%dma_start3A_373 : memref<10000x64xf32, #tpu.memory_space<vmem_shared>>) target(%dma_start3A_367 : memref<128x64xf32, #tpu.memory_space<vmem>>) offsets(%dma_start3A_370 : memref<128xi32, #tpu.memory_space<vmem>>) semaphore(%arg12 : memref<!tpu.dma_semaphore, #tpu.memory_space<semaphore_mem>>)
      %mul3A_374 = arith.constant 3 : i32
      %mul3A_375 = arith.muli %mul3A_374, %add3A_266 : i32
      %add3A_376 = arith.constant 1 : i32
      %add3A_377 = arith.addi %mul3A_375, %add3A_376 : i32
      %add3A_378 = arith.constant 2 : i32
      %add3A_379 = arith.addi %add3A_377, %add3A_378 : i32
      %dma_wait3A_380 = arith.constant 0 : i32
      %dma_wait3A_381 = arith.constant 0 : i32
      %dma_wait3A_382 = arith.constant 0 : i32
      %dma_wait3A_383 = tpu.memref_slice %arg8[%dma_wait3A_380, %dma_wait3A_381, %dma_wait3A_382] : memref<3x128x64xf32, #tpu.memory_space<vmem>> -> memref<1x128x64xf32, #tpu.memory_space<vmem>>
      %dma_wait3A_384 = tpu.memref_squeeze %dma_wait3A_383 : memref<1x128x64xf32, #tpu.memory_space<vmem>> -> memref<128x64xf32, #tpu.memory_space<vmem>>
      %dma_wait3A_385 = arith.constant 0 : i32
      %dma_wait3A_386 = tpu.memref_slice %arg6[%add3A_379, %dma_wait3A_385] : memref<86x128xi32, #tpu.memory_space<vmem>> -> memref<1x128xi32, #tpu.memory_space<vmem>>
      %dma_wait3A_387 = tpu.memref_squeeze %dma_wait3A_386 : memref<1x128xi32, #tpu.memory_space<vmem>> -> memref<128xi32, #tpu.memory_space<vmem>>
      %dma_wait3A_388 = arith.constant 0 : i32
      %dma_wait3A_389 = arith.constant 0 : i32
      %dma_wait3A_390 = tpu.memref_slice %arg9[%dma_wait3A_388, %dma_wait3A_389] : memref<10000x64xf32, #tpu.memory_space<vmem_shared>> -> memref<10000x64xf32, #tpu.memory_space<vmem_shared>>
      tpu.wait_indirect_dma semaphore(%arg11 : memref<!tpu.dma_semaphore, #tpu.memory_space<semaphore_mem>>) src(%dma_wait3A_390 : memref<10000x64xf32, #tpu.memory_space<vmem_shared>>) dst(%dma_wait3A_384 : memref<128x64xf32, #tpu.memory_space<vmem>>)
      %dma_start3A_391 = arith.constant 0 : i32
      %dma_start3A_392 = arith.constant 0 : i32
      %dma_start3A_393 = arith.constant 0 : i32
      %dma_start3A_394 = tpu.memref_slice %arg8[%dma_start3A_391, %dma_start3A_392, %dma_start3A_393] : memref<3x128x64xf32, #tpu.memory_space<vmem>> -> memref<1x128x64xf32, #tpu.memory_space<vmem>>
      %dma_start3A_395 = tpu.memref_squeeze %dma_start3A_394 : memref<1x128x64xf32, #tpu.memory_space<vmem>> -> memref<128x64xf32, #tpu.memory_space<vmem>>
      %dma_start3A_396 = arith.constant 0 : i32
      %dma_start3A_397 = tpu.memref_slice %arg7[%add3A_379, %dma_start3A_396] : memref<79x128xi32, #tpu.memory_space<vmem>> -> memref<1x128xi32, #tpu.memory_space<vmem>>
      %dma_start3A_398 = tpu.memref_squeeze %dma_start3A_397 : memref<1x128xi32, #tpu.memory_space<vmem>> -> memref<128xi32, #tpu.memory_space<vmem>>
      %dma_start3A_399 = arith.constant 0 : i32
      %dma_start3A_400 = arith.constant 0 : i32
      %dma_start3A_401 = tpu.memref_slice %arg10[%dma_start3A_399, %dma_start3A_400] : memref<10112x64xf32, #tpu.memory_space<vmem_shared>> -> memref<10112x64xf32, #tpu.memory_space<vmem_shared>>
      tpu.enqueue_indirect_dma source(%dma_start3A_395 : memref<128x64xf32, #tpu.memory_space<vmem>>) target(%dma_start3A_401 : memref<10112x64xf32, #tpu.memory_space<vmem_shared>>) offsets(%dma_start3A_398 : memref<128xi32, #tpu.memory_space<vmem>>) semaphore(%arg14 : memref<!tpu.dma_semaphore, #tpu.memory_space<semaphore_mem>>) {add = true}
      %sub3A_402 = arith.constant 1 : i32
      %sub3A_403 = arith.subi %add3A_379, %sub3A_402 : i32
      %dma_wait3A_404 = arith.constant 2 : i32
      %dma_wait3A_405 = arith.constant 0 : i32
      %dma_wait3A_406 = arith.constant 0 : i32
      %dma_wait3A_407 = tpu.memref_slice %arg8[%dma_wait3A_404, %dma_wait3A_405, %dma_wait3A_406] : memref<3x128x64xf32, #tpu.memory_space<vmem>> -> memref<1x128x64xf32, #tpu.memory_space<vmem>>
      %dma_wait3A_408 = tpu.memref_squeeze %dma_wait3A_407 : memref<1x128x64xf32, #tpu.memory_space<vmem>> -> memref<128x64xf32, #tpu.memory_space<vmem>>
      %dma_wait3A_409 = arith.constant 0 : i32
      %dma_wait3A_410 = tpu.memref_slice %arg7[%sub3A_403, %dma_wait3A_409] : memref<79x128xi32, #tpu.memory_space<vmem>> -> memref<1x128xi32, #tpu.memory_space<vmem>>
      %dma_wait3A_411 = tpu.memref_squeeze %dma_wait3A_410 : memref<1x128xi32, #tpu.memory_space<vmem>> -> memref<128xi32, #tpu.memory_space<vmem>>
      %dma_wait3A_412 = arith.constant 0 : i32
      %dma_wait3A_413 = arith.constant 0 : i32
      %dma_wait3A_414 = tpu.memref_slice %arg10[%dma_wait3A_412, %dma_wait3A_413] : memref<10112x64xf32, #tpu.memory_space<vmem_shared>> -> memref<10112x64xf32, #tpu.memory_space<vmem_shared>>
      tpu.wait_indirect_dma semaphore(%arg16 : memref<!tpu.dma_semaphore, #tpu.memory_space<semaphore_mem>>) src(%dma_wait3A_408 : memref<128x64xf32, #tpu.memory_space<vmem>>) dst(%dma_wait3A_414 : memref<10112x64xf32, #tpu.memory_space<vmem_shared>>)
      %add3A_415 = arith.constant 2 : i32
      %add3A_416 = arith.addi %add3A_379, %add3A_415 : i32
      %dma_start3A_417 = arith.constant 2 : i32
      %dma_start3A_418 = arith.constant 0 : i32
      %dma_start3A_419 = arith.constant 0 : i32
      %dma_start3A_420 = tpu.memref_slice %arg8[%dma_start3A_417, %dma_start3A_418, %dma_start3A_419] : memref<3x128x64xf32, #tpu.memory_space<vmem>> -> memref<1x128x64xf32, #tpu.memory_space<vmem>>
      %dma_start3A_421 = tpu.memref_squeeze %dma_start3A_420 : memref<1x128x64xf32, #tpu.memory_space<vmem>> -> memref<128x64xf32, #tpu.memory_space<vmem>>
      %dma_start3A_422 = arith.constant 0 : i32
      %dma_start3A_423 = tpu.memref_slice %arg6[%add3A_416, %dma_start3A_422] : memref<86x128xi32, #tpu.memory_space<vmem>> -> memref<1x128xi32, #tpu.memory_space<vmem>>
      %dma_start3A_424 = tpu.memref_squeeze %dma_start3A_423 : memref<1x128xi32, #tpu.memory_space<vmem>> -> memref<128xi32, #tpu.memory_space<vmem>>
      %dma_start3A_425 = arith.constant 0 : i32
      %dma_start3A_426 = arith.constant 0 : i32
      %dma_start3A_427 = tpu.memref_slice %arg9[%dma_start3A_425, %dma_start3A_426] : memref<10000x64xf32, #tpu.memory_space<vmem_shared>> -> memref<10000x64xf32, #tpu.memory_space<vmem_shared>>
      tpu.enqueue_indirect_dma source(%dma_start3A_427 : memref<10000x64xf32, #tpu.memory_space<vmem_shared>>) target(%dma_start3A_421 : memref<128x64xf32, #tpu.memory_space<vmem>>) offsets(%dma_start3A_424 : memref<128xi32, #tpu.memory_space<vmem>>) semaphore(%arg13 : memref<!tpu.dma_semaphore, #tpu.memory_space<semaphore_mem>>)
    }
    %scan3A_174 = arith.constant 25 : i32
    %dma_wait3A_175 = arith.constant 76 : i32
    %dma_wait3A_176 = arith.constant 1 : i32
    %dma_wait3A_177 = arith.constant 0 : i32
    %dma_wait3A_178 = arith.constant 0 : i32
    %dma_wait3A_179 = tpu.memref_slice %arg8[%dma_wait3A_176, %dma_wait3A_177, %dma_wait3A_178] : memref<3x128x64xf32, #tpu.memory_space<vmem>> -> memref<1x128x64xf32, #tpu.memory_space<vmem>>
    %dma_wait3A_180 = tpu.memref_squeeze %dma_wait3A_179 : memref<1x128x64xf32, #tpu.memory_space<vmem>> -> memref<128x64xf32, #tpu.memory_space<vmem>>
    %dma_wait3A_181 = arith.constant 0 : i32
    %dma_wait3A_182 = tpu.memref_slice %arg6[%dma_wait3A_175, %dma_wait3A_181] : memref<86x128xi32, #tpu.memory_space<vmem>> -> memref<1x128xi32, #tpu.memory_space<vmem>>
    %dma_wait3A_183 = tpu.memref_squeeze %dma_wait3A_182 : memref<1x128xi32, #tpu.memory_space<vmem>> -> memref<128xi32, #tpu.memory_space<vmem>>
    %dma_wait3A_184 = arith.constant 0 : i32
    %dma_wait3A_185 = arith.constant 0 : i32
    %dma_wait3A_186 = tpu.memref_slice %arg9[%dma_wait3A_184, %dma_wait3A_185] : memref<10000x64xf32, #tpu.memory_space<vmem_shared>> -> memref<10000x64xf32, #tpu.memory_space<vmem_shared>>
    tpu.wait_indirect_dma semaphore(%arg12 : memref<!tpu.dma_semaphore, #tpu.memory_space<semaphore_mem>>) src(%dma_wait3A_186 : memref<10000x64xf32, #tpu.memory_space<vmem_shared>>) dst(%dma_wait3A_180 : memref<128x64xf32, #tpu.memory_space<vmem>>)
    %dma_start3A_187 = arith.constant 1 : i32
    %dma_start3A_188 = arith.constant 76 : i32
    %dma_start3A_189 = arith.constant 0 : i32
    %dma_start3A_190 = arith.constant 0 : i32
    %dma_start3A_191 = tpu.memref_slice %arg8[%dma_start3A_187, %dma_start3A_189, %dma_start3A_190] : memref<3x128x64xf32, #tpu.memory_space<vmem>> -> memref<1x128x64xf32, #tpu.memory_space<vmem>>
    %dma_start3A_192 = tpu.memref_squeeze %dma_start3A_191 : memref<1x128x64xf32, #tpu.memory_space<vmem>> -> memref<128x64xf32, #tpu.memory_space<vmem>>
    %dma_start3A_193 = arith.constant 0 : i32
    %dma_start3A_194 = tpu.memref_slice %arg7[%dma_start3A_188, %dma_start3A_193] : memref<79x128xi32, #tpu.memory_space<vmem>> -> memref<1x128xi32, #tpu.memory_space<vmem>>
    %dma_start3A_195 = tpu.memref_squeeze %dma_start3A_194 : memref<1x128xi32, #tpu.memory_space<vmem>> -> memref<128xi32, #tpu.memory_space<vmem>>
    %dma_start3A_196 = arith.constant 0 : i32
    %dma_start3A_197 = arith.constant 0 : i32
    %dma_start3A_198 = tpu.memref_slice %arg10[%dma_start3A_196, %dma_start3A_197] : memref<10112x64xf32, #tpu.memory_space<vmem_shared>> -> memref<10112x64xf32, #tpu.memory_space<vmem_shared>>
    tpu.enqueue_indirect_dma source(%dma_start3A_192 : memref<128x64xf32, #tpu.memory_space<vmem>>) target(%dma_start3A_198 : memref<10112x64xf32, #tpu.memory_space<vmem_shared>>) offsets(%dma_start3A_195 : memref<128xi32, #tpu.memory_space<vmem>>) semaphore(%arg15 : memref<!tpu.dma_semaphore, #tpu.memory_space<semaphore_mem>>) {add = true}
    %dma_wait3A_199 = arith.constant 77 : i32
    %dma_wait3A_200 = arith.constant 2 : i32
    %dma_wait3A_201 = arith.constant 0 : i32
    %dma_wait3A_202 = arith.constant 0 : i32
    %dma_wait3A_203 = tpu.memref_slice %arg8[%dma_wait3A_200, %dma_wait3A_201, %dma_wait3A_202] : memref<3x128x64xf32, #tpu.memory_space<vmem>> -> memref<1x128x64xf32, #tpu.memory_space<vmem>>
    %dma_wait3A_204 = tpu.memref_squeeze %dma_wait3A_203 : memref<1x128x64xf32, #tpu.memory_space<vmem>> -> memref<128x64xf32, #tpu.memory_space<vmem>>
    %dma_wait3A_205 = arith.constant 0 : i32
    %dma_wait3A_206 = tpu.memref_slice %arg6[%dma_wait3A_199, %dma_wait3A_205] : memref<86x128xi32, #tpu.memory_space<vmem>> -> memref<1x128xi32, #tpu.memory_space<vmem>>
    %dma_wait3A_207 = tpu.memref_squeeze %dma_wait3A_206 : memref<1x128xi32, #tpu.memory_space<vmem>> -> memref<128xi32, #tpu.memory_space<vmem>>
    %dma_wait3A_208 = arith.constant 0 : i32
    %dma_wait3A_209 = arith.constant 0 : i32
    %dma_wait3A_210 = tpu.memref_slice %arg9[%dma_wait3A_208, %dma_wait3A_209] : memref<10000x64xf32, #tpu.memory_space<vmem_shared>> -> memref<10000x64xf32, #tpu.memory_space<vmem_shared>>
    tpu.wait_indirect_dma semaphore(%arg13 : memref<!tpu.dma_semaphore, #tpu.memory_space<semaphore_mem>>) src(%dma_wait3A_210 : memref<10000x64xf32, #tpu.memory_space<vmem_shared>>) dst(%dma_wait3A_204 : memref<128x64xf32, #tpu.memory_space<vmem>>)
    %dma_start3A_211 = arith.constant 2 : i32
    %dma_start3A_212 = arith.constant 77 : i32
    %dma_start3A_213 = arith.constant 0 : i32
    %dma_start3A_214 = arith.constant 0 : i32
    %dma_start3A_215 = tpu.memref_slice %arg8[%dma_start3A_211, %dma_start3A_213, %dma_start3A_214] : memref<3x128x64xf32, #tpu.memory_space<vmem>> -> memref<1x128x64xf32, #tpu.memory_space<vmem>>
    %dma_start3A_216 = tpu.memref_squeeze %dma_start3A_215 : memref<1x128x64xf32, #tpu.memory_space<vmem>> -> memref<128x64xf32, #tpu.memory_space<vmem>>
    %dma_start3A_217 = arith.constant 0 : i32
    %dma_start3A_218 = tpu.memref_slice %arg7[%dma_start3A_212, %dma_start3A_217] : memref<79x128xi32, #tpu.memory_space<vmem>> -> memref<1x128xi32, #tpu.memory_space<vmem>>
    %dma_start3A_219 = tpu.memref_squeeze %dma_start3A_218 : memref<1x128xi32, #tpu.memory_space<vmem>> -> memref<128xi32, #tpu.memory_space<vmem>>
    %dma_start3A_220 = arith.constant 0 : i32
    %dma_start3A_221 = arith.constant 0 : i32
    %dma_start3A_222 = tpu.memref_slice %arg10[%dma_start3A_220, %dma_start3A_221] : memref<10112x64xf32, #tpu.memory_space<vmem_shared>> -> memref<10112x64xf32, #tpu.memory_space<vmem_shared>>
    tpu.enqueue_indirect_dma source(%dma_start3A_216 : memref<128x64xf32, #tpu.memory_space<vmem>>) target(%dma_start3A_222 : memref<10112x64xf32, #tpu.memory_space<vmem_shared>>) offsets(%dma_start3A_219 : memref<128xi32, #tpu.memory_space<vmem>>) semaphore(%arg16 : memref<!tpu.dma_semaphore, #tpu.memory_space<semaphore_mem>>) {add = true}
    %dma_wait3A_223 = arith.constant 0 : i32
    %dma_wait3A_224 = arith.constant 75 : i32
    %dma_wait3A_225 = arith.constant 0 : i32
    %dma_wait3A_226 = arith.constant 0 : i32
    %dma_wait3A_227 = tpu.memref_slice %arg8[%dma_wait3A_223, %dma_wait3A_225, %dma_wait3A_226] : memref<3x128x64xf32, #tpu.memory_space<vmem>> -> memref<1x128x64xf32, #tpu.memory_space<vmem>>
    %dma_wait3A_228 = tpu.memref_squeeze %dma_wait3A_227 : memref<1x128x64xf32, #tpu.memory_space<vmem>> -> memref<128x64xf32, #tpu.memory_space<vmem>>
    %dma_wait3A_229 = arith.constant 0 : i32
    %dma_wait3A_230 = tpu.memref_slice %arg7[%dma_wait3A_224, %dma_wait3A_229] : memref<79x128xi32, #tpu.memory_space<vmem>> -> memref<1x128xi32, #tpu.memory_space<vmem>>
    %dma_wait3A_231 = tpu.memref_squeeze %dma_wait3A_230 : memref<1x128xi32, #tpu.memory_space<vmem>> -> memref<128xi32, #tpu.memory_space<vmem>>
    %dma_wait3A_232 = arith.constant 0 : i32
    %dma_wait3A_233 = arith.constant 0 : i32
    %dma_wait3A_234 = tpu.memref_slice %arg10[%dma_wait3A_232, %dma_wait3A_233] : memref<10112x64xf32, #tpu.memory_space<vmem_shared>> -> memref<10112x64xf32, #tpu.memory_space<vmem_shared>>
    tpu.wait_indirect_dma semaphore(%arg14 : memref<!tpu.dma_semaphore, #tpu.memory_space<semaphore_mem>>) src(%dma_wait3A_228 : memref<128x64xf32, #tpu.memory_space<vmem>>) dst(%dma_wait3A_234 : memref<10112x64xf32, #tpu.memory_space<vmem_shared>>)
    %dma_wait3A_235 = arith.constant 1 : i32
    %dma_wait3A_236 = arith.constant 76 : i32
    %dma_wait3A_237 = arith.constant 0 : i32
    %dma_wait3A_238 = arith.constant 0 : i32
    %dma_wait3A_239 = tpu.memref_slice %arg8[%dma_wait3A_235, %dma_wait3A_237, %dma_wait3A_238] : memref<3x128x64xf32, #tpu.memory_space<vmem>> -> memref<1x128x64xf32, #tpu.memory_space<vmem>>
    %dma_wait3A_240 = tpu.memref_squeeze %dma_wait3A_239 : memref<1x128x64xf32, #tpu.memory_space<vmem>> -> memref<128x64xf32, #tpu.memory_space<vmem>>
    %dma_wait3A_241 = arith.constant 0 : i32
    %dma_wait3A_242 = tpu.memref_slice %arg7[%dma_wait3A_236, %dma_wait3A_241] : memref<79x128xi32, #tpu.memory_space<vmem>> -> memref<1x128xi32, #tpu.memory_space<vmem>>
    %dma_wait3A_243 = tpu.memref_squeeze %dma_wait3A_242 : memref<1x128xi32, #tpu.memory_space<vmem>> -> memref<128xi32, #tpu.memory_space<vmem>>
    %dma_wait3A_244 = arith.constant 0 : i32
    %dma_wait3A_245 = arith.constant 0 : i32
    %dma_wait3A_246 = tpu.memref_slice %arg10[%dma_wait3A_244, %dma_wait3A_245] : memref<10112x64xf32, #tpu.memory_space<vmem_shared>> -> memref<10112x64xf32, #tpu.memory_space<vmem_shared>>
    tpu.wait_indirect_dma semaphore(%arg15 : memref<!tpu.dma_semaphore, #tpu.memory_space<semaphore_mem>>) src(%dma_wait3A_240 : memref<128x64xf32, #tpu.memory_space<vmem>>) dst(%dma_wait3A_246 : memref<10112x64xf32, #tpu.memory_space<vmem_shared>>)
    %dma_wait3A_247 = arith.constant 2 : i32
    %dma_wait3A_248 = arith.constant 77 : i32
    %dma_wait3A_249 = arith.constant 0 : i32
    %dma_wait3A_250 = arith.constant 0 : i32
    %dma_wait3A_251 = tpu.memref_slice %arg8[%dma_wait3A_247, %dma_wait3A_249, %dma_wait3A_250] : memref<3x128x64xf32, #tpu.memory_space<vmem>> -> memref<1x128x64xf32, #tpu.memory_space<vmem>>
    %dma_wait3A_252 = tpu.memref_squeeze %dma_wait3A_251 : memref<1x128x64xf32, #tpu.memory_space<vmem>> -> memref<128x64xf32, #tpu.memory_space<vmem>>
    %dma_wait3A_253 = arith.constant 0 : i32
    %dma_wait3A_254 = tpu.memref_slice %arg7[%dma_wait3A_248, %dma_wait3A_253] : memref<79x128xi32, #tpu.memory_space<vmem>> -> memref<1x128xi32, #tpu.memory_space<vmem>>
    %dma_wait3A_255 = tpu.memref_squeeze %dma_wait3A_254 : memref<1x128xi32, #tpu.memory_space<vmem>> -> memref<128xi32, #tpu.memory_space<vmem>>
    %dma_wait3A_256 = arith.constant 0 : i32
    %dma_wait3A_257 = arith.constant 0 : i32
    %dma_wait3A_258 = tpu.memref_slice %arg10[%dma_wait3A_256, %dma_wait3A_257] : memref<10112x64xf32, #tpu.memory_space<vmem_shared>> -> memref<10112x64xf32, #tpu.memory_space<vmem_shared>>
    tpu.wait_indirect_dma semaphore(%arg16 : memref<!tpu.dma_semaphore, #tpu.memory_space<semaphore_mem>>) src(%dma_wait3A_252 : memref<128x64xf32, #tpu.memory_space<vmem>>) dst(%dma_wait3A_258 : memref<10112x64xf32, #tpu.memory_space<vmem_shared>>)
    %barrier3A_259 = arith.constant 0 : index
    tpu.barrier barrier_id(%barrier3A_259)
    %mul3A_260 = arith.constant 64 : i32
    %mul3A_261 = arith.muli %mul3A_260, %arg0 : i32
    "tpu.region"() ({
      %run_scoped3A = tpu.sem_alloc : memref<!tpu.dma_semaphore, #tpu.memory_space<semaphore_mem>>
      %dma_start3A_262 = tpu.memref_slice %arg5[%mul3A_2, %mul3A_261] : memref<10112x128xf32, #tpu.memory_space<hbm>> -> memref<632x64xf32, #tpu.memory_space<hbm>>
      %dma_start3A_263 = arith.constant 0 : i32
      %dma_start3A_264 = tpu.memref_slice %arg10[%mul3A_2, %dma_start3A_263] : memref<10112x64xf32, #tpu.memory_space<vmem_shared>> -> memref<632x64xf32, #tpu.memory_space<vmem_shared>>
      tpu.enqueue_dma source(%dma_start3A_264 : memref<632x64xf32, #tpu.memory_space<vmem_shared>>) target(%dma_start3A_262 : memref<632x64xf32, #tpu.memory_space<hbm>>) target_semaphore(%run_scoped3A : memref<!tpu.dma_semaphore, #tpu.memory_space<semaphore_mem>>)
      %dma_wait3A_265 = tpu.memref_slice %arg5[%mul3A_2, %mul3A_261] : memref<10112x128xf32, #tpu.memory_space<hbm>> -> memref<632x64xf32, #tpu.memory_space<hbm>>
      %dma_wait3A_266 = arith.constant 0 : i32
      %dma_wait3A_267 = tpu.memref_slice %arg10[%mul3A_2, %dma_wait3A_266] : memref<10112x64xf32, #tpu.memory_space<vmem_shared>> -> memref<632x64xf32, #tpu.memory_space<vmem_shared>>
      tpu.wait_dma2 semaphore(%run_scoped3A : memref<!tpu.dma_semaphore, #tpu.memory_space<semaphore_mem>>) src(%dma_wait3A_267 : memref<632x64xf32, #tpu.memory_space<vmem_shared>>) dst(%dma_wait3A_265 : memref<632x64xf32, #tpu.memory_space<hbm>>)
      tpu.yield
    }) : () -> ()
    return
  }
}

#map = affine_map<(d0, d1) -> (0, 0)>
#map1 = affine_map<(d0, d1) -> (0, 0, 0)>
module attributes {stable_mosaic.version = 14 : i64} {
  func.func @k(%arg0: i32, %arg1: i32, %arg2: memref<10000x128xf32, #tpu.memory_space<hbm>>, %arg3: memref<2x2500x128xi32, #tpu.memory_space<hbm>>, %arg4: memref<10112x48xf32, #tpu.memory_space<hbm>>, %arg5: memref<10112x128xf32, #tpu.memory_space<hbm>>, %arg6: memref<86x128xi32, #tpu.memory_space<vmem>>, %arg7: memref<79x128xi32, #tpu.memory_space<vmem>>, %arg8: memref<3x128x48xf32, #tpu.memory_space<vmem>>, %arg9: memref<10000x48xf32, #tpu.memory_space<vmem_shared>>, %arg10: memref<10112x48xf32, #tpu.memory_space<vmem_shared>>, %arg11: memref<!tpu.dma_semaphore, #tpu.memory_space<semaphore_mem>>, %arg12: memref<!tpu.dma_semaphore, #tpu.memory_space<semaphore_mem>>, %arg13: memref<!tpu.dma_semaphore, #tpu.memory_space<semaphore_mem>>, %arg14: memref<!tpu.dma_semaphore, #tpu.memory_space<semaphore_mem>>, %arg15: memref<!tpu.dma_semaphore, #tpu.memory_space<semaphore_mem>>, %arg16: memref<!tpu.dma_semaphore, #tpu.memory_space<semaphore_mem>>) attributes {dimension_semantics = [#tpu.dimension_semantics<core_parallel>, #tpu.dimension_semantics<subcore_parallel>], iteration_bounds = array<i64: 2, 16>, scalar_prefetch = 0 : i64, scratch_operands = 11 : i64, tpu.core_type = #tpu.core_type<sc_vector_subcore>, window_params = [{transform_indices = #map}, {transform_indices = #map1}, {transform_indices = #map}, {transform_indices = #map}]} {
    %mul3A = arith.constant 16 : i32
    %mul3A_0 = arith.muli %arg0, %mul3A : i32
    %add3A = arith.addi %mul3A_0, %arg1 : i32
    %mul3A_1 = arith.constant 632 : i32
    %mul3A_2 = arith.muli %arg1, %mul3A_1 : i32
    %mul3A_3 = arith.constant 632 : i32
    %mul3A_4 = arith.muli %arg1, %mul3A_3 : i32
    %min3A = arith.constant 9368 : i32
    %min3A_5 = arith.minsi %mul3A_4, %min3A : i32
    %dma_start3A = arith.constant 0 : i32
    %dma_start3A_6 = tpu.memref_slice %arg9[%min3A_5, %dma_start3A] : memref<10000x48xf32, #tpu.memory_space<vmem_shared>> -> memref<632x48xf32, #tpu.memory_space<vmem_shared>>
    %dma_start3A_7 = arith.constant 0 : i32
    %dma_start3A_8 = tpu.memref_slice %arg2[%min3A_5, %dma_start3A_7] : memref<10000x128xf32, #tpu.memory_space<hbm>> -> memref<632x48xf32, #tpu.memory_space<hbm>>
    tpu.enqueue_dma source(%dma_start3A_8 : memref<632x48xf32, #tpu.memory_space<hbm>>) target(%dma_start3A_6 : memref<632x48xf32, #tpu.memory_space<vmem_shared>>) target_semaphore(%arg11 : memref<!tpu.dma_semaphore, #tpu.memory_space<semaphore_mem>>)
    %dma_start3A_9 = arith.constant 0 : i32
    %dma_start3A_10 = tpu.memref_slice %arg10[%mul3A_2, %dma_start3A_9] : memref<10112x48xf32, #tpu.memory_space<vmem_shared>> -> memref<632x48xf32, #tpu.memory_space<vmem_shared>>
    %dma_start3A_11 = arith.constant 0 : i32
    %dma_start3A_12 = tpu.memref_slice %arg4[%mul3A_2, %dma_start3A_11] : memref<10112x48xf32, #tpu.memory_space<hbm>> -> memref<632x48xf32, #tpu.memory_space<hbm>>
    tpu.enqueue_dma source(%dma_start3A_12 : memref<632x48xf32, #tpu.memory_space<hbm>>) target(%dma_start3A_10 : memref<632x48xf32, #tpu.memory_space<vmem_shared>>) target_semaphore(%arg13 : memref<!tpu.dma_semaphore, #tpu.memory_space<semaphore_mem>>)
    %mul3A_13 = arith.constant 78 : i32
    %mul3A_14 = arith.muli %add3A, %mul3A_13 : i32
    %dma_start3A_15 = arith.constant 0 : i32
    %dma_start3A_16 = arith.constant 0 : i32
    %dma_start3A_17 = arith.constant 0 : i32
    %dma_start3A_18 = tpu.memref_slice %arg6[%dma_start3A_16, %dma_start3A_17] : memref<86x128xi32, #tpu.memory_space<vmem>> -> memref<78x128xi32, #tpu.memory_space<vmem>>
    %dma_start3A_19 = arith.constant 0 : i32
    %dma_start3A_20 = tpu.memref_slice %arg3[%dma_start3A_15, %mul3A_14, %dma_start3A_19] : memref<2x2500x128xi32, #tpu.memory_space<hbm>> -> memref<1x78x128xi32, #tpu.memory_space<hbm>>
    %dma_start3A_21 = tpu.memref_squeeze %dma_start3A_20 : memref<1x78x128xi32, #tpu.memory_space<hbm>> -> memref<78x128xi32, #tpu.memory_space<hbm>>
    %dma_start3A_22 = arith.constant 0 : i32
    %dma_start3A_23 = arith.constant 0 : i32
    %dma_start3A_24 = tpu.memref_slice %arg6[%dma_start3A_22, %dma_start3A_23] : memref<86x128xi32, #tpu.memory_space<vmem>> -> memref<78x128xi32, #tpu.memory_space<vmem>>
    %dma_start3A_25 = arith.constant 0 : i32
    %dma_start3A_26 = tpu.memref_slice %arg3[%dma_start3A_15, %mul3A_14, %dma_start3A_25] : memref<2x2500x128xi32, #tpu.memory_space<hbm>> -> memref<1x78x128xi32, #tpu.memory_space<hbm>>
    %dma_start3A_27 = tpu.memref_squeeze %dma_start3A_26 : memref<1x78x128xi32, #tpu.memory_space<hbm>> -> memref<78x128xi32, #tpu.memory_space<hbm>>
    tpu.enqueue_dma source(%dma_start3A_27 : memref<78x128xi32, #tpu.memory_space<hbm>>) target(%dma_start3A_24 : memref<78x128xi32, #tpu.memory_space<vmem>>) target_semaphore(%arg14 : memref<!tpu.dma_semaphore, #tpu.memory_space<semaphore_mem>>)
    %mul3A_28 = arith.constant 78 : i32
    %mul3A_29 = arith.muli %add3A, %mul3A_28 : i32
    %dma_start3A_30 = arith.constant 0 : i32
    %dma_start3A_31 = arith.constant 78 : i32
    %dma_start3A_32 = arith.constant 0 : i32
    %dma_start3A_33 = tpu.memref_slice %arg6[%dma_start3A_31, %dma_start3A_32] : memref<86x128xi32, #tpu.memory_space<vmem>> -> memref<8x128xi32, #tpu.memory_space<vmem>>
    %dma_start3A_34 = arith.constant 0 : i32
    %dma_start3A_35 = tpu.memref_slice %arg3[%dma_start3A_30, %mul3A_29, %dma_start3A_34] : memref<2x2500x128xi32, #tpu.memory_space<hbm>> -> memref<1x8x128xi32, #tpu.memory_space<hbm>>
    %dma_start3A_36 = tpu.memref_squeeze %dma_start3A_35 : memref<1x8x128xi32, #tpu.memory_space<hbm>> -> memref<8x128xi32, #tpu.memory_space<hbm>>
    %dma_start3A_37 = arith.constant 78 : i32
    %dma_start3A_38 = arith.constant 0 : i32
    %dma_start3A_39 = tpu.memref_slice %arg6[%dma_start3A_37, %dma_start3A_38] : memref<86x128xi32, #tpu.memory_space<vmem>> -> memref<8x128xi32, #tpu.memory_space<vmem>>
    %dma_start3A_40 = arith.constant 0 : i32
    %dma_start3A_41 = tpu.memref_slice %arg3[%dma_start3A_30, %mul3A_29, %dma_start3A_40] : memref<2x2500x128xi32, #tpu.memory_space<hbm>> -> memref<1x8x128xi32, #tpu.memory_space<hbm>>
    %dma_start3A_42 = tpu.memref_squeeze %dma_start3A_41 : memref<1x8x128xi32, #tpu.memory_space<hbm>> -> memref<8x128xi32, #tpu.memory_space<hbm>>
    tpu.enqueue_dma source(%dma_start3A_42 : memref<8x128xi32, #tpu.memory_space<hbm>>) target(%dma_start3A_39 : memref<8x128xi32, #tpu.memory_space<vmem>>) target_semaphore(%arg15 : memref<!tpu.dma_semaphore, #tpu.memory_space<semaphore_mem>>)
    %mul3A_43 = arith.constant 78 : i32
    %mul3A_44 = arith.muli %add3A, %mul3A_43 : i32
    %dma_start3A_45 = arith.constant 1 : i32
    %dma_start3A_46 = arith.constant 0 : i32
    %dma_start3A_47 = arith.constant 0 : i32
    %dma_start3A_48 = tpu.memref_slice %arg7[%dma_start3A_46, %dma_start3A_47] : memref<79x128xi32, #tpu.memory_space<vmem>> -> memref<78x128xi32, #tpu.memory_space<vmem>>
    %dma_start3A_49 = arith.constant 0 : i32
    %dma_start3A_50 = tpu.memref_slice %arg3[%dma_start3A_45, %mul3A_44, %dma_start3A_49] : memref<2x2500x128xi32, #tpu.memory_space<hbm>> -> memref<1x78x128xi32, #tpu.memory_space<hbm>>
    %dma_start3A_51 = tpu.memref_squeeze %dma_start3A_50 : memref<1x78x128xi32, #tpu.memory_space<hbm>> -> memref<78x128xi32, #tpu.memory_space<hbm>>
    %dma_start3A_52 = arith.constant 0 : i32
    %dma_start3A_53 = arith.constant 0 : i32
    %dma_start3A_54 = tpu.memref_slice %arg7[%dma_start3A_52, %dma_start3A_53] : memref<79x128xi32, #tpu.memory_space<vmem>> -> memref<78x128xi32, #tpu.memory_space<vmem>>
    %dma_start3A_55 = arith.constant 0 : i32
    %dma_start3A_56 = tpu.memref_slice %arg3[%dma_start3A_45, %mul3A_44, %dma_start3A_55] : memref<2x2500x128xi32, #tpu.memory_space<hbm>> -> memref<1x78x128xi32, #tpu.memory_space<hbm>>
    %dma_start3A_57 = tpu.memref_squeeze %dma_start3A_56 : memref<1x78x128xi32, #tpu.memory_space<hbm>> -> memref<78x128xi32, #tpu.memory_space<hbm>>
    tpu.enqueue_dma source(%dma_start3A_57 : memref<78x128xi32, #tpu.memory_space<hbm>>) target(%dma_start3A_54 : memref<78x128xi32, #tpu.memory_space<vmem>>) target_semaphore(%arg16 : memref<!tpu.dma_semaphore, #tpu.memory_space<semaphore_mem>>)
    %lt3A = arith.constant 4 : i32
    %lt3A_58 = arith.cmpi slt, %add3A, %lt3A : i32
    %convert_element_type3A = arith.extui %lt3A_58 : i1 to i32
    %cond3A = arith.constant 0 : i32
    %cond3A_59 = arith.cmpi ne, %convert_element_type3A, %cond3A : i32
    scf.if %cond3A_59 {
      %add3A_262 = arith.constant 2496 : i32
      %add3A_263 = arith.addi %add3A_262, %add3A : i32
      %run_scoped3A = arith.constant 0 : i32
      "tpu.region"() ({
        %run_scoped3A_267 = tpu.sem_alloc : memref<!tpu.dma_semaphore, #tpu.memory_space<semaphore_mem>>
        %dma_start3A_268 = arith.constant 82 : i32
        %dma_start3A_269 = arith.constant 0 : i32
        %dma_start3A_270 = tpu.memref_slice %arg6[%dma_start3A_268, %dma_start3A_269] : memref<86x128xi32, #tpu.memory_space<vmem>> -> memref<1x128xi32, #tpu.memory_space<vmem>>
        %dma_start3A_271 = arith.constant 0 : i32
        %dma_start3A_272 = tpu.memref_slice %arg3[%run_scoped3A, %add3A_263, %dma_start3A_271] : memref<2x2500x128xi32, #tpu.memory_space<hbm>> -> memref<1x1x128xi32, #tpu.memory_space<hbm>>
        %dma_start3A_273 = tpu.memref_squeeze %dma_start3A_272 : memref<1x1x128xi32, #tpu.memory_space<hbm>> -> memref<1x128xi32, #tpu.memory_space<hbm>>
        %dma_start3A_274 = arith.constant 82 : i32
        %dma_start3A_275 = arith.constant 0 : i32
        %dma_start3A_276 = tpu.memref_slice %arg6[%dma_start3A_274, %dma_start3A_275] : memref<86x128xi32, #tpu.memory_space<vmem>> -> memref<1x128xi32, #tpu.memory_space<vmem>>
        %dma_start3A_277 = arith.constant 0 : i32
        %dma_start3A_278 = tpu.memref_slice %arg3[%run_scoped3A, %add3A_263, %dma_start3A_277] : memref<2x2500x128xi32, #tpu.memory_space<hbm>> -> memref<1x1x128xi32, #tpu.memory_space<hbm>>
        %dma_start3A_279 = tpu.memref_squeeze %dma_start3A_278 : memref<1x1x128xi32, #tpu.memory_space<hbm>> -> memref<1x128xi32, #tpu.memory_space<hbm>>
        tpu.enqueue_dma source(%dma_start3A_279 : memref<1x128xi32, #tpu.memory_space<hbm>>) target(%dma_start3A_276 : memref<1x128xi32, #tpu.memory_space<vmem>>) target_semaphore(%run_scoped3A_267 : memref<!tpu.dma_semaphore, #tpu.memory_space<semaphore_mem>>)
        %dma_wait3A_280 = arith.constant 82 : i32
        %dma_wait3A_281 = arith.constant 0 : i32
        %dma_wait3A_282 = tpu.memref_slice %arg6[%dma_wait3A_280, %dma_wait3A_281] : memref<86x128xi32, #tpu.memory_space<vmem>> -> memref<1x128xi32, #tpu.memory_space<vmem>>
        %dma_wait3A_283 = arith.constant 0 : i32
        %dma_wait3A_284 = tpu.memref_slice %arg3[%run_scoped3A, %add3A_263, %dma_wait3A_283] : memref<2x2500x128xi32, #tpu.memory_space<hbm>> -> memref<1x1x128xi32, #tpu.memory_space<hbm>>
        %dma_wait3A_285 = tpu.memref_squeeze %dma_wait3A_284 : memref<1x1x128xi32, #tpu.memory_space<hbm>> -> memref<1x128xi32, #tpu.memory_space<hbm>>
        %dma_wait3A_286 = arith.constant 82 : i32
        %dma_wait3A_287 = arith.constant 0 : i32
        %dma_wait3A_288 = tpu.memref_slice %arg6[%dma_wait3A_286, %dma_wait3A_287] : memref<86x128xi32, #tpu.memory_space<vmem>> -> memref<1x128xi32, #tpu.memory_space<vmem>>
        %dma_wait3A_289 = arith.constant 0 : i32
        %dma_wait3A_290 = tpu.memref_slice %arg3[%run_scoped3A, %add3A_263, %dma_wait3A_289] : memref<2x2500x128xi32, #tpu.memory_space<hbm>> -> memref<1x1x128xi32, #tpu.memory_space<hbm>>
        %dma_wait3A_291 = tpu.memref_squeeze %dma_wait3A_290 : memref<1x1x128xi32, #tpu.memory_space<hbm>> -> memref<1x128xi32, #tpu.memory_space<hbm>>
        tpu.wait_dma2 semaphore(%run_scoped3A_267 : memref<!tpu.dma_semaphore, #tpu.memory_space<semaphore_mem>>) src(%dma_wait3A_291 : memref<1x128xi32, #tpu.memory_space<hbm>>) dst(%dma_wait3A_288 : memref<1x128xi32, #tpu.memory_space<vmem>>)
        tpu.yield
      }) : () -> ()
      %add3A_264 = arith.constant 2496 : i32
      %add3A_265 = arith.addi %add3A_264, %add3A : i32
      %run_scoped3A_266 = arith.constant 1 : i32
      "tpu.region"() ({
        %run_scoped3A_267 = tpu.sem_alloc : memref<!tpu.dma_semaphore, #tpu.memory_space<semaphore_mem>>
        %dma_start3A_268 = arith.constant 78 : i32
        %dma_start3A_269 = arith.constant 0 : i32
        %dma_start3A_270 = tpu.memref_slice %arg7[%dma_start3A_268, %dma_start3A_269] : memref<79x128xi32, #tpu.memory_space<vmem>> -> memref<1x128xi32, #tpu.memory_space<vmem>>
        %dma_start3A_271 = arith.constant 0 : i32
        %dma_start3A_272 = tpu.memref_slice %arg3[%run_scoped3A_266, %add3A_265, %dma_start3A_271] : memref<2x2500x128xi32, #tpu.memory_space<hbm>> -> memref<1x1x128xi32, #tpu.memory_space<hbm>>
        %dma_start3A_273 = tpu.memref_squeeze %dma_start3A_272 : memref<1x1x128xi32, #tpu.memory_space<hbm>> -> memref<1x128xi32, #tpu.memory_space<hbm>>
        %dma_start3A_274 = arith.constant 78 : i32
        %dma_start3A_275 = arith.constant 0 : i32
        %dma_start3A_276 = tpu.memref_slice %arg7[%dma_start3A_274, %dma_start3A_275] : memref<79x128xi32, #tpu.memory_space<vmem>> -> memref<1x128xi32, #tpu.memory_space<vmem>>
        %dma_start3A_277 = arith.constant 0 : i32
        %dma_start3A_278 = tpu.memref_slice %arg3[%run_scoped3A_266, %add3A_265, %dma_start3A_277] : memref<2x2500x128xi32, #tpu.memory_space<hbm>> -> memref<1x1x128xi32, #tpu.memory_space<hbm>>
        %dma_start3A_279 = tpu.memref_squeeze %dma_start3A_278 : memref<1x1x128xi32, #tpu.memory_space<hbm>> -> memref<1x128xi32, #tpu.memory_space<hbm>>
        tpu.enqueue_dma source(%dma_start3A_279 : memref<1x128xi32, #tpu.memory_space<hbm>>) target(%dma_start3A_276 : memref<1x128xi32, #tpu.memory_space<vmem>>) target_semaphore(%run_scoped3A_267 : memref<!tpu.dma_semaphore, #tpu.memory_space<semaphore_mem>>)
        %dma_wait3A_280 = arith.constant 78 : i32
        %dma_wait3A_281 = arith.constant 0 : i32
        %dma_wait3A_282 = tpu.memref_slice %arg7[%dma_wait3A_280, %dma_wait3A_281] : memref<79x128xi32, #tpu.memory_space<vmem>> -> memref<1x128xi32, #tpu.memory_space<vmem>>
        %dma_wait3A_283 = arith.constant 0 : i32
        %dma_wait3A_284 = tpu.memref_slice %arg3[%run_scoped3A_266, %add3A_265, %dma_wait3A_283] : memref<2x2500x128xi32, #tpu.memory_space<hbm>> -> memref<1x1x128xi32, #tpu.memory_space<hbm>>
        %dma_wait3A_285 = tpu.memref_squeeze %dma_wait3A_284 : memref<1x1x128xi32, #tpu.memory_space<hbm>> -> memref<1x128xi32, #tpu.memory_space<hbm>>
        %dma_wait3A_286 = arith.constant 78 : i32
        %dma_wait3A_287 = arith.constant 0 : i32
        %dma_wait3A_288 = tpu.memref_slice %arg7[%dma_wait3A_286, %dma_wait3A_287] : memref<79x128xi32, #tpu.memory_space<vmem>> -> memref<1x128xi32, #tpu.memory_space<vmem>>
        %dma_wait3A_289 = arith.constant 0 : i32
        %dma_wait3A_290 = tpu.memref_slice %arg3[%run_scoped3A_266, %add3A_265, %dma_wait3A_289] : memref<2x2500x128xi32, #tpu.memory_space<hbm>> -> memref<1x1x128xi32, #tpu.memory_space<hbm>>
        %dma_wait3A_291 = tpu.memref_squeeze %dma_wait3A_290 : memref<1x1x128xi32, #tpu.memory_space<hbm>> -> memref<1x128xi32, #tpu.memory_space<hbm>>
        tpu.wait_dma2 semaphore(%run_scoped3A_267 : memref<!tpu.dma_semaphore, #tpu.memory_space<semaphore_mem>>) src(%dma_wait3A_291 : memref<1x128xi32, #tpu.memory_space<hbm>>) dst(%dma_wait3A_288 : memref<1x128xi32, #tpu.memory_space<vmem>>)
        tpu.yield
      }) : () -> ()
    } else {
    }
    %dma_wait3A = arith.constant 0 : i32
    %dma_wait3A_60 = tpu.memref_slice %arg9[%min3A_5, %dma_wait3A] : memref<10000x48xf32, #tpu.memory_space<vmem_shared>> -> memref<632x48xf32, #tpu.memory_space<vmem_shared>>
    %dma_wait3A_61 = arith.constant 0 : i32
    %dma_wait3A_62 = tpu.memref_slice %arg2[%min3A_5, %dma_wait3A_61] : memref<10000x128xf32, #tpu.memory_space<hbm>> -> memref<632x48xf32, #tpu.memory_space<hbm>>
    tpu.wait_dma2 semaphore(%arg11 : memref<!tpu.dma_semaphore, #tpu.memory_space<semaphore_mem>>) src(%dma_wait3A_62 : memref<632x48xf32, #tpu.memory_space<hbm>>) dst(%dma_wait3A_60 : memref<632x48xf32, #tpu.memory_space<vmem_shared>>)
    %dma_wait3A_63 = arith.constant 0 : i32
    %dma_wait3A_64 = tpu.memref_slice %arg10[%mul3A_2, %dma_wait3A_63] : memref<10112x48xf32, #tpu.memory_space<vmem_shared>> -> memref<632x48xf32, #tpu.memory_space<vmem_shared>>
    %dma_wait3A_65 = arith.constant 0 : i32
    %dma_wait3A_66 = tpu.memref_slice %arg4[%mul3A_2, %dma_wait3A_65] : memref<10112x48xf32, #tpu.memory_space<hbm>> -> memref<632x48xf32, #tpu.memory_space<hbm>>
    tpu.wait_dma2 semaphore(%arg13 : memref<!tpu.dma_semaphore, #tpu.memory_space<semaphore_mem>>) src(%dma_wait3A_66 : memref<632x48xf32, #tpu.memory_space<hbm>>) dst(%dma_wait3A_64 : memref<632x48xf32, #tpu.memory_space<vmem_shared>>)
    %dma_wait3A_67 = arith.constant 0 : i32
    %dma_wait3A_68 = arith.constant 0 : i32
    %dma_wait3A_69 = arith.constant 0 : i32
    %dma_wait3A_70 = tpu.memref_slice %arg6[%dma_wait3A_68, %dma_wait3A_69] : memref<86x128xi32, #tpu.memory_space<vmem>> -> memref<78x128xi32, #tpu.memory_space<vmem>>
    %dma_wait3A_71 = arith.constant 0 : i32
    %dma_wait3A_72 = tpu.memref_slice %arg3[%dma_wait3A_67, %mul3A_14, %dma_wait3A_71] : memref<2x2500x128xi32, #tpu.memory_space<hbm>> -> memref<1x78x128xi32, #tpu.memory_space<hbm>>
    %dma_wait3A_73 = tpu.memref_squeeze %dma_wait3A_72 : memref<1x78x128xi32, #tpu.memory_space<hbm>> -> memref<78x128xi32, #tpu.memory_space<hbm>>
    %dma_wait3A_74 = arith.constant 0 : i32
    %dma_wait3A_75 = arith.constant 0 : i32
    %dma_wait3A_76 = tpu.memref_slice %arg6[%dma_wait3A_74, %dma_wait3A_75] : memref<86x128xi32, #tpu.memory_space<vmem>> -> memref<78x128xi32, #tpu.memory_space<vmem>>
    %dma_wait3A_77 = arith.constant 0 : i32
    %dma_wait3A_78 = tpu.memref_slice %arg3[%dma_wait3A_67, %mul3A_14, %dma_wait3A_77] : memref<2x2500x128xi32, #tpu.memory_space<hbm>> -> memref<1x78x128xi32, #tpu.memory_space<hbm>>
    %dma_wait3A_79 = tpu.memref_squeeze %dma_wait3A_78 : memref<1x78x128xi32, #tpu.memory_space<hbm>> -> memref<78x128xi32, #tpu.memory_space<hbm>>
    tpu.wait_dma2 semaphore(%arg14 : memref<!tpu.dma_semaphore, #tpu.memory_space<semaphore_mem>>) src(%dma_wait3A_79 : memref<78x128xi32, #tpu.memory_space<hbm>>) dst(%dma_wait3A_76 : memref<78x128xi32, #tpu.memory_space<vmem>>)
    %dma_wait3A_80 = arith.constant 0 : i32
    %dma_wait3A_81 = arith.constant 78 : i32
    %dma_wait3A_82 = arith.constant 0 : i32
    %dma_wait3A_83 = tpu.memref_slice %arg6[%dma_wait3A_81, %dma_wait3A_82] : memref<86x128xi32, #tpu.memory_space<vmem>> -> memref<8x128xi32, #tpu.memory_space<vmem>>
    %dma_wait3A_84 = arith.constant 0 : i32
    %dma_wait3A_85 = tpu.memref_slice %arg3[%dma_wait3A_80, %mul3A_29, %dma_wait3A_84] : memref<2x2500x128xi32, #tpu.memory_space<hbm>> -> memref<1x8x128xi32, #tpu.memory_space<hbm>>
    %dma_wait3A_86 = tpu.memref_squeeze %dma_wait3A_85 : memref<1x8x128xi32, #tpu.memory_space<hbm>> -> memref<8x128xi32, #tpu.memory_space<hbm>>
    %dma_wait3A_87 = arith.constant 78 : i32
    %dma_wait3A_88 = arith.constant 0 : i32
    %dma_wait3A_89 = tpu.memref_slice %arg6[%dma_wait3A_87, %dma_wait3A_88] : memref<86x128xi32, #tpu.memory_space<vmem>> -> memref<8x128xi32, #tpu.memory_space<vmem>>
    %dma_wait3A_90 = arith.constant 0 : i32
    %dma_wait3A_91 = tpu.memref_slice %arg3[%dma_wait3A_80, %mul3A_29, %dma_wait3A_90] : memref<2x2500x128xi32, #tpu.memory_space<hbm>> -> memref<1x8x128xi32, #tpu.memory_space<hbm>>
    %dma_wait3A_92 = tpu.memref_squeeze %dma_wait3A_91 : memref<1x8x128xi32, #tpu.memory_space<hbm>> -> memref<8x128xi32, #tpu.memory_space<hbm>>
    tpu.wait_dma2 semaphore(%arg15 : memref<!tpu.dma_semaphore, #tpu.memory_space<semaphore_mem>>) src(%dma_wait3A_92 : memref<8x128xi32, #tpu.memory_space<hbm>>) dst(%dma_wait3A_89 : memref<8x128xi32, #tpu.memory_space<vmem>>)
    %dma_wait3A_93 = arith.constant 1 : i32
    %dma_wait3A_94 = arith.constant 0 : i32
    %dma_wait3A_95 = arith.constant 0 : i32
    %dma_wait3A_96 = tpu.memref_slice %arg7[%dma_wait3A_94, %dma_wait3A_95] : memref<79x128xi32, #tpu.memory_space<vmem>> -> memref<78x128xi32, #tpu.memory_space<vmem>>
    %dma_wait3A_97 = arith.constant 0 : i32
    %dma_wait3A_98 = tpu.memref_slice %arg3[%dma_wait3A_93, %mul3A_44, %dma_wait3A_97] : memref<2x2500x128xi32, #tpu.memory_space<hbm>> -> memref<1x78x128xi32, #tpu.memory_space<hbm>>
    %dma_wait3A_99 = tpu.memref_squeeze %dma_wait3A_98 : memref<1x78x128xi32, #tpu.memory_space<hbm>> -> memref<78x128xi32, #tpu.memory_space<hbm>>
    %dma_wait3A_100 = arith.constant 0 : i32
    %dma_wait3A_101 = arith.constant 0 : i32
    %dma_wait3A_102 = tpu.memref_slice %arg7[%dma_wait3A_100, %dma_wait3A_101] : memref<79x128xi32, #tpu.memory_space<vmem>> -> memref<78x128xi32, #tpu.memory_space<vmem>>
    %dma_wait3A_103 = arith.constant 0 : i32
    %dma_wait3A_104 = tpu.memref_slice %arg3[%dma_wait3A_93, %mul3A_44, %dma_wait3A_103] : memref<2x2500x128xi32, #tpu.memory_space<hbm>> -> memref<1x78x128xi32, #tpu.memory_space<hbm>>
    %dma_wait3A_105 = tpu.memref_squeeze %dma_wait3A_104 : memref<1x78x128xi32, #tpu.memory_space<hbm>> -> memref<78x128xi32, #tpu.memory_space<hbm>>
    tpu.wait_dma2 semaphore(%arg16 : memref<!tpu.dma_semaphore, #tpu.memory_space<semaphore_mem>>) src(%dma_wait3A_105 : memref<78x128xi32, #tpu.memory_space<hbm>>) dst(%dma_wait3A_102 : memref<78x128xi32, #tpu.memory_space<vmem>>)
    %barrier3A = arith.constant 0 : index
    tpu.barrier barrier_id(%barrier3A)
    %lt3A_106 = arith.constant 4 : i32
    %lt3A_107 = arith.cmpi slt, %add3A, %lt3A_106 : i32
    %convert_element_type3A_108 = arith.extui %lt3A_107 : i1 to i32
    %cond3A_109 = arith.constant 0 : i32
    %cond3A_110 = arith.cmpi ne, %convert_element_type3A_108, %cond3A_109 : i32
    scf.if %cond3A_110 {
      %run_scoped3A = arith.constant 82 : i32
      %run_scoped3A_262 = arith.constant 0 : i32
      "tpu.region"() ({
        %run_scoped3A_265 = tpu.sem_alloc : memref<!tpu.dma_semaphore, #tpu.memory_space<semaphore_mem>>
        %dma_start3A_266 = arith.constant 0 : i32
        %dma_start3A_267 = arith.constant 0 : i32
        %dma_start3A_268 = tpu.memref_slice %arg8[%run_scoped3A_262, %dma_start3A_266, %dma_start3A_267] : memref<3x128x48xf32, #tpu.memory_space<vmem>> -> memref<1x128x48xf32, #tpu.memory_space<vmem>>
        %dma_start3A_269 = tpu.memref_squeeze %dma_start3A_268 : memref<1x128x48xf32, #tpu.memory_space<vmem>> -> memref<128x48xf32, #tpu.memory_space<vmem>>
        %dma_start3A_270 = arith.constant 0 : i32
        %dma_start3A_271 = tpu.memref_slice %arg6[%run_scoped3A, %dma_start3A_270] : memref<86x128xi32, #tpu.memory_space<vmem>> -> memref<1x128xi32, #tpu.memory_space<vmem>>
        %dma_start3A_272 = tpu.memref_squeeze %dma_start3A_271 : memref<1x128xi32, #tpu.memory_space<vmem>> -> memref<128xi32, #tpu.memory_space<vmem>>
        %dma_start3A_273 = arith.constant 0 : i32
        %dma_start3A_274 = arith.constant 0 : i32
        %dma_start3A_275 = tpu.memref_slice %arg9[%dma_start3A_273, %dma_start3A_274] : memref<10000x48xf32, #tpu.memory_space<vmem_shared>> -> memref<10000x48xf32, #tpu.memory_space<vmem_shared>>
        tpu.enqueue_indirect_dma source(%dma_start3A_275 : memref<10000x48xf32, #tpu.memory_space<vmem_shared>>) target(%dma_start3A_269 : memref<128x48xf32, #tpu.memory_space<vmem>>) offsets(%dma_start3A_272 : memref<128xi32, #tpu.memory_space<vmem>>) semaphore(%run_scoped3A_265 : memref<!tpu.dma_semaphore, #tpu.memory_space<semaphore_mem>>)
        %dma_wait3A_276 = arith.constant 0 : i32
        %dma_wait3A_277 = arith.constant 0 : i32
        %dma_wait3A_278 = tpu.memref_slice %arg8[%run_scoped3A_262, %dma_wait3A_276, %dma_wait3A_277] : memref<3x128x48xf32, #tpu.memory_space<vmem>> -> memref<1x128x48xf32, #tpu.memory_space<vmem>>
        %dma_wait3A_279 = tpu.memref_squeeze %dma_wait3A_278 : memref<1x128x48xf32, #tpu.memory_space<vmem>> -> memref<128x48xf32, #tpu.memory_space<vmem>>
        %dma_wait3A_280 = arith.constant 0 : i32
        %dma_wait3A_281 = tpu.memref_slice %arg6[%run_scoped3A, %dma_wait3A_280] : memref<86x128xi32, #tpu.memory_space<vmem>> -> memref<1x128xi32, #tpu.memory_space<vmem>>
        %dma_wait3A_282 = tpu.memref_squeeze %dma_wait3A_281 : memref<1x128xi32, #tpu.memory_space<vmem>> -> memref<128xi32, #tpu.memory_space<vmem>>
        %dma_wait3A_283 = arith.constant 0 : i32
        %dma_wait3A_284 = arith.constant 0 : i32
        %dma_wait3A_285 = tpu.memref_slice %arg9[%dma_wait3A_283, %dma_wait3A_284] : memref<10000x48xf32, #tpu.memory_space<vmem_shared>> -> memref<10000x48xf32, #tpu.memory_space<vmem_shared>>
        tpu.wait_indirect_dma semaphore(%run_scoped3A_265 : memref<!tpu.dma_semaphore, #tpu.memory_space<semaphore_mem>>) src(%dma_wait3A_285 : memref<10000x48xf32, #tpu.memory_space<vmem_shared>>) dst(%dma_wait3A_279 : memref<128x48xf32, #tpu.memory_space<vmem>>)
        tpu.yield
      }) : () -> ()
      %run_scoped3A_263 = arith.constant 0 : i32
      %run_scoped3A_264 = arith.constant 78 : i32
      "tpu.region"() ({
        %run_scoped3A_265 = tpu.sem_alloc : memref<!tpu.dma_semaphore, #tpu.memory_space<semaphore_mem>>
        %dma_start3A_266 = arith.constant 0 : i32
        %dma_start3A_267 = arith.constant 0 : i32
        %dma_start3A_268 = tpu.memref_slice %arg8[%run_scoped3A_263, %dma_start3A_266, %dma_start3A_267] : memref<3x128x48xf32, #tpu.memory_space<vmem>> -> memref<1x128x48xf32, #tpu.memory_space<vmem>>
        %dma_start3A_269 = tpu.memref_squeeze %dma_start3A_268 : memref<1x128x48xf32, #tpu.memory_space<vmem>> -> memref<128x48xf32, #tpu.memory_space<vmem>>
        %dma_start3A_270 = arith.constant 0 : i32
        %dma_start3A_271 = tpu.memref_slice %arg7[%run_scoped3A_264, %dma_start3A_270] : memref<79x128xi32, #tpu.memory_space<vmem>> -> memref<1x128xi32, #tpu.memory_space<vmem>>
        %dma_start3A_272 = tpu.memref_squeeze %dma_start3A_271 : memref<1x128xi32, #tpu.memory_space<vmem>> -> memref<128xi32, #tpu.memory_space<vmem>>
        %dma_start3A_273 = arith.constant 0 : i32
        %dma_start3A_274 = arith.constant 0 : i32
        %dma_start3A_275 = tpu.memref_slice %arg10[%dma_start3A_273, %dma_start3A_274] : memref<10112x48xf32, #tpu.memory_space<vmem_shared>> -> memref<10112x48xf32, #tpu.memory_space<vmem_shared>>
        tpu.enqueue_indirect_dma source(%dma_start3A_269 : memref<128x48xf32, #tpu.memory_space<vmem>>) target(%dma_start3A_275 : memref<10112x48xf32, #tpu.memory_space<vmem_shared>>) offsets(%dma_start3A_272 : memref<128xi32, #tpu.memory_space<vmem>>) semaphore(%run_scoped3A_265 : memref<!tpu.dma_semaphore, #tpu.memory_space<semaphore_mem>>) {add = true}
        %dma_wait3A_276 = arith.constant 0 : i32
        %dma_wait3A_277 = arith.constant 0 : i32
        %dma_wait3A_278 = tpu.memref_slice %arg8[%run_scoped3A_263, %dma_wait3A_276, %dma_wait3A_277] : memref<3x128x48xf32, #tpu.memory_space<vmem>> -> memref<1x128x48xf32, #tpu.memory_space<vmem>>
        %dma_wait3A_279 = tpu.memref_squeeze %dma_wait3A_278 : memref<1x128x48xf32, #tpu.memory_space<vmem>> -> memref<128x48xf32, #tpu.memory_space<vmem>>
        %dma_wait3A_280 = arith.constant 0 : i32
        %dma_wait3A_281 = tpu.memref_slice %arg7[%run_scoped3A_264, %dma_wait3A_280] : memref<79x128xi32, #tpu.memory_space<vmem>> -> memref<1x128xi32, #tpu.memory_space<vmem>>
        %dma_wait3A_282 = tpu.memref_squeeze %dma_wait3A_281 : memref<1x128xi32, #tpu.memory_space<vmem>> -> memref<128xi32, #tpu.memory_space<vmem>>
        %dma_wait3A_283 = arith.constant 0 : i32
        %dma_wait3A_284 = arith.constant 0 : i32
        %dma_wait3A_285 = tpu.memref_slice %arg10[%dma_wait3A_283, %dma_wait3A_284] : memref<10112x48xf32, #tpu.memory_space<vmem_shared>> -> memref<10112x48xf32, #tpu.memory_space<vmem_shared>>
        tpu.wait_indirect_dma semaphore(%run_scoped3A_265 : memref<!tpu.dma_semaphore, #tpu.memory_space<semaphore_mem>>) src(%dma_wait3A_279 : memref<128x48xf32, #tpu.memory_space<vmem>>) dst(%dma_wait3A_285 : memref<10112x48xf32, #tpu.memory_space<vmem_shared>>)
        tpu.yield
      }) : () -> ()
    } else {
    }
    %dma_start3A_111 = arith.constant 0 : i32
    %dma_start3A_112 = arith.constant 0 : i32
    %dma_start3A_113 = arith.constant 0 : i32
    %dma_start3A_114 = arith.constant 0 : i32
    %dma_start3A_115 = tpu.memref_slice %arg8[%dma_start3A_112, %dma_start3A_113, %dma_start3A_114] : memref<3x128x48xf32, #tpu.memory_space<vmem>> -> memref<1x128x48xf32, #tpu.memory_space<vmem>>
    %dma_start3A_116 = tpu.memref_squeeze %dma_start3A_115 : memref<1x128x48xf32, #tpu.memory_space<vmem>> -> memref<128x48xf32, #tpu.memory_space<vmem>>
    %dma_start3A_117 = arith.constant 0 : i32
    %dma_start3A_118 = tpu.memref_slice %arg6[%dma_start3A_111, %dma_start3A_117] : memref<86x128xi32, #tpu.memory_space<vmem>> -> memref<1x128xi32, #tpu.memory_space<vmem>>
    %dma_start3A_119 = tpu.memref_squeeze %dma_start3A_118 : memref<1x128xi32, #tpu.memory_space<vmem>> -> memref<128xi32, #tpu.memory_space<vmem>>
    %dma_start3A_120 = arith.constant 0 : i32
    %dma_start3A_121 = arith.constant 0 : i32
    %dma_start3A_122 = tpu.memref_slice %arg9[%dma_start3A_120, %dma_start3A_121] : memref<10000x48xf32, #tpu.memory_space<vmem_shared>> -> memref<10000x48xf32, #tpu.memory_space<vmem_shared>>
    tpu.enqueue_indirect_dma source(%dma_start3A_122 : memref<10000x48xf32, #tpu.memory_space<vmem_shared>>) target(%dma_start3A_116 : memref<128x48xf32, #tpu.memory_space<vmem>>) offsets(%dma_start3A_119 : memref<128xi32, #tpu.memory_space<vmem>>) semaphore(%arg11 : memref<!tpu.dma_semaphore, #tpu.memory_space<semaphore_mem>>)
    %dma_start3A_123 = arith.constant 1 : i32
    %dma_start3A_124 = arith.constant 1 : i32
    %dma_start3A_125 = arith.constant 0 : i32
    %dma_start3A_126 = arith.constant 0 : i32
    %dma_start3A_127 = tpu.memref_slice %arg8[%dma_start3A_124, %dma_start3A_125, %dma_start3A_126] : memref<3x128x48xf32, #tpu.memory_space<vmem>> -> memref<1x128x48xf32, #tpu.memory_space<vmem>>
    %dma_start3A_128 = tpu.memref_squeeze %dma_start3A_127 : memref<1x128x48xf32, #tpu.memory_space<vmem>> -> memref<128x48xf32, #tpu.memory_space<vmem>>
    %dma_start3A_129 = arith.constant 0 : i32
    %dma_start3A_130 = tpu.memref_slice %arg6[%dma_start3A_123, %dma_start3A_129] : memref<86x128xi32, #tpu.memory_space<vmem>> -> memref<1x128xi32, #tpu.memory_space<vmem>>
    %dma_start3A_131 = tpu.memref_squeeze %dma_start3A_130 : memref<1x128xi32, #tpu.memory_space<vmem>> -> memref<128xi32, #tpu.memory_space<vmem>>
    %dma_start3A_132 = arith.constant 0 : i32
    %dma_start3A_133 = arith.constant 0 : i32
    %dma_start3A_134 = tpu.memref_slice %arg9[%dma_start3A_132, %dma_start3A_133] : memref<10000x48xf32, #tpu.memory_space<vmem_shared>> -> memref<10000x48xf32, #tpu.memory_space<vmem_shared>>
    tpu.enqueue_indirect_dma source(%dma_start3A_134 : memref<10000x48xf32, #tpu.memory_space<vmem_shared>>) target(%dma_start3A_128 : memref<128x48xf32, #tpu.memory_space<vmem>>) offsets(%dma_start3A_131 : memref<128xi32, #tpu.memory_space<vmem>>) semaphore(%arg12 : memref<!tpu.dma_semaphore, #tpu.memory_space<semaphore_mem>>)
    %dma_wait3A_135 = arith.constant 0 : i32
    %dma_wait3A_136 = arith.constant 0 : i32
    %dma_wait3A_137 = arith.constant 0 : i32
    %dma_wait3A_138 = arith.constant 0 : i32
    %dma_wait3A_139 = tpu.memref_slice %arg8[%dma_wait3A_136, %dma_wait3A_137, %dma_wait3A_138] : memref<3x128x48xf32, #tpu.memory_space<vmem>> -> memref<1x128x48xf32, #tpu.memory_space<vmem>>
    %dma_wait3A_140 = tpu.memref_squeeze %dma_wait3A_139 : memref<1x128x48xf32, #tpu.memory_space<vmem>> -> memref<128x48xf32, #tpu.memory_space<vmem>>
    %dma_wait3A_141 = arith.constant 0 : i32
    %dma_wait3A_142 = tpu.memref_slice %arg6[%dma_wait3A_135, %dma_wait3A_141] : memref<86x128xi32, #tpu.memory_space<vmem>> -> memref<1x128xi32, #tpu.memory_space<vmem>>
    %dma_wait3A_143 = tpu.memref_squeeze %dma_wait3A_142 : memref<1x128xi32, #tpu.memory_space<vmem>> -> memref<128xi32, #tpu.memory_space<vmem>>
    %dma_wait3A_144 = arith.constant 0 : i32
    %dma_wait3A_145 = arith.constant 0 : i32
    %dma_wait3A_146 = tpu.memref_slice %arg9[%dma_wait3A_144, %dma_wait3A_145] : memref<10000x48xf32, #tpu.memory_space<vmem_shared>> -> memref<10000x48xf32, #tpu.memory_space<vmem_shared>>
    tpu.wait_indirect_dma semaphore(%arg11 : memref<!tpu.dma_semaphore, #tpu.memory_space<semaphore_mem>>) src(%dma_wait3A_146 : memref<10000x48xf32, #tpu.memory_space<vmem_shared>>) dst(%dma_wait3A_140 : memref<128x48xf32, #tpu.memory_space<vmem>>)
    %dma_start3A_147 = arith.constant 0 : i32
    %dma_start3A_148 = arith.constant 0 : i32
    %dma_start3A_149 = arith.constant 0 : i32
    %dma_start3A_150 = arith.constant 0 : i32
    %dma_start3A_151 = tpu.memref_slice %arg8[%dma_start3A_147, %dma_start3A_149, %dma_start3A_150] : memref<3x128x48xf32, #tpu.memory_space<vmem>> -> memref<1x128x48xf32, #tpu.memory_space<vmem>>
    %dma_start3A_152 = tpu.memref_squeeze %dma_start3A_151 : memref<1x128x48xf32, #tpu.memory_space<vmem>> -> memref<128x48xf32, #tpu.memory_space<vmem>>
    %dma_start3A_153 = arith.constant 0 : i32
    %dma_start3A_154 = tpu.memref_slice %arg7[%dma_start3A_148, %dma_start3A_153] : memref<79x128xi32, #tpu.memory_space<vmem>> -> memref<1x128xi32, #tpu.memory_space<vmem>>
    %dma_start3A_155 = tpu.memref_squeeze %dma_start3A_154 : memref<1x128xi32, #tpu.memory_space<vmem>> -> memref<128xi32, #tpu.memory_space<vmem>>
    %dma_start3A_156 = arith.constant 0 : i32
    %dma_start3A_157 = arith.constant 0 : i32
    %dma_start3A_158 = tpu.memref_slice %arg10[%dma_start3A_156, %dma_start3A_157] : memref<10112x48xf32, #tpu.memory_space<vmem_shared>> -> memref<10112x48xf32, #tpu.memory_space<vmem_shared>>
    tpu.enqueue_indirect_dma source(%dma_start3A_152 : memref<128x48xf32, #tpu.memory_space<vmem>>) target(%dma_start3A_158 : memref<10112x48xf32, #tpu.memory_space<vmem_shared>>) offsets(%dma_start3A_155 : memref<128xi32, #tpu.memory_space<vmem>>) semaphore(%arg14 : memref<!tpu.dma_semaphore, #tpu.memory_space<semaphore_mem>>) {add = true}
    %dma_start3A_159 = arith.constant 2 : i32
    %dma_start3A_160 = arith.constant 2 : i32
    %dma_start3A_161 = arith.constant 0 : i32
    %dma_start3A_162 = arith.constant 0 : i32
    %dma_start3A_163 = tpu.memref_slice %arg8[%dma_start3A_160, %dma_start3A_161, %dma_start3A_162] : memref<3x128x48xf32, #tpu.memory_space<vmem>> -> memref<1x128x48xf32, #tpu.memory_space<vmem>>
    %dma_start3A_164 = tpu.memref_squeeze %dma_start3A_163 : memref<1x128x48xf32, #tpu.memory_space<vmem>> -> memref<128x48xf32, #tpu.memory_space<vmem>>
    %dma_start3A_165 = arith.constant 0 : i32
    %dma_start3A_166 = tpu.memref_slice %arg6[%dma_start3A_159, %dma_start3A_165] : memref<86x128xi32, #tpu.memory_space<vmem>> -> memref<1x128xi32, #tpu.memory_space<vmem>>
    %dma_start3A_167 = tpu.memref_squeeze %dma_start3A_166 : memref<1x128xi32, #tpu.memory_space<vmem>> -> memref<128xi32, #tpu.memory_space<vmem>>
    %dma_start3A_168 = arith.constant 0 : i32
    %dma_start3A_169 = arith.constant 0 : i32
    %dma_start3A_170 = tpu.memref_slice %arg9[%dma_start3A_168, %dma_start3A_169] : memref<10000x48xf32, #tpu.memory_space<vmem_shared>> -> memref<10000x48xf32, #tpu.memory_space<vmem_shared>>
    tpu.enqueue_indirect_dma source(%dma_start3A_170 : memref<10000x48xf32, #tpu.memory_space<vmem_shared>>) target(%dma_start3A_164 : memref<128x48xf32, #tpu.memory_space<vmem>>) offsets(%dma_start3A_167 : memref<128xi32, #tpu.memory_space<vmem>>) semaphore(%arg13 : memref<!tpu.dma_semaphore, #tpu.memory_space<semaphore_mem>>)
    %scan3A = arith.constant 0 : i32
    %scan3A_171 = arith.constant 25 : i32
    %scan3A_172 = arith.addi %scan3A, %scan3A_171 : i32
    %scan3A_173 = arith.constant 1 : i32
    scf.for %scan3A_262 = %scan3A to %scan3A_172 step %scan3A_173  : i32 {
      %mul3A_263 = arith.constant 1 : i32
      %mul3A_264 = arith.muli %scan3A_262, %mul3A_263 : i32
      %add3A_265 = arith.constant 0 : i32
      %add3A_266 = arith.addi %add3A_265, %mul3A_264 : i32
      %mul3A_267 = arith.constant 3 : i32
      %mul3A_268 = arith.muli %mul3A_267, %add3A_266 : i32
      %add3A_269 = arith.constant 1 : i32
      %add3A_270 = arith.addi %mul3A_268, %add3A_269 : i32
      %add3A_271 = arith.constant 0 : i32
      %add3A_272 = arith.addi %add3A_270, %add3A_271 : i32
      %dma_wait3A_273 = arith.constant 1 : i32
      %dma_wait3A_274 = arith.constant 0 : i32
      %dma_wait3A_275 = arith.constant 0 : i32
      %dma_wait3A_276 = tpu.memref_slice %arg8[%dma_wait3A_273, %dma_wait3A_274, %dma_wait3A_275] : memref<3x128x48xf32, #tpu.memory_space<vmem>> -> memref<1x128x48xf32, #tpu.memory_space<vmem>>
      %dma_wait3A_277 = tpu.memref_squeeze %dma_wait3A_276 : memref<1x128x48xf32, #tpu.memory_space<vmem>> -> memref<128x48xf32, #tpu.memory_space<vmem>>
      %dma_wait3A_278 = arith.constant 0 : i32
      %dma_wait3A_279 = tpu.memref_slice %arg6[%add3A_272, %dma_wait3A_278] : memref<86x128xi32, #tpu.memory_space<vmem>> -> memref<1x128xi32, #tpu.memory_space<vmem>>
      %dma_wait3A_280 = tpu.memref_squeeze %dma_wait3A_279 : memref<1x128xi32, #tpu.memory_space<vmem>> -> memref<128xi32, #tpu.memory_space<vmem>>
      %dma_wait3A_281 = arith.constant 0 : i32
      %dma_wait3A_282 = arith.constant 0 : i32
      %dma_wait3A_283 = tpu.memref_slice %arg9[%dma_wait3A_281, %dma_wait3A_282] : memref<10000x48xf32, #tpu.memory_space<vmem_shared>> -> memref<10000x48xf32, #tpu.memory_space<vmem_shared>>
      tpu.wait_indirect_dma semaphore(%arg12 : memref<!tpu.dma_semaphore, #tpu.memory_space<semaphore_mem>>) src(%dma_wait3A_283 : memref<10000x48xf32, #tpu.memory_space<vmem_shared>>) dst(%dma_wait3A_277 : memref<128x48xf32, #tpu.memory_space<vmem>>)
      %dma_start3A_284 = arith.constant 1 : i32
      %dma_start3A_285 = arith.constant 0 : i32
      %dma_start3A_286 = arith.constant 0 : i32
      %dma_start3A_287 = tpu.memref_slice %arg8[%dma_start3A_284, %dma_start3A_285, %dma_start3A_286] : memref<3x128x48xf32, #tpu.memory_space<vmem>> -> memref<1x128x48xf32, #tpu.memory_space<vmem>>
      %dma_start3A_288 = tpu.memref_squeeze %dma_start3A_287 : memref<1x128x48xf32, #tpu.memory_space<vmem>> -> memref<128x48xf32, #tpu.memory_space<vmem>>
      %dma_start3A_289 = arith.constant 0 : i32
      %dma_start3A_290 = tpu.memref_slice %arg7[%add3A_272, %dma_start3A_289] : memref<79x128xi32, #tpu.memory_space<vmem>> -> memref<1x128xi32, #tpu.memory_space<vmem>>
      %dma_start3A_291 = tpu.memref_squeeze %dma_start3A_290 : memref<1x128xi32, #tpu.memory_space<vmem>> -> memref<128xi32, #tpu.memory_space<vmem>>
      %dma_start3A_292 = arith.constant 0 : i32
      %dma_start3A_293 = arith.constant 0 : i32
      %dma_start3A_294 = tpu.memref_slice %arg10[%dma_start3A_292, %dma_start3A_293] : memref<10112x48xf32, #tpu.memory_space<vmem_shared>> -> memref<10112x48xf32, #tpu.memory_space<vmem_shared>>
      tpu.enqueue_indirect_dma source(%dma_start3A_288 : memref<128x48xf32, #tpu.memory_space<vmem>>) target(%dma_start3A_294 : memref<10112x48xf32, #tpu.memory_space<vmem_shared>>) offsets(%dma_start3A_291 : memref<128xi32, #tpu.memory_space<vmem>>) semaphore(%arg15 : memref<!tpu.dma_semaphore, #tpu.memory_space<semaphore_mem>>) {add = true}
      %sub3A = arith.constant 1 : i32
      %sub3A_295 = arith.subi %add3A_272, %sub3A : i32
      %dma_wait3A_296 = arith.constant 0 : i32
      %dma_wait3A_297 = arith.constant 0 : i32
      %dma_wait3A_298 = arith.constant 0 : i32
      %dma_wait3A_299 = tpu.memref_slice %arg8[%dma_wait3A_296, %dma_wait3A_297, %dma_wait3A_298] : memref<3x128x48xf32, #tpu.memory_space<vmem>> -> memref<1x128x48xf32, #tpu.memory_space<vmem>>
      %dma_wait3A_300 = tpu.memref_squeeze %dma_wait3A_299 : memref<1x128x48xf32, #tpu.memory_space<vmem>> -> memref<128x48xf32, #tpu.memory_space<vmem>>
      %dma_wait3A_301 = arith.constant 0 : i32
      %dma_wait3A_302 = tpu.memref_slice %arg7[%sub3A_295, %dma_wait3A_301] : memref<79x128xi32, #tpu.memory_space<vmem>> -> memref<1x128xi32, #tpu.memory_space<vmem>>
      %dma_wait3A_303 = tpu.memref_squeeze %dma_wait3A_302 : memref<1x128xi32, #tpu.memory_space<vmem>> -> memref<128xi32, #tpu.memory_space<vmem>>
      %dma_wait3A_304 = arith.constant 0 : i32
      %dma_wait3A_305 = arith.constant 0 : i32
      %dma_wait3A_306 = tpu.memref_slice %arg10[%dma_wait3A_304, %dma_wait3A_305] : memref<10112x48xf32, #tpu.memory_space<vmem_shared>> -> memref<10112x48xf32, #tpu.memory_space<vmem_shared>>
      tpu.wait_indirect_dma semaphore(%arg14 : memref<!tpu.dma_semaphore, #tpu.memory_space<semaphore_mem>>) src(%dma_wait3A_300 : memref<128x48xf32, #tpu.memory_space<vmem>>) dst(%dma_wait3A_306 : memref<10112x48xf32, #tpu.memory_space<vmem_shared>>)
      %add3A_307 = arith.constant 2 : i32
      %add3A_308 = arith.addi %add3A_272, %add3A_307 : i32
      %dma_start3A_309 = arith.constant 0 : i32
      %dma_start3A_310 = arith.constant 0 : i32
      %dma_start3A_311 = arith.constant 0 : i32
      %dma_start3A_312 = tpu.memref_slice %arg8[%dma_start3A_309, %dma_start3A_310, %dma_start3A_311] : memref<3x128x48xf32, #tpu.memory_space<vmem>> -> memref<1x128x48xf32, #tpu.memory_space<vmem>>
      %dma_start3A_313 = tpu.memref_squeeze %dma_start3A_312 : memref<1x128x48xf32, #tpu.memory_space<vmem>> -> memref<128x48xf32, #tpu.memory_space<vmem>>
      %dma_start3A_314 = arith.constant 0 : i32
      %dma_start3A_315 = tpu.memref_slice %arg6[%add3A_308, %dma_start3A_314] : memref<86x128xi32, #tpu.memory_space<vmem>> -> memref<1x128xi32, #tpu.memory_space<vmem>>
      %dma_start3A_316 = tpu.memref_squeeze %dma_start3A_315 : memref<1x128xi32, #tpu.memory_space<vmem>> -> memref<128xi32, #tpu.memory_space<vmem>>
      %dma_start3A_317 = arith.constant 0 : i32
      %dma_start3A_318 = arith.constant 0 : i32
      %dma_start3A_319 = tpu.memref_slice %arg9[%dma_start3A_317, %dma_start3A_318] : memref<10000x48xf32, #tpu.memory_space<vmem_shared>> -> memref<10000x48xf32, #tpu.memory_space<vmem_shared>>
      tpu.enqueue_indirect_dma source(%dma_start3A_319 : memref<10000x48xf32, #tpu.memory_space<vmem_shared>>) target(%dma_start3A_313 : memref<128x48xf32, #tpu.memory_space<vmem>>) offsets(%dma_start3A_316 : memref<128xi32, #tpu.memory_space<vmem>>) semaphore(%arg11 : memref<!tpu.dma_semaphore, #tpu.memory_space<semaphore_mem>>)
      %mul3A_320 = arith.constant 3 : i32
      %mul3A_321 = arith.muli %mul3A_320, %add3A_266 : i32
      %add3A_322 = arith.constant 1 : i32
      %add3A_323 = arith.addi %mul3A_321, %add3A_322 : i32
      %add3A_324 = arith.constant 1 : i32
      %add3A_325 = arith.addi %add3A_323, %add3A_324 : i32
      %dma_wait3A_326 = arith.constant 2 : i32
      %dma_wait3A_327 = arith.constant 0 : i32
      %dma_wait3A_328 = arith.constant 0 : i32
      %dma_wait3A_329 = tpu.memref_slice %arg8[%dma_wait3A_326, %dma_wait3A_327, %dma_wait3A_328] : memref<3x128x48xf32, #tpu.memory_space<vmem>> -> memref<1x128x48xf32, #tpu.memory_space<vmem>>
      %dma_wait3A_330 = tpu.memref_squeeze %dma_wait3A_329 : memref<1x128x48xf32, #tpu.memory_space<vmem>> -> memref<128x48xf32, #tpu.memory_space<vmem>>
      %dma_wait3A_331 = arith.constant 0 : i32
      %dma_wait3A_332 = tpu.memref_slice %arg6[%add3A_325, %dma_wait3A_331] : memref<86x128xi32, #tpu.memory_space<vmem>> -> memref<1x128xi32, #tpu.memory_space<vmem>>
      %dma_wait3A_333 = tpu.memref_squeeze %dma_wait3A_332 : memref<1x128xi32, #tpu.memory_space<vmem>> -> memref<128xi32, #tpu.memory_space<vmem>>
      %dma_wait3A_334 = arith.constant 0 : i32
      %dma_wait3A_335 = arith.constant 0 : i32
      %dma_wait3A_336 = tpu.memref_slice %arg9[%dma_wait3A_334, %dma_wait3A_335] : memref<10000x48xf32, #tpu.memory_space<vmem_shared>> -> memref<10000x48xf32, #tpu.memory_space<vmem_shared>>
      tpu.wait_indirect_dma semaphore(%arg13 : memref<!tpu.dma_semaphore, #tpu.memory_space<semaphore_mem>>) src(%dma_wait3A_336 : memref<10000x48xf32, #tpu.memory_space<vmem_shared>>) dst(%dma_wait3A_330 : memref<128x48xf32, #tpu.memory_space<vmem>>)
      %dma_start3A_337 = arith.constant 2 : i32
      %dma_start3A_338 = arith.constant 0 : i32
      %dma_start3A_339 = arith.constant 0 : i32
      %dma_start3A_340 = tpu.memref_slice %arg8[%dma_start3A_337, %dma_start3A_338, %dma_start3A_339] : memref<3x128x48xf32, #tpu.memory_space<vmem>> -> memref<1x128x48xf32, #tpu.memory_space<vmem>>
      %dma_start3A_341 = tpu.memref_squeeze %dma_start3A_340 : memref<1x128x48xf32, #tpu.memory_space<vmem>> -> memref<128x48xf32, #tpu.memory_space<vmem>>
      %dma_start3A_342 = arith.constant 0 : i32
      %dma_start3A_343 = tpu.memref_slice %arg7[%add3A_325, %dma_start3A_342] : memref<79x128xi32, #tpu.memory_space<vmem>> -> memref<1x128xi32, #tpu.memory_space<vmem>>
      %dma_start3A_344 = tpu.memref_squeeze %dma_start3A_343 : memref<1x128xi32, #tpu.memory_space<vmem>> -> memref<128xi32, #tpu.memory_space<vmem>>
      %dma_start3A_345 = arith.constant 0 : i32
      %dma_start3A_346 = arith.constant 0 : i32
      %dma_start3A_347 = tpu.memref_slice %arg10[%dma_start3A_345, %dma_start3A_346] : memref<10112x48xf32, #tpu.memory_space<vmem_shared>> -> memref<10112x48xf32, #tpu.memory_space<vmem_shared>>
      tpu.enqueue_indirect_dma source(%dma_start3A_341 : memref<128x48xf32, #tpu.memory_space<vmem>>) target(%dma_start3A_347 : memref<10112x48xf32, #tpu.memory_space<vmem_shared>>) offsets(%dma_start3A_344 : memref<128xi32, #tpu.memory_space<vmem>>) semaphore(%arg16 : memref<!tpu.dma_semaphore, #tpu.memory_space<semaphore_mem>>) {add = true}
      %sub3A_348 = arith.constant 1 : i32
      %sub3A_349 = arith.subi %add3A_325, %sub3A_348 : i32
      %dma_wait3A_350 = arith.constant 1 : i32
      %dma_wait3A_351 = arith.constant 0 : i32
      %dma_wait3A_352 = arith.constant 0 : i32
      %dma_wait3A_353 = tpu.memref_slice %arg8[%dma_wait3A_350, %dma_wait3A_351, %dma_wait3A_352] : memref<3x128x48xf32, #tpu.memory_space<vmem>> -> memref<1x128x48xf32, #tpu.memory_space<vmem>>
      %dma_wait3A_354 = tpu.memref_squeeze %dma_wait3A_353 : memref<1x128x48xf32, #tpu.memory_space<vmem>> -> memref<128x48xf32, #tpu.memory_space<vmem>>
      %dma_wait3A_355 = arith.constant 0 : i32
      %dma_wait3A_356 = tpu.memref_slice %arg7[%sub3A_349, %dma_wait3A_355] : memref<79x128xi32, #tpu.memory_space<vmem>> -> memref<1x128xi32, #tpu.memory_space<vmem>>
      %dma_wait3A_357 = tpu.memref_squeeze %dma_wait3A_356 : memref<1x128xi32, #tpu.memory_space<vmem>> -> memref<128xi32, #tpu.memory_space<vmem>>
      %dma_wait3A_358 = arith.constant 0 : i32
      %dma_wait3A_359 = arith.constant 0 : i32
      %dma_wait3A_360 = tpu.memref_slice %arg10[%dma_wait3A_358, %dma_wait3A_359] : memref<10112x48xf32, #tpu.memory_space<vmem_shared>> -> memref<10112x48xf32, #tpu.memory_space<vmem_shared>>
      tpu.wait_indirect_dma semaphore(%arg15 : memref<!tpu.dma_semaphore, #tpu.memory_space<semaphore_mem>>) src(%dma_wait3A_354 : memref<128x48xf32, #tpu.memory_space<vmem>>) dst(%dma_wait3A_360 : memref<10112x48xf32, #tpu.memory_space<vmem_shared>>)
      %add3A_361 = arith.constant 2 : i32
      %add3A_362 = arith.addi %add3A_325, %add3A_361 : i32
      %dma_start3A_363 = arith.constant 1 : i32
      %dma_start3A_364 = arith.constant 0 : i32
      %dma_start3A_365 = arith.constant 0 : i32
      %dma_start3A_366 = tpu.memref_slice %arg8[%dma_start3A_363, %dma_start3A_364, %dma_start3A_365] : memref<3x128x48xf32, #tpu.memory_space<vmem>> -> memref<1x128x48xf32, #tpu.memory_space<vmem>>
      %dma_start3A_367 = tpu.memref_squeeze %dma_start3A_366 : memref<1x128x48xf32, #tpu.memory_space<vmem>> -> memref<128x48xf32, #tpu.memory_space<vmem>>
      %dma_start3A_368 = arith.constant 0 : i32
      %dma_start3A_369 = tpu.memref_slice %arg6[%add3A_362, %dma_start3A_368] : memref<86x128xi32, #tpu.memory_space<vmem>> -> memref<1x128xi32, #tpu.memory_space<vmem>>
      %dma_start3A_370 = tpu.memref_squeeze %dma_start3A_369 : memref<1x128xi32, #tpu.memory_space<vmem>> -> memref<128xi32, #tpu.memory_space<vmem>>
      %dma_start3A_371 = arith.constant 0 : i32
      %dma_start3A_372 = arith.constant 0 : i32
      %dma_start3A_373 = tpu.memref_slice %arg9[%dma_start3A_371, %dma_start3A_372] : memref<10000x48xf32, #tpu.memory_space<vmem_shared>> -> memref<10000x48xf32, #tpu.memory_space<vmem_shared>>
      tpu.enqueue_indirect_dma source(%dma_start3A_373 : memref<10000x48xf32, #tpu.memory_space<vmem_shared>>) target(%dma_start3A_367 : memref<128x48xf32, #tpu.memory_space<vmem>>) offsets(%dma_start3A_370 : memref<128xi32, #tpu.memory_space<vmem>>) semaphore(%arg12 : memref<!tpu.dma_semaphore, #tpu.memory_space<semaphore_mem>>)
      %mul3A_374 = arith.constant 3 : i32
      %mul3A_375 = arith.muli %mul3A_374, %add3A_266 : i32
      %add3A_376 = arith.constant 1 : i32
      %add3A_377 = arith.addi %mul3A_375, %add3A_376 : i32
      %add3A_378 = arith.constant 2 : i32
      %add3A_379 = arith.addi %add3A_377, %add3A_378 : i32
      %dma_wait3A_380 = arith.constant 0 : i32
      %dma_wait3A_381 = arith.constant 0 : i32
      %dma_wait3A_382 = arith.constant 0 : i32
      %dma_wait3A_383 = tpu.memref_slice %arg8[%dma_wait3A_380, %dma_wait3A_381, %dma_wait3A_382] : memref<3x128x48xf32, #tpu.memory_space<vmem>> -> memref<1x128x48xf32, #tpu.memory_space<vmem>>
      %dma_wait3A_384 = tpu.memref_squeeze %dma_wait3A_383 : memref<1x128x48xf32, #tpu.memory_space<vmem>> -> memref<128x48xf32, #tpu.memory_space<vmem>>
      %dma_wait3A_385 = arith.constant 0 : i32
      %dma_wait3A_386 = tpu.memref_slice %arg6[%add3A_379, %dma_wait3A_385] : memref<86x128xi32, #tpu.memory_space<vmem>> -> memref<1x128xi32, #tpu.memory_space<vmem>>
      %dma_wait3A_387 = tpu.memref_squeeze %dma_wait3A_386 : memref<1x128xi32, #tpu.memory_space<vmem>> -> memref<128xi32, #tpu.memory_space<vmem>>
      %dma_wait3A_388 = arith.constant 0 : i32
      %dma_wait3A_389 = arith.constant 0 : i32
      %dma_wait3A_390 = tpu.memref_slice %arg9[%dma_wait3A_388, %dma_wait3A_389] : memref<10000x48xf32, #tpu.memory_space<vmem_shared>> -> memref<10000x48xf32, #tpu.memory_space<vmem_shared>>
      tpu.wait_indirect_dma semaphore(%arg11 : memref<!tpu.dma_semaphore, #tpu.memory_space<semaphore_mem>>) src(%dma_wait3A_390 : memref<10000x48xf32, #tpu.memory_space<vmem_shared>>) dst(%dma_wait3A_384 : memref<128x48xf32, #tpu.memory_space<vmem>>)
      %dma_start3A_391 = arith.constant 0 : i32
      %dma_start3A_392 = arith.constant 0 : i32
      %dma_start3A_393 = arith.constant 0 : i32
      %dma_start3A_394 = tpu.memref_slice %arg8[%dma_start3A_391, %dma_start3A_392, %dma_start3A_393] : memref<3x128x48xf32, #tpu.memory_space<vmem>> -> memref<1x128x48xf32, #tpu.memory_space<vmem>>
      %dma_start3A_395 = tpu.memref_squeeze %dma_start3A_394 : memref<1x128x48xf32, #tpu.memory_space<vmem>> -> memref<128x48xf32, #tpu.memory_space<vmem>>
      %dma_start3A_396 = arith.constant 0 : i32
      %dma_start3A_397 = tpu.memref_slice %arg7[%add3A_379, %dma_start3A_396] : memref<79x128xi32, #tpu.memory_space<vmem>> -> memref<1x128xi32, #tpu.memory_space<vmem>>
      %dma_start3A_398 = tpu.memref_squeeze %dma_start3A_397 : memref<1x128xi32, #tpu.memory_space<vmem>> -> memref<128xi32, #tpu.memory_space<vmem>>
      %dma_start3A_399 = arith.constant 0 : i32
      %dma_start3A_400 = arith.constant 0 : i32
      %dma_start3A_401 = tpu.memref_slice %arg10[%dma_start3A_399, %dma_start3A_400] : memref<10112x48xf32, #tpu.memory_space<vmem_shared>> -> memref<10112x48xf32, #tpu.memory_space<vmem_shared>>
      tpu.enqueue_indirect_dma source(%dma_start3A_395 : memref<128x48xf32, #tpu.memory_space<vmem>>) target(%dma_start3A_401 : memref<10112x48xf32, #tpu.memory_space<vmem_shared>>) offsets(%dma_start3A_398 : memref<128xi32, #tpu.memory_space<vmem>>) semaphore(%arg14 : memref<!tpu.dma_semaphore, #tpu.memory_space<semaphore_mem>>) {add = true}
      %sub3A_402 = arith.constant 1 : i32
      %sub3A_403 = arith.subi %add3A_379, %sub3A_402 : i32
      %dma_wait3A_404 = arith.constant 2 : i32
      %dma_wait3A_405 = arith.constant 0 : i32
      %dma_wait3A_406 = arith.constant 0 : i32
      %dma_wait3A_407 = tpu.memref_slice %arg8[%dma_wait3A_404, %dma_wait3A_405, %dma_wait3A_406] : memref<3x128x48xf32, #tpu.memory_space<vmem>> -> memref<1x128x48xf32, #tpu.memory_space<vmem>>
      %dma_wait3A_408 = tpu.memref_squeeze %dma_wait3A_407 : memref<1x128x48xf32, #tpu.memory_space<vmem>> -> memref<128x48xf32, #tpu.memory_space<vmem>>
      %dma_wait3A_409 = arith.constant 0 : i32
      %dma_wait3A_410 = tpu.memref_slice %arg7[%sub3A_403, %dma_wait3A_409] : memref<79x128xi32, #tpu.memory_space<vmem>> -> memref<1x128xi32, #tpu.memory_space<vmem>>
      %dma_wait3A_411 = tpu.memref_squeeze %dma_wait3A_410 : memref<1x128xi32, #tpu.memory_space<vmem>> -> memref<128xi32, #tpu.memory_space<vmem>>
      %dma_wait3A_412 = arith.constant 0 : i32
      %dma_wait3A_413 = arith.constant 0 : i32
      %dma_wait3A_414 = tpu.memref_slice %arg10[%dma_wait3A_412, %dma_wait3A_413] : memref<10112x48xf32, #tpu.memory_space<vmem_shared>> -> memref<10112x48xf32, #tpu.memory_space<vmem_shared>>
      tpu.wait_indirect_dma semaphore(%arg16 : memref<!tpu.dma_semaphore, #tpu.memory_space<semaphore_mem>>) src(%dma_wait3A_408 : memref<128x48xf32, #tpu.memory_space<vmem>>) dst(%dma_wait3A_414 : memref<10112x48xf32, #tpu.memory_space<vmem_shared>>)
      %add3A_415 = arith.constant 2 : i32
      %add3A_416 = arith.addi %add3A_379, %add3A_415 : i32
      %dma_start3A_417 = arith.constant 2 : i32
      %dma_start3A_418 = arith.constant 0 : i32
      %dma_start3A_419 = arith.constant 0 : i32
      %dma_start3A_420 = tpu.memref_slice %arg8[%dma_start3A_417, %dma_start3A_418, %dma_start3A_419] : memref<3x128x48xf32, #tpu.memory_space<vmem>> -> memref<1x128x48xf32, #tpu.memory_space<vmem>>
      %dma_start3A_421 = tpu.memref_squeeze %dma_start3A_420 : memref<1x128x48xf32, #tpu.memory_space<vmem>> -> memref<128x48xf32, #tpu.memory_space<vmem>>
      %dma_start3A_422 = arith.constant 0 : i32
      %dma_start3A_423 = tpu.memref_slice %arg6[%add3A_416, %dma_start3A_422] : memref<86x128xi32, #tpu.memory_space<vmem>> -> memref<1x128xi32, #tpu.memory_space<vmem>>
      %dma_start3A_424 = tpu.memref_squeeze %dma_start3A_423 : memref<1x128xi32, #tpu.memory_space<vmem>> -> memref<128xi32, #tpu.memory_space<vmem>>
      %dma_start3A_425 = arith.constant 0 : i32
      %dma_start3A_426 = arith.constant 0 : i32
      %dma_start3A_427 = tpu.memref_slice %arg9[%dma_start3A_425, %dma_start3A_426] : memref<10000x48xf32, #tpu.memory_space<vmem_shared>> -> memref<10000x48xf32, #tpu.memory_space<vmem_shared>>
      tpu.enqueue_indirect_dma source(%dma_start3A_427 : memref<10000x48xf32, #tpu.memory_space<vmem_shared>>) target(%dma_start3A_421 : memref<128x48xf32, #tpu.memory_space<vmem>>) offsets(%dma_start3A_424 : memref<128xi32, #tpu.memory_space<vmem>>) semaphore(%arg13 : memref<!tpu.dma_semaphore, #tpu.memory_space<semaphore_mem>>)
    }
    %scan3A_174 = arith.constant 25 : i32
    %dma_wait3A_175 = arith.constant 76 : i32
    %dma_wait3A_176 = arith.constant 1 : i32
    %dma_wait3A_177 = arith.constant 0 : i32
    %dma_wait3A_178 = arith.constant 0 : i32
    %dma_wait3A_179 = tpu.memref_slice %arg8[%dma_wait3A_176, %dma_wait3A_177, %dma_wait3A_178] : memref<3x128x48xf32, #tpu.memory_space<vmem>> -> memref<1x128x48xf32, #tpu.memory_space<vmem>>
    %dma_wait3A_180 = tpu.memref_squeeze %dma_wait3A_179 : memref<1x128x48xf32, #tpu.memory_space<vmem>> -> memref<128x48xf32, #tpu.memory_space<vmem>>
    %dma_wait3A_181 = arith.constant 0 : i32
    %dma_wait3A_182 = tpu.memref_slice %arg6[%dma_wait3A_175, %dma_wait3A_181] : memref<86x128xi32, #tpu.memory_space<vmem>> -> memref<1x128xi32, #tpu.memory_space<vmem>>
    %dma_wait3A_183 = tpu.memref_squeeze %dma_wait3A_182 : memref<1x128xi32, #tpu.memory_space<vmem>> -> memref<128xi32, #tpu.memory_space<vmem>>
    %dma_wait3A_184 = arith.constant 0 : i32
    %dma_wait3A_185 = arith.constant 0 : i32
    %dma_wait3A_186 = tpu.memref_slice %arg9[%dma_wait3A_184, %dma_wait3A_185] : memref<10000x48xf32, #tpu.memory_space<vmem_shared>> -> memref<10000x48xf32, #tpu.memory_space<vmem_shared>>
    tpu.wait_indirect_dma semaphore(%arg12 : memref<!tpu.dma_semaphore, #tpu.memory_space<semaphore_mem>>) src(%dma_wait3A_186 : memref<10000x48xf32, #tpu.memory_space<vmem_shared>>) dst(%dma_wait3A_180 : memref<128x48xf32, #tpu.memory_space<vmem>>)
    %dma_start3A_187 = arith.constant 1 : i32
    %dma_start3A_188 = arith.constant 76 : i32
    %dma_start3A_189 = arith.constant 0 : i32
    %dma_start3A_190 = arith.constant 0 : i32
    %dma_start3A_191 = tpu.memref_slice %arg8[%dma_start3A_187, %dma_start3A_189, %dma_start3A_190] : memref<3x128x48xf32, #tpu.memory_space<vmem>> -> memref<1x128x48xf32, #tpu.memory_space<vmem>>
    %dma_start3A_192 = tpu.memref_squeeze %dma_start3A_191 : memref<1x128x48xf32, #tpu.memory_space<vmem>> -> memref<128x48xf32, #tpu.memory_space<vmem>>
    %dma_start3A_193 = arith.constant 0 : i32
    %dma_start3A_194 = tpu.memref_slice %arg7[%dma_start3A_188, %dma_start3A_193] : memref<79x128xi32, #tpu.memory_space<vmem>> -> memref<1x128xi32, #tpu.memory_space<vmem>>
    %dma_start3A_195 = tpu.memref_squeeze %dma_start3A_194 : memref<1x128xi32, #tpu.memory_space<vmem>> -> memref<128xi32, #tpu.memory_space<vmem>>
    %dma_start3A_196 = arith.constant 0 : i32
    %dma_start3A_197 = arith.constant 0 : i32
    %dma_start3A_198 = tpu.memref_slice %arg10[%dma_start3A_196, %dma_start3A_197] : memref<10112x48xf32, #tpu.memory_space<vmem_shared>> -> memref<10112x48xf32, #tpu.memory_space<vmem_shared>>
    tpu.enqueue_indirect_dma source(%dma_start3A_192 : memref<128x48xf32, #tpu.memory_space<vmem>>) target(%dma_start3A_198 : memref<10112x48xf32, #tpu.memory_space<vmem_shared>>) offsets(%dma_start3A_195 : memref<128xi32, #tpu.memory_space<vmem>>) semaphore(%arg15 : memref<!tpu.dma_semaphore, #tpu.memory_space<semaphore_mem>>) {add = true}
    %dma_wait3A_199 = arith.constant 77 : i32
    %dma_wait3A_200 = arith.constant 2 : i32
    %dma_wait3A_201 = arith.constant 0 : i32
    %dma_wait3A_202 = arith.constant 0 : i32
    %dma_wait3A_203 = tpu.memref_slice %arg8[%dma_wait3A_200, %dma_wait3A_201, %dma_wait3A_202] : memref<3x128x48xf32, #tpu.memory_space<vmem>> -> memref<1x128x48xf32, #tpu.memory_space<vmem>>
    %dma_wait3A_204 = tpu.memref_squeeze %dma_wait3A_203 : memref<1x128x48xf32, #tpu.memory_space<vmem>> -> memref<128x48xf32, #tpu.memory_space<vmem>>
    %dma_wait3A_205 = arith.constant 0 : i32
    %dma_wait3A_206 = tpu.memref_slice %arg6[%dma_wait3A_199, %dma_wait3A_205] : memref<86x128xi32, #tpu.memory_space<vmem>> -> memref<1x128xi32, #tpu.memory_space<vmem>>
    %dma_wait3A_207 = tpu.memref_squeeze %dma_wait3A_206 : memref<1x128xi32, #tpu.memory_space<vmem>> -> memref<128xi32, #tpu.memory_space<vmem>>
    %dma_wait3A_208 = arith.constant 0 : i32
    %dma_wait3A_209 = arith.constant 0 : i32
    %dma_wait3A_210 = tpu.memref_slice %arg9[%dma_wait3A_208, %dma_wait3A_209] : memref<10000x48xf32, #tpu.memory_space<vmem_shared>> -> memref<10000x48xf32, #tpu.memory_space<vmem_shared>>
    tpu.wait_indirect_dma semaphore(%arg13 : memref<!tpu.dma_semaphore, #tpu.memory_space<semaphore_mem>>) src(%dma_wait3A_210 : memref<10000x48xf32, #tpu.memory_space<vmem_shared>>) dst(%dma_wait3A_204 : memref<128x48xf32, #tpu.memory_space<vmem>>)
    %dma_start3A_211 = arith.constant 2 : i32
    %dma_start3A_212 = arith.constant 77 : i32
    %dma_start3A_213 = arith.constant 0 : i32
    %dma_start3A_214 = arith.constant 0 : i32
    %dma_start3A_215 = tpu.memref_slice %arg8[%dma_start3A_211, %dma_start3A_213, %dma_start3A_214] : memref<3x128x48xf32, #tpu.memory_space<vmem>> -> memref<1x128x48xf32, #tpu.memory_space<vmem>>
    %dma_start3A_216 = tpu.memref_squeeze %dma_start3A_215 : memref<1x128x48xf32, #tpu.memory_space<vmem>> -> memref<128x48xf32, #tpu.memory_space<vmem>>
    %dma_start3A_217 = arith.constant 0 : i32
    %dma_start3A_218 = tpu.memref_slice %arg7[%dma_start3A_212, %dma_start3A_217] : memref<79x128xi32, #tpu.memory_space<vmem>> -> memref<1x128xi32, #tpu.memory_space<vmem>>
    %dma_start3A_219 = tpu.memref_squeeze %dma_start3A_218 : memref<1x128xi32, #tpu.memory_space<vmem>> -> memref<128xi32, #tpu.memory_space<vmem>>
    %dma_start3A_220 = arith.constant 0 : i32
    %dma_start3A_221 = arith.constant 0 : i32
    %dma_start3A_222 = tpu.memref_slice %arg10[%dma_start3A_220, %dma_start3A_221] : memref<10112x48xf32, #tpu.memory_space<vmem_shared>> -> memref<10112x48xf32, #tpu.memory_space<vmem_shared>>
    tpu.enqueue_indirect_dma source(%dma_start3A_216 : memref<128x48xf32, #tpu.memory_space<vmem>>) target(%dma_start3A_222 : memref<10112x48xf32, #tpu.memory_space<vmem_shared>>) offsets(%dma_start3A_219 : memref<128xi32, #tpu.memory_space<vmem>>) semaphore(%arg16 : memref<!tpu.dma_semaphore, #tpu.memory_space<semaphore_mem>>) {add = true}
    %dma_wait3A_223 = arith.constant 0 : i32
    %dma_wait3A_224 = arith.constant 75 : i32
    %dma_wait3A_225 = arith.constant 0 : i32
    %dma_wait3A_226 = arith.constant 0 : i32
    %dma_wait3A_227 = tpu.memref_slice %arg8[%dma_wait3A_223, %dma_wait3A_225, %dma_wait3A_226] : memref<3x128x48xf32, #tpu.memory_space<vmem>> -> memref<1x128x48xf32, #tpu.memory_space<vmem>>
    %dma_wait3A_228 = tpu.memref_squeeze %dma_wait3A_227 : memref<1x128x48xf32, #tpu.memory_space<vmem>> -> memref<128x48xf32, #tpu.memory_space<vmem>>
    %dma_wait3A_229 = arith.constant 0 : i32
    %dma_wait3A_230 = tpu.memref_slice %arg7[%dma_wait3A_224, %dma_wait3A_229] : memref<79x128xi32, #tpu.memory_space<vmem>> -> memref<1x128xi32, #tpu.memory_space<vmem>>
    %dma_wait3A_231 = tpu.memref_squeeze %dma_wait3A_230 : memref<1x128xi32, #tpu.memory_space<vmem>> -> memref<128xi32, #tpu.memory_space<vmem>>
    %dma_wait3A_232 = arith.constant 0 : i32
    %dma_wait3A_233 = arith.constant 0 : i32
    %dma_wait3A_234 = tpu.memref_slice %arg10[%dma_wait3A_232, %dma_wait3A_233] : memref<10112x48xf32, #tpu.memory_space<vmem_shared>> -> memref<10112x48xf32, #tpu.memory_space<vmem_shared>>
    tpu.wait_indirect_dma semaphore(%arg14 : memref<!tpu.dma_semaphore, #tpu.memory_space<semaphore_mem>>) src(%dma_wait3A_228 : memref<128x48xf32, #tpu.memory_space<vmem>>) dst(%dma_wait3A_234 : memref<10112x48xf32, #tpu.memory_space<vmem_shared>>)
    %dma_wait3A_235 = arith.constant 1 : i32
    %dma_wait3A_236 = arith.constant 76 : i32
    %dma_wait3A_237 = arith.constant 0 : i32
    %dma_wait3A_238 = arith.constant 0 : i32
    %dma_wait3A_239 = tpu.memref_slice %arg8[%dma_wait3A_235, %dma_wait3A_237, %dma_wait3A_238] : memref<3x128x48xf32, #tpu.memory_space<vmem>> -> memref<1x128x48xf32, #tpu.memory_space<vmem>>
    %dma_wait3A_240 = tpu.memref_squeeze %dma_wait3A_239 : memref<1x128x48xf32, #tpu.memory_space<vmem>> -> memref<128x48xf32, #tpu.memory_space<vmem>>
    %dma_wait3A_241 = arith.constant 0 : i32
    %dma_wait3A_242 = tpu.memref_slice %arg7[%dma_wait3A_236, %dma_wait3A_241] : memref<79x128xi32, #tpu.memory_space<vmem>> -> memref<1x128xi32, #tpu.memory_space<vmem>>
    %dma_wait3A_243 = tpu.memref_squeeze %dma_wait3A_242 : memref<1x128xi32, #tpu.memory_space<vmem>> -> memref<128xi32, #tpu.memory_space<vmem>>
    %dma_wait3A_244 = arith.constant 0 : i32
    %dma_wait3A_245 = arith.constant 0 : i32
    %dma_wait3A_246 = tpu.memref_slice %arg10[%dma_wait3A_244, %dma_wait3A_245] : memref<10112x48xf32, #tpu.memory_space<vmem_shared>> -> memref<10112x48xf32, #tpu.memory_space<vmem_shared>>
    tpu.wait_indirect_dma semaphore(%arg15 : memref<!tpu.dma_semaphore, #tpu.memory_space<semaphore_mem>>) src(%dma_wait3A_240 : memref<128x48xf32, #tpu.memory_space<vmem>>) dst(%dma_wait3A_246 : memref<10112x48xf32, #tpu.memory_space<vmem_shared>>)
    %dma_wait3A_247 = arith.constant 2 : i32
    %dma_wait3A_248 = arith.constant 77 : i32
    %dma_wait3A_249 = arith.constant 0 : i32
    %dma_wait3A_250 = arith.constant 0 : i32
    %dma_wait3A_251 = tpu.memref_slice %arg8[%dma_wait3A_247, %dma_wait3A_249, %dma_wait3A_250] : memref<3x128x48xf32, #tpu.memory_space<vmem>> -> memref<1x128x48xf32, #tpu.memory_space<vmem>>
    %dma_wait3A_252 = tpu.memref_squeeze %dma_wait3A_251 : memref<1x128x48xf32, #tpu.memory_space<vmem>> -> memref<128x48xf32, #tpu.memory_space<vmem>>
    %dma_wait3A_253 = arith.constant 0 : i32
    %dma_wait3A_254 = tpu.memref_slice %arg7[%dma_wait3A_248, %dma_wait3A_253] : memref<79x128xi32, #tpu.memory_space<vmem>> -> memref<1x128xi32, #tpu.memory_space<vmem>>
    %dma_wait3A_255 = tpu.memref_squeeze %dma_wait3A_254 : memref<1x128xi32, #tpu.memory_space<vmem>> -> memref<128xi32, #tpu.memory_space<vmem>>
    %dma_wait3A_256 = arith.constant 0 : i32
    %dma_wait3A_257 = arith.constant 0 : i32
    %dma_wait3A_258 = tpu.memref_slice %arg10[%dma_wait3A_256, %dma_wait3A_257] : memref<10112x48xf32, #tpu.memory_space<vmem_shared>> -> memref<10112x48xf32, #tpu.memory_space<vmem_shared>>
    tpu.wait_indirect_dma semaphore(%arg16 : memref<!tpu.dma_semaphore, #tpu.memory_space<semaphore_mem>>) src(%dma_wait3A_252 : memref<128x48xf32, #tpu.memory_space<vmem>>) dst(%dma_wait3A_258 : memref<10112x48xf32, #tpu.memory_space<vmem_shared>>)
    %barrier3A_259 = arith.constant 0 : index
    tpu.barrier barrier_id(%barrier3A_259)
    %mul3A_260 = arith.constant 64 : i32
    %mul3A_261 = arith.muli %mul3A_260, %arg0 : i32
    "tpu.region"() ({
      %run_scoped3A = tpu.sem_alloc : memref<!tpu.dma_semaphore, #tpu.memory_space<semaphore_mem>>
      %dma_start3A_262 = tpu.memref_slice %arg5[%mul3A_2, %mul3A_261] : memref<10112x128xf32, #tpu.memory_space<hbm>> -> memref<632x48xf32, #tpu.memory_space<hbm>>
      %dma_start3A_263 = arith.constant 0 : i32
      %dma_start3A_264 = tpu.memref_slice %arg10[%mul3A_2, %dma_start3A_263] : memref<10112x48xf32, #tpu.memory_space<vmem_shared>> -> memref<632x48xf32, #tpu.memory_space<vmem_shared>>
      tpu.enqueue_dma source(%dma_start3A_264 : memref<632x48xf32, #tpu.memory_space<vmem_shared>>) target(%dma_start3A_262 : memref<632x48xf32, #tpu.memory_space<hbm>>) target_semaphore(%run_scoped3A : memref<!tpu.dma_semaphore, #tpu.memory_space<semaphore_mem>>)
      %dma_wait3A_265 = tpu.memref_slice %arg5[%mul3A_2, %mul3A_261] : memref<10112x128xf32, #tpu.memory_space<hbm>> -> memref<632x48xf32, #tpu.memory_space<hbm>>
      %dma_wait3A_266 = arith.constant 0 : i32
      %dma_wait3A_267 = tpu.memref_slice %arg10[%mul3A_2, %dma_wait3A_266] : memref<10112x48xf32, #tpu.memory_space<vmem_shared>> -> memref<632x48xf32, #tpu.memory_space<vmem_shared>>
      tpu.wait_dma2 semaphore(%run_scoped3A : memref<!tpu.dma_semaphore, #tpu.memory_space<semaphore_mem>>) src(%dma_wait3A_267 : memref<632x48xf32, #tpu.memory_space<vmem_shared>>) dst(%dma_wait3A_265 : memref<632x48xf32, #tpu.memory_space<hbm>>)
      tpu.yield
    }) : () -> ()
    return
  }
}

module attributes {stable_mosaic.version = 14 : i64} {
  func.func @k1(%arg0: memref<10000x64xf32, #tpu.memory_space<vmem>>, %arg1: memref<10112x128xf32, #tpu.memory_space<vmem>>, %arg2: memref<10000x128xf32, #tpu.memory_space<vmem>>, %arg3: memref<10000x1xf32, #tpu.memory_space<vmem>>) attributes {dimension_semantics = [], scalar_prefetch = 0 : i64, scratch_operands = 0 : i64, tpu.core_type = #tpu.core_type<tc>} {
    %get3A = arith.constant 0 : index
    %get3A_0 = arith.constant 0 : index
    %get3A_1 = vector.load %arg1[%get3A, %get3A_0] : memref<10112x128xf32, #tpu.memory_space<vmem>>, vector<10112x1xf32>
    %get3A_2 = arith.constant 0 : index
    %get3A_3 = arith.constant 16 : index
    %get3A_4 = vector.load %arg1[%get3A_2, %get3A_3] : memref<10112x128xf32, #tpu.memory_space<vmem>>, vector<10112x1xf32>
    %add3A = arith.addf %get3A_1, %get3A_4 : vector<10112x1xf32>
    %add3A_5 = arith.constant 1.000000e+00 : f32
    %add3A_6 = vector.broadcast %add3A_5 : f32 to vector<10112x1xf32>
    %add3A_7 = arith.addf %add3A, %add3A_6 : vector<10112x1xf32>
    %rsqrt3A = math.rsqrt %add3A_7 : vector<10112x1xf32>
    %slice3A = vector.extract_strided_slice %rsqrt3A {offsets = [0, 0], sizes = [10000, 1], strides = [1, 1]} : vector<10112x1xf32> to vector<10000x1xf32>
    %get3A_8 = arith.constant 0 : index
    %get3A_9 = arith.constant 0 : index
    %get3A_10 = vector.load %arg0[%get3A_8, %get3A_9] : memref<10000x64xf32, #tpu.memory_space<vmem>>, vector<10000x64xf32>
    %mul3A = vector.broadcast %slice3A : vector<10000x1xf32> to vector<10000x64xf32>
    %mul3A_11 = arith.mulf %mul3A, %get3A_10 : vector<10000x64xf32>
    %concatenate3A = tpu.concatenate %mul3A_11, %mul3A_11 in 1 : vector<10000x64xf32>, vector<10000x64xf32> -> vector<10000x128xf32>
    %swap3A = arith.constant 0 : index
    %swap3A_12 = arith.constant 0 : index
    %swap3A_13 = vector.load %arg2[%swap3A, %swap3A_12] : memref<10000x128xf32, #tpu.memory_space<vmem>>, vector<10000x128xf32>
    tpu.vector_store %arg2[%swap3A, %swap3A_12], %concatenate3A {strides = array<i32>} : memref<10000x128xf32, #tpu.memory_space<vmem>>, vector<10000x128xf32>,
    %swap3A_14 = arith.constant 0 : index
    %swap3A_15 = arith.constant 0 : index
    %swap3A_16 = vector.load %arg3[%swap3A_14, %swap3A_15] : memref<10000x1xf32, #tpu.memory_space<vmem>>, vector<10000x1xf32>
    tpu.vector_store %arg3[%swap3A_14, %swap3A_15], %slice3A {strides = array<i32>} : memref<10000x1xf32, #tpu.memory_space<vmem>>, vector<10000x1xf32>,
    return
  }
}

module attributes {stable_mosaic.version = 14 : i64} {
  func.func @k0(%arg0: memref<10000x128xf32, #tpu.memory_space<vmem>>, %arg1: memref<128x64xf32, #tpu.memory_space<vmem>>, %arg2: memref<10000x64xf32, #tpu.memory_space<vmem>>) attributes {dimension_semantics = [], scalar_prefetch = 0 : i64, scratch_operands = 0 : i64, tpu.core_type = #tpu.core_type<tc>} {
    %get3A = arith.constant 0 : index
    %get3A_0 = arith.constant 0 : index
    %get3A_1 = vector.load %arg0[%get3A, %get3A_0] : memref<10000x128xf32, #tpu.memory_space<vmem>>, vector<10000x128xf32>
    %get3A_2 = arith.constant 0 : index
    %get3A_3 = arith.constant 0 : index
    %get3A_4 = vector.load %arg1[%get3A_2, %get3A_3] : memref<128x64xf32, #tpu.memory_space<vmem>>, vector<128x64xf32>
    %dot_general3A = arith.constant dense<0.000000e+00> : vector<10000x64xf32>
    %dot_general3A_5 = tpu.matmul %get3A_1, %get3A_4, %dot_general3A {dimension_numbers = #tpu.dot_dimension_numbers<[1], [0], [0], [1], [0, 0, 1, 1], [], []>, transpose_lhs_hint = false} : vector<10000x128xf32>, vector<128x64xf32>, vector<10000x64xf32> -> vector<10000x64xf32>
    %swap3A = arith.constant 0 : index
    %swap3A_6 = arith.constant 0 : index
    %swap3A_7 = vector.load %arg2[%swap3A, %swap3A_6] : memref<10000x64xf32, #tpu.memory_space<vmem>>, vector<10000x64xf32>
    tpu.vector_store %arg2[%swap3A, %swap3A_6], %dot_general3A_5 {strides = array<i32>} : memref<10000x64xf32, #tpu.memory_space<vmem>>, vector<10000x64xf32>,
    return
  }
}

module attributes {stable_mosaic.version = 14 : i64} {
  func.func @k2(%arg0: memref<10112x128xf32, #tpu.memory_space<vmem>>, %arg1: memref<10000x128xf32, #tpu.memory_space<vmem>>, %arg2: memref<10000x1xf32, #tpu.memory_space<vmem>>, %arg3: memref<1x64xf32, #tpu.memory_space<vmem>>, %arg4: memref<10000x128xf32, #tpu.memory_space<vmem>>) attributes {dimension_semantics = [], scalar_prefetch = 0 : i64, scratch_operands = 0 : i64, tpu.core_type = #tpu.core_type<tc>} {
    %get3A = arith.constant 0 : index
    %get3A_0 = arith.constant 0 : index
    %get3A_1 = vector.load %arg0[%get3A, %get3A_0] : memref<10112x128xf32, #tpu.memory_space<vmem>>, vector<10000x64xf32>
    %get3A_2 = arith.constant 0 : index
    %get3A_3 = arith.constant 64 : index
    %get3A_4 = vector.load %arg0[%get3A_2, %get3A_3] : memref<10112x128xf32, #tpu.memory_space<vmem>>, vector<10000x64xf32>
    %add3A = arith.addf %get3A_1, %get3A_4 : vector<10000x64xf32>
    %get3A_5 = arith.constant 0 : index
    %get3A_6 = arith.constant 0 : index
    %get3A_7 = vector.load %arg1[%get3A_5, %get3A_6] : memref<10000x128xf32, #tpu.memory_space<vmem>>, vector<10000x64xf32>
    %add3A_8 = arith.addf %add3A, %get3A_7 : vector<10000x64xf32>
    %get3A_9 = arith.constant 0 : index
    %get3A_10 = arith.constant 0 : index
    %get3A_11 = vector.load %arg2[%get3A_9, %get3A_10] : memref<10000x1xf32, #tpu.memory_space<vmem>>, vector<10000x1xf32>
    %mul3A = vector.broadcast %get3A_11 : vector<10000x1xf32> to vector<10000x64xf32>
    %mul3A_12 = arith.mulf %mul3A, %add3A_8 : vector<10000x64xf32>
    %get3A_13 = arith.constant 0 : index
    %get3A_14 = arith.constant 0 : index
    %get3A_15 = vector.load %arg3[%get3A_13, %get3A_14] : memref<1x64xf32, #tpu.memory_space<vmem>>, vector<1x64xf32>
    %add3A_16 = vector.broadcast %get3A_15 : vector<1x64xf32> to vector<10000x64xf32>
    %add3A_17 = arith.addf %mul3A_12, %add3A_16 : vector<10000x64xf32>
    %max3A = arith.constant 0.000000e+00 : f32
    %max3A_18 = vector.broadcast %max3A : f32 to vector<10000x64xf32>
    %max3A_19 = arith.maximumf %add3A_17, %max3A_18 : vector<10000x64xf32>
    %get3A_20 = arith.constant 0 : index
    %get3A_21 = arith.constant 0 : index
    %get3A_22 = vector.load %arg2[%get3A_20, %get3A_21] : memref<10000x1xf32, #tpu.memory_space<vmem>>, vector<10000x1xf32>
    %mul3A_23 = vector.broadcast %get3A_22 : vector<10000x1xf32> to vector<10000x64xf32>
    %mul3A_24 = arith.mulf %mul3A_23, %max3A_19 : vector<10000x64xf32>
    %concatenate3A = tpu.concatenate %mul3A_24, %mul3A_24 in 1 : vector<10000x64xf32>, vector<10000x64xf32> -> vector<10000x128xf32>
    %swap3A = arith.constant 0 : index
    %swap3A_25 = arith.constant 0 : index
    %swap3A_26 = vector.load %arg4[%swap3A, %swap3A_25] : memref<10000x128xf32, #tpu.memory_space<vmem>>, vector<10000x128xf32>
    tpu.vector_store %arg4[%swap3A, %swap3A_25], %concatenate3A {strides = array<i32>} : memref<10000x128xf32, #tpu.memory_space<vmem>>, vector<10000x128xf32>,
    return
  }
}

module attributes {stable_mosaic.version = 14 : i64} {
  func.func @k3(%arg0: memref<10112x128xf32, #tpu.memory_space<vmem>>, %arg1: memref<10000x128xf32, #tpu.memory_space<vmem>>, %arg2: memref<10000x1xf32, #tpu.memory_space<vmem>>, %arg3: memref<64x128xf32, #tpu.memory_space<vmem>>, %arg4: memref<1x128xf32, #tpu.memory_space<vmem>>, %arg5: memref<128x64xf32, #tpu.memory_space<vmem>>, %arg6: memref<10000x128xf32, #tpu.memory_space<vmem>>) attributes {dimension_semantics = [], scalar_prefetch = 0 : i64, scratch_operands = 0 : i64, tpu.core_type = #tpu.core_type<tc>} {
    %get3A = arith.constant 0 : index
    %get3A_0 = arith.constant 0 : index
    %get3A_1 = vector.load %arg2[%get3A, %get3A_0] : memref<10000x1xf32, #tpu.memory_space<vmem>>, vector<10000x1xf32>
    %get3A_2 = arith.constant 0 : index
    %get3A_3 = arith.constant 0 : index
    %get3A_4 = vector.load %arg0[%get3A_2, %get3A_3] : memref<10112x128xf32, #tpu.memory_space<vmem>>, vector<10000x64xf32>
    %get3A_5 = arith.constant 0 : index
    %get3A_6 = arith.constant 64 : index
    %get3A_7 = vector.load %arg0[%get3A_5, %get3A_6] : memref<10112x128xf32, #tpu.memory_space<vmem>>, vector<10000x64xf32>
    %add3A = arith.addf %get3A_4, %get3A_7 : vector<10000x64xf32>
    %get3A_8 = arith.constant 0 : index
    %get3A_9 = arith.constant 0 : index
    %get3A_10 = vector.load %arg1[%get3A_8, %get3A_9] : memref<10000x128xf32, #tpu.memory_space<vmem>>, vector<10000x64xf32>
    %add3A_11 = arith.addf %add3A, %get3A_10 : vector<10000x64xf32>
    %mul3A = vector.broadcast %get3A_1 : vector<10000x1xf32> to vector<10000x64xf32>
    %mul3A_12 = arith.mulf %mul3A, %add3A_11 : vector<10000x64xf32>
    %get3A_13 = arith.constant 0 : index
    %get3A_14 = arith.constant 0 : index
    %get3A_15 = vector.load %arg3[%get3A_13, %get3A_14] : memref<64x128xf32, #tpu.memory_space<vmem>>, vector<64x128xf32>
    %dot_general3A = arith.constant dense<0.000000e+00> : vector<10000x128xf32>
    %dot_general3A_16 = tpu.matmul %mul3A_12, %get3A_15, %dot_general3A {dimension_numbers = #tpu.dot_dimension_numbers<[1], [0], [0], [1], [0, 0, 1, 1], [], []>, transpose_lhs_hint = false} : vector<10000x64xf32>, vector<64x128xf32>, vector<10000x128xf32> -> vector<10000x128xf32>
    %get3A_17 = arith.constant 0 : index
    %get3A_18 = arith.constant 0 : index
    %get3A_19 = vector.load %arg4[%get3A_17, %get3A_18] : memref<1x128xf32, #tpu.memory_space<vmem>>, vector<1x128xf32>
    %add3A_20 = vector.broadcast %get3A_19 : vector<1x128xf32> to vector<10000x128xf32>
    %add3A_21 = arith.addf %dot_general3A_16, %add3A_20 : vector<10000x128xf32>
    %max3A = arith.constant 0.000000e+00 : f32
    %max3A_22 = vector.broadcast %max3A : f32 to vector<10000x128xf32>
    %max3A_23 = arith.maximumf %add3A_21, %max3A_22 : vector<10000x128xf32>
    %get3A_24 = arith.constant 0 : index
    %get3A_25 = arith.constant 0 : index
    %get3A_26 = vector.load %arg2[%get3A_24, %get3A_25] : memref<10000x1xf32, #tpu.memory_space<vmem>>, vector<10000x1xf32>
    %get3A_27 = arith.constant 0 : index
    %get3A_28 = arith.constant 0 : index
    %get3A_29 = vector.load %arg5[%get3A_27, %get3A_28] : memref<128x64xf32, #tpu.memory_space<vmem>>, vector<128x64xf32>
    %dot_general3A_30 = arith.constant dense<0.000000e+00> : vector<10000x64xf32>
    %dot_general3A_31 = tpu.matmul %max3A_23, %get3A_29, %dot_general3A_30 {dimension_numbers = #tpu.dot_dimension_numbers<[1], [0], [0], [1], [0, 0, 1, 1], [], []>, transpose_lhs_hint = false} : vector<10000x128xf32>, vector<128x64xf32>, vector<10000x64xf32> -> vector<10000x64xf32>
    %mul3A_32 = vector.broadcast %get3A_26 : vector<10000x1xf32> to vector<10000x64xf32>
    %mul3A_33 = arith.mulf %mul3A_32, %dot_general3A_31 : vector<10000x64xf32>
    %concatenate3A = tpu.concatenate %mul3A_33, %mul3A_33 in 1 : vector<10000x64xf32>, vector<10000x64xf32> -> vector<10000x128xf32>
    %swap3A = arith.constant 0 : index
    %swap3A_34 = arith.constant 0 : index
    %swap3A_35 = vector.load %arg6[%swap3A, %swap3A_34] : memref<10000x128xf32, #tpu.memory_space<vmem>>, vector<10000x128xf32>
    tpu.vector_store %arg6[%swap3A, %swap3A_34], %concatenate3A {strides = array<i32>} : memref<10000x128xf32, #tpu.memory_space<vmem>>, vector<10000x128xf32>,
    return
  }
}

module attributes {stable_mosaic.version = 14 : i64} {
  func.func @k4(%arg0: memref<10112x128xf32, #tpu.memory_space<vmem>>, %arg1: memref<10000x128xf32, #tpu.memory_space<vmem>>, %arg2: memref<10000x1xf32, #tpu.memory_space<vmem>>, %arg3: memref<1x64xf32, #tpu.memory_space<vmem>>, %arg4: memref<64x48xf32, #tpu.memory_space<vmem>>, %arg5: memref<10000x128xf32, #tpu.memory_space<vmem>>) attributes {dimension_semantics = [], scalar_prefetch = 0 : i64, scratch_operands = 0 : i64, tpu.core_type = #tpu.core_type<tc>} {
    %get3A = arith.constant 0 : index
    %get3A_0 = arith.constant 0 : index
    %get3A_1 = vector.load %arg2[%get3A, %get3A_0] : memref<10000x1xf32, #tpu.memory_space<vmem>>, vector<10000x1xf32>
    %get3A_2 = arith.constant 0 : index
    %get3A_3 = arith.constant 0 : index
    %get3A_4 = vector.load %arg0[%get3A_2, %get3A_3] : memref<10112x128xf32, #tpu.memory_space<vmem>>, vector<10000x64xf32>
    %get3A_5 = arith.constant 0 : index
    %get3A_6 = arith.constant 64 : index
    %get3A_7 = vector.load %arg0[%get3A_5, %get3A_6] : memref<10112x128xf32, #tpu.memory_space<vmem>>, vector<10000x64xf32>
    %add3A = arith.addf %get3A_4, %get3A_7 : vector<10000x64xf32>
    %get3A_8 = arith.constant 0 : index
    %get3A_9 = arith.constant 0 : index
    %get3A_10 = vector.load %arg1[%get3A_8, %get3A_9] : memref<10000x128xf32, #tpu.memory_space<vmem>>, vector<10000x64xf32>
    %add3A_11 = arith.addf %add3A, %get3A_10 : vector<10000x64xf32>
    %mul3A = vector.broadcast %get3A_1 : vector<10000x1xf32> to vector<10000x64xf32>
    %mul3A_12 = arith.mulf %mul3A, %add3A_11 : vector<10000x64xf32>
    %get3A_13 = arith.constant 0 : index
    %get3A_14 = arith.constant 0 : index
    %get3A_15 = vector.load %arg3[%get3A_13, %get3A_14] : memref<1x64xf32, #tpu.memory_space<vmem>>, vector<1x64xf32>
    %add3A_16 = vector.broadcast %get3A_15 : vector<1x64xf32> to vector<10000x64xf32>
    %add3A_17 = arith.addf %mul3A_12, %add3A_16 : vector<10000x64xf32>
    %max3A = arith.constant 0.000000e+00 : f32
    %max3A_18 = vector.broadcast %max3A : f32 to vector<10000x64xf32>
    %max3A_19 = arith.maximumf %add3A_17, %max3A_18 : vector<10000x64xf32>
    %get3A_20 = arith.constant 0 : index
    %get3A_21 = arith.constant 0 : index
    %get3A_22 = vector.load %arg2[%get3A_20, %get3A_21] : memref<10000x1xf32, #tpu.memory_space<vmem>>, vector<10000x1xf32>
    %get3A_23 = arith.constant 0 : index
    %get3A_24 = arith.constant 0 : index
    %get3A_25 = vector.load %arg4[%get3A_23, %get3A_24] : memref<64x48xf32, #tpu.memory_space<vmem>>, vector<64x48xf32>
    %dot_general3A = arith.constant dense<0.000000e+00> : vector<10000x48xf32>
    %dot_general3A_26 = tpu.matmul %max3A_19, %get3A_25, %dot_general3A {dimension_numbers = #tpu.dot_dimension_numbers<[1], [0], [0], [1], [0, 0, 1, 1], [], []>, transpose_lhs_hint = false} : vector<10000x64xf32>, vector<64x48xf32>, vector<10000x48xf32> -> vector<10000x48xf32>
    %mul3A_27 = vector.broadcast %get3A_22 : vector<10000x1xf32> to vector<10000x48xf32>
    %mul3A_28 = arith.mulf %mul3A_27, %dot_general3A_26 : vector<10000x48xf32>
    %broadcast_in_dim3A = arith.constant 0.000000e+00 : f32
    %broadcast_in_dim3A_29 = vector.broadcast %broadcast_in_dim3A : f32 to vector<10000x16xf32>
    %concatenate3A = tpu.concatenate %mul3A_28, %broadcast_in_dim3A_29 in 1 : vector<10000x48xf32>, vector<10000x16xf32> -> vector<10000x64xf32>
    %concatenate3A_30 = tpu.concatenate %concatenate3A, %concatenate3A in 1 : vector<10000x64xf32>, vector<10000x64xf32> -> vector<10000x128xf32>
    %swap3A = arith.constant 0 : index
    %swap3A_31 = arith.constant 0 : index
    %swap3A_32 = vector.load %arg5[%swap3A, %swap3A_31] : memref<10000x128xf32, #tpu.memory_space<vmem>>, vector<10000x128xf32>
    tpu.vector_store %arg5[%swap3A, %swap3A_31], %concatenate3A_30 {strides = array<i32>} : memref<10000x128xf32, #tpu.memory_space<vmem>>, vector<10000x128xf32>,
    return
  }
}

module attributes {stable_mosaic.version = 14 : i64} {
  func.func @k5(%arg0: memref<10112x128xf32, #tpu.memory_space<vmem>>, %arg1: memref<10000x128xf32, #tpu.memory_space<vmem>>, %arg2: memref<10000x1xf32, #tpu.memory_space<vmem>>, %arg3: memref<1x40xf32, #tpu.memory_space<vmem>>, %arg4: memref<10000x40xf32, #tpu.memory_space<vmem>>) attributes {dimension_semantics = [], scalar_prefetch = 0 : i64, scratch_operands = 0 : i64, tpu.core_type = #tpu.core_type<tc>} {
    %get3A = arith.constant 0 : index
    %get3A_0 = arith.constant 0 : index
    %get3A_1 = vector.load %arg0[%get3A, %get3A_0] : memref<10112x128xf32, #tpu.memory_space<vmem>>, vector<10000x48xf32>
    %get3A_2 = arith.constant 0 : index
    %get3A_3 = arith.constant 64 : index
    %get3A_4 = vector.load %arg0[%get3A_2, %get3A_3] : memref<10112x128xf32, #tpu.memory_space<vmem>>, vector<10000x48xf32>
    %add3A = arith.addf %get3A_1, %get3A_4 : vector<10000x48xf32>
    %get3A_5 = arith.constant 0 : index
    %get3A_6 = arith.constant 0 : index
    %get3A_7 = vector.load %arg1[%get3A_5, %get3A_6] : memref<10000x128xf32, #tpu.memory_space<vmem>>, vector<10000x48xf32>
    %add3A_8 = arith.addf %add3A, %get3A_7 : vector<10000x48xf32>
    %get3A_9 = arith.constant 0 : index
    %get3A_10 = arith.constant 0 : index
    %get3A_11 = vector.load %arg2[%get3A_9, %get3A_10] : memref<10000x1xf32, #tpu.memory_space<vmem>>, vector<10000x1xf32>
    %mul3A = vector.broadcast %get3A_11 : vector<10000x1xf32> to vector<10000x48xf32>
    %mul3A_12 = arith.mulf %mul3A, %add3A_8 : vector<10000x48xf32>
    %slice3A = vector.extract_strided_slice %mul3A_12 {offsets = [0, 0], sizes = [10000, 40], strides = [1, 1]} : vector<10000x48xf32> to vector<10000x40xf32>
    %get3A_13 = arith.constant 0 : index
    %get3A_14 = arith.constant 0 : index
    %get3A_15 = vector.load %arg3[%get3A_13, %get3A_14] : memref<1x40xf32, #tpu.memory_space<vmem>>, vector<1x40xf32>
    %add3A_16 = vector.broadcast %get3A_15 : vector<1x40xf32> to vector<10000x40xf32>
    %add3A_17 = arith.addf %slice3A, %add3A_16 : vector<10000x40xf32>
    %reduce_max3A = arith.constant dense<0xFF800000> : vector<10000xf32>
    %reduce_max3A_18 = vector.multi_reduction <maximumf>, %add3A_17, %reduce_max3A [1] : vector<10000x40xf32> to vector<10000xf32>
    %broadcast_in_dim3A = vector.shape_cast %reduce_max3A_18 : vector<10000xf32> to vector<10000x1xf32>
    %sub3A = vector.broadcast %broadcast_in_dim3A : vector<10000x1xf32> to vector<10000x40xf32>
    %sub3A_19 = arith.subf %add3A_17, %sub3A : vector<10000x40xf32>
    %exp3A = math.exp %sub3A_19 : vector<10000x40xf32>
    %reduce_sum3A = arith.constant dense<0.000000e+00> : vector<10000xf32>
    %reduce_sum3A_20 = vector.multi_reduction <add>, %exp3A, %reduce_sum3A [1] : vector<10000x40xf32> to vector<10000xf32>
    %broadcast_in_dim3A_21 = vector.shape_cast %reduce_sum3A_20 : vector<10000xf32> to vector<10000x1xf32>
    %log3A = math.log %broadcast_in_dim3A_21 : vector<10000x1xf32>
    %sub3A_22 = vector.broadcast %log3A : vector<10000x1xf32> to vector<10000x40xf32>
    %sub3A_23 = arith.subf %sub3A_19, %sub3A_22 : vector<10000x40xf32>
    %swap3A = arith.constant 0 : index
    %swap3A_24 = arith.constant 0 : index
    %swap3A_25 = vector.load %arg4[%swap3A, %swap3A_24] : memref<10000x40xf32, #tpu.memory_space<vmem>>, vector<10000x40xf32>
    tpu.vector_store %arg4[%swap3A, %swap3A_24], %sub3A_23 {strides = array<i32>} : memref<10000x40xf32, #tpu.memory_space<vmem>>, vector<10000x40xf32>,
    return
  }
}

</mosaic_0001>

<sc_bundles>
// kernel: kernel.13.cloned.1.call-start
scs
__scs_entry_jumppad:
0x0: {  	(pc) =	sbr.rel $0x88, $3  }
0x1: {  	(tag) =	ssettag $0x0;
	lr =	simm.s32 $0x1  }
0x2: {  	[smem:$0x3F97] =	sst lr;
	_ =	strace $0xD0000000  }
0x3: {  	_ = 	snop  }
0x4: {  	_ = 	snop  }
0x5: {  	_ = 	snop  }
0x6: {  	_ = 	snop  }
0x7: {  	_ = 	snop  }
__scs_overlays_trampoline_lowered:
0x8: {  	[smem:$0x3FA6] =	sst s0  }
0x9: {  	[smem:$0x3FA7] =	sst s1  }
0xa: {  	[smem:$0x3FA8] =	sst s2  }
0xb: {  	[smem:$0x3FA9] =	sst s3  }
0xc: {  	[smem:$0x3FAA] =	sst s4  }
0xd: {  	[smem:$0x3FAB] =	sst s5  }
0xe: {  	[smem:$0x3FAC] =	sst s6  }
0xf: {  	[smem:$0x3FAD] =	sst s7  }
0x10: {  	[smem:$0x3FAE] =	sst s8  }
0x11: {  	[smem:$0x3FAF] =	sst s9;
	s0 =	simm.s32 @!p0 $0x0  }
0x12: {  	s1 =	sld [smem:$0x3F95];
	s0 =	simm.s32 @p0 $0x1  }
0x13: {  	[smem:$0x3FB0] =	sst s0;
	s0 =	simm.s32 @!p1 $0x0  }
0x14: {  	s2 =	sld [smem:$0x3F94];
	s0 =	simm.s32 @p1 $0x1  }
0x15: {  	[smem:$0x3FB1] =	sst s0;
	s0 =	simm.s32 @!p2 $0x0  }
0x16: {  	s3 =	sld [smem:$0x3FDB];
	s0 =	simm.s32 @p2 $0x1  }
0x17: {  	s4 =	simm.s32 $0x1BF5;
	[smem:$0x3FB3] =	sst s0  }
0x18: {  	s0 =	sld [smem:$0x3F96];
	_ =	swait.ge [sflag:s4], $0x0  }
0x19: {  	s7 =	sld [smem:$0x3F97]  }
0x1a: {  	s8 =	sadd.s32 $0xFFFFE003, lr  }
0x1b: {  	s9 =	sadd.s32 $0xFFFFFEF7, lr;
	s5 =	simm.s32 $0xFFFFFFFF;
	p2 =	slt.u32 s8, $0xFFFFF086  }
0x1c: {  	p1 =	slt.u32 s9, $0xF7A;
	s5 =	simm.s32 @!p2 $0x0  }
0x1d: {  	s5 =	simm.s32 @p1 $0x1;
	p0 =	seq.s32 s7, s2  }
0x1e: {  	s7 =	smul.u32 @!p0 $0xF7A, s2;
	p2 =	seq.s32 @!p0 s5, $0x0  }
0x1f: {  	s9 =	smul.u32 $0xF7A, s1;
	s8 =	simm.s32 @!p0 $0x1BF5;
	p2 =	por !p2, p0  }
0x20: {  	[sflag:s8] =	ssyncset.s32 @!p0 $0xFFFFF086;
	s6 =	sadd.s32 @!p0 s3, s7;
	s7 =	simm.s32 @!p0 $0x108  }
0x21: {  	s3 =	sadd.s32 s3, s9;
	s6 =	sadd.s32 @!p0 $0x88, s6;
	s7 =	simm.s32 @p2 $0x1082  }
0x22: {  	[simem:s7], [sflag:s8] =	dma.local @!p0 [hbm:s6], $0xF7A  }
0x23: {  	s9 =	sor.u32 $0xD0000000, s2;
	s6 =	simm.s32 $0x108;
	_ =	swait.ge @!p0 [sflag:s8], $0x0  }
0x24: {  	s3 =	sadd.s32 $0x88, s3;
	s6 =	simm.s32 @!p1 $0x1082;
	[sflag:s4] =	ssyncset.s32 $0xFFFFF086  }
0x25: {  	[simem:s6], [sflag:s4] =	dma.local [hbm:s3], $0xF7A  }
0x26: {  	[smem:$0x3F97] =	sst s1;
	(tag) =	ssettag s2;
	_ =	strace s9  }
0x27: {  	s1 =	sld [smem:$0x3FA7]  }
0x28: {  	s2 =	sld [smem:$0x3FA8]  }
0x29: {  	s4 =	sld [smem:$0x3FAA]  }
0x2a: {  	p0 =	seq.s32 s5, $0x0;
	s5 =	sld [smem:$0x3FAB]  }
0x2b: {  	s6 =	sld [smem:$0x3FAC]  }
0x2c: {  	s7 =	sld [smem:$0x3FAD]  }
0x2d: {  	s3 =	simm.s32 $0x108;
	s8 =	sld [smem:$0x3FAE]  }
0x2e: {  	s3 =	simm.s32 @!p0 $0x1082;
	s9 =	sld [smem:$0x3FAF]  }
0x2f: {  	lr =	sadd.s32 s0, s3;
	s0 =	sld [smem:$0x3FA6]  }
0x30: {  	s3 =	sld [smem:$0x3FA9]  }
0x31: {  	[smem:$0x3FB2] =	sst s10  }
0x32: {  	s10 =	sld [smem:$0x3FB0];
	_ =	sdelay $0x3  }
0x33: {  	p0 =	seq.s32 s10, $0x1;
	s10 =	sld [smem:$0x3FB2];
	_ =	sdelay $0x3  }
0x34: {  	[smem:$0x3FB2] =	sst s10  }
0x35: {  	s10 =	sld [smem:$0x3FB1];
	_ =	sdelay $0x3  }
0x36: {  	p1 =	seq.s32 s10, $0x1;
	s10 =	sld [smem:$0x3FB2];
	_ =	sdelay $0x3  }
0x37: {  	[smem:$0x3FB2] =	sst s10  }
0x38: {  	s10 =	sld [smem:$0x3FB3]  }
0x39: {  	_ = 	snop;
	(pc) =	sbr.ind lr, $3  }
0x3a: {  	_ = 	snop  }
0x3b: {  	_ = 	snop  }
0x3c: {  	p2 =	seq.s32 s10, $0x1;
	s10 =	sld [smem:$0x3FB2]  }
0x3d: {  	_ =	shalt  }
0x3e: {  	_ =	shalt  }
0x3f: {  	_ =	shalt  }
0x40: {  	_ =	shalt  }
0x41: {  	_ =	shalt  }
0x42: {  	_ =	shalt  }
0x43: {  	_ =	shalt  }
0x44: {  	_ =	shalt  }
0x45: {  	_ =	shalt  }
0x46: {  	_ =	shalt  }
0x47: {  	_ =	shalt  }
0x48: {  	_ =	shalt  }
0x49: {  	_ =	shalt  }
0x4a: {  	_ =	shalt  }
0x4b: {  	_ =	shalt  }
0x4c: {  	_ =	shalt  }
0x4d: {  	_ =	shalt  }
0x4e: {  	_ =	shalt  }
0x4f: {  	_ =	shalt  }
0x50: {  	_ =	shalt  }
0x51: {  	_ =	shalt  }
0x52: {  	_ =	shalt  }
0x53: {  	_ =	shalt  }
0x54: {  	_ =	shalt  }
0x55: {  	_ =	shalt  }
0x56: {  	_ =	shalt  }
0x57: {  	_ =	shalt  }
0x58: {  	_ =	shalt  }
0x59: {  	_ =	shalt  }
0x5a: {  	_ =	shalt  }
0x5b: {  	_ =	shalt  }
0x5c: {  	_ =	shalt  }
0x5d: {  	_ =	shalt  }
0x5e: {  	_ =	shalt  }
0x5f: {  	_ =	shalt  }
0x60: {  	_ =	shalt  }
0x61: {  	_ =	shalt  }
0x62: {  	_ =	shalt  }
0x63: {  	_ =	shalt  }
0x64: {  	_ =	shalt  }
0x65: {  	_ =	shalt  }
0x66: {  	_ =	shalt  }
0x67: {  	_ =	shalt  }
0x68: {  	_ =	shalt  }
0x69: {  	_ =	shalt  }
0x6a: {  	_ =	shalt  }
0x6b: {  	_ =	shalt  }
0x6c: {  	_ =	shalt  }
0x6d: {  	_ =	shalt  }
0x6e: {  	_ =	shalt  }
0x6f: {  	_ =	shalt  }
0x70: {  	_ =	shalt  }
0x71: {  	_ =	shalt  }
0x72: {  	_ =	shalt  }
0x73: {  	_ =	shalt  }
0x74: {  	_ =	shalt  }
0x75: {  	_ =	shalt  }
0x76: {  	_ =	shalt  }
0x77: {  	_ =	shalt  }
0x78: {  	_ =	shalt  }
0x79: {  	_ =	shalt  }
0x7a: {  	_ =	shalt  }
0x7b: {  	_ =	shalt  }
0x7c: {  	_ =	shalt  }
0x7d: {  	_ =	shalt  }
0x7e: {  	_ =	shalt  }
0x7f: {  	_ =	shalt  }
0x80: {  	_ =	shalt  }
0x81: {  	_ =	shalt  }
0x82: {  	_ =	shalt  }
0x83: {  	_ =	shalt  }
0x84: {  	_ =	shalt  }
0x85: {  	_ =	shalt  }
0x86: {  	_ =	shalt  }
0x87: {  	_ =	shalt  }
.Lfunc_end0:
.L_simem_size_0:
called_computation_lowered:
.L_overlay_start_0:
0x88: {  	s2 =	sld [smem:$0x3FD9]  }
0x89: {  	s3 =	sld [smem:$0x3FFE];
	_ =	sdelay $0x1  }
0x8a: {  	s1 =	srdreg.scid  }
0x8b: {  	s0 =	sand.u32 $0x1, s1  }
0x8c: {  	s17 =	sshll.u32 s0, $0xA;
	s2 =	sadd.s32 s3, s2  }
0x8d: {  	s2 =	sadd.s32 s2, s17  }
0x8e: {  	[smem:$0x3FBE] =	sst s2  }
0x8f: {  	_ = 	snop  }
0x90: {  	s2 =	sld [smem:$0x3FD0];
	(tm) =	ssettm $0x1  }
0x91: {  	s18 =	sld [smem:$0x3FFB];
	_ =	sdelay $0x3  }
0x92: {  	_ =	strace s18  }
0x93: {  	s3 =	sld [smem:$0x3FFC];
	_ =	sdelay $0x3  }
0x94: {  	_ =	strace s3  }
0x95: {  	s3 =	sld [smem:$0x3FFD];
	_ =	sdelay $0x3  }
0x96: {  	_ =	strace s3  }
0x97: {  	_ =	strace $0x8FFFFFFF  }
0x98: {  	s19 =	sld [smem:$0x3FDB];
	_ =	sdelay $0x1  }
0x99: {  	s4 =	simm.s32 $_scs_section_size  }
0x9a: {  	s5 =	simm.s32 $_size__tile_overlayer_lowered;
	s6 =	simm.s32 $_tile_overlayer_lowered  }
0x9b: {  	s22 =	simm.s32 $0x1BFF;
	s21 =	sshll.u32 s6, $0x1;
	s3 =	sadd.s32 s4, s19  }
0x9c: {  	s7 =	simm.s32 $0x0;
	s20 =	sshll.u32 s5, $0x1;
	s5 =	sadd.s32 s21, s3  }
0x9d: {  	[timem:s7], [sflag:s22] =	dma.local [hbm:s5], s20  }
0x9e: {  	_ =	swait.ge [sflag:s22], s20  }
0x9f: {  	s4 =	ssub.s32 $0x0, s20;
	[sflag:s22] =	ssyncset.done $0x0  }
0xa0: {  	[sflag:s22] =	ssyncadd.s32 s4;
	_ =	sdelay $0x1  }
0xa1: {  	s23 =	simm.s32 $0x1B8B  }
0xa2: {  	_ =	swait.ge [sflag:s23], $0x1  }
0xa3: {  	[sflag:s23] =	ssyncset.done $0x0  }
0xa4: {  	s25 =	simm.s32 $0x1B8E;
	s24 =	sld [smem:$0x3FFE];
	[sflag:s23] =	ssyncadd.s32 $0xFFFFFFFF  }
0xa5: {  	s26 =	simm.s32 $execute0_lowered;
	[smem:$0x3FD2] =	sst s25  }
0xa6: {  	s5 =	sshll.u32 s26, $0x1;
	_ =	strace $0x80000046;
	[dreg:$0x1] =	wrdreg $0xFFFFFFFF  }
0xa7: {  	s28 =	simm.s32 $_size_execute0_lowered;
	s3 =	sadd.s32 s3, s5;
	[dreg:$0x0] =	wrdreg $0x0  }
0xa8: {  	s5 =	sshll.u32 s28, $0x1;
	[dreg:$0x2] =	wrdreg s3  }
0xa9: {  	[dreg:$0x3] =	wrdreg s5  }
0xaa: {  	[dreg:$0x4] =	wrdreg $0xC0  }
0xab: {  	_ =	task [dreg:s7], $0x5FFFF  }
0xac: {  	[dreg:$0x1] =	wrdreg $0xFFFFFFFF  }
0xad: {  	[dreg:$0x0] =	wrdreg $0x60  }
0xae: {  	[dreg:$0x2] =	wrdreg s24  }
0xaf: {  	[dreg:$0x3] =	wrdreg s2  }
0xb0: {  	[dreg:$0x4] =	wrdreg $0x2F800  }
0xb1: {  	[dreg:$0x5] =	wrdreg $0x9  }
0xb2: {  	_ =	task.clear_ibuf [dreg:s7], $0x6FFFF;
	_ =	strace $0x90000046  }
0xb3: {  	s29 =	simm.s32 $0x9;
	_ =	strace $0x80000048  }
0xb4: {  	_ =	swait.ge [sflag:s29], $0x1  }
0xb5: {  	[sflag:s29] =	ssyncadd.s32 $0xFFFFFFFF  }
0xb6: {  	_ =	strace $0x90000048  }
0xb7: {  	_ =	sfence  }
0xb8: {  	s30 =	sld [smem:$0x0];
	_ =	sdelay $0x2  }
0xb9: {  	s31 =	sshll.u32 s1, $0xD;
	s1 =	sshrl.u32 s1, $0x2  }
0xba: {  	s3 =	sand.u32 $0x4000, s31;
	s1 =	sadd.s32 s1, s30  }
0xbb: {  	s0 =	sor.u32 s3, s0;
	s1 =	sshll.u32 s1, $0x11  }
0xbc: {  	s0 =	sor.u32 s1, s0  }
0xbd: {  	s0 =	sadd.s32 $0x8F2B, s0  }
0xbe: {  	[sflag:s0] =	ssyncadd.remote.s32 $0x1  }
0xbf: {  	_ =	sfence.sel $0xFFFF  }
0xc0: {  	[dreg:$0x0] =	wrdreg $0xFFFFFFFF;
	(pc) =	sbr.abs _section_cstart, $3  }
0xc1: {  	[dreg:$0x1] =	wrdreg $0xFFFFFFFF  }
0xc2: {  	_ =	task.clear_ibuf [dreg:s7], $0x2FFFF;
	_ =	strace $0x9FFFFFFF  }
0xc3: {  	(tm) =	ssettm $0x7FFFFFFF  }
tec
execute0_lowered:
.L_overlay_start_1:
0x0: {  	(tag) =	ssettag $0x1  }
0x1: {  	s5 =	rddreg [dreg:$0x0]  }
0x2: {  	s6 =	rddreg [dreg:$0x1]  }
0x3: {  	s2 =	rddreg [dreg:$0x2]  }
0x4: {  	s0 =	rddreg [dreg:$0x3]  }
0x5: {  	s4 =	srdreg.scid;
	s1 =	stileid.u32;
	s3 =	simm.s32 $0x0  }
0x6: {  	s15 =	simm.s32 $0x3;
	s16 =	simm.s32 $0x80;
	s17 =	simm.s32 $0x100  }
0x7: {  	s18 =	simm.s32 $0x180;
	s19 =	simm.s32 $0x4;
	s20 =	simm.s32 $0x2600  }
0x8: {  	s21 =	simm.s32 $0x2680;
	s23 =	simm.s32 $0x10;
	s7 =	sand.u32 $0x1, s4  }
0x9: {  	s24 =	smul.u32 $0x13C00, s1;
	[smem:$0x7FF] =	sst s3;
	s10 =	sadd.s32 $0x5400, s5  }
0xa: {  	s4 =	sadd.s32 $0x18E00, s5;
	s25 =	smul.u32 $0x2780, s1;
	s30 =	sshll.u32 s1, $0x4  }
0xb: {  	s22 =	sshll.u32 s1, $0x6;
	s8 =	sshll.u32 s7, $0x4;
	_ =	strace $0x80000047  }
0xc: {  	s7 =	ssub.s32 $0x2, s7;
	s9 =	sor.u32 s8, s24;
	s11 =	sor.u32 s1, s8  }
0xd: {  	s26 =	sshrl.u32 s7, $0x1;
	s14 =	sadd.s32 s25, s2;
	s28 =	sshrl.u32 s25, $0x3  }
0xe: {  	s24 =	simm.s32 $0x5;
	s25 =	simm.s32 $0x0;
	s9 =	sshrl.u32 s9, $0x3  }
0xf: {  	s12 =	smul.u32 $0x2700, s11;
	s13 =	ssub.s32 s7, s26;
	p0 =	sgt.u32 s11, $0x3  }
0x10: {  	s11 =	sshrl.u32 s14, $0x3;
	s14 =	simm.s32 $0x2;
	s9 =	sadd.s32 s9, s5  }
0x11: {  	s5 =	sadd.s32 s6, s28;
	s6 =	sor.u32 $0x1C01, s22;
	s29 =	sshrl.u32 s12, $0x3  }
0x12: {  	s22 =	sor.u32 $0x1C05, s22;
	s9 =	sadd.s32 $0x19000, s9;
	s31 =	sadd.s32 s10, s29  }
0x13: {  	s12 =	simm.s32 $0x2780;
	s10 =	sadd.s32 s30, s10;
	s7 =	sadd.s32 $0x9C40, s31  }
0x14: {  	s8 =	sadd.s32 $0x13840, s10;
	s10 =	smax.u32 s13, $0x1;
	s13 =	simm.s32 $0x1  }
.LBB2_1:
0x15: {  	[spmem:s11], [sflag:s6] =	dma.local [hbm:s5], $0x4F0  }
0x16: {  	[tilespmem:s3], [sflag:$0x2] =	stream.linear.gather [hbm4b:s7+s3], $0x2700, $0x38;
	[tilespmem:$0x5700] =	vst v63  }
0x17: {  	_ = 	snop  }
0x18: {  	[tilespmem:s12], [sflag:$0x3] =	stream.linear.gather [hbm4b:s4+s3], $0x800, $0x38;
	[tilespmem:$0x5700] =	vst v63  }
0x19: {  	s26 =	simm.s32 @!p0 $0x0;
	s28 =	simm.s32 @!p0 $0x2700  }
0x1a: {  	[tilespmem:s28], [sflag:$0x5] =	stream.linear.gather @!p0 [hbm4b:s8+s26], $0x80, $0x38;
	[tilespmem:$0x5700] =	vst v63  }
0x1b: {  	s26 =	simm.s32 @!p0 $0x5  }
0x1c: {  	_ =	swait.ge @!p0 [sflag:s26], $0x80  }
0x1d: {  	[sflag:s26] =	ssyncset.done @!p0 $0x0  }
0x1e: {  	[sflag:s26] =	ssyncadd.s32 @!p0 $0xFFFFFF80  }
0x1f: {  	_ =	swait.ge [sflag:s13], $0x4F0  }
0x20: {  	[sflag:s13] =	ssyncset.done $0x0  }
0x21: {  	[sflag:s13] =	ssyncadd.s32 $0xFFFFFB10  }
0x22: {  	_ =	swait.ge [sflag:s14], $0x2700  }
0x23: {  	[sflag:s14] =	ssyncset.done $0x0  }
0x24: {  	[sflag:s14] =	ssyncadd.s32 $0xFFFFD900  }
0x25: {  	_ =	swait.ge [sflag:s15], $0x800  }
0x26: {  	[sflag:s15] =	ssyncset.done $0x0  }
0x27: {  	[sflag:s15] =	ssyncadd.s32 $0xFFFFF800  }
0x28: {  	[bflag:$0x0] =	sbarrier.arrive $0xFFFF  }
0x29: {  	[spmem:s2] =	stream.indirect.scatter.add.f32 [tilespmem:s12], [sflag:$0x1], $0x10, s3, s16, $0xb8;
	[tilespmem:$0x5700] =	vst v63  }
0x2a: {  	_ = 	snop  }
0x2b: {  	[spmem:s2] =	stream.indirect.scatter.add.f32 [tilespmem:s12], [sflag:$0x2], $0x10, s16, s16, $0xb8;
	[tilespmem:$0x5700] =	vst v63  }
0x2c: {  	_ = 	snop  }
0x2d: {  	[spmem:s2] =	stream.indirect.scatter.add.f32 [tilespmem:s12], [sflag:$0x3], $0x10, s17, s16, $0xb8;
	[tilespmem:$0x5700] =	vst v63  }
0x2e: {  	_ = 	snop  }
0x2f: {  	[spmem:s2] =	stream.indirect.scatter.add.f32 [tilespmem:s12], [sflag:$0x4], $0x10, s18, s16, $0xb8;
	[tilespmem:$0x5700] =	vst v63  }
0x30: {  	_ =	swait.ge [sflag:s13], $0x800  }
0x31: {  	[sflag:s13] =	ssyncset.done $0x0  }
0x32: {  	s29 =	simm.s32 $0x200;
	[sflag:s13] =	ssyncadd.s32 $0xFFFFF800  }
0x33: {  	[spmem:s2] =	stream.indirect.scatter.add.f32 [tilespmem:s12], [sflag:$0x1], $0x10, s29, s16, $0xb8;
	[tilespmem:$0x5700] =	vst v63  }
0x34: {  	_ =	swait.ge [sflag:s14], $0x800  }
0x35: {  	[sflag:s14] =	ssyncset.done $0x0  }
0x36: {  	s30 =	simm.s32 $0x280;
	[sflag:s14] =	ssyncadd.s32 $0xFFFFF800  }
0x37: {  	[spmem:s2] =	stream.indirect.scatter.add.f32 [tilespmem:s12], [sflag:$0x2], $0x10, s30, s16, $0xb8;
	[tilespmem:$0x5700] =	vst v63  }
0x38: {  	_ =	swait.ge [sflag:s15], $0x800  }
0x39: {  	[sflag:s15] =	ssyncset.done $0x0  }
0x3a: {  	s31 =	simm.s32 $0x300;
	[sflag:s15] =	ssyncadd.s32 $0xFFFFF800  }
0x3b: {  	[spmem:s2] =	stream.indirect.scatter.add.f32 [tilespmem:s12], [sflag:$0x3], $0x10, s31, s16, $0xb8;
	[tilespmem:$0x5700] =	vst v63  }
0x3c: {  	_ =	swait.ge [sflag:s19], $0x800  }
0x3d: {  	[sflag:s19] =	ssyncset.done $0x0  }
0x3e: {  	s28 =	simm.s32 $0x380;
	s26 =	simm.s32 $0xFFFF7800;
	[sflag:s19] =	ssyncadd.s32 $0xFFFFF800  }
.LBB2_2:
0x3f: {  	[spmem:s2] =	stream.indirect.scatter.add.f32 [tilespmem:s12], [sflag:$0x4], $0x10, s28, s16, $0xb8;
	[tilespmem:$0x5700] =	vst v63  }
0x40: {  	s28 =	smov.u32 s26  }
0x41: {  	p1 =	sne.s32 s26, $0xFFFFF800;
	s26 =	sadd.s32 $0x800, s26;
	_ =	swait.ge [sflag:s13], $0x800  }
0x42: {  	s28 =	sshra.s32 s28, $0x2;
	[sflag:s13] =	ssyncset.done $0x0  }
0x43: {  	s29 =	sadd.s32 $0x2600, s28;
	[sflag:s13] =	ssyncadd.s32 $0xFFFFF800  }
0x44: {  	[spmem:s2] =	stream.indirect.scatter.add.f32 [tilespmem:s12], [sflag:$0x1], $0x10, s29, s16, $0xb8;
	[tilespmem:$0x5700] =	vst v63  }
0x45: {  	_ =	swait.ge [sflag:s14], $0x800  }
0x46: {  	[sflag:s14] =	ssyncset.done $0x0  }
0x47: {  	s29 =	sadd.s32 $0x2680, s28;
	[sflag:s14] =	ssyncadd.s32 $0xFFFFF800  }
0x48: {  	[spmem:s2] =	stream.indirect.scatter.add.f32 [tilespmem:s12], [sflag:$0x2], $0x10, s29, s16, $0xb8;
	[tilespmem:$0x5700] =	vst v63  }
0x49: {  	_ =	swait.ge [sflag:s15], $0x800  }
0x4a: {  	[sflag:s15] =	ssyncset.done $0x0  }
.Ltmp0:
0x4b: {  	s29 =	sadd.s32 $0x2700, s28;
	[sflag:s15] =	ssyncadd.s32 $0xFFFFF800;
	(pc) =	sbr.rel @p1 .LBB2_2-.Ltmp0, $4  }
0x4c: {  	[spmem:s2] =	stream.indirect.scatter.add.f32 [tilespmem:s12], [sflag:$0x3], $0x10, s29, s16, $0xb8;
	[tilespmem:$0x5700] =	vst v63  }
0x4d: {  	_ =	swait.ge [sflag:s19], $0x800  }
0x4e: {  	[sflag:s19] =	ssyncset.done $0x0  }
0x4f: {  	s28 =	sadd.s32 $0x2780, s28;
	[sflag:s19] =	ssyncadd.s32 $0xFFFFF800  }
0x50: {  	[spmem:s2] =	stream.indirect.scatter.add.f32 [tilespmem:s12], [sflag:$0x4], $0x10, s28, s16, $0xb8;
	[tilespmem:$0x5700] =	vst v63  }
0x51: {  	_ = 	snop  }
0x52: {  	[spmem:s2] =	stream.indirect.scatter.add.f32 [tilespmem:s12], [sflag:$0x1], $0x10, s20, s16, $0xb8;
	[tilespmem:$0x5700] =	vst v63  }
0x53: {  	_ = 	snop  }
0x54: {  	[spmem:s2] =	stream.indirect.scatter.add.f32 [tilespmem:s12], [sflag:$0x2], $0x10, s21, s16, $0xb8;
	[tilespmem:$0x5700] =	vst v63  }
0x55: {  	_ =	swait.ge [sflag:s13], $0x800  }
0x56: {  	[sflag:s13] =	ssyncset.done $0x0  }
0x57: {  	[sflag:s13] =	ssyncadd.s32 $0xFFFFF800  }
0x58: {  	_ =	swait.ge [sflag:s14], $0x800  }
0x59: {  	[sflag:s14] =	ssyncset.done $0x0  }
0x5a: {  	[sflag:s14] =	ssyncadd.s32 $0xFFFFF800  }
0x5b: {  	_ =	swait.ge [sflag:s15], $0x800  }
0x5c: {  	[sflag:s15] =	ssyncset.done $0x0  }
0x5d: {  	[sflag:s15] =	ssyncadd.s32 $0xFFFFF800  }
0x5e: {  	_ =	swait.ge [sflag:s19], $0x800  }
0x5f: {  	[sflag:s19] =	ssyncset.done $0x0  }
0x60: {  	[sflag:s19] =	ssyncadd.s32 $0xFFFFF800  }
0x61: {  	_ =	swait.ge [sflag:s13], $0x800  }
0x62: {  	[sflag:s13] =	ssyncset.done $0x0  }
0x63: {  	[sflag:s13] =	ssyncadd.s32 $0xFFFFF800  }
0x64: {  	_ =	swait.ge [sflag:s14], $0x800  }
0x65: {  	s26 =	simm.s32 @!p0 $0x80;
	[sflag:s14] =	ssyncset.done $0x0  }
0x66: {  	s28 =	simm.s32 @!p0 $0x2700;
	s29 =	simm.s32 @!p0 $0x2780;
	[sflag:s14] =	ssyncadd.s32 $0xFFFFF800  }
0x67: {  	[spmem:s2] =	stream.indirect.scatter.add.f32 @!p0 [tilespmem:s29], [sflag:$0x5], $0x10, s28, s26, $0xb8;
	[tilespmem:$0x5700] =	vst v63  }
0x68: {  	s26 =	simm.s32 @!p0 $0x5  }
0x69: {  	_ =	swait.ge @!p0 [sflag:s26], $0x800  }
0x6a: {  	s25 =	sadd.s32 $0x1, s25;
	[sflag:s26] =	ssyncset.done @!p0 $0x0  }
0x6b: {  	p1 =	sne.s32 s25, s10;
	[sflag:s26] =	ssyncadd.s32 @!p0 $0xFFFFF800  }
.Ltmp1:
0x6c: {  	[bflag:$0x0] =	sbarrier.arrive $0xFFFF;
	(pc) =	sbr.rel @p1 .LBB2_1-.Ltmp1, $4  }
0x6d: {  	[hbm:s9@s23], [sflag:s22] =	dma.strided [spmem:s11@s14], $0x4F0, s13, $0x2   }
0x6e: {  	_ =	swait.ge [sflag:s24], $0x4F0  }
0x6f: {  	[sflag:s24] =	ssyncset.done $0x0  }
0x70: {  	[sflag:s24] =	ssyncadd.s32 $0xFFFFFB10  }
0x71: {  	_ =	sfence.sel $0x180000  }
0x72: {  	[bflag:$0x0] =	sbarrier.arrive $0xFFFF  }
0x73: {  	p0 =	sne.s32 s1, $0x0;
	_ =	strace $0x90000047  }
0x74: {  	s0 =	sadd.s32 @!p0 $0x100000, s0;
	[bflag:$0x2] =	sbarrier.arrive $0xFFFF  }
0x75: {  	[sflag:s0] =	ssyncadd.tile.s32 @!p0 $0x1;
	_ =	shalt  }
.Lfunc_end2:
_tile_overlayer_lowered:
.L_overlay_start_2:
0x76: {  	(tag) =	ssettag $0x2  }
0x77: {  	s0 =	rddreg [dreg:$0x0];
	s2 =	stileid.u32  }
0x78: {  	s1 =	rddreg [dreg:$0x1];
	p0 =	sne.s32 s2, $0x0  }
0x79: {  	s3 =	rddreg [dreg:$0x2];
	[bflag:$0x3] =	sbarrier.arrive $0xFFFF;
	s2 =	simm.s32 @!p0 $0x1C05  }
0x7a: {  	[timem:s3], [sflag:s2] =	dma.local @!p0 [hbm:s0], s1  }
0x7b: {  	s0 =	simm.s32 @!p0 $0x5  }
0x7c: {  	_ =	swait.ge @!p0 [sflag:s0], s1  }
0x7d: {  	s1 =	ssub.s32 @!p0 $0x0, s1;
	[sflag:s0] =	ssyncset.done @!p0 $0x0  }
0x7e: {  	[sflag:s0] =	ssyncadd.s32 @!p0 s1  }
0x7f: {  	[bflag:$0x3] =	sbarrier.arrive $0xFFFF  }
0x80: {  	_ =	shalt  }

// kernel: kernel.16.cloned.1.call-start
scs
__scs_entry_jumppad:
0x0: {  	(pc) =	sbr.rel $0x88, $3  }
0x1: {  	(tag) =	ssettag $0x0;
	lr =	simm.s32 $0x1  }
0x2: {  	[smem:$0x3F97] =	sst lr;
	_ =	strace $0xD0000000  }
0x3: {  	_ = 	snop  }
0x4: {  	_ = 	snop  }
0x5: {  	_ = 	snop  }
0x6: {  	_ = 	snop  }
0x7: {  	_ = 	snop  }
__scs_overlays_trampoline_lowered:
0x8: {  	[smem:$0x3FA6] =	sst s0  }
0x9: {  	[smem:$0x3FA7] =	sst s1  }
0xa: {  	[smem:$0x3FA8] =	sst s2  }
0xb: {  	[smem:$0x3FA9] =	sst s3  }
0xc: {  	[smem:$0x3FAA] =	sst s4  }
0xd: {  	[smem:$0x3FAB] =	sst s5  }
0xe: {  	[smem:$0x3FAC] =	sst s6  }
0xf: {  	[smem:$0x3FAD] =	sst s7  }
0x10: {  	[smem:$0x3FAE] =	sst s8  }
0x11: {  	[smem:$0x3FAF] =	sst s9;
	s0 =	simm.s32 @!p0 $0x0  }
0x12: {  	s1 =	sld [smem:$0x3F95];
	s0 =	simm.s32 @p0 $0x1  }
0x13: {  	[smem:$0x3FB0] =	sst s0;
	s0 =	simm.s32 @!p1 $0x0  }
0x14: {  	s2 =	sld [smem:$0x3F94];
	s0 =	simm.s32 @p1 $0x1  }
0x15: {  	[smem:$0x3FB1] =	sst s0;
	s0 =	simm.s32 @!p2 $0x0  }
0x16: {  	s3 =	sld [smem:$0x3FDB];
	s0 =	simm.s32 @p2 $0x1  }
0x17: {  	s4 =	simm.s32 $0x1BF5;
	[smem:$0x3FB3] =	sst s0  }
0x18: {  	s0 =	sld [smem:$0x3F96];
	_ =	swait.ge [sflag:s4], $0x0  }
0x19: {  	s7 =	sld [smem:$0x3F97]  }
0x1a: {  	s8 =	sadd.s32 $0xFFFFE003, lr  }
0x1b: {  	s9 =	sadd.s32 $0xFFFFFEF7, lr;
	s5 =	simm.s32 $0xFFFFFFFF;
	p2 =	slt.u32 s8, $0xFFFFF086  }
0x1c: {  	p1 =	slt.u32 s9, $0xF7A;
	s5 =	simm.s32 @!p2 $0x0  }
0x1d: {  	s5 =	simm.s32 @p1 $0x1;
	p0 =	seq.s32 s7, s2  }
0x1e: {  	s7 =	smul.u32 @!p0 $0xF7A, s2;
	p2 =	seq.s32 @!p0 s5, $0x0  }
0x1f: {  	s9 =	smul.u32 $0xF7A, s1;
	s8 =	simm.s32 @!p0 $0x1BF5;
	p2 =	por !p2, p0  }
0x20: {  	[sflag:s8] =	ssyncset.s32 @!p0 $0xFFFFF086;
	s6 =	sadd.s32 @!p0 s3, s7;
	s7 =	simm.s32 @!p0 $0x108  }
0x21: {  	s3 =	sadd.s32 s3, s9;
	s6 =	sadd.s32 @!p0 $0x88, s6;
	s7 =	simm.s32 @p2 $0x1082  }
0x22: {  	[simem:s7], [sflag:s8] =	dma.local @!p0 [hbm:s6], $0xF7A  }
0x23: {  	s9 =	sor.u32 $0xD0000000, s2;
	s6 =	simm.s32 $0x108;
	_ =	swait.ge @!p0 [sflag:s8], $0x0  }
0x24: {  	s3 =	sadd.s32 $0x88, s3;
	s6 =	simm.s32 @!p1 $0x1082;
	[sflag:s4] =	ssyncset.s32 $0xFFFFF086  }
0x25: {  	[simem:s6], [sflag:s4] =	dma.local [hbm:s3], $0xF7A  }
0x26: {  	[smem:$0x3F97] =	sst s1;
	(tag) =	ssettag s2;
	_ =	strace s9  }
0x27: {  	s1 =	sld [smem:$0x3FA7]  }
0x28: {  	s2 =	sld [smem:$0x3FA8]  }
0x29: {  	s4 =	sld [smem:$0x3FAA]  }
0x2a: {  	p0 =	seq.s32 s5, $0x0;
	s5 =	sld [smem:$0x3FAB]  }
0x2b: {  	s6 =	sld [smem:$0x3FAC]  }
0x2c: {  	s7 =	sld [smem:$0x3FAD]  }
0x2d: {  	s3 =	simm.s32 $0x108;
	s8 =	sld [smem:$0x3FAE]  }
0x2e: {  	s3 =	simm.s32 @!p0 $0x1082;
	s9 =	sld [smem:$0x3FAF]  }
0x2f: {  	lr =	sadd.s32 s0, s3;
	s0 =	sld [smem:$0x3FA6]  }
0x30: {  	s3 =	sld [smem:$0x3FA9]  }
0x31: {  	[smem:$0x3FB2] =	sst s10  }
0x32: {  	s10 =	sld [smem:$0x3FB0];
	_ =	sdelay $0x3  }
0x33: {  	p0 =	seq.s32 s10, $0x1;
	s10 =	sld [smem:$0x3FB2];
	_ =	sdelay $0x3  }
0x34: {  	[smem:$0x3FB2] =	sst s10  }
0x35: {  	s10 =	sld [smem:$0x3FB1];
	_ =	sdelay $0x3  }
0x36: {  	p1 =	seq.s32 s10, $0x1;
	s10 =	sld [smem:$0x3FB2];
	_ =	sdelay $0x3  }
0x37: {  	[smem:$0x3FB2] =	sst s10  }
0x38: {  	s10 =	sld [smem:$0x3FB3]  }
0x39: {  	_ = 	snop;
	(pc) =	sbr.ind lr, $3  }
0x3a: {  	_ = 	snop  }
0x3b: {  	_ = 	snop  }
0x3c: {  	p2 =	seq.s32 s10, $0x1;
	s10 =	sld [smem:$0x3FB2]  }
0x3d: {  	_ =	shalt  }
0x3e: {  	_ =	shalt  }
0x3f: {  	_ =	shalt  }
0x40: {  	_ =	shalt  }
0x41: {  	_ =	shalt  }
0x42: {  	_ =	shalt  }
0x43: {  	_ =	shalt  }
0x44: {  	_ =	shalt  }
0x45: {  	_ =	shalt  }
0x46: {  	_ =	shalt  }
0x47: {  	_ =	shalt  }
0x48: {  	_ =	shalt  }
0x49: {  	_ =	shalt  }
0x4a: {  	_ =	shalt  }
0x4b: {  	_ =	shalt  }
0x4c: {  	_ =	shalt  }
0x4d: {  	_ =	shalt  }
0x4e: {  	_ =	shalt  }
0x4f: {  	_ =	shalt  }
0x50: {  	_ =	shalt  }
0x51: {  	_ =	shalt  }
0x52: {  	_ =	shalt  }
0x53: {  	_ =	shalt  }
0x54: {  	_ =	shalt  }
0x55: {  	_ =	shalt  }
0x56: {  	_ =	shalt  }
0x57: {  	_ =	shalt  }
0x58: {  	_ =	shalt  }
0x59: {  	_ =	shalt  }
0x5a: {  	_ =	shalt  }
0x5b: {  	_ =	shalt  }
0x5c: {  	_ =	shalt  }
0x5d: {  	_ =	shalt  }
0x5e: {  	_ =	shalt  }
0x5f: {  	_ =	shalt  }
0x60: {  	_ =	shalt  }
0x61: {  	_ =	shalt  }
0x62: {  	_ =	shalt  }
0x63: {  	_ =	shalt  }
0x64: {  	_ =	shalt  }
0x65: {  	_ =	shalt  }
0x66: {  	_ =	shalt  }
0x67: {  	_ =	shalt  }
0x68: {  	_ =	shalt  }
0x69: {  	_ =	shalt  }
0x6a: {  	_ =	shalt  }
0x6b: {  	_ =	shalt  }
0x6c: {  	_ =	shalt  }
0x6d: {  	_ =	shalt  }
0x6e: {  	_ =	shalt  }
0x6f: {  	_ =	shalt  }
0x70: {  	_ =	shalt  }
0x71: {  	_ =	shalt  }
0x72: {  	_ =	shalt  }
0x73: {  	_ =	shalt  }
0x74: {  	_ =	shalt  }
0x75: {  	_ =	shalt  }
0x76: {  	_ =	shalt  }
0x77: {  	_ =	shalt  }
0x78: {  	_ =	shalt  }
0x79: {  	_ =	shalt  }
0x7a: {  	_ =	shalt  }
0x7b: {  	_ =	shalt  }
0x7c: {  	_ =	shalt  }
0x7d: {  	_ =	shalt  }
0x7e: {  	_ =	shalt  }
0x7f: {  	_ =	shalt  }
0x80: {  	_ =	shalt  }
0x81: {  	_ =	shalt  }
0x82: {  	_ =	shalt  }
0x83: {  	_ =	shalt  }
0x84: {  	_ =	shalt  }
0x85: {  	_ =	shalt  }
0x86: {  	_ =	shalt  }
0x87: {  	_ =	shalt  }
.Lfunc_end0:
.L_simem_size_0:
called_computation.1_lowered:
.L_overlay_start_0:
0x88: {  	s2 =	sld [smem:$0x3FD9]  }
0x89: {  	s3 =	sld [smem:$0x3FFE];
	_ =	sdelay $0x1  }
0x8a: {  	s1 =	srdreg.scid  }
0x8b: {  	s0 =	sand.u32 $0x1, s1  }
0x8c: {  	s16 =	sshll.u32 s0, $0xA;
	s2 =	sadd.s32 s3, s2  }
0x8d: {  	s2 =	sadd.s32 s2, s16  }
0x8e: {  	[smem:$0x3FBE] =	sst s2  }
0x8f: {  	_ = 	snop  }
0x90: {  	(tm) =	ssettm $0x1  }
0x91: {  	s17 =	sld [smem:$0x3FFB];
	_ =	sdelay $0x3  }
0x92: {  	_ =	strace s17  }
0x93: {  	s2 =	sld [smem:$0x3FFC];
	_ =	sdelay $0x3  }
0x94: {  	_ =	strace s2  }
0x95: {  	s2 =	sld [smem:$0x3FFD];
	_ =	sdelay $0x3  }
0x96: {  	_ =	strace s2  }
0x97: {  	_ =	strace $0x8FFFFFFF  }
0x98: {  	s18 =	sld [smem:$0x3FDB];
	_ =	sdelay $0x1  }
0x99: {  	s19 =	simm.s32 $_scs_section_size  }
0x9a: {  	s4 =	simm.s32 $_size__tile_overlayer_lowered;
	s5 =	simm.s32 $_tile_overlayer_lowered  }
0x9b: {  	s22 =	simm.s32 $0x1BFF;
	s21 =	sshll.u32 s5, $0x1;
	s2 =	sadd.s32 s19, s18  }
0x9c: {  	s6 =	simm.s32 $0x0;
	s20 =	sshll.u32 s4, $0x1;
	s4 =	sadd.s32 s21, s2  }
0x9d: {  	[timem:s6], [sflag:s22] =	dma.local [hbm:s4], s20  }
0x9e: {  	_ =	swait.ge [sflag:s22], s20  }
0x9f: {  	s3 =	ssub.s32 $0x0, s20;
	[sflag:s22] =	ssyncset.done $0x0  }
0xa0: {  	[sflag:s22] =	ssyncadd.s32 s3;
	_ =	sdelay $0x1  }
0xa1: {  	s23 =	simm.s32 $0x1B8B  }
0xa2: {  	_ =	swait.ge [sflag:s23], $0x1  }
0xa3: {  	[sflag:s23] =	ssyncset.done $0x0  }
0xa4: {  	s25 =	simm.s32 $0x1B8E;
	s24 =	sld [smem:$0x3FFE];
	[sflag:s23] =	ssyncadd.s32 $0xFFFFFFFF  }
0xa5: {  	s26 =	simm.s32 $execute0_lowered;
	[smem:$0x3FD2] =	sst s25  }
0xa6: {  	s4 =	sshll.u32 s26, $0x1;
	_ =	strace $0x80000049;
	[dreg:$0x1] =	wrdreg $0xFFFFFFFF  }
0xa7: {  	s28 =	simm.s32 $_size_execute0_lowered;
	s2 =	sadd.s32 s2, s4;
	[dreg:$0x0] =	wrdreg $0x0  }
0xa8: {  	s4 =	sshll.u32 s28, $0x1;
	[dreg:$0x2] =	wrdreg s2  }
0xa9: {  	[dreg:$0x3] =	wrdreg s4  }
0xaa: {  	[dreg:$0x4] =	wrdreg $0xC0  }
0xab: {  	_ =	task [dreg:s6], $0x5FFFF  }
0xac: {  	[dreg:$0x1] =	wrdreg $0xFFFFFFFF  }
0xad: {  	[dreg:$0x0] =	wrdreg $0x60  }
0xae: {  	[dreg:$0x2] =	wrdreg s24  }
0xaf: {  	[dreg:$0x3] =	wrdreg $0xB2800  }
0xb0: {  	[dreg:$0x4] =	wrdreg $0x14EC00  }
0xb1: {  	[dreg:$0x5] =	wrdreg $0x9  }
0xb2: {  	_ =	task.clear_ibuf [dreg:s6], $0x6FFFF;
	_ =	strace $0x90000049  }
0xb3: {  	s29 =	simm.s32 $0x9;
	_ =	strace $0x8000004B  }
0xb4: {  	_ =	swait.ge [sflag:s29], $0x1  }
0xb5: {  	[sflag:s29] =	ssyncadd.s32 $0xFFFFFFFF  }
0xb6: {  	_ =	strace $0x9000004B  }
0xb7: {  	_ =	sfence  }
0xb8: {  	s30 =	sld [smem:$0x0];
	_ =	sdelay $0x2  }
0xb9: {  	s31 =	sshll.u32 s1, $0xD;
	s1 =	sshrl.u32 s1, $0x2  }
0xba: {  	s3 =	sand.u32 $0x4000, s31;
	s1 =	sadd.s32 s1, s30  }
0xbb: {  	s0 =	sor.u32 s3, s0;
	s1 =	sshll.u32 s1, $0x11  }
0xbc: {  	s0 =	sor.u32 s1, s0  }
0xbd: {  	s0 =	sadd.s32 $0x8F2B, s0  }
0xbe: {  	[sflag:s0] =	ssyncadd.remote.s32 $0x1  }
0xbf: {  	_ =	sfence.sel $0xFFFF  }
0xc0: {  	[dreg:$0x0] =	wrdreg $0xFFFFFFFF;
	(pc) =	sbr.abs _section_cstart, $3  }
0xc1: {  	[dreg:$0x1] =	wrdreg $0xFFFFFFFF  }
0xc2: {  	_ =	task.clear_ibuf [dreg:s6], $0x2FFFF;
	_ =	strace $0x9FFFFFFF  }
0xc3: {  	(tm) =	ssettm $0x7FFFFFFF  }
tec
execute0_lowered:
.L_overlay_start_1:
0x0: {  	(tag) =	ssettag $0x1  }
0x1: {  	s0 =	rddreg [dreg:$0x0]  }
0x2: {  	s2 =	rddreg [dreg:$0x1]  }
0x3: {  	s3 =	rddreg [dreg:$0x2];
	s12 =	stileid.u32;
	s4 =	simm.s32 $0x0  }
0x4: {  	s5 =	srdreg.scid;
	s16 =	simm.s32 $0x1;
	s17 =	simm.s32 $0x8  }
0x5: {  	s18 =	simm.s32 $0x10;
	s28 =	simm.s32 $0x80;
	s29 =	simm.s32 $0x5280  }
0x6: {  	s30 =	simm.s32 $0x7280;
	s31 =	simm.s32 $0x0;
	s1 =	smul.u32 $0x278, s12  }
0x7: {  	[smem:$0x7FF] =	sst s4;
	s6 =	smul.u32 $0x9E00, s12;
	s5 =	sand.u32 $0x1, s5  }
0x8: {  	s8 =	smul.u32 $0x13C00, s12;
	s11 =	sadd.s32 $0x5400, s0;
	s24 =	sshll.u32 s12, $0x4  }
0x9: {  	_ =	strace $0x8000004A;
	s9 =	sshll.u32 s5, $0x6;
	s20 =	sshll.u32 s5, $0x4  }
0xa: {  	s5 =	ssub.s32 $0x2, s5;
	s1 =	smin.u32 s1, $0x2498;
	s10 =	sshrl.u32 s6, $0x3  }
0xb: {  	s8 =	sor.u32 s9, s8;
	s15 =	sor.u32 s12, s20;
	s21 =	sshrl.u32 s5, $0x1  }
0xc: {  	s6 =	sadd.s32 s6, s3;
	s7 =	sshll.u32 s1, $0x4;
	s19 =	sadd.s32 s10, s0  }
0xd: {  	s8 =	sshrl.u32 s8, $0x3;
	s1 =	sshll.u32 s1, $0x6;
	s10 =	smul.u32 $0x2700, s15  }
0xe: {  	s14 =	ssub.s32 s5, s21;
	s5 =	sshll.u32 s12, $0x6;
	p0 =	sgt.u32 s15, $0x3  }
0xf: {  	s20 =	sshrl.u32 s6, $0x3;
	s21 =	simm.s32 $0x7;
	s7 =	sadd.s32 s7, s0  }
0x10: {  	s0 =	sadd.s32 s8, s0;
	s1 =	sadd.s32 s1, s2;
	s22 =	sor.u32 $0x1C01, s5  }
0x11: {  	s9 =	sadd.s32 $0x40000, s19;
	s14 =	smax.u32 s14, $0x1;
	s19 =	sor.u32 $0x1C03, s5  }
0x12: {  	s7 =	sadd.s32 $0x18E00, s7;
	[dreg:$0x5] =	wrdreg s22;
	s23 =	sshrl.u32 s10, $0x3  }
0x13: {  	[dreg:$0x6] =	wrdreg s9;
	s13 =	sadd.s32 $0x53C00, s0;
	s15 =	sshrl.u32 s1, $0x3  }
0x14: {  	s22 =	simm.s32 $0x2B00;
	s0 =	simm.s32 $0x9280;
	s1 =	simm.s32 $0x2  }
0x15: {  	[dreg:$0x4] =	wrdreg s7;
	s8 =	sadd.s32 s11, s23;
	s7 =	sadd.s32 s24, s11  }
0x16: {  	s23 =	simm.s32 $0x3;
	s24 =	simm.s32 $0x4;
	s25 =	sadd.s32 $0x9C40, s8  }
0x17: {  	s26 =	sadd.s32 $0x9C00, s7;
	s12 =	sadd.s32 $0x13840, s7;
	[dreg:$0x7] =	wrdreg s25  }
0x18: {  	[dreg:$0x8] =	wrdreg s26;
	s25 =	simm.s32 $0x5;
	s26 =	simm.s32 $0x6  }
.LBB2_1:
0x19: {  	s6 =	rddreg [dreg:$0x4]  }
0x1a: {  	s7 =	rddreg [dreg:$0x5]  }
0x1b: {  	[spmem:s15@s17], [sflag:s7] =	dma.strided [hbm:s6@s18], $0x13C0, s16, $0x8   }
0x1c: {  	s6 =	rddreg [dreg:$0x6]  }
0x1d: {  	[spmem:s20], [sflag:s19] =	dma.local [hbm:s6], $0x13C0  }
0x1e: {  	[tilespmem:s4], [sflag:$0x4] =	stream.linear.gather [hbm4b:s8+s4], $0x2700, $0x38;
	[tilespmem:$0x1ECC0] =	vst v63  }
0x1f: {  	s7 =	simm.s32 $0x2700  }
0x20: {  	[tilespmem:s7], [sflag:$0x5] =	stream.linear.gather [hbm4b:s8+s4], $0x400, $0x38;
	[tilespmem:$0x1ECC0] =	vst v63  }
0x21: {  	s9 =	rddreg [dreg:$0x7]  }
0x22: {  	[tilespmem:s22], [sflag:$0x6] =	stream.linear.gather [hbm4b:s9+s4], $0x2700, $0x38;
	[tilespmem:$0x1ECC0] =	vst v63  }
0x23: {  	s6 =	simm.s32 @!p0 $0x0;
	s7 =	simm.s32 @!p0 $0x2900;
	s9 =	rddreg [dreg:$0x8]  }
0x24: {  	[tilespmem:s7], [sflag:$0x7] =	stream.linear.gather @!p0 [hbm4b:s9+s6], $0x80, $0x38;
	[tilespmem:$0x1ECC0] =	vst v63  }
0x25: {  	s9 =	simm.s32 @!p0 $0x7  }
0x26: {  	_ =	swait.ge @!p0 [sflag:s9], $0x80  }
0x27: {  	[sflag:s9] =	ssyncset.done @!p0 $0x0  }
0x28: {  	s10 =	simm.s32 @!p0 $0x5200;
	[sflag:s9] =	ssyncadd.s32 @!p0 $0xFFFFFF80  }
0x29: {  	[tilespmem:s10], [sflag:$0x7] =	stream.linear.gather @!p0 [hbm4b:s12+s6], $0x80, $0x38;
	[tilespmem:$0x1ECC0] =	vst v63  }
0x2a: {  	_ =	swait.ge @!p0 [sflag:s9], $0x80  }
0x2b: {  	[sflag:s9] =	ssyncset.done @!p0 $0x0  }
0x2c: {  	[sflag:s9] =	ssyncadd.s32 @!p0 $0xFFFFFF80  }
0x2d: {  	_ =	swait.ge [sflag:s16], $0x13C0  }
0x2e: {  	[sflag:s16] =	ssyncset.done $0x0  }
0x2f: {  	[sflag:s16] =	ssyncadd.s32 $0xFFFFEC40  }
0x30: {  	_ =	swait.ge [sflag:s23], $0x13C0  }
0x31: {  	[sflag:s23] =	ssyncset.done $0x0  }
0x32: {  	[sflag:s23] =	ssyncadd.s32 $0xFFFFEC40  }
0x33: {  	_ =	swait.ge [sflag:s24], $0x2700  }
0x34: {  	[sflag:s24] =	ssyncset.done $0x0  }
0x35: {  	[sflag:s24] =	ssyncadd.s32 $0xFFFFD900  }
0x36: {  	_ =	swait.ge [sflag:s25], $0x400  }
0x37: {  	[sflag:s25] =	ssyncset.done $0x0  }
0x38: {  	[sflag:s25] =	ssyncadd.s32 $0xFFFFFC00  }
0x39: {  	_ =	swait.ge [sflag:s26], $0x2700  }
0x3a: {  	[sflag:s26] =	ssyncset.done $0x0  }
0x3b: {  	[sflag:s26] =	ssyncadd.s32 $0xFFFFD900  }
0x3c: {  	s11 =	simm.s32 @!p0 $0x5280;
	s6 =	simm.s32 @!p0 $0x80;
	[bflag:$0x0] =	sbarrier.arrive $0xFFFF  }
0x3d: {  	[tilespmem:s11], [sflag:$0x7] =	stream.indirect.gather @!p0 [spmem:s2], $0x40, s7, s6, $0xb8;
	[tilespmem:$0x1ECC0] =	vst v63  }
0x3e: {  	_ =	swait.ge @!p0 [sflag:s9], $0x2000  }
0x3f: {  	[sflag:s9] =	ssyncset.done @!p0 $0x0  }
0x40: {  	[sflag:s9] =	ssyncadd.s32 @!p0 $0xFFFFE000  }
0x41: {  	[spmem:s3] =	stream.indirect.scatter.add.f32 @!p0 [tilespmem:s11], [sflag:$0x7], $0x40, s10, s6, $0xb8;
	[tilespmem:$0x1ECC0] =	vst v63  }
0x42: {  	_ =	swait.ge @!p0 [sflag:s9], $0x2000  }
0x43: {  	[sflag:s9] =	ssyncset.done @!p0 $0x0  }
0x44: {  	[sflag:s9] =	ssyncadd.s32 @!p0 $0xFFFFE000  }
0x45: {  	[tilespmem:s29], [sflag:$0x1] =	stream.indirect.gather [spmem:s2], $0x40, s4, s28, $0xb8;
	[tilespmem:$0x1ECC0] =	vst v63  }
0x46: {  	_ = 	snop  }
0x47: {  	[tilespmem:s30], [sflag:$0x2] =	stream.indirect.gather [spmem:s2], $0x40, s28, s28, $0xb8;
	[tilespmem:$0x1ECC0] =	vst v63  }
0x48: {  	_ =	swait.ge [sflag:s16], $0x2000  }
0x49: {  	[sflag:s16] =	ssyncset.done $0x0  }
0x4a: {  	[sflag:s16] =	ssyncadd.s32 $0xFFFFE000  }
0x4b: {  	[spmem:s3] =	stream.indirect.scatter.add.f32 [tilespmem:s29], [sflag:$0x4], $0x40, s22, s28, $0xb8;
	[tilespmem:$0x1ECC0] =	vst v63  }
0x4c: {  	s10 =	simm.s32 $0x100  }
0x4d: {  	[tilespmem:s0], [sflag:$0x3] =	stream.indirect.gather [spmem:s2], $0x40, s10, s28, $0xb8;
	[tilespmem:$0x1ECC0] =	vst v63  }
0x4e: {  	_ =	swait.ge [sflag:s1], $0x2000  }
0x4f: {  	[sflag:s1] =	ssyncset.done $0x0  }
0x50: {  	s11 =	simm.s32 $0x2B80;
	[sflag:s1] =	ssyncadd.s32 $0xFFFFE000  }
0x51: {  	[spmem:s3] =	stream.indirect.scatter.add.f32 [tilespmem:s30], [sflag:$0x5], $0x40, s11, s28, $0xb8;
	[tilespmem:$0x1ECC0] =	vst v63  }
0x52: {  	_ =	swait.ge [sflag:s24], $0x2000  }
0x53: {  	[sflag:s24] =	ssyncset.done $0x0  }
0x54: {  	s7 =	simm.s32 $0x180;
	[sflag:s24] =	ssyncadd.s32 $0xFFFFE000  }
0x55: {  	[tilespmem:s29], [sflag:$0x1] =	stream.indirect.gather [spmem:s2], $0x40, s7, s28, $0xb8;
	[tilespmem:$0x1ECC0] =	vst v63  }
0x56: {  	_ =	swait.ge [sflag:s23], $0x2000  }
0x57: {  	[sflag:s23] =	ssyncset.done $0x0  }
0x58: {  	s9 =	simm.s32 $0x2C00;
	[sflag:s23] =	ssyncadd.s32 $0xFFFFE000  }
0x59: {  	[spmem:s3] =	stream.indirect.scatter.add.f32 [tilespmem:s0], [sflag:$0x6], $0x40, s9, s28, $0xb8;
	[tilespmem:$0x1ECC0] =	vst v63  }
0x5a: {  	_ =	swait.ge [sflag:s25], $0x2000  }
0x5b: {  	[sflag:s25] =	ssyncset.done $0x0  }
0x5c: {  	s10 =	simm.s32 $0x200;
	[sflag:s25] =	ssyncadd.s32 $0xFFFFE000  }
0x5d: {  	[tilespmem:s30], [sflag:$0x2] =	stream.indirect.gather [spmem:s2], $0x40, s10, s28, $0xb8;
	[tilespmem:$0x1ECC0] =	vst v63  }
0x5e: {  	_ =	swait.ge [sflag:s16], $0x2000  }
0x5f: {  	[sflag:s16] =	ssyncset.done $0x0  }
0x60: {  	s11 =	simm.s32 $0x2C80;
	[sflag:s16] =	ssyncadd.s32 $0xFFFFE000  }
0x61: {  	[spmem:s3] =	stream.indirect.scatter.add.f32 [tilespmem:s29], [sflag:$0x4], $0x40, s11, s28, $0xb8;
	[tilespmem:$0x1ECC0] =	vst v63  }
0x62: {  	_ =	swait.ge [sflag:s26], $0x2000  }
0x63: {  	[sflag:s26] =	ssyncset.done $0x0  }
0x64: {  	s6 =	simm.s32 $0x600;
	s7 =	simm.s32 $0x280;
	[sflag:s26] =	ssyncadd.s32 $0xFFFFE000  }
.LBB2_2:
0x65: {  	[tilespmem:s0], [sflag:$0x3] =	stream.indirect.gather [spmem:s2], $0x40, s7, s28, $0xb8;
	[tilespmem:$0x1ECC0] =	vst v63  }
0x66: {  	s7 =	smov.u32 s6  }
0x67: {  	p1 =	sne.s32 s6, $0x9000;
	s6 =	sadd.s32 $0x600, s6;
	_ =	swait.ge [sflag:s1], $0x2000  }
0x68: {  	s7 =	sshra.s32 s7, $0x2;
	[sflag:s1] =	ssyncset.done $0x0  }
0x69: {  	s9 =	sadd.s32 $0x2B80, s7;
	[sflag:s1] =	ssyncadd.s32 $0xFFFFE000  }
0x6a: {  	[spmem:s3] =	stream.indirect.scatter.add.f32 [tilespmem:s30], [sflag:$0x5], $0x40, s9, s28, $0xb8;
	[tilespmem:$0x1ECC0] =	vst v63  }
0x6b: {  	_ =	swait.ge [sflag:s24], $0x2000  }
0x6c: {  	[sflag:s24] =	ssyncset.done $0x0  }
0x6d: {  	s9 =	sadd.s32 $0x180, s7;
	[sflag:s24] =	ssyncadd.s32 $0xFFFFE000  }
0x6e: {  	[tilespmem:s29], [sflag:$0x1] =	stream.indirect.gather [spmem:s2], $0x40, s9, s28, $0xb8;
	[tilespmem:$0x1ECC0] =	vst v63  }
0x6f: {  	_ =	swait.ge [sflag:s23], $0x2000  }
0x70: {  	[sflag:s23] =	ssyncset.done $0x0  }
0x71: {  	s9 =	sadd.s32 $0x2C00, s7;
	[sflag:s23] =	ssyncadd.s32 $0xFFFFE000  }
0x72: {  	[spmem:s3] =	stream.indirect.scatter.add.f32 [tilespmem:s0], [sflag:$0x6], $0x40, s9, s28, $0xb8;
	[tilespmem:$0x1ECC0] =	vst v63  }
0x73: {  	_ =	swait.ge [sflag:s25], $0x2000  }
0x74: {  	[sflag:s25] =	ssyncset.done $0x0  }
0x75: {  	s9 =	sadd.s32 $0x200, s7;
	[sflag:s25] =	ssyncadd.s32 $0xFFFFE000  }
0x76: {  	[tilespmem:s30], [sflag:$0x2] =	stream.indirect.gather [spmem:s2], $0x40, s9, s28, $0xb8;
	[tilespmem:$0x1ECC0] =	vst v63  }
0x77: {  	_ =	swait.ge [sflag:s16], $0x2000  }
0x78: {  	[sflag:s16] =	ssyncset.done $0x0  }
.Ltmp0:
0x79: {  	s9 =	sadd.s32 $0x2C80, s7;
	[sflag:s16] =	ssyncadd.s32 $0xFFFFE000;
	(pc) =	sbr.rel @p1 .LBB2_2-.Ltmp0, $4  }
0x7a: {  	[spmem:s3] =	stream.indirect.scatter.add.f32 [tilespmem:s29], [sflag:$0x4], $0x40, s9, s28, $0xb8;
	[tilespmem:$0x1ECC0] =	vst v63  }
0x7b: {  	_ =	swait.ge [sflag:s26], $0x2000  }
0x7c: {  	[sflag:s26] =	ssyncset.done $0x0  }
0x7d: {  	s7 =	sadd.s32 $0x280, s7;
	[sflag:s26] =	ssyncadd.s32 $0xFFFFE000  }
0x7e: {  	[tilespmem:s0], [sflag:$0x3] =	stream.indirect.gather [spmem:s2], $0x40, s7, s28, $0xb8;
	[tilespmem:$0x1ECC0] =	vst v63  }
0x7f: {  	_ =	swait.ge [sflag:s1], $0x2000  }
0x80: {  	[sflag:s1] =	ssyncset.done $0x0  }
0x81: {  	s6 =	simm.s32 $0x5100;
	[sflag:s1] =	ssyncadd.s32 $0xFFFFE000  }
0x82: {  	[spmem:s3] =	stream.indirect.scatter.add.f32 [tilespmem:s30], [sflag:$0x5], $0x40, s6, s28, $0xb8;
	[tilespmem:$0x1ECC0] =	vst v63  }
0x83: {  	_ =	swait.ge [sflag:s23], $0x2000  }
0x84: {  	[sflag:s23] =	ssyncset.done $0x0  }
0x85: {  	s10 =	simm.s32 $0x5180;
	[sflag:s23] =	ssyncadd.s32 $0xFFFFE000  }
0x86: {  	[spmem:s3] =	stream.indirect.scatter.add.f32 [tilespmem:s0], [sflag:$0x6], $0x40, s10, s28, $0xb8;
	[tilespmem:$0x1ECC0] =	vst v63  }
0x87: {  	_ =	swait.ge [sflag:s24], $0x2000  }
0x88: {  	[sflag:s24] =	ssyncset.done $0x0  }
0x89: {  	[sflag:s24] =	ssyncadd.s32 $0xFFFFE000  }
0x8a: {  	_ =	swait.ge [sflag:s25], $0x2000  }
0x8b: {  	[sflag:s25] =	ssyncset.done $0x0  }
0x8c: {  	[sflag:s25] =	ssyncadd.s32 $0xFFFFE000  }
0x8d: {  	_ =	swait.ge [sflag:s26], $0x2000  }
0x8e: {  	s31 =	sadd.s32 $0x1, s31;
	[sflag:s26] =	ssyncset.done $0x0  }
0x8f: {  	p1 =	sne.s32 s31, s14;
	[sflag:s26] =	ssyncadd.s32 $0xFFFFE000  }
.Ltmp1:
0x90: {  	s11 =	sor.u32 $0x1C07, s5;
	[bflag:$0x0] =	sbarrier.arrive $0xFFFF;
	(pc) =	sbr.rel @p1 .LBB2_1-.Ltmp1, $4  }
0x91: {  	[hbm:s13@s18], [sflag:s11] =	dma.strided [spmem:s20@s17], $0x13C0, s16, $0x8   }
0x92: {  	_ =	swait.ge [sflag:s21], $0x13C0  }
0x93: {  	[sflag:s21] =	ssyncset.done $0x0  }
0x94: {  	[sflag:s21] =	ssyncadd.s32 $0xFFFFEC40  }
0x95: {  	_ =	sfence.sel $0x180000  }
0x96: {  	[bflag:$0x0] =	sbarrier.arrive $0xFFFF  }
0x97: {  	_ =	strace $0x9000004A  }
0x98: {  	s0 =	stileid.u32;
	[bflag:$0x2] =	sbarrier.arrive $0xFFFF  }
0x99: {  	p0 =	sne.s32 s0, $0x0;
	s0 =	rddreg [dreg:$0x3]  }
0x9a: {  	s0 =	sadd.s32 @!p0 $0x100000, s0  }
0x9b: {  	[sflag:s0] =	ssyncadd.tile.s32 @!p0 $0x1;
	_ =	shalt  }
.Lfunc_end2:
_tile_overlayer_lowered:
.L_overlay_start_2:
0x9c: {  	(tag) =	ssettag $0x2  }
0x9d: {  	s0 =	rddreg [dreg:$0x0];
	s2 =	stileid.u32  }
0x9e: {  	s1 =	rddreg [dreg:$0x1];
	p0 =	sne.s32 s2, $0x0  }
0x9f: {  	s3 =	rddreg [dreg:$0x2];
	[bflag:$0x3] =	sbarrier.arrive $0xFFFF;
	s2 =	simm.s32 @!p0 $0x1C07  }
0xa0: {  	[timem:s3], [sflag:s2] =	dma.local @!p0 [hbm:s0], s1  }
0xa1: {  	s0 =	simm.s32 @!p0 $0x7  }
0xa2: {  	_ =	swait.ge @!p0 [sflag:s0], s1  }
0xa3: {  	s1 =	ssub.s32 @!p0 $0x0, s1;
	[sflag:s0] =	ssyncset.done @!p0 $0x0  }
0xa4: {  	[sflag:s0] =	ssyncadd.s32 @!p0 s1  }
0xa5: {  	[bflag:$0x3] =	sbarrier.arrive $0xFFFF  }
0xa6: {  	_ =	shalt  }

// kernel: kernel.19.cloned.1.call-start
scs
__scs_entry_jumppad:
0x0: {  	(pc) =	sbr.rel $0x88, $3  }
0x1: {  	(tag) =	ssettag $0x0;
	lr =	simm.s32 $0x1  }
0x2: {  	[smem:$0x3F97] =	sst lr;
	_ =	strace $0xD0000000  }
0x3: {  	_ = 	snop  }
0x4: {  	_ = 	snop  }
0x5: {  	_ = 	snop  }
0x6: {  	_ = 	snop  }
0x7: {  	_ = 	snop  }
__scs_overlays_trampoline_lowered:
0x8: {  	[smem:$0x3FA6] =	sst s0  }
0x9: {  	[smem:$0x3FA7] =	sst s1  }
0xa: {  	[smem:$0x3FA8] =	sst s2  }
0xb: {  	[smem:$0x3FA9] =	sst s3  }
0xc: {  	[smem:$0x3FAA] =	sst s4  }
0xd: {  	[smem:$0x3FAB] =	sst s5  }
0xe: {  	[smem:$0x3FAC] =	sst s6  }
0xf: {  	[smem:$0x3FAD] =	sst s7  }
0x10: {  	[smem:$0x3FAE] =	sst s8  }
0x11: {  	[smem:$0x3FAF] =	sst s9;
	s0 =	simm.s32 @!p0 $0x0  }
0x12: {  	s1 =	sld [smem:$0x3F95];
	s0 =	simm.s32 @p0 $0x1  }
0x13: {  	[smem:$0x3FB0] =	sst s0;
	s0 =	simm.s32 @!p1 $0x0  }
0x14: {  	s2 =	sld [smem:$0x3F94];
	s0 =	simm.s32 @p1 $0x1  }
0x15: {  	[smem:$0x3FB1] =	sst s0;
	s0 =	simm.s32 @!p2 $0x0  }
0x16: {  	s3 =	sld [smem:$0x3FDB];
	s0 =	simm.s32 @p2 $0x1  }
0x17: {  	s4 =	simm.s32 $0x1BF5;
	[smem:$0x3FB3] =	sst s0  }
0x18: {  	s0 =	sld [smem:$0x3F96];
	_ =	swait.ge [sflag:s4], $0x0  }
0x19: {  	s7 =	sld [smem:$0x3F97]  }
0x1a: {  	s8 =	sadd.s32 $0xFFFFE003, lr  }
0x1b: {  	s9 =	sadd.s32 $0xFFFFFEF7, lr;
	s5 =	simm.s32 $0xFFFFFFFF;
	p2 =	slt.u32 s8, $0xFFFFF086  }
0x1c: {  	p1 =	slt.u32 s9, $0xF7A;
	s5 =	simm.s32 @!p2 $0x0  }
0x1d: {  	s5 =	simm.s32 @p1 $0x1;
	p0 =	seq.s32 s7, s2  }
0x1e: {  	s7 =	smul.u32 @!p0 $0xF7A, s2;
	p2 =	seq.s32 @!p0 s5, $0x0  }
0x1f: {  	s9 =	smul.u32 $0xF7A, s1;
	s8 =	simm.s32 @!p0 $0x1BF5;
	p2 =	por !p2, p0  }
0x20: {  	[sflag:s8] =	ssyncset.s32 @!p0 $0xFFFFF086;
	s6 =	sadd.s32 @!p0 s3, s7;
	s7 =	simm.s32 @!p0 $0x108  }
0x21: {  	s3 =	sadd.s32 s3, s9;
	s6 =	sadd.s32 @!p0 $0x88, s6;
	s7 =	simm.s32 @p2 $0x1082  }
0x22: {  	[simem:s7], [sflag:s8] =	dma.local @!p0 [hbm:s6], $0xF7A  }
0x23: {  	s9 =	sor.u32 $0xD0000000, s2;
	s6 =	simm.s32 $0x108;
	_ =	swait.ge @!p0 [sflag:s8], $0x0  }
0x24: {  	s3 =	sadd.s32 $0x88, s3;
	s6 =	simm.s32 @!p1 $0x1082;
	[sflag:s4] =	ssyncset.s32 $0xFFFFF086  }
0x25: {  	[simem:s6], [sflag:s4] =	dma.local [hbm:s3], $0xF7A  }
0x26: {  	[smem:$0x3F97] =	sst s1;
	(tag) =	ssettag s2;
	_ =	strace s9  }
0x27: {  	s1 =	sld [smem:$0x3FA7]  }
0x28: {  	s2 =	sld [smem:$0x3FA8]  }
0x29: {  	s4 =	sld [smem:$0x3FAA]  }
0x2a: {  	p0 =	seq.s32 s5, $0x0;
	s5 =	sld [smem:$0x3FAB]  }
0x2b: {  	s6 =	sld [smem:$0x3FAC]  }
0x2c: {  	s7 =	sld [smem:$0x3FAD]  }
0x2d: {  	s3 =	simm.s32 $0x108;
	s8 =	sld [smem:$0x3FAE]  }
0x2e: {  	s3 =	simm.s32 @!p0 $0x1082;
	s9 =	sld [smem:$0x3FAF]  }
0x2f: {  	lr =	sadd.s32 s0, s3;
	s0 =	sld [smem:$0x3FA6]  }
0x30: {  	s3 =	sld [smem:$0x3FA9]  }
0x31: {  	[smem:$0x3FB2] =	sst s10  }
0x32: {  	s10 =	sld [smem:$0x3FB0];
	_ =	sdelay $0x3  }
0x33: {  	p0 =	seq.s32 s10, $0x1;
	s10 =	sld [smem:$0x3FB2];
	_ =	sdelay $0x3  }
0x34: {  	[smem:$0x3FB2] =	sst s10  }
0x35: {  	s10 =	sld [smem:$0x3FB1];
	_ =	sdelay $0x3  }
0x36: {  	p1 =	seq.s32 s10, $0x1;
	s10 =	sld [smem:$0x3FB2];
	_ =	sdelay $0x3  }
0x37: {  	[smem:$0x3FB2] =	sst s10  }
0x38: {  	s10 =	sld [smem:$0x3FB3]  }
0x39: {  	_ = 	snop;
	(pc) =	sbr.ind lr, $3  }
0x3a: {  	_ = 	snop  }
0x3b: {  	_ = 	snop  }
0x3c: {  	p2 =	seq.s32 s10, $0x1;
	s10 =	sld [smem:$0x3FB2]  }
0x3d: {  	_ =	shalt  }
0x3e: {  	_ =	shalt  }
0x3f: {  	_ =	shalt  }
0x40: {  	_ =	shalt  }
0x41: {  	_ =	shalt  }
0x42: {  	_ =	shalt  }
0x43: {  	_ =	shalt  }
0x44: {  	_ =	shalt  }
0x45: {  	_ =	shalt  }
0x46: {  	_ =	shalt  }
0x47: {  	_ =	shalt  }
0x48: {  	_ =	shalt  }
0x49: {  	_ =	shalt  }
0x4a: {  	_ =	shalt  }
0x4b: {  	_ =	shalt  }
0x4c: {  	_ =	shalt  }
0x4d: {  	_ =	shalt  }
0x4e: {  	_ =	shalt  }
0x4f: {  	_ =	shalt  }
0x50: {  	_ =	shalt  }
0x51: {  	_ =	shalt  }
0x52: {  	_ =	shalt  }
0x53: {  	_ =	shalt  }
0x54: {  	_ =	shalt  }
0x55: {  	_ =	shalt  }
0x56: {  	_ =	shalt  }
0x57: {  	_ =	shalt  }
0x58: {  	_ =	shalt  }
0x59: {  	_ =	shalt  }
0x5a: {  	_ =	shalt  }
0x5b: {  	_ =	shalt  }
0x5c: {  	_ =	shalt  }
0x5d: {  	_ =	shalt  }
0x5e: {  	_ =	shalt  }
0x5f: {  	_ =	shalt  }
0x60: {  	_ =	shalt  }
0x61: {  	_ =	shalt  }
0x62: {  	_ =	shalt  }
0x63: {  	_ =	shalt  }
0x64: {  	_ =	shalt  }
0x65: {  	_ =	shalt  }
0x66: {  	_ =	shalt  }
0x67: {  	_ =	shalt  }
0x68: {  	_ =	shalt  }
0x69: {  	_ =	shalt  }
0x6a: {  	_ =	shalt  }
0x6b: {  	_ =	shalt  }
0x6c: {  	_ =	shalt  }
0x6d: {  	_ =	shalt  }
0x6e: {  	_ =	shalt  }
0x6f: {  	_ =	shalt  }
0x70: {  	_ =	shalt  }
0x71: {  	_ =	shalt  }
0x72: {  	_ =	shalt  }
0x73: {  	_ =	shalt  }
0x74: {  	_ =	shalt  }
0x75: {  	_ =	shalt  }
0x76: {  	_ =	shalt  }
0x77: {  	_ =	shalt  }
0x78: {  	_ =	shalt  }
0x79: {  	_ =	shalt  }
0x7a: {  	_ =	shalt  }
0x7b: {  	_ =	shalt  }
0x7c: {  	_ =	shalt  }
0x7d: {  	_ =	shalt  }
0x7e: {  	_ =	shalt  }
0x7f: {  	_ =	shalt  }
0x80: {  	_ =	shalt  }
0x81: {  	_ =	shalt  }
0x82: {  	_ =	shalt  }
0x83: {  	_ =	shalt  }
0x84: {  	_ =	shalt  }
0x85: {  	_ =	shalt  }
0x86: {  	_ =	shalt  }
0x87: {  	_ =	shalt  }
.Lfunc_end0:
.L_simem_size_0:
called_computation.2_lowered:
.L_overlay_start_0:
0x88: {  	s2 =	sld [smem:$0x3FD9]  }
0x89: {  	s3 =	sld [smem:$0x3FFE];
	_ =	sdelay $0x1  }
0x8a: {  	s1 =	srdreg.scid  }
0x8b: {  	s0 =	sand.u32 $0x1, s1  }
0x8c: {  	s16 =	sshll.u32 s0, $0xA;
	s2 =	sadd.s32 s3, s2  }
0x8d: {  	s2 =	sadd.s32 s2, s16  }
0x8e: {  	[smem:$0x3FBE] =	sst s2  }
0x8f: {  	_ = 	snop  }
0x90: {  	(tm) =	ssettm $0x1  }
0x91: {  	s17 =	sld [smem:$0x3FFB];
	_ =	sdelay $0x3  }
0x92: {  	_ =	strace s17  }
0x93: {  	s2 =	sld [smem:$0x3FFC];
	_ =	sdelay $0x3  }
0x94: {  	_ =	strace s2  }
0x95: {  	s2 =	sld [smem:$0x3FFD];
	_ =	sdelay $0x3  }
0x96: {  	_ =	strace s2  }
0x97: {  	_ =	strace $0x8FFFFFFF  }
0x98: {  	s18 =	sld [smem:$0x3FDB];
	_ =	sdelay $0x1  }
0x99: {  	s19 =	simm.s32 $_scs_section_size  }
0x9a: {  	s4 =	simm.s32 $_size__tile_overlayer_lowered;
	s5 =	simm.s32 $_tile_overlayer_lowered  }
0x9b: {  	s22 =	simm.s32 $0x1BFF;
	s21 =	sshll.u32 s5, $0x1;
	s2 =	sadd.s32 s19, s18  }
0x9c: {  	s6 =	simm.s32 $0x0;
	s20 =	sshll.u32 s4, $0x1;
	s4 =	sadd.s32 s21, s2  }
0x9d: {  	[timem:s6], [sflag:s22] =	dma.local [hbm:s4], s20  }
0x9e: {  	_ =	swait.ge [sflag:s22], s20  }
0x9f: {  	s3 =	ssub.s32 $0x0, s20;
	[sflag:s22] =	ssyncset.done $0x0  }
0xa0: {  	[sflag:s22] =	ssyncadd.s32 s3;
	_ =	sdelay $0x1  }
0xa1: {  	s23 =	simm.s32 $0x1B8B  }
0xa2: {  	_ =	swait.ge [sflag:s23], $0x1  }
0xa3: {  	[sflag:s23] =	ssyncset.done $0x0  }
0xa4: {  	s25 =	simm.s32 $0x1B8E;
	s24 =	sld [smem:$0x3FFE];
	[sflag:s23] =	ssyncadd.s32 $0xFFFFFFFF  }
0xa5: {  	s26 =	simm.s32 $execute0_lowered;
	[smem:$0x3FD2] =	sst s25  }
0xa6: {  	s4 =	sshll.u32 s26, $0x1;
	_ =	strace $0x8000004C;
	[dreg:$0x1] =	wrdreg $0xFFFFFFFF  }
0xa7: {  	s28 =	simm.s32 $_size_execute0_lowered;
	s2 =	sadd.s32 s2, s4;
	[dreg:$0x0] =	wrdreg $0x0  }
0xa8: {  	s4 =	sshll.u32 s28, $0x1;
	[dreg:$0x2] =	wrdreg s2  }
0xa9: {  	[dreg:$0x3] =	wrdreg s4  }
0xaa: {  	[dreg:$0x4] =	wrdreg $0xC0  }
0xab: {  	_ =	task [dreg:s6], $0x5FFFF  }
0xac: {  	[dreg:$0x1] =	wrdreg $0xFFFFFFFF  }
0xad: {  	[dreg:$0x0] =	wrdreg $0x60  }
0xae: {  	[dreg:$0x2] =	wrdreg s24  }
0xaf: {  	[dreg:$0x3] =	wrdreg $0xB2800  }
0xb0: {  	[dreg:$0x4] =	wrdreg $0x14EC00  }
0xb1: {  	[dreg:$0x5] =	wrdreg $0x9  }
0xb2: {  	_ =	task.clear_ibuf [dreg:s6], $0x6FFFF;
	_ =	strace $0x9000004C  }
0xb3: {  	s29 =	simm.s32 $0x9;
	_ =	strace $0x8000004E  }
0xb4: {  	_ =	swait.ge [sflag:s29], $0x1  }
0xb5: {  	[sflag:s29] =	ssyncadd.s32 $0xFFFFFFFF  }
0xb6: {  	_ =	strace $0x9000004E  }
0xb7: {  	_ =	sfence  }
0xb8: {  	s30 =	sld [smem:$0x0];
	_ =	sdelay $0x2  }
0xb9: {  	s31 =	sshll.u32 s1, $0xD;
	s1 =	sshrl.u32 s1, $0x2  }
0xba: {  	s3 =	sand.u32 $0x4000, s31;
	s1 =	sadd.s32 s1, s30  }
0xbb: {  	s0 =	sor.u32 s3, s0;
	s1 =	sshll.u32 s1, $0x11  }
0xbc: {  	s0 =	sor.u32 s1, s0  }
0xbd: {  	s0 =	sadd.s32 $0x8F2B, s0  }
0xbe: {  	[sflag:s0] =	ssyncadd.remote.s32 $0x1  }
0xbf: {  	_ =	sfence.sel $0xFFFF  }
0xc0: {  	[dreg:$0x0] =	wrdreg $0xFFFFFFFF;
	(pc) =	sbr.abs _section_cstart, $3  }
0xc1: {  	[dreg:$0x1] =	wrdreg $0xFFFFFFFF  }
0xc2: {  	_ =	task.clear_ibuf [dreg:s6], $0x2FFFF;
	_ =	strace $0x9FFFFFFF  }
0xc3: {  	(tm) =	ssettm $0x7FFFFFFF  }
tec
execute0_lowered:
.L_overlay_start_1:
0x0: {  	(tag) =	ssettag $0x1  }
0x1: {  	s0 =	rddreg [dreg:$0x0]  }
0x2: {  	s2 =	rddreg [dreg:$0x1]  }
0x3: {  	s3 =	rddreg [dreg:$0x2];
	s12 =	stileid.u32;
	s4 =	simm.s32 $0x0  }
0x4: {  	s5 =	srdreg.scid;
	s16 =	simm.s32 $0x1;
	s17 =	simm.s32 $0x8  }
0x5: {  	s18 =	simm.s32 $0x10;
	s28 =	simm.s32 $0x80;
	s29 =	simm.s32 $0x5280  }
0x6: {  	s30 =	simm.s32 $0x7280;
	s31 =	simm.s32 $0x0;
	s1 =	smul.u32 $0x278, s12  }
0x7: {  	[smem:$0x7FF] =	sst s4;
	s6 =	smul.u32 $0x9E00, s12;
	s5 =	sand.u32 $0x1, s5  }
0x8: {  	s8 =	smul.u32 $0x13C00, s12;
	s11 =	sadd.s32 $0x5400, s0;
	s24 =	sshll.u32 s12, $0x4  }
0x9: {  	_ =	strace $0x8000004D;
	s9 =	sshll.u32 s5, $0x6;
	s20 =	sshll.u32 s5, $0x4  }
0xa: {  	s5 =	ssub.s32 $0x2, s5;
	s1 =	smin.u32 s1, $0x2498;
	s10 =	sshrl.u32 s6, $0x3  }
0xb: {  	s8 =	sor.u32 s9, s8;
	s15 =	sor.u32 s12, s20;
	s21 =	sshrl.u32 s5, $0x1  }
0xc: {  	s6 =	sadd.s32 s6, s3;
	s7 =	sshll.u32 s1, $0x4;
	s19 =	sadd.s32 s10, s0  }
0xd: {  	s8 =	sshrl.u32 s8, $0x3;
	s1 =	sshll.u32 s1, $0x6;
	s10 =	smul.u32 $0x2700, s15  }
0xe: {  	s14 =	ssub.s32 s5, s21;
	s5 =	sshll.u32 s12, $0x6;
	p0 =	sgt.u32 s15, $0x3  }
0xf: {  	s20 =	sshrl.u32 s6, $0x3;
	s21 =	simm.s32 $0x7;
	s7 =	sadd.s32 s7, s0  }
0x10: {  	s0 =	sadd.s32 s8, s0;
	s1 =	sadd.s32 s1, s2;
	s22 =	sor.u32 $0x1C01, s5  }
0x11: {  	s9 =	sadd.s32 $0x40000, s19;
	s14 =	smax.u32 s14, $0x1;
	s19 =	sor.u32 $0x1C03, s5  }
0x12: {  	s7 =	sadd.s32 $0x18E00, s7;
	[dreg:$0x5] =	wrdreg s22;
	s23 =	sshrl.u32 s10, $0x3  }
0x13: {  	[dreg:$0x6] =	wrdreg s9;
	s13 =	sadd.s32 $0x53C00, s0;
	s15 =	sshrl.u32 s1, $0x3  }
0x14: {  	s22 =	simm.s32 $0x2B00;
	s0 =	simm.s32 $0x9280;
	s1 =	simm.s32 $0x2  }
0x15: {  	[dreg:$0x4] =	wrdreg s7;
	s8 =	sadd.s32 s11, s23;
	s7 =	sadd.s32 s24, s11  }
0x16: {  	s23 =	simm.s32 $0x3;
	s24 =	simm.s32 $0x4;
	s25 =	sadd.s32 $0x9C40, s8  }
0x17: {  	s26 =	sadd.s32 $0x9C00, s7;
	s12 =	sadd.s32 $0x13840, s7;
	[dreg:$0x7] =	wrdreg s25  }
0x18: {  	[dreg:$0x8] =	wrdreg s26;
	s25 =	simm.s32 $0x5;
	s26 =	simm.s32 $0x6  }
.LBB2_1:
0x19: {  	s6 =	rddreg [dreg:$0x4]  }
0x1a: {  	s7 =	rddreg [dreg:$0x5]  }
0x1b: {  	[spmem:s15@s17], [sflag:s7] =	dma.strided [hbm:s6@s18], $0x13C0, s16, $0x8   }
0x1c: {  	s6 =	rddreg [dreg:$0x6]  }
0x1d: {  	[spmem:s20], [sflag:s19] =	dma.local [hbm:s6], $0x13C0  }
0x1e: {  	[tilespmem:s4], [sflag:$0x4] =	stream.linear.gather [hbm4b:s8+s4], $0x2700, $0x38;
	[tilespmem:$0x1ECC0] =	vst v63  }
0x1f: {  	s7 =	simm.s32 $0x2700  }
0x20: {  	[tilespmem:s7], [sflag:$0x5] =	stream.linear.gather [hbm4b:s8+s4], $0x400, $0x38;
	[tilespmem:$0x1ECC0] =	vst v63  }
0x21: {  	s9 =	rddreg [dreg:$0x7]  }
0x22: {  	[tilespmem:s22], [sflag:$0x6] =	stream.linear.gather [hbm4b:s9+s4], $0x2700, $0x38;
	[tilespmem:$0x1ECC0] =	vst v63  }
0x23: {  	s6 =	simm.s32 @!p0 $0x0;
	s7 =	simm.s32 @!p0 $0x2900;
	s9 =	rddreg [dreg:$0x8]  }
0x24: {  	[tilespmem:s7], [sflag:$0x7] =	stream.linear.gather @!p0 [hbm4b:s9+s6], $0x80, $0x38;
	[tilespmem:$0x1ECC0] =	vst v63  }
0x25: {  	s9 =	simm.s32 @!p0 $0x7  }
0x26: {  	_ =	swait.ge @!p0 [sflag:s9], $0x80  }
0x27: {  	[sflag:s9] =	ssyncset.done @!p0 $0x0  }
0x28: {  	s10 =	simm.s32 @!p0 $0x5200;
	[sflag:s9] =	ssyncadd.s32 @!p0 $0xFFFFFF80  }
0x29: {  	[tilespmem:s10], [sflag:$0x7] =	stream.linear.gather @!p0 [hbm4b:s12+s6], $0x80, $0x38;
	[tilespmem:$0x1ECC0] =	vst v63  }
0x2a: {  	_ =	swait.ge @!p0 [sflag:s9], $0x80  }
0x2b: {  	[sflag:s9] =	ssyncset.done @!p0 $0x0  }
0x2c: {  	[sflag:s9] =	ssyncadd.s32 @!p0 $0xFFFFFF80  }
0x2d: {  	_ =	swait.ge [sflag:s16], $0x13C0  }
0x2e: {  	[sflag:s16] =	ssyncset.done $0x0  }
0x2f: {  	[sflag:s16] =	ssyncadd.s32 $0xFFFFEC40  }
0x30: {  	_ =	swait.ge [sflag:s23], $0x13C0  }
0x31: {  	[sflag:s23] =	ssyncset.done $0x0  }
0x32: {  	[sflag:s23] =	ssyncadd.s32 $0xFFFFEC40  }
0x33: {  	_ =	swait.ge [sflag:s24], $0x2700  }
0x34: {  	[sflag:s24] =	ssyncset.done $0x0  }
0x35: {  	[sflag:s24] =	ssyncadd.s32 $0xFFFFD900  }
0x36: {  	_ =	swait.ge [sflag:s25], $0x400  }
0x37: {  	[sflag:s25] =	ssyncset.done $0x0  }
0x38: {  	[sflag:s25] =	ssyncadd.s32 $0xFFFFFC00  }
0x39: {  	_ =	swait.ge [sflag:s26], $0x2700  }
0x3a: {  	[sflag:s26] =	ssyncset.done $0x0  }
0x3b: {  	[sflag:s26] =	ssyncadd.s32 $0xFFFFD900  }
0x3c: {  	s11 =	simm.s32 @!p0 $0x5280;
	s6 =	simm.s32 @!p0 $0x80;
	[bflag:$0x0] =	sbarrier.arrive $0xFFFF  }
0x3d: {  	[tilespmem:s11], [sflag:$0x7] =	stream.indirect.gather @!p0 [spmem:s2], $0x40, s7, s6, $0xb8;
	[tilespmem:$0x1ECC0] =	vst v63  }
0x3e: {  	_ =	swait.ge @!p0 [sflag:s9], $0x2000  }
0x3f: {  	[sflag:s9] =	ssyncset.done @!p0 $0x0  }
0x40: {  	[sflag:s9] =	ssyncadd.s32 @!p0 $0xFFFFE000  }
0x41: {  	[spmem:s3] =	stream.indirect.scatter.add.f32 @!p0 [tilespmem:s11], [sflag:$0x7], $0x40, s10, s6, $0xb8;
	[tilespmem:$0x1ECC0] =	vst v63  }
0x42: {  	_ =	swait.ge @!p0 [sflag:s9], $0x2000  }
0x43: {  	[sflag:s9] =	ssyncset.done @!p0 $0x0  }
0x44: {  	[sflag:s9] =	ssyncadd.s32 @!p0 $0xFFFFE000  }
0x45: {  	[tilespmem:s29], [sflag:$0x1] =	stream.indirect.gather [spmem:s2], $0x40, s4, s28, $0xb8;
	[tilespmem:$0x1ECC0] =	vst v63  }
0x46: {  	_ = 	snop  }
0x47: {  	[tilespmem:s30], [sflag:$0x2] =	stream.indirect.gather [spmem:s2], $0x40, s28, s28, $0xb8;
	[tilespmem:$0x1ECC0] =	vst v63  }
0x48: {  	_ =	swait.ge [sflag:s16], $0x2000  }
0x49: {  	[sflag:s16] =	ssyncset.done $0x0  }
0x4a: {  	[sflag:s16] =	ssyncadd.s32 $0xFFFFE000  }
0x4b: {  	[spmem:s3] =	stream.indirect.scatter.add.f32 [tilespmem:s29], [sflag:$0x4], $0x40, s22, s28, $0xb8;
	[tilespmem:$0x1ECC0] =	vst v63  }
0x4c: {  	s10 =	simm.s32 $0x100  }
0x4d: {  	[tilespmem:s0], [sflag:$0x3] =	stream.indirect.gather [spmem:s2], $0x40, s10, s28, $0xb8;
	[tilespmem:$0x1ECC0] =	vst v63  }
0x4e: {  	_ =	swait.ge [sflag:s1], $0x2000  }
0x4f: {  	[sflag:s1] =	ssyncset.done $0x0  }
0x50: {  	s11 =	simm.s32 $0x2B80;
	[sflag:s1] =	ssyncadd.s32 $0xFFFFE000  }
0x51: {  	[spmem:s3] =	stream.indirect.scatter.add.f32 [tilespmem:s30], [sflag:$0x5], $0x40, s11, s28, $0xb8;
	[tilespmem:$0x1ECC0] =	vst v63  }
0x52: {  	_ =	swait.ge [sflag:s24], $0x2000  }
0x53: {  	[sflag:s24] =	ssyncset.done $0x0  }
0x54: {  	s7 =	simm.s32 $0x180;
	[sflag:s24] =	ssyncadd.s32 $0xFFFFE000  }
0x55: {  	[tilespmem:s29], [sflag:$0x1] =	stream.indirect.gather [spmem:s2], $0x40, s7, s28, $0xb8;
	[tilespmem:$0x1ECC0] =	vst v63  }
0x56: {  	_ =	swait.ge [sflag:s23], $0x2000  }
0x57: {  	[sflag:s23] =	ssyncset.done $0x0  }
0x58: {  	s9 =	simm.s32 $0x2C00;
	[sflag:s23] =	ssyncadd.s32 $0xFFFFE000  }
0x59: {  	[spmem:s3] =	stream.indirect.scatter.add.f32 [tilespmem:s0], [sflag:$0x6], $0x40, s9, s28, $0xb8;
	[tilespmem:$0x1ECC0] =	vst v63  }
0x5a: {  	_ =	swait.ge [sflag:s25], $0x2000  }
0x5b: {  	[sflag:s25] =	ssyncset.done $0x0  }
0x5c: {  	s10 =	simm.s32 $0x200;
	[sflag:s25] =	ssyncadd.s32 $0xFFFFE000  }
0x5d: {  	[tilespmem:s30], [sflag:$0x2] =	stream.indirect.gather [spmem:s2], $0x40, s10, s28, $0xb8;
	[tilespmem:$0x1ECC0] =	vst v63  }
0x5e: {  	_ =	swait.ge [sflag:s16], $0x2000  }
0x5f: {  	[sflag:s16] =	ssyncset.done $0x0  }
0x60: {  	s11 =	simm.s32 $0x2C80;
	[sflag:s16] =	ssyncadd.s32 $0xFFFFE000  }
0x61: {  	[spmem:s3] =	stream.indirect.scatter.add.f32 [tilespmem:s29], [sflag:$0x4], $0x40, s11, s28, $0xb8;
	[tilespmem:$0x1ECC0] =	vst v63  }
0x62: {  	_ =	swait.ge [sflag:s26], $0x2000  }
0x63: {  	[sflag:s26] =	ssyncset.done $0x0  }
0x64: {  	s6 =	simm.s32 $0x600;
	s7 =	simm.s32 $0x280;
	[sflag:s26] =	ssyncadd.s32 $0xFFFFE000  }
.LBB2_2:
0x65: {  	[tilespmem:s0], [sflag:$0x3] =	stream.indirect.gather [spmem:s2], $0x40, s7, s28, $0xb8;
	[tilespmem:$0x1ECC0] =	vst v63  }
0x66: {  	s7 =	smov.u32 s6  }
0x67: {  	p1 =	sne.s32 s6, $0x9000;
	s6 =	sadd.s32 $0x600, s6;
	_ =	swait.ge [sflag:s1], $0x2000  }
0x68: {  	s7 =	sshra.s32 s7, $0x2;
	[sflag:s1] =	ssyncset.done $0x0  }
0x69: {  	s9 =	sadd.s32 $0x2B80, s7;
	[sflag:s1] =	ssyncadd.s32 $0xFFFFE000  }
0x6a: {  	[spmem:s3] =	stream.indirect.scatter.add.f32 [tilespmem:s30], [sflag:$0x5], $0x40, s9, s28, $0xb8;
	[tilespmem:$0x1ECC0] =	vst v63  }
0x6b: {  	_ =	swait.ge [sflag:s24], $0x2000  }
0x6c: {  	[sflag:s24] =	ssyncset.done $0x0  }
0x6d: {  	s9 =	sadd.s32 $0x180, s7;
	[sflag:s24] =	ssyncadd.s32 $0xFFFFE000  }
0x6e: {  	[tilespmem:s29], [sflag:$0x1] =	stream.indirect.gather [spmem:s2], $0x40, s9, s28, $0xb8;
	[tilespmem:$0x1ECC0] =	vst v63  }
0x6f: {  	_ =	swait.ge [sflag:s23], $0x2000  }
0x70: {  	[sflag:s23] =	ssyncset.done $0x0  }
0x71: {  	s9 =	sadd.s32 $0x2C00, s7;
	[sflag:s23] =	ssyncadd.s32 $0xFFFFE000  }
0x72: {  	[spmem:s3] =	stream.indirect.scatter.add.f32 [tilespmem:s0], [sflag:$0x6], $0x40, s9, s28, $0xb8;
	[tilespmem:$0x1ECC0] =	vst v63  }
0x73: {  	_ =	swait.ge [sflag:s25], $0x2000  }
0x74: {  	[sflag:s25] =	ssyncset.done $0x0  }
0x75: {  	s9 =	sadd.s32 $0x200, s7;
	[sflag:s25] =	ssyncadd.s32 $0xFFFFE000  }
0x76: {  	[tilespmem:s30], [sflag:$0x2] =	stream.indirect.gather [spmem:s2], $0x40, s9, s28, $0xb8;
	[tilespmem:$0x1ECC0] =	vst v63  }
0x77: {  	_ =	swait.ge [sflag:s16], $0x2000  }
0x78: {  	[sflag:s16] =	ssyncset.done $0x0  }
.Ltmp0:
0x79: {  	s9 =	sadd.s32 $0x2C80, s7;
	[sflag:s16] =	ssyncadd.s32 $0xFFFFE000;
	(pc) =	sbr.rel @p1 .LBB2_2-.Ltmp0, $4  }
0x7a: {  	[spmem:s3] =	stream.indirect.scatter.add.f32 [tilespmem:s29], [sflag:$0x4], $0x40, s9, s28, $0xb8;
	[tilespmem:$0x1ECC0] =	vst v63  }
0x7b: {  	_ =	swait.ge [sflag:s26], $0x2000  }
0x7c: {  	[sflag:s26] =	ssyncset.done $0x0  }
0x7d: {  	s7 =	sadd.s32 $0x280, s7;
	[sflag:s26] =	ssyncadd.s32 $0xFFFFE000  }
0x7e: {  	[tilespmem:s0], [sflag:$0x3] =	stream.indirect.gather [spmem:s2], $0x40, s7, s28, $0xb8;
	[tilespmem:$0x1ECC0] =	vst v63  }
0x7f: {  	_ =	swait.ge [sflag:s1], $0x2000  }
0x80: {  	[sflag:s1] =	ssyncset.done $0x0  }
0x81: {  	s6 =	simm.s32 $0x5100;
	[sflag:s1] =	ssyncadd.s32 $0xFFFFE000  }
0x82: {  	[spmem:s3] =	stream.indirect.scatter.add.f32 [tilespmem:s30], [sflag:$0x5], $0x40, s6, s28, $0xb8;
	[tilespmem:$0x1ECC0] =	vst v63  }
0x83: {  	_ =	swait.ge [sflag:s23], $0x2000  }
0x84: {  	[sflag:s23] =	ssyncset.done $0x0  }
0x85: {  	s10 =	simm.s32 $0x5180;
	[sflag:s23] =	ssyncadd.s32 $0xFFFFE000  }
0x86: {  	[spmem:s3] =	stream.indirect.scatter.add.f32 [tilespmem:s0], [sflag:$0x6], $0x40, s10, s28, $0xb8;
	[tilespmem:$0x1ECC0] =	vst v63  }
0x87: {  	_ =	swait.ge [sflag:s24], $0x2000  }
0x88: {  	[sflag:s24] =	ssyncset.done $0x0  }
0x89: {  	[sflag:s24] =	ssyncadd.s32 $0xFFFFE000  }
0x8a: {  	_ =	swait.ge [sflag:s25], $0x2000  }
0x8b: {  	[sflag:s25] =	ssyncset.done $0x0  }
0x8c: {  	[sflag:s25] =	ssyncadd.s32 $0xFFFFE000  }
0x8d: {  	_ =	swait.ge [sflag:s26], $0x2000  }
0x8e: {  	s31 =	sadd.s32 $0x1, s31;
	[sflag:s26] =	ssyncset.done $0x0  }
0x8f: {  	p1 =	sne.s32 s31, s14;
	[sflag:s26] =	ssyncadd.s32 $0xFFFFE000  }
.Ltmp1:
0x90: {  	s11 =	sor.u32 $0x1C07, s5;
	[bflag:$0x0] =	sbarrier.arrive $0xFFFF;
	(pc) =	sbr.rel @p1 .LBB2_1-.Ltmp1, $4  }
0x91: {  	[hbm:s13@s18], [sflag:s11] =	dma.strided [spmem:s20@s17], $0x13C0, s16, $0x8   }
0x92: {  	_ =	swait.ge [sflag:s21], $0x13C0  }
0x93: {  	[sflag:s21] =	ssyncset.done $0x0  }
0x94: {  	[sflag:s21] =	ssyncadd.s32 $0xFFFFEC40  }
0x95: {  	_ =	sfence.sel $0x180000  }
0x96: {  	[bflag:$0x0] =	sbarrier.arrive $0xFFFF  }
0x97: {  	_ =	strace $0x9000004D  }
0x98: {  	s0 =	stileid.u32;
	[bflag:$0x2] =	sbarrier.arrive $0xFFFF  }
0x99: {  	p0 =	sne.s32 s0, $0x0;
	s0 =	rddreg [dreg:$0x3]  }
0x9a: {  	s0 =	sadd.s32 @!p0 $0x100000, s0  }
0x9b: {  	[sflag:s0] =	ssyncadd.tile.s32 @!p0 $0x1;
	_ =	shalt  }
.Lfunc_end2:
_tile_overlayer_lowered:
.L_overlay_start_2:
0x9c: {  	(tag) =	ssettag $0x2  }
0x9d: {  	s0 =	rddreg [dreg:$0x0];
	s2 =	stileid.u32  }
0x9e: {  	s1 =	rddreg [dreg:$0x1];
	p0 =	sne.s32 s2, $0x0  }
0x9f: {  	s3 =	rddreg [dreg:$0x2];
	[bflag:$0x3] =	sbarrier.arrive $0xFFFF;
	s2 =	simm.s32 @!p0 $0x1C07  }
0xa0: {  	[timem:s3], [sflag:s2] =	dma.local @!p0 [hbm:s0], s1  }
0xa1: {  	s0 =	simm.s32 @!p0 $0x7  }
0xa2: {  	_ =	swait.ge @!p0 [sflag:s0], s1  }
0xa3: {  	s1 =	ssub.s32 @!p0 $0x0, s1;
	[sflag:s0] =	ssyncset.done @!p0 $0x0  }
0xa4: {  	[sflag:s0] =	ssyncadd.s32 @!p0 s1  }
0xa5: {  	[bflag:$0x3] =	sbarrier.arrive $0xFFFF  }
0xa6: {  	_ =	shalt  }

// kernel: kernel.22.cloned.1.call-start
scs
__scs_entry_jumppad:
0x0: {  	(pc) =	sbr.rel $0x88, $3  }
0x1: {  	(tag) =	ssettag $0x0;
	lr =	simm.s32 $0x1  }
0x2: {  	[smem:$0x3F97] =	sst lr;
	_ =	strace $0xD0000000  }
0x3: {  	_ = 	snop  }
0x4: {  	_ = 	snop  }
0x5: {  	_ = 	snop  }
0x6: {  	_ = 	snop  }
0x7: {  	_ = 	snop  }
__scs_overlays_trampoline_lowered:
0x8: {  	[smem:$0x3FA6] =	sst s0  }
0x9: {  	[smem:$0x3FA7] =	sst s1  }
0xa: {  	[smem:$0x3FA8] =	sst s2  }
0xb: {  	[smem:$0x3FA9] =	sst s3  }
0xc: {  	[smem:$0x3FAA] =	sst s4  }
0xd: {  	[smem:$0x3FAB] =	sst s5  }
0xe: {  	[smem:$0x3FAC] =	sst s6  }
0xf: {  	[smem:$0x3FAD] =	sst s7  }
0x10: {  	[smem:$0x3FAE] =	sst s8  }
0x11: {  	[smem:$0x3FAF] =	sst s9;
	s0 =	simm.s32 @!p0 $0x0  }
0x12: {  	s1 =	sld [smem:$0x3F95];
	s0 =	simm.s32 @p0 $0x1  }
0x13: {  	[smem:$0x3FB0] =	sst s0;
	s0 =	simm.s32 @!p1 $0x0  }
0x14: {  	s2 =	sld [smem:$0x3F94];
	s0 =	simm.s32 @p1 $0x1  }
0x15: {  	[smem:$0x3FB1] =	sst s0;
	s0 =	simm.s32 @!p2 $0x0  }
0x16: {  	s3 =	sld [smem:$0x3FDB];
	s0 =	simm.s32 @p2 $0x1  }
0x17: {  	s4 =	simm.s32 $0x1BF5;
	[smem:$0x3FB3] =	sst s0  }
0x18: {  	s0 =	sld [smem:$0x3F96];
	_ =	swait.ge [sflag:s4], $0x0  }
0x19: {  	s7 =	sld [smem:$0x3F97]  }
0x1a: {  	s8 =	sadd.s32 $0xFFFFE003, lr  }
0x1b: {  	s9 =	sadd.s32 $0xFFFFFEF7, lr;
	s5 =	simm.s32 $0xFFFFFFFF;
	p2 =	slt.u32 s8, $0xFFFFF086  }
0x1c: {  	p1 =	slt.u32 s9, $0xF7A;
	s5 =	simm.s32 @!p2 $0x0  }
0x1d: {  	s5 =	simm.s32 @p1 $0x1;
	p0 =	seq.s32 s7, s2  }
0x1e: {  	s7 =	smul.u32 @!p0 $0xF7A, s2;
	p2 =	seq.s32 @!p0 s5, $0x0  }
0x1f: {  	s9 =	smul.u32 $0xF7A, s1;
	s8 =	simm.s32 @!p0 $0x1BF5;
	p2 =	por !p2, p0  }
0x20: {  	[sflag:s8] =	ssyncset.s32 @!p0 $0xFFFFF086;
	s6 =	sadd.s32 @!p0 s3, s7;
	s7 =	simm.s32 @!p0 $0x108  }
0x21: {  	s3 =	sadd.s32 s3, s9;
	s6 =	sadd.s32 @!p0 $0x88, s6;
	s7 =	simm.s32 @p2 $0x1082  }
0x22: {  	[simem:s7], [sflag:s8] =	dma.local @!p0 [hbm:s6], $0xF7A  }
0x23: {  	s9 =	sor.u32 $0xD0000000, s2;
	s6 =	simm.s32 $0x108;
	_ =	swait.ge @!p0 [sflag:s8], $0x0  }
0x24: {  	s3 =	sadd.s32 $0x88, s3;
	s6 =	simm.s32 @!p1 $0x1082;
	[sflag:s4] =	ssyncset.s32 $0xFFFFF086  }
0x25: {  	[simem:s6], [sflag:s4] =	dma.local [hbm:s3], $0xF7A  }
0x26: {  	[smem:$0x3F97] =	sst s1;
	(tag) =	ssettag s2;
	_ =	strace s9  }
0x27: {  	s1 =	sld [smem:$0x3FA7]  }
0x28: {  	s2 =	sld [smem:$0x3FA8]  }
0x29: {  	s4 =	sld [smem:$0x3FAA]  }
0x2a: {  	p0 =	seq.s32 s5, $0x0;
	s5 =	sld [smem:$0x3FAB]  }
0x2b: {  	s6 =	sld [smem:$0x3FAC]  }
0x2c: {  	s7 =	sld [smem:$0x3FAD]  }
0x2d: {  	s3 =	simm.s32 $0x108;
	s8 =	sld [smem:$0x3FAE]  }
0x2e: {  	s3 =	simm.s32 @!p0 $0x1082;
	s9 =	sld [smem:$0x3FAF]  }
0x2f: {  	lr =	sadd.s32 s0, s3;
	s0 =	sld [smem:$0x3FA6]  }
0x30: {  	s3 =	sld [smem:$0x3FA9]  }
0x31: {  	[smem:$0x3FB2] =	sst s10  }
0x32: {  	s10 =	sld [smem:$0x3FB0];
	_ =	sdelay $0x3  }
0x33: {  	p0 =	seq.s32 s10, $0x1;
	s10 =	sld [smem:$0x3FB2];
	_ =	sdelay $0x3  }
0x34: {  	[smem:$0x3FB2] =	sst s10  }
0x35: {  	s10 =	sld [smem:$0x3FB1];
	_ =	sdelay $0x3  }
0x36: {  	p1 =	seq.s32 s10, $0x1;
	s10 =	sld [smem:$0x3FB2];
	_ =	sdelay $0x3  }
0x37: {  	[smem:$0x3FB2] =	sst s10  }
0x38: {  	s10 =	sld [smem:$0x3FB3]  }
0x39: {  	_ = 	snop;
	(pc) =	sbr.ind lr, $3  }
0x3a: {  	_ = 	snop  }
0x3b: {  	_ = 	snop  }
0x3c: {  	p2 =	seq.s32 s10, $0x1;
	s10 =	sld [smem:$0x3FB2]  }
0x3d: {  	_ =	shalt  }
0x3e: {  	_ =	shalt  }
0x3f: {  	_ =	shalt  }
0x40: {  	_ =	shalt  }
0x41: {  	_ =	shalt  }
0x42: {  	_ =	shalt  }
0x43: {  	_ =	shalt  }
0x44: {  	_ =	shalt  }
0x45: {  	_ =	shalt  }
0x46: {  	_ =	shalt  }
0x47: {  	_ =	shalt  }
0x48: {  	_ =	shalt  }
0x49: {  	_ =	shalt  }
0x4a: {  	_ =	shalt  }
0x4b: {  	_ =	shalt  }
0x4c: {  	_ =	shalt  }
0x4d: {  	_ =	shalt  }
0x4e: {  	_ =	shalt  }
0x4f: {  	_ =	shalt  }
0x50: {  	_ =	shalt  }
0x51: {  	_ =	shalt  }
0x52: {  	_ =	shalt  }
0x53: {  	_ =	shalt  }
0x54: {  	_ =	shalt  }
0x55: {  	_ =	shalt  }
0x56: {  	_ =	shalt  }
0x57: {  	_ =	shalt  }
0x58: {  	_ =	shalt  }
0x59: {  	_ =	shalt  }
0x5a: {  	_ =	shalt  }
0x5b: {  	_ =	shalt  }
0x5c: {  	_ =	shalt  }
0x5d: {  	_ =	shalt  }
0x5e: {  	_ =	shalt  }
0x5f: {  	_ =	shalt  }
0x60: {  	_ =	shalt  }
0x61: {  	_ =	shalt  }
0x62: {  	_ =	shalt  }
0x63: {  	_ =	shalt  }
0x64: {  	_ =	shalt  }
0x65: {  	_ =	shalt  }
0x66: {  	_ =	shalt  }
0x67: {  	_ =	shalt  }
0x68: {  	_ =	shalt  }
0x69: {  	_ =	shalt  }
0x6a: {  	_ =	shalt  }
0x6b: {  	_ =	shalt  }
0x6c: {  	_ =	shalt  }
0x6d: {  	_ =	shalt  }
0x6e: {  	_ =	shalt  }
0x6f: {  	_ =	shalt  }
0x70: {  	_ =	shalt  }
0x71: {  	_ =	shalt  }
0x72: {  	_ =	shalt  }
0x73: {  	_ =	shalt  }
0x74: {  	_ =	shalt  }
0x75: {  	_ =	shalt  }
0x76: {  	_ =	shalt  }
0x77: {  	_ =	shalt  }
0x78: {  	_ =	shalt  }
0x79: {  	_ =	shalt  }
0x7a: {  	_ =	shalt  }
0x7b: {  	_ =	shalt  }
0x7c: {  	_ =	shalt  }
0x7d: {  	_ =	shalt  }
0x7e: {  	_ =	shalt  }
0x7f: {  	_ =	shalt  }
0x80: {  	_ =	shalt  }
0x81: {  	_ =	shalt  }
0x82: {  	_ =	shalt  }
0x83: {  	_ =	shalt  }
0x84: {  	_ =	shalt  }
0x85: {  	_ =	shalt  }
0x86: {  	_ =	shalt  }
0x87: {  	_ =	shalt  }
.Lfunc_end0:
.L_simem_size_0:
called_computation.3_lowered:
.L_overlay_start_0:
0x88: {  	s2 =	sld [smem:$0x3FD9]  }
0x89: {  	s3 =	sld [smem:$0x3FFE];
	_ =	sdelay $0x1  }
0x8a: {  	s1 =	srdreg.scid  }
0x8b: {  	s0 =	sand.u32 $0x1, s1  }
0x8c: {  	s16 =	sshll.u32 s0, $0xA;
	s2 =	sadd.s32 s3, s2  }
0x8d: {  	s2 =	sadd.s32 s2, s16  }
0x8e: {  	[smem:$0x3FBE] =	sst s2  }
0x8f: {  	_ = 	snop  }
0x90: {  	(tm) =	ssettm $0x1  }
0x91: {  	s17 =	sld [smem:$0x3FFB];
	_ =	sdelay $0x3  }
0x92: {  	_ =	strace s17  }
0x93: {  	s2 =	sld [smem:$0x3FFC];
	_ =	sdelay $0x3  }
0x94: {  	_ =	strace s2  }
0x95: {  	s2 =	sld [smem:$0x3FFD];
	_ =	sdelay $0x3  }
0x96: {  	_ =	strace s2  }
0x97: {  	_ =	strace $0x8FFFFFFF  }
0x98: {  	s18 =	sld [smem:$0x3FDB];
	_ =	sdelay $0x1  }
0x99: {  	s19 =	simm.s32 $_scs_section_size  }
0x9a: {  	s4 =	simm.s32 $_size__tile_overlayer_lowered;
	s5 =	simm.s32 $_tile_overlayer_lowered  }
0x9b: {  	s22 =	simm.s32 $0x1BFF;
	s21 =	sshll.u32 s5, $0x1;
	s2 =	sadd.s32 s19, s18  }
0x9c: {  	s6 =	simm.s32 $0x0;
	s20 =	sshll.u32 s4, $0x1;
	s4 =	sadd.s32 s21, s2  }
0x9d: {  	[timem:s6], [sflag:s22] =	dma.local [hbm:s4], s20  }
0x9e: {  	_ =	swait.ge [sflag:s22], s20  }
0x9f: {  	s3 =	ssub.s32 $0x0, s20;
	[sflag:s22] =	ssyncset.done $0x0  }
0xa0: {  	[sflag:s22] =	ssyncadd.s32 s3;
	_ =	sdelay $0x1  }
0xa1: {  	s23 =	simm.s32 $0x1B8B  }
0xa2: {  	_ =	swait.ge [sflag:s23], $0x1  }
0xa3: {  	[sflag:s23] =	ssyncset.done $0x0  }
0xa4: {  	s25 =	simm.s32 $0x1B8E;
	s24 =	sld [smem:$0x3FFE];
	[sflag:s23] =	ssyncadd.s32 $0xFFFFFFFF  }
0xa5: {  	s26 =	simm.s32 $execute0_lowered;
	[smem:$0x3FD2] =	sst s25  }
0xa6: {  	s4 =	sshll.u32 s26, $0x1;
	_ =	strace $0x8000004F;
	[dreg:$0x1] =	wrdreg $0xFFFFFFFF  }
0xa7: {  	s28 =	simm.s32 $_size_execute0_lowered;
	s2 =	sadd.s32 s2, s4;
	[dreg:$0x0] =	wrdreg $0x0  }
0xa8: {  	s4 =	sshll.u32 s28, $0x1;
	[dreg:$0x2] =	wrdreg s2  }
0xa9: {  	[dreg:$0x3] =	wrdreg s4  }
0xaa: {  	[dreg:$0x4] =	wrdreg $0xC0  }
0xab: {  	_ =	task [dreg:s6], $0x5FFFF  }
0xac: {  	[dreg:$0x1] =	wrdreg $0xFFFFFFFF  }
0xad: {  	[dreg:$0x0] =	wrdreg $0x60  }
0xae: {  	[dreg:$0x2] =	wrdreg s24  }
0xaf: {  	[dreg:$0x3] =	wrdreg $0xB2800  }
0xb0: {  	[dreg:$0x4] =	wrdreg $0x14EC00  }
0xb1: {  	[dreg:$0x5] =	wrdreg $0x9  }
0xb2: {  	_ =	task.clear_ibuf [dreg:s6], $0x6FFFF;
	_ =	strace $0x9000004F  }
0xb3: {  	s29 =	simm.s32 $0x9;
	_ =	strace $0x80000051  }
0xb4: {  	_ =	swait.ge [sflag:s29], $0x1  }
0xb5: {  	[sflag:s29] =	ssyncadd.s32 $0xFFFFFFFF  }
0xb6: {  	_ =	strace $0x90000051  }
0xb7: {  	_ =	sfence  }
0xb8: {  	s30 =	sld [smem:$0x0];
	_ =	sdelay $0x2  }
0xb9: {  	s31 =	sshll.u32 s1, $0xD;
	s1 =	sshrl.u32 s1, $0x2  }
0xba: {  	s3 =	sand.u32 $0x4000, s31;
	s1 =	sadd.s32 s1, s30  }
0xbb: {  	s0 =	sor.u32 s3, s0;
	s1 =	sshll.u32 s1, $0x11  }
0xbc: {  	s0 =	sor.u32 s1, s0  }
0xbd: {  	s0 =	sadd.s32 $0x8F2B, s0  }
0xbe: {  	[sflag:s0] =	ssyncadd.remote.s32 $0x1  }
0xbf: {  	_ =	sfence.sel $0xFFFF  }
0xc0: {  	[dreg:$0x0] =	wrdreg $0xFFFFFFFF;
	(pc) =	sbr.abs _section_cstart, $3  }
0xc1: {  	[dreg:$0x1] =	wrdreg $0xFFFFFFFF  }
0xc2: {  	_ =	task.clear_ibuf [dreg:s6], $0x2FFFF;
	_ =	strace $0x9FFFFFFF  }
0xc3: {  	(tm) =	ssettm $0x7FFFFFFF  }
tec
execute0_lowered:
.L_overlay_start_1:
0x0: {  	(tag) =	ssettag $0x1  }
0x1: {  	s0 =	rddreg [dreg:$0x0]  }
0x2: {  	s2 =	rddreg [dreg:$0x1]  }
0x3: {  	s3 =	rddreg [dreg:$0x2];
	s12 =	stileid.u32;
	s4 =	simm.s32 $0x0  }
0x4: {  	s5 =	srdreg.scid;
	s16 =	simm.s32 $0x1;
	s17 =	simm.s32 $0x8  }
0x5: {  	s18 =	simm.s32 $0x10;
	s28 =	simm.s32 $0x80;
	s29 =	simm.s32 $0x5280  }
0x6: {  	s30 =	simm.s32 $0x7280;
	s31 =	simm.s32 $0x0;
	s1 =	smul.u32 $0x278, s12  }
0x7: {  	[smem:$0x7FF] =	sst s4;
	s6 =	smul.u32 $0x9E00, s12;
	s5 =	sand.u32 $0x1, s5  }
0x8: {  	s8 =	smul.u32 $0x13C00, s12;
	s11 =	sadd.s32 $0x5400, s0;
	s24 =	sshll.u32 s12, $0x4  }
0x9: {  	_ =	strace $0x80000050;
	s9 =	sshll.u32 s5, $0x6;
	s20 =	sshll.u32 s5, $0x4  }
0xa: {  	s5 =	ssub.s32 $0x2, s5;
	s1 =	smin.u32 s1, $0x2498;
	s10 =	sshrl.u32 s6, $0x3  }
0xb: {  	s8 =	sor.u32 s9, s8;
	s15 =	sor.u32 s12, s20;
	s21 =	sshrl.u32 s5, $0x1  }
0xc: {  	s6 =	sadd.s32 s6, s3;
	s7 =	sshll.u32 s1, $0x4;
	s19 =	sadd.s32 s10, s0  }
0xd: {  	s8 =	sshrl.u32 s8, $0x3;
	s1 =	sshll.u32 s1, $0x6;
	s10 =	smul.u32 $0x2700, s15  }
0xe: {  	s14 =	ssub.s32 s5, s21;
	s5 =	sshll.u32 s12, $0x6;
	p0 =	sgt.u32 s15, $0x3  }
0xf: {  	s20 =	sshrl.u32 s6, $0x3;
	s21 =	simm.s32 $0x7;
	s7 =	sadd.s32 s7, s0  }
0x10: {  	s0 =	sadd.s32 s8, s0;
	s1 =	sadd.s32 s1, s2;
	s22 =	sor.u32 $0x1C01, s5  }
0x11: {  	s9 =	sadd.s32 $0x40000, s19;
	s14 =	smax.u32 s14, $0x1;
	s19 =	sor.u32 $0x1C03, s5  }
0x12: {  	s7 =	sadd.s32 $0x18E00, s7;
	[dreg:$0x5] =	wrdreg s22;
	s23 =	sshrl.u32 s10, $0x3  }
0x13: {  	[dreg:$0x6] =	wrdreg s9;
	s13 =	sadd.s32 $0x53C00, s0;
	s15 =	sshrl.u32 s1, $0x3  }
0x14: {  	s22 =	simm.s32 $0x2B00;
	s0 =	simm.s32 $0x9280;
	s1 =	simm.s32 $0x2  }
0x15: {  	[dreg:$0x4] =	wrdreg s7;
	s8 =	sadd.s32 s11, s23;
	s7 =	sadd.s32 s24, s11  }
0x16: {  	s23 =	simm.s32 $0x3;
	s24 =	simm.s32 $0x4;
	s25 =	sadd.s32 $0x9C40, s8  }
0x17: {  	s26 =	sadd.s32 $0x9C00, s7;
	s12 =	sadd.s32 $0x13840, s7;
	[dreg:$0x7] =	wrdreg s25  }
0x18: {  	[dreg:$0x8] =	wrdreg s26;
	s25 =	simm.s32 $0x5;
	s26 =	simm.s32 $0x6  }
.LBB2_1:
0x19: {  	s6 =	rddreg [dreg:$0x4]  }
0x1a: {  	s7 =	rddreg [dreg:$0x5]  }
0x1b: {  	[spmem:s15@s17], [sflag:s7] =	dma.strided [hbm:s6@s18], $0x13C0, s16, $0x8   }
0x1c: {  	s6 =	rddreg [dreg:$0x6]  }
0x1d: {  	[spmem:s20], [sflag:s19] =	dma.local [hbm:s6], $0x13C0  }
0x1e: {  	[tilespmem:s4], [sflag:$0x4] =	stream.linear.gather [hbm4b:s8+s4], $0x2700, $0x38;
	[tilespmem:$0x1ECC0] =	vst v63  }
0x1f: {  	s7 =	simm.s32 $0x2700  }
0x20: {  	[tilespmem:s7], [sflag:$0x5] =	stream.linear.gather [hbm4b:s8+s4], $0x400, $0x38;
	[tilespmem:$0x1ECC0] =	vst v63  }
0x21: {  	s9 =	rddreg [dreg:$0x7]  }
0x22: {  	[tilespmem:s22], [sflag:$0x6] =	stream.linear.gather [hbm4b:s9+s4], $0x2700, $0x38;
	[tilespmem:$0x1ECC0] =	vst v63  }
0x23: {  	s6 =	simm.s32 @!p0 $0x0;
	s7 =	simm.s32 @!p0 $0x2900;
	s9 =	rddreg [dreg:$0x8]  }
0x24: {  	[tilespmem:s7], [sflag:$0x7] =	stream.linear.gather @!p0 [hbm4b:s9+s6], $0x80, $0x38;
	[tilespmem:$0x1ECC0] =	vst v63  }
0x25: {  	s9 =	simm.s32 @!p0 $0x7  }
0x26: {  	_ =	swait.ge @!p0 [sflag:s9], $0x80  }
0x27: {  	[sflag:s9] =	ssyncset.done @!p0 $0x0  }
0x28: {  	s10 =	simm.s32 @!p0 $0x5200;
	[sflag:s9] =	ssyncadd.s32 @!p0 $0xFFFFFF80  }
0x29: {  	[tilespmem:s10], [sflag:$0x7] =	stream.linear.gather @!p0 [hbm4b:s12+s6], $0x80, $0x38;
	[tilespmem:$0x1ECC0] =	vst v63  }
0x2a: {  	_ =	swait.ge @!p0 [sflag:s9], $0x80  }
0x2b: {  	[sflag:s9] =	ssyncset.done @!p0 $0x0  }
0x2c: {  	[sflag:s9] =	ssyncadd.s32 @!p0 $0xFFFFFF80  }
0x2d: {  	_ =	swait.ge [sflag:s16], $0x13C0  }
0x2e: {  	[sflag:s16] =	ssyncset.done $0x0  }
0x2f: {  	[sflag:s16] =	ssyncadd.s32 $0xFFFFEC40  }
0x30: {  	_ =	swait.ge [sflag:s23], $0x13C0  }
0x31: {  	[sflag:s23] =	ssyncset.done $0x0  }
0x32: {  	[sflag:s23] =	ssyncadd.s32 $0xFFFFEC40  }
0x33: {  	_ =	swait.ge [sflag:s24], $0x2700  }
0x34: {  	[sflag:s24] =	ssyncset.done $0x0  }
0x35: {  	[sflag:s24] =	ssyncadd.s32 $0xFFFFD900  }
0x36: {  	_ =	swait.ge [sflag:s25], $0x400  }
0x37: {  	[sflag:s25] =	ssyncset.done $0x0  }
0x38: {  	[sflag:s25] =	ssyncadd.s32 $0xFFFFFC00  }
0x39: {  	_ =	swait.ge [sflag:s26], $0x2700  }
0x3a: {  	[sflag:s26] =	ssyncset.done $0x0  }
0x3b: {  	[sflag:s26] =	ssyncadd.s32 $0xFFFFD900  }
0x3c: {  	s11 =	simm.s32 @!p0 $0x5280;
	s6 =	simm.s32 @!p0 $0x80;
	[bflag:$0x0] =	sbarrier.arrive $0xFFFF  }
0x3d: {  	[tilespmem:s11], [sflag:$0x7] =	stream.indirect.gather @!p0 [spmem:s2], $0x40, s7, s6, $0xb8;
	[tilespmem:$0x1ECC0] =	vst v63  }
0x3e: {  	_ =	swait.ge @!p0 [sflag:s9], $0x2000  }
0x3f: {  	[sflag:s9] =	ssyncset.done @!p0 $0x0  }
0x40: {  	[sflag:s9] =	ssyncadd.s32 @!p0 $0xFFFFE000  }
0x41: {  	[spmem:s3] =	stream.indirect.scatter.add.f32 @!p0 [tilespmem:s11], [sflag:$0x7], $0x40, s10, s6, $0xb8;
	[tilespmem:$0x1ECC0] =	vst v63  }
0x42: {  	_ =	swait.ge @!p0 [sflag:s9], $0x2000  }
0x43: {  	[sflag:s9] =	ssyncset.done @!p0 $0x0  }
0x44: {  	[sflag:s9] =	ssyncadd.s32 @!p0 $0xFFFFE000  }
0x45: {  	[tilespmem:s29], [sflag:$0x1] =	stream.indirect.gather [spmem:s2], $0x40, s4, s28, $0xb8;
	[tilespmem:$0x1ECC0] =	vst v63  }
0x46: {  	_ = 	snop  }
0x47: {  	[tilespmem:s30], [sflag:$0x2] =	stream.indirect.gather [spmem:s2], $0x40, s28, s28, $0xb8;
	[tilespmem:$0x1ECC0] =	vst v63  }
0x48: {  	_ =	swait.ge [sflag:s16], $0x2000  }
0x49: {  	[sflag:s16] =	ssyncset.done $0x0  }
0x4a: {  	[sflag:s16] =	ssyncadd.s32 $0xFFFFE000  }
0x4b: {  	[spmem:s3] =	stream.indirect.scatter.add.f32 [tilespmem:s29], [sflag:$0x4], $0x40, s22, s28, $0xb8;
	[tilespmem:$0x1ECC0] =	vst v63  }
0x4c: {  	s10 =	simm.s32 $0x100  }
0x4d: {  	[tilespmem:s0], [sflag:$0x3] =	stream.indirect.gather [spmem:s2], $0x40, s10, s28, $0xb8;
	[tilespmem:$0x1ECC0] =	vst v63  }
0x4e: {  	_ =	swait.ge [sflag:s1], $0x2000  }
0x4f: {  	[sflag:s1] =	ssyncset.done $0x0  }
0x50: {  	s11 =	simm.s32 $0x2B80;
	[sflag:s1] =	ssyncadd.s32 $0xFFFFE000  }
0x51: {  	[spmem:s3] =	stream.indirect.scatter.add.f32 [tilespmem:s30], [sflag:$0x5], $0x40, s11, s28, $0xb8;
	[tilespmem:$0x1ECC0] =	vst v63  }
0x52: {  	_ =	swait.ge [sflag:s24], $0x2000  }
0x53: {  	[sflag:s24] =	ssyncset.done $0x0  }
0x54: {  	s7 =	simm.s32 $0x180;
	[sflag:s24] =	ssyncadd.s32 $0xFFFFE000  }
0x55: {  	[tilespmem:s29], [sflag:$0x1] =	stream.indirect.gather [spmem:s2], $0x40, s7, s28, $0xb8;
	[tilespmem:$0x1ECC0] =	vst v63  }
0x56: {  	_ =	swait.ge [sflag:s23], $0x2000  }
0x57: {  	[sflag:s23] =	ssyncset.done $0x0  }
0x58: {  	s9 =	simm.s32 $0x2C00;
	[sflag:s23] =	ssyncadd.s32 $0xFFFFE000  }
0x59: {  	[spmem:s3] =	stream.indirect.scatter.add.f32 [tilespmem:s0], [sflag:$0x6], $0x40, s9, s28, $0xb8;
	[tilespmem:$0x1ECC0] =	vst v63  }
0x5a: {  	_ =	swait.ge [sflag:s25], $0x2000  }
0x5b: {  	[sflag:s25] =	ssyncset.done $0x0  }
0x5c: {  	s10 =	simm.s32 $0x200;
	[sflag:s25] =	ssyncadd.s32 $0xFFFFE000  }
0x5d: {  	[tilespmem:s30], [sflag:$0x2] =	stream.indirect.gather [spmem:s2], $0x40, s10, s28, $0xb8;
	[tilespmem:$0x1ECC0] =	vst v63  }
0x5e: {  	_ =	swait.ge [sflag:s16], $0x2000  }
0x5f: {  	[sflag:s16] =	ssyncset.done $0x0  }
0x60: {  	s11 =	simm.s32 $0x2C80;
	[sflag:s16] =	ssyncadd.s32 $0xFFFFE000  }
0x61: {  	[spmem:s3] =	stream.indirect.scatter.add.f32 [tilespmem:s29], [sflag:$0x4], $0x40, s11, s28, $0xb8;
	[tilespmem:$0x1ECC0] =	vst v63  }
0x62: {  	_ =	swait.ge [sflag:s26], $0x2000  }
0x63: {  	[sflag:s26] =	ssyncset.done $0x0  }
0x64: {  	s6 =	simm.s32 $0x600;
	s7 =	simm.s32 $0x280;
	[sflag:s26] =	ssyncadd.s32 $0xFFFFE000  }
.LBB2_2:
0x65: {  	[tilespmem:s0], [sflag:$0x3] =	stream.indirect.gather [spmem:s2], $0x40, s7, s28, $0xb8;
	[tilespmem:$0x1ECC0] =	vst v63  }
0x66: {  	s7 =	smov.u32 s6  }
0x67: {  	p1 =	sne.s32 s6, $0x9000;
	s6 =	sadd.s32 $0x600, s6;
	_ =	swait.ge [sflag:s1], $0x2000  }
0x68: {  	s7 =	sshra.s32 s7, $0x2;
	[sflag:s1] =	ssyncset.done $0x0  }
0x69: {  	s9 =	sadd.s32 $0x2B80, s7;
	[sflag:s1] =	ssyncadd.s32 $0xFFFFE000  }
0x6a: {  	[spmem:s3] =	stream.indirect.scatter.add.f32 [tilespmem:s30], [sflag:$0x5], $0x40, s9, s28, $0xb8;
	[tilespmem:$0x1ECC0] =	vst v63  }
0x6b: {  	_ =	swait.ge [sflag:s24], $0x2000  }
0x6c: {  	[sflag:s24] =	ssyncset.done $0x0  }
0x6d: {  	s9 =	sadd.s32 $0x180, s7;
	[sflag:s24] =	ssyncadd.s32 $0xFFFFE000  }
0x6e: {  	[tilespmem:s29], [sflag:$0x1] =	stream.indirect.gather [spmem:s2], $0x40, s9, s28, $0xb8;
	[tilespmem:$0x1ECC0] =	vst v63  }
0x6f: {  	_ =	swait.ge [sflag:s23], $0x2000  }
0x70: {  	[sflag:s23] =	ssyncset.done $0x0  }
0x71: {  	s9 =	sadd.s32 $0x2C00, s7;
	[sflag:s23] =	ssyncadd.s32 $0xFFFFE000  }
0x72: {  	[spmem:s3] =	stream.indirect.scatter.add.f32 [tilespmem:s0], [sflag:$0x6], $0x40, s9, s28, $0xb8;
	[tilespmem:$0x1ECC0] =	vst v63  }
0x73: {  	_ =	swait.ge [sflag:s25], $0x2000  }
0x74: {  	[sflag:s25] =	ssyncset.done $0x0  }
0x75: {  	s9 =	sadd.s32 $0x200, s7;
	[sflag:s25] =	ssyncadd.s32 $0xFFFFE000  }
0x76: {  	[tilespmem:s30], [sflag:$0x2] =	stream.indirect.gather [spmem:s2], $0x40, s9, s28, $0xb8;
	[tilespmem:$0x1ECC0] =	vst v63  }
0x77: {  	_ =	swait.ge [sflag:s16], $0x2000  }
0x78: {  	[sflag:s16] =	ssyncset.done $0x0  }
.Ltmp0:
0x79: {  	s9 =	sadd.s32 $0x2C80, s7;
	[sflag:s16] =	ssyncadd.s32 $0xFFFFE000;
	(pc) =	sbr.rel @p1 .LBB2_2-.Ltmp0, $4  }
0x7a: {  	[spmem:s3] =	stream.indirect.scatter.add.f32 [tilespmem:s29], [sflag:$0x4], $0x40, s9, s28, $0xb8;
	[tilespmem:$0x1ECC0] =	vst v63  }
0x7b: {  	_ =	swait.ge [sflag:s26], $0x2000  }
0x7c: {  	[sflag:s26] =	ssyncset.done $0x0  }
0x7d: {  	s7 =	sadd.s32 $0x280, s7;
	[sflag:s26] =	ssyncadd.s32 $0xFFFFE000  }
0x7e: {  	[tilespmem:s0], [sflag:$0x3] =	stream.indirect.gather [spmem:s2], $0x40, s7, s28, $0xb8;
	[tilespmem:$0x1ECC0] =	vst v63  }
0x7f: {  	_ =	swait.ge [sflag:s1], $0x2000  }
0x80: {  	[sflag:s1] =	ssyncset.done $0x0  }
0x81: {  	s6 =	simm.s32 $0x5100;
	[sflag:s1] =	ssyncadd.s32 $0xFFFFE000  }
0x82: {  	[spmem:s3] =	stream.indirect.scatter.add.f32 [tilespmem:s30], [sflag:$0x5], $0x40, s6, s28, $0xb8;
	[tilespmem:$0x1ECC0] =	vst v63  }
0x83: {  	_ =	swait.ge [sflag:s23], $0x2000  }
0x84: {  	[sflag:s23] =	ssyncset.done $0x0  }
0x85: {  	s10 =	simm.s32 $0x5180;
	[sflag:s23] =	ssyncadd.s32 $0xFFFFE000  }
0x86: {  	[spmem:s3] =	stream.indirect.scatter.add.f32 [tilespmem:s0], [sflag:$0x6], $0x40, s10, s28, $0xb8;
	[tilespmem:$0x1ECC0] =	vst v63  }
0x87: {  	_ =	swait.ge [sflag:s24], $0x2000  }
0x88: {  	[sflag:s24] =	ssyncset.done $0x0  }
0x89: {  	[sflag:s24] =	ssyncadd.s32 $0xFFFFE000  }
0x8a: {  	_ =	swait.ge [sflag:s25], $0x2000  }
0x8b: {  	[sflag:s25] =	ssyncset.done $0x0  }
0x8c: {  	[sflag:s25] =	ssyncadd.s32 $0xFFFFE000  }
0x8d: {  	_ =	swait.ge [sflag:s26], $0x2000  }
0x8e: {  	s31 =	sadd.s32 $0x1, s31;
	[sflag:s26] =	ssyncset.done $0x0  }
0x8f: {  	p1 =	sne.s32 s31, s14;
	[sflag:s26] =	ssyncadd.s32 $0xFFFFE000  }
.Ltmp1:
0x90: {  	s11 =	sor.u32 $0x1C07, s5;
	[bflag:$0x0] =	sbarrier.arrive $0xFFFF;
	(pc) =	sbr.rel @p1 .LBB2_1-.Ltmp1, $4  }
0x91: {  	[hbm:s13@s18], [sflag:s11] =	dma.strided [spmem:s20@s17], $0x13C0, s16, $0x8   }
0x92: {  	_ =	swait.ge [sflag:s21], $0x13C0  }
0x93: {  	[sflag:s21] =	ssyncset.done $0x0  }
0x94: {  	[sflag:s21] =	ssyncadd.s32 $0xFFFFEC40  }
0x95: {  	_ =	sfence.sel $0x180000  }
0x96: {  	[bflag:$0x0] =	sbarrier.arrive $0xFFFF  }
0x97: {  	_ =	strace $0x90000050  }
0x98: {  	s0 =	stileid.u32;
	[bflag:$0x2] =	sbarrier.arrive $0xFFFF  }
0x99: {  	p0 =	sne.s32 s0, $0x0;
	s0 =	rddreg [dreg:$0x3]  }
0x9a: {  	s0 =	sadd.s32 @!p0 $0x100000, s0  }
0x9b: {  	[sflag:s0] =	ssyncadd.tile.s32 @!p0 $0x1;
	_ =	shalt  }
.Lfunc_end2:
_tile_overlayer_lowered:
.L_overlay_start_2:
0x9c: {  	(tag) =	ssettag $0x2  }
0x9d: {  	s0 =	rddreg [dreg:$0x0];
	s2 =	stileid.u32  }
0x9e: {  	s1 =	rddreg [dreg:$0x1];
	p0 =	sne.s32 s2, $0x0  }
0x9f: {  	s3 =	rddreg [dreg:$0x2];
	[bflag:$0x3] =	sbarrier.arrive $0xFFFF;
	s2 =	simm.s32 @!p0 $0x1C07  }
0xa0: {  	[timem:s3], [sflag:s2] =	dma.local @!p0 [hbm:s0], s1  }
0xa1: {  	s0 =	simm.s32 @!p0 $0x7  }
0xa2: {  	_ =	swait.ge @!p0 [sflag:s0], s1  }
0xa3: {  	s1 =	ssub.s32 @!p0 $0x0, s1;
	[sflag:s0] =	ssyncset.done @!p0 $0x0  }
0xa4: {  	[sflag:s0] =	ssyncadd.s32 @!p0 s1  }
0xa5: {  	[bflag:$0x3] =	sbarrier.arrive $0xFFFF  }
0xa6: {  	_ =	shalt  }

// kernel: kernel.25.cloned.1.call-start
scs
__scs_entry_jumppad:
0x0: {  	(pc) =	sbr.rel $0x88, $3  }
0x1: {  	(tag) =	ssettag $0x0;
	lr =	simm.s32 $0x1  }
0x2: {  	[smem:$0x3F97] =	sst lr;
	_ =	strace $0xD0000000  }
0x3: {  	_ = 	snop  }
0x4: {  	_ = 	snop  }
0x5: {  	_ = 	snop  }
0x6: {  	_ = 	snop  }
0x7: {  	_ = 	snop  }
__scs_overlays_trampoline_lowered:
0x8: {  	[smem:$0x3FA6] =	sst s0  }
0x9: {  	[smem:$0x3FA7] =	sst s1  }
0xa: {  	[smem:$0x3FA8] =	sst s2  }
0xb: {  	[smem:$0x3FA9] =	sst s3  }
0xc: {  	[smem:$0x3FAA] =	sst s4  }
0xd: {  	[smem:$0x3FAB] =	sst s5  }
0xe: {  	[smem:$0x3FAC] =	sst s6  }
0xf: {  	[smem:$0x3FAD] =	sst s7  }
0x10: {  	[smem:$0x3FAE] =	sst s8  }
0x11: {  	[smem:$0x3FAF] =	sst s9;
	s0 =	simm.s32 @!p0 $0x0  }
0x12: {  	s1 =	sld [smem:$0x3F95];
	s0 =	simm.s32 @p0 $0x1  }
0x13: {  	[smem:$0x3FB0] =	sst s0;
	s0 =	simm.s32 @!p1 $0x0  }
0x14: {  	s2 =	sld [smem:$0x3F94];
	s0 =	simm.s32 @p1 $0x1  }
0x15: {  	[smem:$0x3FB1] =	sst s0;
	s0 =	simm.s32 @!p2 $0x0  }
0x16: {  	s3 =	sld [smem:$0x3FDB];
	s0 =	simm.s32 @p2 $0x1  }
0x17: {  	s4 =	simm.s32 $0x1BF5;
	[smem:$0x3FB3] =	sst s0  }
0x18: {  	s0 =	sld [smem:$0x3F96];
	_ =	swait.ge [sflag:s4], $0x0  }
0x19: {  	s7 =	sld [smem:$0x3F97]  }
0x1a: {  	s8 =	sadd.s32 $0xFFFFE003, lr  }
0x1b: {  	s9 =	sadd.s32 $0xFFFFFEF7, lr;
	s5 =	simm.s32 $0xFFFFFFFF;
	p2 =	slt.u32 s8, $0xFFFFF086  }
0x1c: {  	p1 =	slt.u32 s9, $0xF7A;
	s5 =	simm.s32 @!p2 $0x0  }
0x1d: {  	s5 =	simm.s32 @p1 $0x1;
	p0 =	seq.s32 s7, s2  }
0x1e: {  	s7 =	smul.u32 @!p0 $0xF7A, s2;
	p2 =	seq.s32 @!p0 s5, $0x0  }
0x1f: {  	s9 =	smul.u32 $0xF7A, s1;
	s8 =	simm.s32 @!p0 $0x1BF5;
	p2 =	por !p2, p0  }
0x20: {  	[sflag:s8] =	ssyncset.s32 @!p0 $0xFFFFF086;
	s6 =	sadd.s32 @!p0 s3, s7;
	s7 =	simm.s32 @!p0 $0x108  }
0x21: {  	s3 =	sadd.s32 s3, s9;
	s6 =	sadd.s32 @!p0 $0x88, s6;
	s7 =	simm.s32 @p2 $0x1082  }
0x22: {  	[simem:s7], [sflag:s8] =	dma.local @!p0 [hbm:s6], $0xF7A  }
0x23: {  	s9 =	sor.u32 $0xD0000000, s2;
	s6 =	simm.s32 $0x108;
	_ =	swait.ge @!p0 [sflag:s8], $0x0  }
0x24: {  	s3 =	sadd.s32 $0x88, s3;
	s6 =	simm.s32 @!p1 $0x1082;
	[sflag:s4] =	ssyncset.s32 $0xFFFFF086  }
0x25: {  	[simem:s6], [sflag:s4] =	dma.local [hbm:s3], $0xF7A  }
0x26: {  	[smem:$0x3F97] =	sst s1;
	(tag) =	ssettag s2;
	_ =	strace s9  }
0x27: {  	s1 =	sld [smem:$0x3FA7]  }
0x28: {  	s2 =	sld [smem:$0x3FA8]  }
0x29: {  	s4 =	sld [smem:$0x3FAA]  }
0x2a: {  	p0 =	seq.s32 s5, $0x0;
	s5 =	sld [smem:$0x3FAB]  }
0x2b: {  	s6 =	sld [smem:$0x3FAC]  }
0x2c: {  	s7 =	sld [smem:$0x3FAD]  }
0x2d: {  	s3 =	simm.s32 $0x108;
	s8 =	sld [smem:$0x3FAE]  }
0x2e: {  	s3 =	simm.s32 @!p0 $0x1082;
	s9 =	sld [smem:$0x3FAF]  }
0x2f: {  	lr =	sadd.s32 s0, s3;
	s0 =	sld [smem:$0x3FA6]  }
0x30: {  	s3 =	sld [smem:$0x3FA9]  }
0x31: {  	[smem:$0x3FB2] =	sst s10  }
0x32: {  	s10 =	sld [smem:$0x3FB0];
	_ =	sdelay $0x3  }
0x33: {  	p0 =	seq.s32 s10, $0x1;
	s10 =	sld [smem:$0x3FB2];
	_ =	sdelay $0x3  }
0x34: {  	[smem:$0x3FB2] =	sst s10  }
0x35: {  	s10 =	sld [smem:$0x3FB1];
	_ =	sdelay $0x3  }
0x36: {  	p1 =	seq.s32 s10, $0x1;
	s10 =	sld [smem:$0x3FB2];
	_ =	sdelay $0x3  }
0x37: {  	[smem:$0x3FB2] =	sst s10  }
0x38: {  	s10 =	sld [smem:$0x3FB3]  }
0x39: {  	_ = 	snop;
	(pc) =	sbr.ind lr, $3  }
0x3a: {  	_ = 	snop  }
0x3b: {  	_ = 	snop  }
0x3c: {  	p2 =	seq.s32 s10, $0x1;
	s10 =	sld [smem:$0x3FB2]  }
0x3d: {  	_ =	shalt  }
0x3e: {  	_ =	shalt  }
0x3f: {  	_ =	shalt  }
0x40: {  	_ =	shalt  }
0x41: {  	_ =	shalt  }
0x42: {  	_ =	shalt  }
0x43: {  	_ =	shalt  }
0x44: {  	_ =	shalt  }
0x45: {  	_ =	shalt  }
0x46: {  	_ =	shalt  }
0x47: {  	_ =	shalt  }
0x48: {  	_ =	shalt  }
0x49: {  	_ =	shalt  }
0x4a: {  	_ =	shalt  }
0x4b: {  	_ =	shalt  }
0x4c: {  	_ =	shalt  }
0x4d: {  	_ =	shalt  }
0x4e: {  	_ =	shalt  }
0x4f: {  	_ =	shalt  }
0x50: {  	_ =	shalt  }
0x51: {  	_ =	shalt  }
0x52: {  	_ =	shalt  }
0x53: {  	_ =	shalt  }
0x54: {  	_ =	shalt  }
0x55: {  	_ =	shalt  }
0x56: {  	_ =	shalt  }
0x57: {  	_ =	shalt  }
0x58: {  	_ =	shalt  }
0x59: {  	_ =	shalt  }
0x5a: {  	_ =	shalt  }
0x5b: {  	_ =	shalt  }
0x5c: {  	_ =	shalt  }
0x5d: {  	_ =	shalt  }
0x5e: {  	_ =	shalt  }
0x5f: {  	_ =	shalt  }
0x60: {  	_ =	shalt  }
0x61: {  	_ =	shalt  }
0x62: {  	_ =	shalt  }
0x63: {  	_ =	shalt  }
0x64: {  	_ =	shalt  }
0x65: {  	_ =	shalt  }
0x66: {  	_ =	shalt  }
0x67: {  	_ =	shalt  }
0x68: {  	_ =	shalt  }
0x69: {  	_ =	shalt  }
0x6a: {  	_ =	shalt  }
0x6b: {  	_ =	shalt  }
0x6c: {  	_ =	shalt  }
0x6d: {  	_ =	shalt  }
0x6e: {  	_ =	shalt  }
0x6f: {  	_ =	shalt  }
0x70: {  	_ =	shalt  }
0x71: {  	_ =	shalt  }
0x72: {  	_ =	shalt  }
0x73: {  	_ =	shalt  }
0x74: {  	_ =	shalt  }
0x75: {  	_ =	shalt  }
0x76: {  	_ =	shalt  }
0x77: {  	_ =	shalt  }
0x78: {  	_ =	shalt  }
0x79: {  	_ =	shalt  }
0x7a: {  	_ =	shalt  }
0x7b: {  	_ =	shalt  }
0x7c: {  	_ =	shalt  }
0x7d: {  	_ =	shalt  }
0x7e: {  	_ =	shalt  }
0x7f: {  	_ =	shalt  }
0x80: {  	_ =	shalt  }
0x81: {  	_ =	shalt  }
0x82: {  	_ =	shalt  }
0x83: {  	_ =	shalt  }
0x84: {  	_ =	shalt  }
0x85: {  	_ =	shalt  }
0x86: {  	_ =	shalt  }
0x87: {  	_ =	shalt  }
.Lfunc_end0:
.L_simem_size_0:
called_computation.4_lowered:
.L_overlay_start_0:
0x88: {  	s2 =	sld [smem:$0x3FD9]  }
0x89: {  	s3 =	sld [smem:$0x3FFE];
	_ =	sdelay $0x1  }
0x8a: {  	s1 =	srdreg.scid  }
0x8b: {  	s0 =	sand.u32 $0x1, s1  }
0x8c: {  	s16 =	sshll.u32 s0, $0xA;
	s2 =	sadd.s32 s3, s2  }
0x8d: {  	s2 =	sadd.s32 s2, s16  }
0x8e: {  	[smem:$0x3FBE] =	sst s2  }
0x8f: {  	_ = 	snop  }
0x90: {  	(tm) =	ssettm $0x1  }
0x91: {  	s17 =	sld [smem:$0x3FFB];
	_ =	sdelay $0x3  }
0x92: {  	_ =	strace s17  }
0x93: {  	s2 =	sld [smem:$0x3FFC];
	_ =	sdelay $0x3  }
0x94: {  	_ =	strace s2  }
0x95: {  	s2 =	sld [smem:$0x3FFD];
	_ =	sdelay $0x3  }
0x96: {  	_ =	strace s2  }
0x97: {  	_ =	strace $0x8FFFFFFF  }
0x98: {  	s18 =	sld [smem:$0x3FDB];
	_ =	sdelay $0x1  }
0x99: {  	s19 =	simm.s32 $_scs_section_size  }
0x9a: {  	s4 =	simm.s32 $_size__tile_overlayer_lowered;
	s5 =	simm.s32 $_tile_overlayer_lowered  }
0x9b: {  	s22 =	simm.s32 $0x1BFF;
	s21 =	sshll.u32 s5, $0x1;
	s2 =	sadd.s32 s19, s18  }
0x9c: {  	s6 =	simm.s32 $0x0;
	s20 =	sshll.u32 s4, $0x1;
	s4 =	sadd.s32 s21, s2  }
0x9d: {  	[timem:s6], [sflag:s22] =	dma.local [hbm:s4], s20  }
0x9e: {  	_ =	swait.ge [sflag:s22], s20  }
0x9f: {  	s3 =	ssub.s32 $0x0, s20;
	[sflag:s22] =	ssyncset.done $0x0  }
0xa0: {  	[sflag:s22] =	ssyncadd.s32 s3;
	_ =	sdelay $0x1  }
0xa1: {  	s23 =	simm.s32 $0x1B8B  }
0xa2: {  	_ =	swait.ge [sflag:s23], $0x1  }
0xa3: {  	[sflag:s23] =	ssyncset.done $0x0  }
0xa4: {  	s25 =	simm.s32 $0x1B8E;
	s24 =	sld [smem:$0x3FFE];
	[sflag:s23] =	ssyncadd.s32 $0xFFFFFFFF  }
0xa5: {  	s26 =	simm.s32 $execute0_lowered;
	[smem:$0x3FD2] =	sst s25  }
0xa6: {  	s4 =	sshll.u32 s26, $0x1;
	_ =	strace $0x80000052;
	[dreg:$0x1] =	wrdreg $0xFFFFFFFF  }
0xa7: {  	s28 =	simm.s32 $_size_execute0_lowered;
	s2 =	sadd.s32 s2, s4;
	[dreg:$0x0] =	wrdreg $0x0  }
0xa8: {  	s4 =	sshll.u32 s28, $0x1;
	[dreg:$0x2] =	wrdreg s2  }
0xa9: {  	[dreg:$0x3] =	wrdreg s4  }
0xaa: {  	[dreg:$0x4] =	wrdreg $0xC0  }
0xab: {  	_ =	task [dreg:s6], $0x5FFFF  }
0xac: {  	[dreg:$0x1] =	wrdreg $0xFFFFFFFF  }
0xad: {  	[dreg:$0x0] =	wrdreg $0x60  }
0xae: {  	[dreg:$0x2] =	wrdreg s24  }
0xaf: {  	[dreg:$0x3] =	wrdreg $0x9A800  }
0xb0: {  	[dreg:$0x4] =	wrdreg $0x10FB00  }
0xb1: {  	[dreg:$0x5] =	wrdreg $0x9  }
0xb2: {  	_ =	task.clear_ibuf [dreg:s6], $0x6FFFF;
	_ =	strace $0x90000052  }
0xb3: {  	s29 =	simm.s32 $0x9;
	_ =	strace $0x80000054  }
0xb4: {  	_ =	swait.ge [sflag:s29], $0x1  }
0xb5: {  	[sflag:s29] =	ssyncadd.s32 $0xFFFFFFFF  }
0xb6: {  	_ =	strace $0x90000054  }
0xb7: {  	_ =	sfence  }
0xb8: {  	s30 =	sld [smem:$0x0];
	_ =	sdelay $0x2  }
0xb9: {  	s31 =	sshll.u32 s1, $0xD;
	s1 =	sshrl.u32 s1, $0x2  }
0xba: {  	s3 =	sand.u32 $0x4000, s31;
	s1 =	sadd.s32 s1, s30  }
0xbb: {  	s0 =	sor.u32 s3, s0;
	s1 =	sshll.u32 s1, $0x11  }
0xbc: {  	s0 =	sor.u32 s1, s0  }
0xbd: {  	s0 =	sadd.s32 $0x8F2B, s0  }
0xbe: {  	[sflag:s0] =	ssyncadd.remote.s32 $0x1  }
0xbf: {  	_ =	sfence.sel $0xFFFF  }
0xc0: {  	[dreg:$0x0] =	wrdreg $0xFFFFFFFF;
	(pc) =	sbr.abs _section_cstart, $3  }
0xc1: {  	[dreg:$0x1] =	wrdreg $0xFFFFFFFF  }
0xc2: {  	_ =	task.clear_ibuf [dreg:s6], $0x2FFFF;
	_ =	strace $0x9FFFFFFF  }
0xc3: {  	(tm) =	ssettm $0x7FFFFFFF  }
tec
execute0_lowered:
.L_overlay_start_1:
0x0: {  	(tag) =	ssettag $0x1  }
0x1: {  	s0 =	rddreg [dreg:$0x0]  }
0x2: {  	s2 =	rddreg [dreg:$0x1]  }
0x3: {  	s3 =	rddreg [dreg:$0x2];
	s13 =	stileid.u32  }
0x4: {  	s4 =	simm.s32 $0x0;
	s5 =	srdreg.scid;
	s16 =	simm.s32 $0x1  }
0x5: {  	s17 =	simm.s32 $0x6;
	s18 =	simm.s32 $0x10;
	s28 =	simm.s32 $0x5280  }
0x6: {  	s29 =	simm.s32 $0x6A80;
	s31 =	simm.s32 $0x8280;
	s1 =	smul.u32 $0x278, s13  }
0x7: {  	s30 =	simm.s32 $0x7;
	[smem:$0x7FF] =	sst s4;
	s6 =	smul.u32 $0x7680, s13  }
0x8: {  	s5 =	sand.u32 $0x1, s5;
	s8 =	smul.u32 $0x13C00, s13;
	s10 =	sadd.s32 $0x5400, s0  }
0x9: {  	s24 =	sshll.u32 s13, $0x4;
	_ =	strace $0x80000053;
	s9 =	sshll.u32 s5, $0x6  }
0xa: {  	s20 =	ssub.s32 $0x2, s5;
	s5 =	sshll.u32 s5, $0x4;
	s1 =	smin.u32 s1, $0x2498  }
0xb: {  	s11 =	sshrl.u32 s6, $0x3;
	s8 =	sor.u32 s9, s8;
	s12 =	sshrl.u32 s20, $0x1  }
0xc: {  	s15 =	sor.u32 s13, s5;
	s5 =	sshll.u32 s13, $0x6;
	s6 =	sadd.s32 s6, s3  }
0xd: {  	s7 =	sshll.u32 s1, $0x4;
	s19 =	sadd.s32 s11, s0;
	s1 =	smul.u32 $0xC0, s1  }
0xe: {  	s8 =	sshrl.u32 s8, $0x3;
	s14 =	ssub.s32 s20, s12;
	s21 =	smul.u32 $0x2700, s15  }
0xf: {  	s22 =	sor.u32 $0x1C01, s5;
	s12 =	sadd.s32 s24, s10;
	p0 =	sgt.u32 s15, $0x3  }
0x10: {  	s20 =	sshrl.u32 s6, $0x3;
	s24 =	simm.s32 $0x4;
	s7 =	sadd.s32 s7, s0  }
0x11: {  	s0 =	sadd.s32 s8, s0;
	[dreg:$0x5] =	wrdreg s22;
	s25 =	sadd.s32 $0x40000, s19  }
0x12: {  	s11 =	sadd.s32 $0x9C00, s12;
	s12 =	sadd.s32 $0x13840, s12;
	s14 =	smax.u32 s14, $0x1  }
0x13: {  	s19 =	sor.u32 $0x1C03, s5;
	s22 =	simm.s32 $0x2B00;
	s1 =	sshrl.u32 s1, $0x2  }
0x14: {  	s7 =	sadd.s32 $0x18E00, s7;
	s23 =	sshrl.u32 s21, $0x3;
	[dreg:$0x6] =	wrdreg s25  }
0x15: {  	s13 =	sadd.s32 $0x4EE00, s0;
	s25 =	simm.s32 $0x5;
	s0 =	simm.s32 $0x2  }
0x16: {  	s1 =	sadd.s32 s1, s2;
	[dreg:$0x4] =	wrdreg s7;
	s9 =	sadd.s32 s10, s23  }
0x17: {  	s23 =	simm.s32 $0x3;
	s26 =	sadd.s32 $0x9C40, s9;
	s15 =	sshrl.u32 s1, $0x3  }
0x18: {  	s1 =	simm.s32 $0x0;
	[dreg:$0x7] =	wrdreg s26;
	s26 =	simm.s32 $0x80  }
.LBB2_1:
0x19: {  	s6 =	rddreg [dreg:$0x4]  }
0x1a: {  	s7 =	rddreg [dreg:$0x5]  }
0x1b: {  	[spmem:s15@s17], [sflag:s7] =	dma.strided [hbm:s6@s18], $0xED0, s16, $0x6   }
0x1c: {  	s6 =	rddreg [dreg:$0x6]  }
0x1d: {  	[spmem:s20], [sflag:s19] =	dma.local [hbm:s6], $0xED0  }
0x1e: {  	[tilespmem:s4], [sflag:$0x4] =	stream.linear.gather [hbm4b:s9+s4], $0x2700, $0x38;
	[tilespmem:$0x18630] =	vst v63  }
0x1f: {  	s7 =	simm.s32 $0x2700  }
0x20: {  	[tilespmem:s7], [sflag:$0x5] =	stream.linear.gather [hbm4b:s9+s4], $0x400, $0x38;
	[tilespmem:$0x18630] =	vst v63  }
0x21: {  	s8 =	rddreg [dreg:$0x7]  }
0x22: {  	[tilespmem:s22], [sflag:$0x6] =	stream.linear.gather [hbm4b:s8+s4], $0x2700, $0x38;
	[tilespmem:$0x18630] =	vst v63  }
0x23: {  	s21 =	simm.s32 @!p0 $0x2900;
	s6 =	simm.s32 @!p0 $0x0;
	s7 =	simm.s32 @!p0 $0x7  }
0x24: {  	[tilespmem:s21], [sflag:$0x7] =	stream.linear.gather @!p0 [hbm4b:s11+s6], $0x80, $0x38;
	[tilespmem:$0x18630] =	vst v63  }
0x25: {  	_ =	swait.ge @!p0 [sflag:s7], $0x80  }
0x26: {  	[sflag:s7] =	ssyncset.done @!p0 $0x0  }
0x27: {  	s8 =	simm.s32 @!p0 $0x5200;
	[sflag:s7] =	ssyncadd.s32 @!p0 $0xFFFFFF80  }
0x28: {  	[tilespmem:s8], [sflag:$0x7] =	stream.linear.gather @!p0 [hbm4b:s12+s6], $0x80, $0x38;
	[tilespmem:$0x18630] =	vst v63  }
0x29: {  	_ =	swait.ge @!p0 [sflag:s7], $0x80  }
0x2a: {  	[sflag:s7] =	ssyncset.done @!p0 $0x0  }
0x2b: {  	[sflag:s7] =	ssyncadd.s32 @!p0 $0xFFFFFF80  }
0x2c: {  	_ =	swait.ge [sflag:s16], $0xED0  }
0x2d: {  	[sflag:s16] =	ssyncset.done $0x0  }
0x2e: {  	[sflag:s16] =	ssyncadd.s32 $0xFFFFF130  }
0x2f: {  	_ =	swait.ge [sflag:s23], $0xED0  }
0x30: {  	[sflag:s23] =	ssyncset.done $0x0  }
0x31: {  	[sflag:s23] =	ssyncadd.s32 $0xFFFFF130  }
0x32: {  	_ =	swait.ge [sflag:s24], $0x2700  }
0x33: {  	[sflag:s24] =	ssyncset.done $0x0  }
0x34: {  	[sflag:s24] =	ssyncadd.s32 $0xFFFFD900  }
0x35: {  	_ =	swait.ge [sflag:s25], $0x400  }
0x36: {  	[sflag:s25] =	ssyncset.done $0x0  }
0x37: {  	[sflag:s25] =	ssyncadd.s32 $0xFFFFFC00  }
0x38: {  	_ =	swait.ge [sflag:s17], $0x2700  }
0x39: {  	[sflag:s17] =	ssyncset.done $0x0  }
0x3a: {  	[sflag:s17] =	ssyncadd.s32 $0xFFFFD900  }
0x3b: {  	s10 =	simm.s32 @!p0 $0x5280;
	s6 =	simm.s32 @!p0 $0x80;
	[bflag:$0x0] =	sbarrier.arrive $0xFFFF  }
0x3c: {  	[tilespmem:s10], [sflag:$0x7] =	stream.indirect.gather @!p0 [spmem:s2], $0x30, s21, s6, $0xb8;
	[tilespmem:$0x18630] =	vst v63  }
0x3d: {  	_ =	swait.ge @!p0 [sflag:s7], $0x1800  }
0x3e: {  	[sflag:s7] =	ssyncset.done @!p0 $0x0  }
0x3f: {  	[sflag:s7] =	ssyncadd.s32 @!p0 $0xFFFFE800  }
0x40: {  	[spmem:s3] =	stream.indirect.scatter.add.f32 @!p0 [tilespmem:s10], [sflag:$0x7], $0x30, s8, s6, $0xb8;
	[tilespmem:$0x18630] =	vst v63  }
0x41: {  	_ =	swait.ge @!p0 [sflag:s7], $0x1800  }
0x42: {  	[sflag:s7] =	ssyncset.done @!p0 $0x0  }
0x43: {  	[sflag:s7] =	ssyncadd.s32 @!p0 $0xFFFFE800  }
0x44: {  	[tilespmem:s28], [sflag:$0x1] =	stream.indirect.gather [spmem:s2], $0x30, s4, s26, $0xb8;
	[tilespmem:$0x18630] =	vst v63  }
0x45: {  	_ = 	snop  }
0x46: {  	[tilespmem:s29], [sflag:$0x2] =	stream.indirect.gather [spmem:s2], $0x30, s26, s26, $0xb8;
	[tilespmem:$0x18630] =	vst v63  }
0x47: {  	_ =	swait.ge [sflag:s16], $0x1800  }
0x48: {  	[sflag:s16] =	ssyncset.done $0x0  }
0x49: {  	[sflag:s16] =	ssyncadd.s32 $0xFFFFE800  }
0x4a: {  	[spmem:s3] =	stream.indirect.scatter.add.f32 [tilespmem:s28], [sflag:$0x4], $0x30, s22, s26, $0xb8;
	[tilespmem:$0x18630] =	vst v63  }
0x4b: {  	s10 =	simm.s32 $0x100  }
0x4c: {  	[tilespmem:s31], [sflag:$0x3] =	stream.indirect.gather [spmem:s2], $0x30, s10, s26, $0xb8;
	[tilespmem:$0x18630] =	vst v63  }
0x4d: {  	_ =	swait.ge [sflag:s0], $0x1800  }
0x4e: {  	[sflag:s0] =	ssyncset.done $0x0  }
0x4f: {  	s21 =	simm.s32 $0x2B80;
	[sflag:s0] =	ssyncadd.s32 $0xFFFFE800  }
0x50: {  	[spmem:s3] =	stream.indirect.scatter.add.f32 [tilespmem:s29], [sflag:$0x5], $0x30, s21, s26, $0xb8;
	[tilespmem:$0x18630] =	vst v63  }
0x51: {  	_ =	swait.ge [sflag:s24], $0x1800  }
0x52: {  	[sflag:s24] =	ssyncset.done $0x0  }
0x53: {  	s7 =	simm.s32 $0x180;
	[sflag:s24] =	ssyncadd.s32 $0xFFFFE800  }
0x54: {  	[tilespmem:s28], [sflag:$0x1] =	stream.indirect.gather [spmem:s2], $0x30, s7, s26, $0xb8;
	[tilespmem:$0x18630] =	vst v63  }
0x55: {  	_ =	swait.ge [sflag:s23], $0x1800  }
0x56: {  	[sflag:s23] =	ssyncset.done $0x0  }
0x57: {  	s8 =	simm.s32 $0x2C00;
	[sflag:s23] =	ssyncadd.s32 $0xFFFFE800  }
0x58: {  	[spmem:s3] =	stream.indirect.scatter.add.f32 [tilespmem:s31], [sflag:$0x6], $0x30, s8, s26, $0xb8;
	[tilespmem:$0x18630] =	vst v63  }
0x59: {  	_ =	swait.ge [sflag:s25], $0x1800  }
0x5a: {  	[sflag:s25] =	ssyncset.done $0x0  }
0x5b: {  	s10 =	simm.s32 $0x200;
	[sflag:s25] =	ssyncadd.s32 $0xFFFFE800  }
0x5c: {  	[tilespmem:s29], [sflag:$0x2] =	stream.indirect.gather [spmem:s2], $0x30, s10, s26, $0xb8;
	[tilespmem:$0x18630] =	vst v63  }
0x5d: {  	_ =	swait.ge [sflag:s16], $0x1800  }
0x5e: {  	[sflag:s16] =	ssyncset.done $0x0  }
0x5f: {  	s21 =	simm.s32 $0x2C80;
	[sflag:s16] =	ssyncadd.s32 $0xFFFFE800  }
0x60: {  	[spmem:s3] =	stream.indirect.scatter.add.f32 [tilespmem:s28], [sflag:$0x4], $0x30, s21, s26, $0xb8;
	[tilespmem:$0x18630] =	vst v63  }
0x61: {  	_ =	swait.ge [sflag:s17], $0x1800  }
0x62: {  	[sflag:s17] =	ssyncset.done $0x0  }
0x63: {  	s6 =	simm.s32 $0x280;
	s21 =	simm.s32 $0x600;
	[sflag:s17] =	ssyncadd.s32 $0xFFFFE800  }
.LBB2_2:
0x64: {  	[tilespmem:s31], [sflag:$0x3] =	stream.indirect.gather [spmem:s2], $0x30, s6, s26, $0xb8;
	[tilespmem:$0x18630] =	vst v63  }
0x65: {  	s6 =	smov.u32 s21  }
0x66: {  	p1 =	sne.s32 s21, $0x9000;
	s21 =	sadd.s32 $0x600, s21;
	_ =	swait.ge [sflag:s0], $0x1800  }
0x67: {  	s6 =	sshra.s32 s6, $0x2;
	[sflag:s0] =	ssyncset.done $0x0  }
0x68: {  	s7 =	sadd.s32 $0x2B80, s6;
	[sflag:s0] =	ssyncadd.s32 $0xFFFFE800  }
0x69: {  	[spmem:s3] =	stream.indirect.scatter.add.f32 [tilespmem:s29], [sflag:$0x5], $0x30, s7, s26, $0xb8;
	[tilespmem:$0x18630] =	vst v63  }
0x6a: {  	_ =	swait.ge [sflag:s24], $0x1800  }
0x6b: {  	[sflag:s24] =	ssyncset.done $0x0  }
0x6c: {  	s7 =	sadd.s32 $0x180, s6;
	[sflag:s24] =	ssyncadd.s32 $0xFFFFE800  }
0x6d: {  	[tilespmem:s28], [sflag:$0x1] =	stream.indirect.gather [spmem:s2], $0x30, s7, s26, $0xb8;
	[tilespmem:$0x18630] =	vst v63  }
0x6e: {  	_ =	swait.ge [sflag:s23], $0x1800  }
0x6f: {  	[sflag:s23] =	ssyncset.done $0x0  }
0x70: {  	s7 =	sadd.s32 $0x2C00, s6;
	[sflag:s23] =	ssyncadd.s32 $0xFFFFE800  }
0x71: {  	[spmem:s3] =	stream.indirect.scatter.add.f32 [tilespmem:s31], [sflag:$0x6], $0x30, s7, s26, $0xb8;
	[tilespmem:$0x18630] =	vst v63  }
0x72: {  	_ =	swait.ge [sflag:s25], $0x1800  }
0x73: {  	[sflag:s25] =	ssyncset.done $0x0  }
0x74: {  	s7 =	sadd.s32 $0x200, s6;
	[sflag:s25] =	ssyncadd.s32 $0xFFFFE800  }
0x75: {  	[tilespmem:s29], [sflag:$0x2] =	stream.indirect.gather [spmem:s2], $0x30, s7, s26, $0xb8;
	[tilespmem:$0x18630] =	vst v63  }
0x76: {  	_ =	swait.ge [sflag:s16], $0x1800  }
0x77: {  	[sflag:s16] =	ssyncset.done $0x0  }
.Ltmp0:
0x78: {  	s7 =	sadd.s32 $0x2C80, s6;
	[sflag:s16] =	ssyncadd.s32 $0xFFFFE800;
	(pc) =	sbr.rel @p1 .LBB2_2-.Ltmp0, $4  }
0x79: {  	[spmem:s3] =	stream.indirect.scatter.add.f32 [tilespmem:s28], [sflag:$0x4], $0x30, s7, s26, $0xb8;
	[tilespmem:$0x18630] =	vst v63  }
0x7a: {  	_ =	swait.ge [sflag:s17], $0x1800  }
0x7b: {  	[sflag:s17] =	ssyncset.done $0x0  }
0x7c: {  	s6 =	sadd.s32 $0x280, s6;
	[sflag:s17] =	ssyncadd.s32 $0xFFFFE800  }
0x7d: {  	[tilespmem:s31], [sflag:$0x3] =	stream.indirect.gather [spmem:s2], $0x30, s6, s26, $0xb8;
	[tilespmem:$0x18630] =	vst v63  }
0x7e: {  	_ =	swait.ge [sflag:s0], $0x1800  }
0x7f: {  	[sflag:s0] =	ssyncset.done $0x0  }
0x80: {  	s8 =	simm.s32 $0x5100;
	[sflag:s0] =	ssyncadd.s32 $0xFFFFE800  }
0x81: {  	[spmem:s3] =	stream.indirect.scatter.add.f32 [tilespmem:s29], [sflag:$0x5], $0x30, s8, s26, $0xb8;
	[tilespmem:$0x18630] =	vst v63  }
0x82: {  	_ =	swait.ge [sflag:s23], $0x1800  }
0x83: {  	[sflag:s23] =	ssyncset.done $0x0  }
0x84: {  	s10 =	simm.s32 $0x5180;
	[sflag:s23] =	ssyncadd.s32 $0xFFFFE800  }
0x85: {  	[spmem:s3] =	stream.indirect.scatter.add.f32 [tilespmem:s31], [sflag:$0x6], $0x30, s10, s26, $0xb8;
	[tilespmem:$0x18630] =	vst v63  }
0x86: {  	_ =	swait.ge [sflag:s24], $0x1800  }
0x87: {  	[sflag:s24] =	ssyncset.done $0x0  }
0x88: {  	[sflag:s24] =	ssyncadd.s32 $0xFFFFE800  }
0x89: {  	_ =	swait.ge [sflag:s25], $0x1800  }
0x8a: {  	[sflag:s25] =	ssyncset.done $0x0  }
0x8b: {  	[sflag:s25] =	ssyncadd.s32 $0xFFFFE800  }
0x8c: {  	_ =	swait.ge [sflag:s17], $0x1800  }
0x8d: {  	s1 =	sadd.s32 $0x1, s1;
	[sflag:s17] =	ssyncset.done $0x0  }
0x8e: {  	p1 =	sne.s32 s1, s14;
	[sflag:s17] =	ssyncadd.s32 $0xFFFFE800  }
.Ltmp1:
0x8f: {  	s21 =	sor.u32 $0x1C07, s5;
	[bflag:$0x0] =	sbarrier.arrive $0xFFFF;
	(pc) =	sbr.rel @p1 .LBB2_1-.Ltmp1, $4  }
0x90: {  	[hbm:s13@s18], [sflag:s21] =	dma.strided [spmem:s20@s17], $0xED0, s16, $0x6   }
0x91: {  	_ =	swait.ge [sflag:s30], $0xED0  }
0x92: {  	[sflag:s30] =	ssyncset.done $0x0  }
0x93: {  	[sflag:s30] =	ssyncadd.s32 $0xFFFFF130  }
0x94: {  	_ =	sfence.sel $0x180000  }
0x95: {  	[bflag:$0x0] =	sbarrier.arrive $0xFFFF  }
0x96: {  	_ =	strace $0x90000053  }
0x97: {  	s0 =	stileid.u32;
	[bflag:$0x2] =	sbarrier.arrive $0xFFFF  }
0x98: {  	p0 =	sne.s32 s0, $0x0;
	s0 =	rddreg [dreg:$0x3]  }
0x99: {  	s0 =	sadd.s32 @!p0 $0x100000, s0  }
0x9a: {  	[sflag:s0] =	ssyncadd.tile.s32 @!p0 $0x1;
	_ =	shalt  }
.Lfunc_end2:
_tile_overlayer_lowered:
.L_overlay_start_2:
0x9b: {  	(tag) =	ssettag $0x2  }
0x9c: {  	s0 =	rddreg [dreg:$0x0];
	s2 =	stileid.u32  }
0x9d: {  	s1 =	rddreg [dreg:$0x1];
	p0 =	sne.s32 s2, $0x0  }
0x9e: {  	s3 =	rddreg [dreg:$0x2];
	[bflag:$0x3] =	sbarrier.arrive $0xFFFF;
	s2 =	simm.s32 @!p0 $0x1C07  }
0x9f: {  	[timem:s3], [sflag:s2] =	dma.local @!p0 [hbm:s0], s1  }
0xa0: {  	s0 =	simm.s32 @!p0 $0x7  }
0xa1: {  	_ =	swait.ge @!p0 [sflag:s0], s1  }
0xa2: {  	s1 =	ssub.s32 @!p0 $0x0, s1;
	[sflag:s0] =	ssyncset.done @!p0 $0x0  }
0xa3: {  	[sflag:s0] =	ssyncadd.s32 @!p0 s1  }
0xa4: {  	[bflag:$0x3] =	sbarrier.arrive $0xFFFF  }
0xa5: {  	_ =	shalt  }

</sc_bundles>
